<compile_context>
chip_gen: v7x
topology: tpu7x:2x2x1
jax: 0.10.2.dev20260603
libtpu: 0.0.44.dev20260713+nightly
codegen_flags: <defaults>
</compile_context>

<pallas_src>
import functools

import jax
import jax.numpy as jnp
from jax import lax
from jax.experimental import pallas as pl
from jax.experimental.pallas import tpu as pltpu
from jax.experimental.pallas import tpu_sc as plsc

N = 10000
E = 320000
D = 128
DH = 64
NPAD = 10240
NC, NS = 2, 16
K = 80
CPT = E // (NS * K)
HALF = CPT // 2
NACC = N
RPT = NACC // NS
JS = [K] * 7 + [RPT - 7 * K]
NBUF = 4
BN = 2048
DEGW = 8
NT = NC * NS
CPTD = E // (NT * K)


def _sc_agg_body(hf, srch, dsth, eth, agga, aggb, dego,
                 srcv, dstv, gidxv, b0, b1, b2, b3, degv, acc,
                 s0, s1, s2, s3):
    bufs = ((b0, s0), (b1, s1), (b2, s2), (b3, s3))
    c = lax.axis_index("c")
    s = lax.axis_index("s")
    wid = s * NC + c

    z16 = jnp.zeros((16,), jnp.float32)

    def _bz(r, carry):
        for i in range(DH // 16):
            b0[r, pl.ds(i * 16, 16)] = z16
        return carry

    lax.fori_loop(0, K, _bz, 0)
    rb = s * RPT
    off = 0
    for sz in JS:
        pltpu.sync_copy(b0.at[pl.ds(0, sz)], acc.at[pl.ds(rb + off, sz)])
        off += sz

    def _dz(i, carry):
        degv[pl.ds(i * 16, 16)] = z16
        return carry

    lax.fori_loop(0, NPAD // 16, _dz, 0)
    plsc.subcore_barrier()

    pltpu.sync_copy(srch.at[s], srcv)
    pltpu.sync_copy(dsth.at[s], dstv)
    pltpu.sync_copy(eth.at[s], gidxv)

    base = c * (9 * NPAD)

    def _idx(g, carry):
        for i in range(K // 16):
            sl = pl.ds(i * 16, 16)
            gidxv[g, sl] = gidxv[g, sl] * NPAD + srcv[g, sl] + base
        return carry

    lax.fori_loop(0, CPT, _idx, 0)

    def _start(g, buf, sem):
        pltpu.async_copy(hf.at[gidxv.at[g]], buf, sem)

    def _wait(buf, sem):
        pltpu.make_async_copy(hf.at[pl.ds(0, K)], buf, sem).wait()

    ones16 = jnp.full((16,), 1.0, jnp.float32)

    def _scat(g, buf):
        pltpu.sync_copy(buf, acc.at[dstv.at[g]], add=True)
        for i in range(K // 16):
            plsc.addupdate_scatter(degv, [dstv[g, pl.ds(i * 16, 16)]],
                                   ones16)

    for b, (buf, sem) in enumerate(bufs):
        _start(b, buf, sem)

    def _group(j, carry):
        for b, (buf, sem) in enumerate(bufs):
            g = NBUF * j + b
            _wait(buf, sem)
            _scat(g, buf)

            @pl.when(g + NBUF < CPT)
            def _():
                _start(g + NBUF, buf, sem)

        return carry

    lax.fori_loop(0, CPT // NBUF, _group, 0)
    for b, (buf, sem) in enumerate(bufs):
        g = NBUF * (CPT // NBUF) + b
        if g < CPT:
            _wait(buf, sem)
            _scat(g, buf)
    plsc.subcore_barrier()

    off = 0
    for sz in JS:
        r0 = rb + off

        @pl.when(c == 0)
        def _():
            pltpu.sync_copy(acc.at[pl.ds(r0, sz)], agga.at[pl.ds(r0, sz)])

        @pl.when(c == 1)
        def _():
            pltpu.sync_copy(acc.at[pl.ds(r0, sz)], aggb.at[pl.ds(r0, sz)])

        off += sz

    pltpu.sync_copy(degv, dego.at[pl.ds(wid * NPAD, NPAD)])


_sc_agg = pl.kernel(
    _sc_agg_body,
    out_type=(jax.ShapeDtypeStruct((NPAD, DH), jnp.float32),
              jax.ShapeDtypeStruct((NPAD, DH), jnp.float32),
              jax.ShapeDtypeStruct((NT * NPAD,), jnp.float32)),
    mesh=plsc.VectorSubcoreMesh(core_axis_name="c", subcore_axis_name="s",
                                num_cores=NC, num_subcores=NS),
    scratch_types=[
        pltpu.VMEM((CPT, K), jnp.int32),
        pltpu.VMEM((CPT, K), jnp.int32),
        pltpu.VMEM((CPT, K), jnp.int32),
    ] + [pltpu.VMEM((K, DH), jnp.float32) for _ in range(NBUF)]
      + [pltpu.VMEM((NPAD,), jnp.float32)]
      + [pltpu.VMEM_SHARED((NACC, DH), jnp.float32)]
      + [pltpu.SemaphoreType.DMA for _ in range(NBUF)],
    compiler_params=pltpu.CompilerParams(use_tc_tiling_on_sc=False,
                                         needs_layout_passes=False),
)


def _mm_body(x_ref, w_ref, o_ref):
    o_ref[0, 0] = jnp.dot(x_ref[...], w_ref[0, 0],
                          preferred_element_type=jnp.float32)


def _mm(xp, w_all):
    return pl.pallas_call(
        _mm_body,
        grid=(2, NPAD // BN, 9),
        in_specs=[pl.BlockSpec((BN, D), lambda h, nb, r: (nb, 0)),
                  pl.BlockSpec((1, 1, D, DH), lambda h, nb, r: (h, r, 0, 0))],
        out_specs=pl.BlockSpec((1, 1, BN, DH), lambda h, nb, r: (h, r, nb, 0)),
        out_shape=jax.ShapeDtypeStruct((2, 9, NPAD, DH), jnp.float32),
    )(xp, w_all)


def _combine_body(aa_ref, ab_ref, deg_ref, ra_ref, rb_ref, b_ref, o_ref,
                  *, act):
    degv = jnp.sum(deg_ref[...], axis=0) * 0.5
    inv = 1.0 / jnp.maximum(degv, 1.0)
    ha = aa_ref[...] * inv[:, None] + ra_ref[...]
    hb = ab_ref[...] * inv[:, None] + rb_ref[...]
    h = jnp.concatenate([ha, hb], axis=1) + b_ref[...]
    o_ref[...] = jnp.maximum(h, 0.0) if act else h


def _combine(agga, aggb, deg, roota, rootb, b2d, act):
    half = pl.BlockSpec((BN, DH), lambda nb: (nb, 0))
    return pl.pallas_call(
        functools.partial(_combine_body, act=act),
        grid=(NPAD // BN,),
        in_specs=[half, half,
                  pl.BlockSpec((NT, BN), lambda nb: (0, nb)),
                  half, half,
                  pl.BlockSpec((1, D), lambda nb: (0, 0))],
        out_specs=pl.BlockSpec((BN, D), lambda nb: (nb, 0)),
        out_shape=jax.ShapeDtypeStruct((NPAD, D), jnp.float32),
    )(agga, aggb, deg, roota, rootb, b2d)


def _layer(xp, w_all, b, src2, dst2, et2, deg_in, act):
    hf3 = _mm(xp, w_all)
    hf = hf3.reshape(2 * 9 * NPAD, DH)
    agga, aggb, dego = _sc_agg(hf, src2, dst2, et2)
    deg = dego.reshape(NT, NPAD) if deg_in is None else deg_in
    h = _combine(agga, aggb, deg, hf3[0, 8], hf3[1, 8], b.reshape(1, D), act)
    return h, deg


def kernel(x, edge_index, edge_type, W_rel1, W_root1, b1, W_rel2, W_root2, b2):
    f32 = jnp.float32
    src2 = edge_index[0].astype(jnp.int32).reshape(NS, CPT, K)
    dst2 = edge_index[1].astype(jnp.int32).reshape(NS, CPT, K)
    et2 = edge_type.astype(jnp.int32).reshape(NS, CPT, K)
    xp = jnp.pad(x.astype(f32), ((0, NPAD - N), (0, 0)))
    w_all1 = jnp.concatenate([W_rel1, W_root1[None]], axis=0).astype(f32)
    w_all2 = jnp.concatenate([W_rel2, W_root2[None]], axis=0).astype(f32)
    w_all1 = w_all1.reshape(9, D, 2, DH).transpose(2, 0, 1, 3)
    w_all2 = w_all2.reshape(9, D, 2, DH).transpose(2, 0, 1, 3)
    h, deg = _layer(xp, w_all1, b1, src2, dst2, et2, None, True)
    out, _ = _layer(h, w_all2, b2, src2, dst2, et2, deg, False)
    return out[:N]

# --- scband reference (transcript-rebuilt; emitter-appended) ---
"""Pipeline reference for scband-rel-gcn-32229434589747 (READ-ONLY COPY).

The authoritative reference and input builder live on the scoring server;
editing this copy changes nothing except your own understanding.
"""

import jax, jax.numpy as jnp
import numpy as np

N_NODES = 10000
N_EDGES = 320000
D_IN = 128
D_HID = 128
D_OUT = 128
N_REL = 8


def setup_inputs(seed: int = 0) -> dict:
    key = jax.random.key(seed)
    ks = jax.random.split(key, 12)
    x = jax.random.normal(ks[0], (N_NODES, D_IN), dtype=jnp.float32)
    edge_index = jax.random.randint(ks[1], (2, N_EDGES), 0, N_NODES, dtype=jnp.int32)
    edge_type = jax.random.randint(ks[2], (N_EDGES,), 0, N_REL, dtype=jnp.int32)
    s1 = 1.0 / np.sqrt(D_IN)
    s2 = 1.0 / np.sqrt(D_HID)
    W_rel1 = jax.random.normal(ks[3], (N_REL, D_IN, D_HID), dtype=jnp.float32) * s1
    W_root1 = jax.random.normal(ks[4], (D_IN, D_HID), dtype=jnp.float32) * s1
    b1 = jnp.zeros((D_HID,), dtype=jnp.float32)
    W_rel2 = jax.random.normal(ks[5], (N_REL, D_HID, D_OUT), dtype=jnp.float32) * s2
    W_root2 = jax.random.normal(ks[6], (D_HID, D_OUT), dtype=jnp.float32) * s2
    b2 = jnp.zeros((D_OUT,), dtype=jnp.float32)
    return {"x": x, "edge_index": edge_index, "edge_type": edge_type,
            "W_rel1": W_rel1, "W_root1": W_root1, "b1": b1,
            "W_rel2": W_rel2, "W_root2": W_root2, "b2": b2}


def _rgcn_layer(x, W_rel, W_root, b, src, dst, edge_type, num_nodes):
    # Per-relation linear transform of all nodes, then gather per edge
    # (equivalent to transforming x[src] by W_rel[edge_type], grouped by relation).
    h_rel = jnp.einsum('nd,rdf->rnf', x, W_rel)          # [R, N, F]
    msg = h_rel[edge_type, src]                           # [E, F] gather
    ones = jnp.ones((src.shape[0],), dtype=x.dtype)
    deg = jax.ops.segment_sum(ones, dst, num_segments=num_nodes)   # in-degree
    agg = jax.ops.segment_sum(msg, dst, num_segments=num_nodes)    # scatter-add
    agg = agg / jnp.maximum(deg, 1.0)[:, None]            # mean aggregation
    return agg + x @ W_root + b


def reference(x, edge_index, edge_type, W_rel1, W_root1, b1, W_rel2, W_root2, b2):
    src = edge_index[0]
    dst = edge_index[1]
    h = jax.nn.relu(_rgcn_layer(x, W_rel1, W_root1, b1, src, dst, edge_type, N_NODES))
    out = _rgcn_layer(h, W_rel2, W_root2, b2, src, dst, edge_type, N_NODES)
    return out

if __name__ == "__main__":
    import jax
    _d = setup_inputs()
    print(jax.jit(kernel)(*tuple(_d.values())))

</pallas_src>

<mosaic_0001>
#map = affine_map<(d0, d1) -> (0, 0)>
#map1 = affine_map<(d0, d1) -> (0, 0, 0)>
#map2 = affine_map<(d0, d1) -> (0)>
module attributes {stable_mosaic.version = 14 : i64} {
  func.func @_sc_agg_body(%arg0: i32, %arg1: i32, %arg2: memref<184320x64xf32, #tpu.memory_space<hbm>>, %arg3: memref<16x250x80xi32, #tpu.memory_space<hbm>>, %arg4: memref<16x250x80xi32, #tpu.memory_space<hbm>>, %arg5: memref<16x250x80xi32, #tpu.memory_space<hbm>>, %arg6: memref<10240x64xf32, #tpu.memory_space<hbm>>, %arg7: memref<10240x64xf32, #tpu.memory_space<hbm>>, %arg8: memref<327680xf32, #tpu.memory_space<hbm>>, %arg9: memref<250x80xi32, #tpu.memory_space<vmem>>, %arg10: memref<250x80xi32, #tpu.memory_space<vmem>>, %arg11: memref<250x80xi32, #tpu.memory_space<vmem>>, %arg12: memref<80x64xf32, #tpu.memory_space<vmem>>, %arg13: memref<80x64xf32, #tpu.memory_space<vmem>>, %arg14: memref<80x64xf32, #tpu.memory_space<vmem>>, %arg15: memref<80x64xf32, #tpu.memory_space<vmem>>, %arg16: memref<10240xf32, #tpu.memory_space<vmem>>, %arg17: memref<10000x64xf32, #tpu.memory_space<vmem_shared>>, %arg18: memref<!tpu.dma_semaphore, #tpu.memory_space<semaphore_mem>>, %arg19: memref<!tpu.dma_semaphore, #tpu.memory_space<semaphore_mem>>, %arg20: memref<!tpu.dma_semaphore, #tpu.memory_space<semaphore_mem>>, %arg21: memref<!tpu.dma_semaphore, #tpu.memory_space<semaphore_mem>>) attributes {dimension_semantics = [#tpu.dimension_semantics<core_parallel>, #tpu.dimension_semantics<subcore_parallel>], iteration_bounds = array<i64: 2, 16>, scalar_prefetch = 0 : i64, scratch_operands = 13 : i64, tpu.core_type = #tpu.core_type<sc_vector_subcore>, window_params = [{transform_indices = #map}, {transform_indices = #map1}, {transform_indices = #map1}, {transform_indices = #map1}, {transform_indices = #map}, {transform_indices = #map}, {transform_indices = #map2}]} {
    %mul3A = arith.constant 2 : i32
    %mul3A_0 = arith.muli %arg1, %mul3A : i32
    %add3A = arith.addi %mul3A_0, %arg0 : i32
    %broadcast_in_dim3A = arith.constant 0.000000e+00 : f32
    %broadcast_in_dim3A_1 = vector.broadcast %broadcast_in_dim3A : f32 to vector<16xf32>
    %scan3A = arith.constant 0 : i32
    %scan3A_2 = arith.constant 0 : i32
    %scan3A_3 = arith.constant 80 : i32
    %scan3A_4 = arith.addi %scan3A_2, %scan3A_3 : i32
    %scan3A_5 = arith.constant 1 : i32
    scf.for %scan3A_221 = %scan3A_2 to %scan3A_4 step %scan3A_5  : i32 {
      %swap3A = arith.index_cast %scan3A_221 : i32 to index
      %swap3A_222 = arith.constant 0 : index
      %swap3A_223 = tpu.vector_load %arg12[%swap3A, %swap3A_222] {strides = array<i32>} : memref<80x64xf32, #tpu.memory_space<vmem>>, vector<16xf32>,
      tpu.vector_store %arg12[%swap3A, %swap3A_222], %broadcast_in_dim3A_1 {strides = array<i32>} : memref<80x64xf32, #tpu.memory_space<vmem>>, vector<16xf32>,
      %swap3A_224 = arith.index_cast %scan3A_221 : i32 to index
      %swap3A_225 = arith.constant 16 : index
      %swap3A_226 = tpu.vector_load %arg12[%swap3A_224, %swap3A_225] {strides = array<i32>} : memref<80x64xf32, #tpu.memory_space<vmem>>, vector<16xf32>,
      tpu.vector_store %arg12[%swap3A_224, %swap3A_225], %broadcast_in_dim3A_1 {strides = array<i32>} : memref<80x64xf32, #tpu.memory_space<vmem>>, vector<16xf32>,
      %swap3A_227 = arith.index_cast %scan3A_221 : i32 to index
      %swap3A_228 = arith.constant 32 : index
      %swap3A_229 = tpu.vector_load %arg12[%swap3A_227, %swap3A_228] {strides = array<i32>} : memref<80x64xf32, #tpu.memory_space<vmem>>, vector<16xf32>,
      tpu.vector_store %arg12[%swap3A_227, %swap3A_228], %broadcast_in_dim3A_1 {strides = array<i32>} : memref<80x64xf32, #tpu.memory_space<vmem>>, vector<16xf32>,
      %swap3A_230 = arith.index_cast %scan3A_221 : i32 to index
      %swap3A_231 = arith.constant 48 : index
      %swap3A_232 = tpu.vector_load %arg12[%swap3A_230, %swap3A_231] {strides = array<i32>} : memref<80x64xf32, #tpu.memory_space<vmem>>, vector<16xf32>,
      tpu.vector_store %arg12[%swap3A_230, %swap3A_231], %broadcast_in_dim3A_1 {strides = array<i32>} : memref<80x64xf32, #tpu.memory_space<vmem>>, vector<16xf32>,
    }
    %scan3A_6 = arith.constant 80 : i32
    %mul3A_7 = arith.constant 625 : i32
    %mul3A_8 = arith.muli %arg1, %mul3A_7 : i32
    %add3A_9 = arith.constant 0 : i32
    %add3A_10 = arith.addi %mul3A_8, %add3A_9 : i32
    "tpu.region"() ({
      %run_scoped3A_221 = tpu.sem_alloc : memref<!tpu.dma_semaphore, #tpu.memory_space<semaphore_mem>>
      %dma_start3A_222 = arith.constant 0 : i32
      %dma_start3A_223 = arith.constant 0 : i32
      %dma_start3A_224 = tpu.memref_slice %arg12[%dma_start3A_222, %dma_start3A_223] : memref<80x64xf32, #tpu.memory_space<vmem>> -> memref<80x64xf32, #tpu.memory_space<vmem>>
      %dma_start3A_225 = arith.constant 0 : i32
      %dma_start3A_226 = tpu.memref_slice %arg17[%add3A_10, %dma_start3A_225] : memref<10000x64xf32, #tpu.memory_space<vmem_shared>> -> memref<80x64xf32, #tpu.memory_space<vmem_shared>>
      %dma_start3A_227 = arith.constant 0 : i32
      %dma_start3A_228 = tpu.memref_slice %arg17[%add3A_10, %dma_start3A_227] : memref<10000x64xf32, #tpu.memory_space<vmem_shared>> -> memref<80x64xf32, #tpu.memory_space<vmem_shared>>
      %dma_start3A_229 = arith.constant 0 : i32
      %dma_start3A_230 = arith.constant 0 : i32
      %dma_start3A_231 = tpu.memref_slice %arg12[%dma_start3A_229, %dma_start3A_230] : memref<80x64xf32, #tpu.memory_space<vmem>> -> memref<80x64xf32, #tpu.memory_space<vmem>>
      tpu.enqueue_dma source(%dma_start3A_231 : memref<80x64xf32, #tpu.memory_space<vmem>>) target(%dma_start3A_228 : memref<80x64xf32, #tpu.memory_space<vmem_shared>>) target_semaphore(%run_scoped3A_221 : memref<!tpu.dma_semaphore, #tpu.memory_space<semaphore_mem>>)
      %dma_wait3A_232 = arith.constant 0 : i32
      %dma_wait3A_233 = arith.constant 0 : i32
      %dma_wait3A_234 = tpu.memref_slice %arg12[%dma_wait3A_232, %dma_wait3A_233] : memref<80x64xf32, #tpu.memory_space<vmem>> -> memref<80x64xf32, #tpu.memory_space<vmem>>
      %dma_wait3A_235 = arith.constant 0 : i32
      %dma_wait3A_236 = tpu.memref_slice %arg17[%add3A_10, %dma_wait3A_235] : memref<10000x64xf32, #tpu.memory_space<vmem_shared>> -> memref<80x64xf32, #tpu.memory_space<vmem_shared>>
      %dma_wait3A_237 = arith.constant 0 : i32
      %dma_wait3A_238 = tpu.memref_slice %arg17[%add3A_10, %dma_wait3A_237] : memref<10000x64xf32, #tpu.memory_space<vmem_shared>> -> memref<80x64xf32, #tpu.memory_space<vmem_shared>>
      %dma_wait3A_239 = arith.constant 0 : i32
      %dma_wait3A_240 = arith.constant 0 : i32
      %dma_wait3A_241 = tpu.memref_slice %arg12[%dma_wait3A_239, %dma_wait3A_240] : memref<80x64xf32, #tpu.memory_space<vmem>> -> memref<80x64xf32, #tpu.memory_space<vmem>>
      tpu.wait_dma2 semaphore(%run_scoped3A_221 : memref<!tpu.dma_semaphore, #tpu.memory_space<semaphore_mem>>) src(%dma_wait3A_241 : memref<80x64xf32, #tpu.memory_space<vmem>>) dst(%dma_wait3A_238 : memref<80x64xf32, #tpu.memory_space<vmem_shared>>)
      tpu.yield
    }) : () -> ()
    %add3A_11 = arith.constant 80 : i32
    %add3A_12 = arith.addi %mul3A_8, %add3A_11 : i32
    "tpu.region"() ({
      %run_scoped3A_221 = tpu.sem_alloc : memref<!tpu.dma_semaphore, #tpu.memory_space<semaphore_mem>>
      %dma_start3A_222 = arith.constant 0 : i32
      %dma_start3A_223 = arith.constant 0 : i32
      %dma_start3A_224 = tpu.memref_slice %arg12[%dma_start3A_222, %dma_start3A_223] : memref<80x64xf32, #tpu.memory_space<vmem>> -> memref<80x64xf32, #tpu.memory_space<vmem>>
      %dma_start3A_225 = arith.constant 0 : i32
      %dma_start3A_226 = tpu.memref_slice %arg17[%add3A_12, %dma_start3A_225] : memref<10000x64xf32, #tpu.memory_space<vmem_shared>> -> memref<80x64xf32, #tpu.memory_space<vmem_shared>>
      %dma_start3A_227 = arith.constant 0 : i32
      %dma_start3A_228 = tpu.memref_slice %arg17[%add3A_12, %dma_start3A_227] : memref<10000x64xf32, #tpu.memory_space<vmem_shared>> -> memref<80x64xf32, #tpu.memory_space<vmem_shared>>
      %dma_start3A_229 = arith.constant 0 : i32
      %dma_start3A_230 = arith.constant 0 : i32
      %dma_start3A_231 = tpu.memref_slice %arg12[%dma_start3A_229, %dma_start3A_230] : memref<80x64xf32, #tpu.memory_space<vmem>> -> memref<80x64xf32, #tpu.memory_space<vmem>>
      tpu.enqueue_dma source(%dma_start3A_231 : memref<80x64xf32, #tpu.memory_space<vmem>>) target(%dma_start3A_228 : memref<80x64xf32, #tpu.memory_space<vmem_shared>>) target_semaphore(%run_scoped3A_221 : memref<!tpu.dma_semaphore, #tpu.memory_space<semaphore_mem>>)
      %dma_wait3A_232 = arith.constant 0 : i32
      %dma_wait3A_233 = arith.constant 0 : i32
      %dma_wait3A_234 = tpu.memref_slice %arg12[%dma_wait3A_232, %dma_wait3A_233] : memref<80x64xf32, #tpu.memory_space<vmem>> -> memref<80x64xf32, #tpu.memory_space<vmem>>
      %dma_wait3A_235 = arith.constant 0 : i32
      %dma_wait3A_236 = tpu.memref_slice %arg17[%add3A_12, %dma_wait3A_235] : memref<10000x64xf32, #tpu.memory_space<vmem_shared>> -> memref<80x64xf32, #tpu.memory_space<vmem_shared>>
      %dma_wait3A_237 = arith.constant 0 : i32
      %dma_wait3A_238 = tpu.memref_slice %arg17[%add3A_12, %dma_wait3A_237] : memref<10000x64xf32, #tpu.memory_space<vmem_shared>> -> memref<80x64xf32, #tpu.memory_space<vmem_shared>>
      %dma_wait3A_239 = arith.constant 0 : i32
      %dma_wait3A_240 = arith.constant 0 : i32
      %dma_wait3A_241 = tpu.memref_slice %arg12[%dma_wait3A_239, %dma_wait3A_240] : memref<80x64xf32, #tpu.memory_space<vmem>> -> memref<80x64xf32, #tpu.memory_space<vmem>>
      tpu.wait_dma2 semaphore(%run_scoped3A_221 : memref<!tpu.dma_semaphore, #tpu.memory_space<semaphore_mem>>) src(%dma_wait3A_241 : memref<80x64xf32, #tpu.memory_space<vmem>>) dst(%dma_wait3A_238 : memref<80x64xf32, #tpu.memory_space<vmem_shared>>)
      tpu.yield
    }) : () -> ()
    %add3A_13 = arith.constant 160 : i32
    %add3A_14 = arith.addi %mul3A_8, %add3A_13 : i32
    "tpu.region"() ({
      %run_scoped3A_221 = tpu.sem_alloc : memref<!tpu.dma_semaphore, #tpu.memory_space<semaphore_mem>>
      %dma_start3A_222 = arith.constant 0 : i32
      %dma_start3A_223 = arith.constant 0 : i32
      %dma_start3A_224 = tpu.memref_slice %arg12[%dma_start3A_222, %dma_start3A_223] : memref<80x64xf32, #tpu.memory_space<vmem>> -> memref<80x64xf32, #tpu.memory_space<vmem>>
      %dma_start3A_225 = arith.constant 0 : i32
      %dma_start3A_226 = tpu.memref_slice %arg17[%add3A_14, %dma_start3A_225] : memref<10000x64xf32, #tpu.memory_space<vmem_shared>> -> memref<80x64xf32, #tpu.memory_space<vmem_shared>>
      %dma_start3A_227 = arith.constant 0 : i32
      %dma_start3A_228 = tpu.memref_slice %arg17[%add3A_14, %dma_start3A_227] : memref<10000x64xf32, #tpu.memory_space<vmem_shared>> -> memref<80x64xf32, #tpu.memory_space<vmem_shared>>
      %dma_start3A_229 = arith.constant 0 : i32
      %dma_start3A_230 = arith.constant 0 : i32
      %dma_start3A_231 = tpu.memref_slice %arg12[%dma_start3A_229, %dma_start3A_230] : memref<80x64xf32, #tpu.memory_space<vmem>> -> memref<80x64xf32, #tpu.memory_space<vmem>>
      tpu.enqueue_dma source(%dma_start3A_231 : memref<80x64xf32, #tpu.memory_space<vmem>>) target(%dma_start3A_228 : memref<80x64xf32, #tpu.memory_space<vmem_shared>>) target_semaphore(%run_scoped3A_221 : memref<!tpu.dma_semaphore, #tpu.memory_space<semaphore_mem>>)
      %dma_wait3A_232 = arith.constant 0 : i32
      %dma_wait3A_233 = arith.constant 0 : i32
      %dma_wait3A_234 = tpu.memref_slice %arg12[%dma_wait3A_232, %dma_wait3A_233] : memref<80x64xf32, #tpu.memory_space<vmem>> -> memref<80x64xf32, #tpu.memory_space<vmem>>
      %dma_wait3A_235 = arith.constant 0 : i32
      %dma_wait3A_236 = tpu.memref_slice %arg17[%add3A_14, %dma_wait3A_235] : memref<10000x64xf32, #tpu.memory_space<vmem_shared>> -> memref<80x64xf32, #tpu.memory_space<vmem_shared>>
      %dma_wait3A_237 = arith.constant 0 : i32
      %dma_wait3A_238 = tpu.memref_slice %arg17[%add3A_14, %dma_wait3A_237] : memref<10000x64xf32, #tpu.memory_space<vmem_shared>> -> memref<80x64xf32, #tpu.memory_space<vmem_shared>>
      %dma_wait3A_239 = arith.constant 0 : i32
      %dma_wait3A_240 = arith.constant 0 : i32
      %dma_wait3A_241 = tpu.memref_slice %arg12[%dma_wait3A_239, %dma_wait3A_240] : memref<80x64xf32, #tpu.memory_space<vmem>> -> memref<80x64xf32, #tpu.memory_space<vmem>>
      tpu.wait_dma2 semaphore(%run_scoped3A_221 : memref<!tpu.dma_semaphore, #tpu.memory_space<semaphore_mem>>) src(%dma_wait3A_241 : memref<80x64xf32, #tpu.memory_space<vmem>>) dst(%dma_wait3A_238 : memref<80x64xf32, #tpu.memory_space<vmem_shared>>)
      tpu.yield
    }) : () -> ()
    %add3A_15 = arith.constant 240 : i32
    %add3A_16 = arith.addi %mul3A_8, %add3A_15 : i32
    "tpu.region"() ({
      %run_scoped3A_221 = tpu.sem_alloc : memref<!tpu.dma_semaphore, #tpu.memory_space<semaphore_mem>>
      %dma_start3A_222 = arith.constant 0 : i32
      %dma_start3A_223 = arith.constant 0 : i32
      %dma_start3A_224 = tpu.memref_slice %arg12[%dma_start3A_222, %dma_start3A_223] : memref<80x64xf32, #tpu.memory_space<vmem>> -> memref<80x64xf32, #tpu.memory_space<vmem>>
      %dma_start3A_225 = arith.constant 0 : i32
      %dma_start3A_226 = tpu.memref_slice %arg17[%add3A_16, %dma_start3A_225] : memref<10000x64xf32, #tpu.memory_space<vmem_shared>> -> memref<80x64xf32, #tpu.memory_space<vmem_shared>>
      %dma_start3A_227 = arith.constant 0 : i32
      %dma_start3A_228 = tpu.memref_slice %arg17[%add3A_16, %dma_start3A_227] : memref<10000x64xf32, #tpu.memory_space<vmem_shared>> -> memref<80x64xf32, #tpu.memory_space<vmem_shared>>
      %dma_start3A_229 = arith.constant 0 : i32
      %dma_start3A_230 = arith.constant 0 : i32
      %dma_start3A_231 = tpu.memref_slice %arg12[%dma_start3A_229, %dma_start3A_230] : memref<80x64xf32, #tpu.memory_space<vmem>> -> memref<80x64xf32, #tpu.memory_space<vmem>>
      tpu.enqueue_dma source(%dma_start3A_231 : memref<80x64xf32, #tpu.memory_space<vmem>>) target(%dma_start3A_228 : memref<80x64xf32, #tpu.memory_space<vmem_shared>>) target_semaphore(%run_scoped3A_221 : memref<!tpu.dma_semaphore, #tpu.memory_space<semaphore_mem>>)
      %dma_wait3A_232 = arith.constant 0 : i32
      %dma_wait3A_233 = arith.constant 0 : i32
      %dma_wait3A_234 = tpu.memref_slice %arg12[%dma_wait3A_232, %dma_wait3A_233] : memref<80x64xf32, #tpu.memory_space<vmem>> -> memref<80x64xf32, #tpu.memory_space<vmem>>
      %dma_wait3A_235 = arith.constant 0 : i32
      %dma_wait3A_236 = tpu.memref_slice %arg17[%add3A_16, %dma_wait3A_235] : memref<10000x64xf32, #tpu.memory_space<vmem_shared>> -> memref<80x64xf32, #tpu.memory_space<vmem_shared>>
      %dma_wait3A_237 = arith.constant 0 : i32
      %dma_wait3A_238 = tpu.memref_slice %arg17[%add3A_16, %dma_wait3A_237] : memref<10000x64xf32, #tpu.memory_space<vmem_shared>> -> memref<80x64xf32, #tpu.memory_space<vmem_shared>>
      %dma_wait3A_239 = arith.constant 0 : i32
      %dma_wait3A_240 = arith.constant 0 : i32
      %dma_wait3A_241 = tpu.memref_slice %arg12[%dma_wait3A_239, %dma_wait3A_240] : memref<80x64xf32, #tpu.memory_space<vmem>> -> memref<80x64xf32, #tpu.memory_space<vmem>>
      tpu.wait_dma2 semaphore(%run_scoped3A_221 : memref<!tpu.dma_semaphore, #tpu.memory_space<semaphore_mem>>) src(%dma_wait3A_241 : memref<80x64xf32, #tpu.memory_space<vmem>>) dst(%dma_wait3A_238 : memref<80x64xf32, #tpu.memory_space<vmem_shared>>)
      tpu.yield
    }) : () -> ()
    %add3A_17 = arith.constant 320 : i32
    %add3A_18 = arith.addi %mul3A_8, %add3A_17 : i32
    "tpu.region"() ({
      %run_scoped3A_221 = tpu.sem_alloc : memref<!tpu.dma_semaphore, #tpu.memory_space<semaphore_mem>>
      %dma_start3A_222 = arith.constant 0 : i32
      %dma_start3A_223 = arith.constant 0 : i32
      %dma_start3A_224 = tpu.memref_slice %arg12[%dma_start3A_222, %dma_start3A_223] : memref<80x64xf32, #tpu.memory_space<vmem>> -> memref<80x64xf32, #tpu.memory_space<vmem>>
      %dma_start3A_225 = arith.constant 0 : i32
      %dma_start3A_226 = tpu.memref_slice %arg17[%add3A_18, %dma_start3A_225] : memref<10000x64xf32, #tpu.memory_space<vmem_shared>> -> memref<80x64xf32, #tpu.memory_space<vmem_shared>>
      %dma_start3A_227 = arith.constant 0 : i32
      %dma_start3A_228 = tpu.memref_slice %arg17[%add3A_18, %dma_start3A_227] : memref<10000x64xf32, #tpu.memory_space<vmem_shared>> -> memref<80x64xf32, #tpu.memory_space<vmem_shared>>
      %dma_start3A_229 = arith.constant 0 : i32
      %dma_start3A_230 = arith.constant 0 : i32
      %dma_start3A_231 = tpu.memref_slice %arg12[%dma_start3A_229, %dma_start3A_230] : memref<80x64xf32, #tpu.memory_space<vmem>> -> memref<80x64xf32, #tpu.memory_space<vmem>>
      tpu.enqueue_dma source(%dma_start3A_231 : memref<80x64xf32, #tpu.memory_space<vmem>>) target(%dma_start3A_228 : memref<80x64xf32, #tpu.memory_space<vmem_shared>>) target_semaphore(%run_scoped3A_221 : memref<!tpu.dma_semaphore, #tpu.memory_space<semaphore_mem>>)
      %dma_wait3A_232 = arith.constant 0 : i32
      %dma_wait3A_233 = arith.constant 0 : i32
      %dma_wait3A_234 = tpu.memref_slice %arg12[%dma_wait3A_232, %dma_wait3A_233] : memref<80x64xf32, #tpu.memory_space<vmem>> -> memref<80x64xf32, #tpu.memory_space<vmem>>
      %dma_wait3A_235 = arith.constant 0 : i32
      %dma_wait3A_236 = tpu.memref_slice %arg17[%add3A_18, %dma_wait3A_235] : memref<10000x64xf32, #tpu.memory_space<vmem_shared>> -> memref<80x64xf32, #tpu.memory_space<vmem_shared>>
      %dma_wait3A_237 = arith.constant 0 : i32
      %dma_wait3A_238 = tpu.memref_slice %arg17[%add3A_18, %dma_wait3A_237] : memref<10000x64xf32, #tpu.memory_space<vmem_shared>> -> memref<80x64xf32, #tpu.memory_space<vmem_shared>>
      %dma_wait3A_239 = arith.constant 0 : i32
      %dma_wait3A_240 = arith.constant 0 : i32
      %dma_wait3A_241 = tpu.memref_slice %arg12[%dma_wait3A_239, %dma_wait3A_240] : memref<80x64xf32, #tpu.memory_space<vmem>> -> memref<80x64xf32, #tpu.memory_space<vmem>>
      tpu.wait_dma2 semaphore(%run_scoped3A_221 : memref<!tpu.dma_semaphore, #tpu.memory_space<semaphore_mem>>) src(%dma_wait3A_241 : memref<80x64xf32, #tpu.memory_space<vmem>>) dst(%dma_wait3A_238 : memref<80x64xf32, #tpu.memory_space<vmem_shared>>)
      tpu.yield
    }) : () -> ()
    %add3A_19 = arith.constant 400 : i32
    %add3A_20 = arith.addi %mul3A_8, %add3A_19 : i32
    "tpu.region"() ({
      %run_scoped3A_221 = tpu.sem_alloc : memref<!tpu.dma_semaphore, #tpu.memory_space<semaphore_mem>>
      %dma_start3A_222 = arith.constant 0 : i32
      %dma_start3A_223 = arith.constant 0 : i32
      %dma_start3A_224 = tpu.memref_slice %arg12[%dma_start3A_222, %dma_start3A_223] : memref<80x64xf32, #tpu.memory_space<vmem>> -> memref<80x64xf32, #tpu.memory_space<vmem>>
      %dma_start3A_225 = arith.constant 0 : i32
      %dma_start3A_226 = tpu.memref_slice %arg17[%add3A_20, %dma_start3A_225] : memref<10000x64xf32, #tpu.memory_space<vmem_shared>> -> memref<80x64xf32, #tpu.memory_space<vmem_shared>>
      %dma_start3A_227 = arith.constant 0 : i32
      %dma_start3A_228 = tpu.memref_slice %arg17[%add3A_20, %dma_start3A_227] : memref<10000x64xf32, #tpu.memory_space<vmem_shared>> -> memref<80x64xf32, #tpu.memory_space<vmem_shared>>
      %dma_start3A_229 = arith.constant 0 : i32
      %dma_start3A_230 = arith.constant 0 : i32
      %dma_start3A_231 = tpu.memref_slice %arg12[%dma_start3A_229, %dma_start3A_230] : memref<80x64xf32, #tpu.memory_space<vmem>> -> memref<80x64xf32, #tpu.memory_space<vmem>>
      tpu.enqueue_dma source(%dma_start3A_231 : memref<80x64xf32, #tpu.memory_space<vmem>>) target(%dma_start3A_228 : memref<80x64xf32, #tpu.memory_space<vmem_shared>>) target_semaphore(%run_scoped3A_221 : memref<!tpu.dma_semaphore, #tpu.memory_space<semaphore_mem>>)
      %dma_wait3A_232 = arith.constant 0 : i32
      %dma_wait3A_233 = arith.constant 0 : i32
      %dma_wait3A_234 = tpu.memref_slice %arg12[%dma_wait3A_232, %dma_wait3A_233] : memref<80x64xf32, #tpu.memory_space<vmem>> -> memref<80x64xf32, #tpu.memory_space<vmem>>
      %dma_wait3A_235 = arith.constant 0 : i32
      %dma_wait3A_236 = tpu.memref_slice %arg17[%add3A_20, %dma_wait3A_235] : memref<10000x64xf32, #tpu.memory_space<vmem_shared>> -> memref<80x64xf32, #tpu.memory_space<vmem_shared>>
      %dma_wait3A_237 = arith.constant 0 : i32
      %dma_wait3A_238 = tpu.memref_slice %arg17[%add3A_20, %dma_wait3A_237] : memref<10000x64xf32, #tpu.memory_space<vmem_shared>> -> memref<80x64xf32, #tpu.memory_space<vmem_shared>>
      %dma_wait3A_239 = arith.constant 0 : i32
      %dma_wait3A_240 = arith.constant 0 : i32
      %dma_wait3A_241 = tpu.memref_slice %arg12[%dma_wait3A_239, %dma_wait3A_240] : memref<80x64xf32, #tpu.memory_space<vmem>> -> memref<80x64xf32, #tpu.memory_space<vmem>>
      tpu.wait_dma2 semaphore(%run_scoped3A_221 : memref<!tpu.dma_semaphore, #tpu.memory_space<semaphore_mem>>) src(%dma_wait3A_241 : memref<80x64xf32, #tpu.memory_space<vmem>>) dst(%dma_wait3A_238 : memref<80x64xf32, #tpu.memory_space<vmem_shared>>)
      tpu.yield
    }) : () -> ()
    %add3A_21 = arith.constant 480 : i32
    %add3A_22 = arith.addi %mul3A_8, %add3A_21 : i32
    "tpu.region"() ({
      %run_scoped3A_221 = tpu.sem_alloc : memref<!tpu.dma_semaphore, #tpu.memory_space<semaphore_mem>>
      %dma_start3A_222 = arith.constant 0 : i32
      %dma_start3A_223 = arith.constant 0 : i32
      %dma_start3A_224 = tpu.memref_slice %arg12[%dma_start3A_222, %dma_start3A_223] : memref<80x64xf32, #tpu.memory_space<vmem>> -> memref<80x64xf32, #tpu.memory_space<vmem>>
      %dma_start3A_225 = arith.constant 0 : i32
      %dma_start3A_226 = tpu.memref_slice %arg17[%add3A_22, %dma_start3A_225] : memref<10000x64xf32, #tpu.memory_space<vmem_shared>> -> memref<80x64xf32, #tpu.memory_space<vmem_shared>>
      %dma_start3A_227 = arith.constant 0 : i32
      %dma_start3A_228 = tpu.memref_slice %arg17[%add3A_22, %dma_start3A_227] : memref<10000x64xf32, #tpu.memory_space<vmem_shared>> -> memref<80x64xf32, #tpu.memory_space<vmem_shared>>
      %dma_start3A_229 = arith.constant 0 : i32
      %dma_start3A_230 = arith.constant 0 : i32
      %dma_start3A_231 = tpu.memref_slice %arg12[%dma_start3A_229, %dma_start3A_230] : memref<80x64xf32, #tpu.memory_space<vmem>> -> memref<80x64xf32, #tpu.memory_space<vmem>>
      tpu.enqueue_dma source(%dma_start3A_231 : memref<80x64xf32, #tpu.memory_space<vmem>>) target(%dma_start3A_228 : memref<80x64xf32, #tpu.memory_space<vmem_shared>>) target_semaphore(%run_scoped3A_221 : memref<!tpu.dma_semaphore, #tpu.memory_space<semaphore_mem>>)
      %dma_wait3A_232 = arith.constant 0 : i32
      %dma_wait3A_233 = arith.constant 0 : i32
      %dma_wait3A_234 = tpu.memref_slice %arg12[%dma_wait3A_232, %dma_wait3A_233] : memref<80x64xf32, #tpu.memory_space<vmem>> -> memref<80x64xf32, #tpu.memory_space<vmem>>
      %dma_wait3A_235 = arith.constant 0 : i32
      %dma_wait3A_236 = tpu.memref_slice %arg17[%add3A_22, %dma_wait3A_235] : memref<10000x64xf32, #tpu.memory_space<vmem_shared>> -> memref<80x64xf32, #tpu.memory_space<vmem_shared>>
      %dma_wait3A_237 = arith.constant 0 : i32
      %dma_wait3A_238 = tpu.memref_slice %arg17[%add3A_22, %dma_wait3A_237] : memref<10000x64xf32, #tpu.memory_space<vmem_shared>> -> memref<80x64xf32, #tpu.memory_space<vmem_shared>>
      %dma_wait3A_239 = arith.constant 0 : i32
      %dma_wait3A_240 = arith.constant 0 : i32
      %dma_wait3A_241 = tpu.memref_slice %arg12[%dma_wait3A_239, %dma_wait3A_240] : memref<80x64xf32, #tpu.memory_space<vmem>> -> memref<80x64xf32, #tpu.memory_space<vmem>>
      tpu.wait_dma2 semaphore(%run_scoped3A_221 : memref<!tpu.dma_semaphore, #tpu.memory_space<semaphore_mem>>) src(%dma_wait3A_241 : memref<80x64xf32, #tpu.memory_space<vmem>>) dst(%dma_wait3A_238 : memref<80x64xf32, #tpu.memory_space<vmem_shared>>)
      tpu.yield
    }) : () -> ()
    %add3A_23 = arith.constant 560 : i32
    %add3A_24 = arith.addi %mul3A_8, %add3A_23 : i32
    "tpu.region"() ({
      %run_scoped3A_221 = tpu.sem_alloc : memref<!tpu.dma_semaphore, #tpu.memory_space<semaphore_mem>>
      %dma_start3A_222 = arith.constant 0 : i32
      %dma_start3A_223 = arith.constant 0 : i32
      %dma_start3A_224 = tpu.memref_slice %arg12[%dma_start3A_222, %dma_start3A_223] : memref<80x64xf32, #tpu.memory_space<vmem>> -> memref<65x64xf32, #tpu.memory_space<vmem>>
      %dma_start3A_225 = arith.constant 0 : i32
      %dma_start3A_226 = tpu.memref_slice %arg17[%add3A_24, %dma_start3A_225] : memref<10000x64xf32, #tpu.memory_space<vmem_shared>> -> memref<65x64xf32, #tpu.memory_space<vmem_shared>>
      %dma_start3A_227 = arith.constant 0 : i32
      %dma_start3A_228 = tpu.memref_slice %arg17[%add3A_24, %dma_start3A_227] : memref<10000x64xf32, #tpu.memory_space<vmem_shared>> -> memref<65x64xf32, #tpu.memory_space<vmem_shared>>
      %dma_start3A_229 = arith.constant 0 : i32
      %dma_start3A_230 = arith.constant 0 : i32
      %dma_start3A_231 = tpu.memref_slice %arg12[%dma_start3A_229, %dma_start3A_230] : memref<80x64xf32, #tpu.memory_space<vmem>> -> memref<65x64xf32, #tpu.memory_space<vmem>>
      tpu.enqueue_dma source(%dma_start3A_231 : memref<65x64xf32, #tpu.memory_space<vmem>>) target(%dma_start3A_228 : memref<65x64xf32, #tpu.memory_space<vmem_shared>>) target_semaphore(%run_scoped3A_221 : memref<!tpu.dma_semaphore, #tpu.memory_space<semaphore_mem>>)
      %dma_wait3A_232 = arith.constant 0 : i32
      %dma_wait3A_233 = arith.constant 0 : i32
      %dma_wait3A_234 = tpu.memref_slice %arg12[%dma_wait3A_232, %dma_wait3A_233] : memref<80x64xf32, #tpu.memory_space<vmem>> -> memref<65x64xf32, #tpu.memory_space<vmem>>
      %dma_wait3A_235 = arith.constant 0 : i32
      %dma_wait3A_236 = tpu.memref_slice %arg17[%add3A_24, %dma_wait3A_235] : memref<10000x64xf32, #tpu.memory_space<vmem_shared>> -> memref<65x64xf32, #tpu.memory_space<vmem_shared>>
      %dma_wait3A_237 = arith.constant 0 : i32
      %dma_wait3A_238 = tpu.memref_slice %arg17[%add3A_24, %dma_wait3A_237] : memref<10000x64xf32, #tpu.memory_space<vmem_shared>> -> memref<65x64xf32, #tpu.memory_space<vmem_shared>>
      %dma_wait3A_239 = arith.constant 0 : i32
      %dma_wait3A_240 = arith.constant 0 : i32
      %dma_wait3A_241 = tpu.memref_slice %arg12[%dma_wait3A_239, %dma_wait3A_240] : memref<80x64xf32, #tpu.memory_space<vmem>> -> memref<65x64xf32, #tpu.memory_space<vmem>>
      tpu.wait_dma2 semaphore(%run_scoped3A_221 : memref<!tpu.dma_semaphore, #tpu.memory_space<semaphore_mem>>) src(%dma_wait3A_241 : memref<65x64xf32, #tpu.memory_space<vmem>>) dst(%dma_wait3A_238 : memref<65x64xf32, #tpu.memory_space<vmem_shared>>)
      tpu.yield
    }) : () -> ()
    %scan3A_25 = arith.constant 0 : i32
    %scan3A_26 = arith.constant 0 : i32
    %scan3A_27 = arith.constant 640 : i32
    %scan3A_28 = arith.addi %scan3A_26, %scan3A_27 : i32
    %scan3A_29 = arith.constant 1 : i32
    scf.for %scan3A_221 = %scan3A_26 to %scan3A_28 step %scan3A_29  : i32 {
      %mul3A_222 = arith.constant 16 : i32
      %mul3A_223 = arith.muli %scan3A_221, %mul3A_222 : i32
      %swap3A = arith.index_cast %mul3A_223 : i32 to index
      %swap3A_224 = tpu.vector_load %arg16[%swap3A] {strides = array<i32>} : memref<10240xf32, #tpu.memory_space<vmem>>, vector<16xf32>,
      tpu.vector_store %arg16[%swap3A], %broadcast_in_dim3A_1 {strides = array<i32>} : memref<10240xf32, #tpu.memory_space<vmem>>, vector<16xf32>,
    }
    %scan3A_30 = arith.constant 640 : i32
    %barrier3A = arith.constant 0 : index
    tpu.barrier barrier_id(%barrier3A)
    "tpu.region"() ({
      %run_scoped3A_221 = tpu.sem_alloc : memref<!tpu.dma_semaphore, #tpu.memory_space<semaphore_mem>>
      %dma_start3A_222 = arith.constant 0 : i32
      %dma_start3A_223 = arith.constant 0 : i32
      %dma_start3A_224 = tpu.memref_slice %arg3[%arg1, %dma_start3A_222, %dma_start3A_223] : memref<16x250x80xi32, #tpu.memory_space<hbm>> -> memref<1x250x80xi32, #tpu.memory_space<hbm>>
      %dma_start3A_225 = tpu.memref_squeeze %dma_start3A_224 : memref<1x250x80xi32, #tpu.memory_space<hbm>> -> memref<250x80xi32, #tpu.memory_space<hbm>>
      %dma_start3A_226 = arith.constant 0 : i32
      %dma_start3A_227 = arith.constant 0 : i32
      %dma_start3A_228 = tpu.memref_slice %arg3[%arg1, %dma_start3A_226, %dma_start3A_227] : memref<16x250x80xi32, #tpu.memory_space<hbm>> -> memref<1x250x80xi32, #tpu.memory_space<hbm>>
      %dma_start3A_229 = tpu.memref_squeeze %dma_start3A_228 : memref<1x250x80xi32, #tpu.memory_space<hbm>> -> memref<250x80xi32, #tpu.memory_space<hbm>>
      tpu.enqueue_dma source(%dma_start3A_229 : memref<250x80xi32, #tpu.memory_space<hbm>>) target(%arg9 : memref<250x80xi32, #tpu.memory_space<vmem>>) target_semaphore(%run_scoped3A_221 : memref<!tpu.dma_semaphore, #tpu.memory_space<semaphore_mem>>)
      %dma_wait3A_230 = arith.constant 0 : i32
      %dma_wait3A_231 = arith.constant 0 : i32
      %dma_wait3A_232 = tpu.memref_slice %arg3[%arg1, %dma_wait3A_230, %dma_wait3A_231] : memref<16x250x80xi32, #tpu.memory_space<hbm>> -> memref<1x250x80xi32, #tpu.memory_space<hbm>>
      %dma_wait3A_233 = tpu.memref_squeeze %dma_wait3A_232 : memref<1x250x80xi32, #tpu.memory_space<hbm>> -> memref<250x80xi32, #tpu.memory_space<hbm>>
      %dma_wait3A_234 = arith.constant 0 : i32
      %dma_wait3A_235 = arith.constant 0 : i32
      %dma_wait3A_236 = tpu.memref_slice %arg3[%arg1, %dma_wait3A_234, %dma_wait3A_235] : memref<16x250x80xi32, #tpu.memory_space<hbm>> -> memref<1x250x80xi32, #tpu.memory_space<hbm>>
      %dma_wait3A_237 = tpu.memref_squeeze %dma_wait3A_236 : memref<1x250x80xi32, #tpu.memory_space<hbm>> -> memref<250x80xi32, #tpu.memory_space<hbm>>
      tpu.wait_dma2 semaphore(%run_scoped3A_221 : memref<!tpu.dma_semaphore, #tpu.memory_space<semaphore_mem>>) src(%dma_wait3A_237 : memref<250x80xi32, #tpu.memory_space<hbm>>) dst(%arg9 : memref<250x80xi32, #tpu.memory_space<vmem>>)
      tpu.yield
    }) : () -> ()
    "tpu.region"() ({
      %run_scoped3A_221 = tpu.sem_alloc : memref<!tpu.dma_semaphore, #tpu.memory_space<semaphore_mem>>
      %dma_start3A_222 = arith.constant 0 : i32
      %dma_start3A_223 = arith.constant 0 : i32
      %dma_start3A_224 = tpu.memref_slice %arg4[%arg1, %dma_start3A_222, %dma_start3A_223] : memref<16x250x80xi32, #tpu.memory_space<hbm>> -> memref<1x250x80xi32, #tpu.memory_space<hbm>>
      %dma_start3A_225 = tpu.memref_squeeze %dma_start3A_224 : memref<1x250x80xi32, #tpu.memory_space<hbm>> -> memref<250x80xi32, #tpu.memory_space<hbm>>
      %dma_start3A_226 = arith.constant 0 : i32
      %dma_start3A_227 = arith.constant 0 : i32
      %dma_start3A_228 = tpu.memref_slice %arg4[%arg1, %dma_start3A_226, %dma_start3A_227] : memref<16x250x80xi32, #tpu.memory_space<hbm>> -> memref<1x250x80xi32, #tpu.memory_space<hbm>>
      %dma_start3A_229 = tpu.memref_squeeze %dma_start3A_228 : memref<1x250x80xi32, #tpu.memory_space<hbm>> -> memref<250x80xi32, #tpu.memory_space<hbm>>
      tpu.enqueue_dma source(%dma_start3A_229 : memref<250x80xi32, #tpu.memory_space<hbm>>) target(%arg10 : memref<250x80xi32, #tpu.memory_space<vmem>>) target_semaphore(%run_scoped3A_221 : memref<!tpu.dma_semaphore, #tpu.memory_space<semaphore_mem>>)
      %dma_wait3A_230 = arith.constant 0 : i32
      %dma_wait3A_231 = arith.constant 0 : i32
      %dma_wait3A_232 = tpu.memref_slice %arg4[%arg1, %dma_wait3A_230, %dma_wait3A_231] : memref<16x250x80xi32, #tpu.memory_space<hbm>> -> memref<1x250x80xi32, #tpu.memory_space<hbm>>
      %dma_wait3A_233 = tpu.memref_squeeze %dma_wait3A_232 : memref<1x250x80xi32, #tpu.memory_space<hbm>> -> memref<250x80xi32, #tpu.memory_space<hbm>>
      %dma_wait3A_234 = arith.constant 0 : i32
      %dma_wait3A_235 = arith.constant 0 : i32
      %dma_wait3A_236 = tpu.memref_slice %arg4[%arg1, %dma_wait3A_234, %dma_wait3A_235] : memref<16x250x80xi32, #tpu.memory_space<hbm>> -> memref<1x250x80xi32, #tpu.memory_space<hbm>>
      %dma_wait3A_237 = tpu.memref_squeeze %dma_wait3A_236 : memref<1x250x80xi32, #tpu.memory_space<hbm>> -> memref<250x80xi32, #tpu.memory_space<hbm>>
      tpu.wait_dma2 semaphore(%run_scoped3A_221 : memref<!tpu.dma_semaphore, #tpu.memory_space<semaphore_mem>>) src(%dma_wait3A_237 : memref<250x80xi32, #tpu.memory_space<hbm>>) dst(%arg10 : memref<250x80xi32, #tpu.memory_space<vmem>>)
      tpu.yield
    }) : () -> ()
    "tpu.region"() ({
      %run_scoped3A_221 = tpu.sem_alloc : memref<!tpu.dma_semaphore, #tpu.memory_space<semaphore_mem>>
      %dma_start3A_222 = arith.constant 0 : i32
      %dma_start3A_223 = arith.constant 0 : i32
      %dma_start3A_224 = tpu.memref_slice %arg5[%arg1, %dma_start3A_222, %dma_start3A_223] : memref<16x250x80xi32, #tpu.memory_space<hbm>> -> memref<1x250x80xi32, #tpu.memory_space<hbm>>
      %dma_start3A_225 = tpu.memref_squeeze %dma_start3A_224 : memref<1x250x80xi32, #tpu.memory_space<hbm>> -> memref<250x80xi32, #tpu.memory_space<hbm>>
      %dma_start3A_226 = arith.constant 0 : i32
      %dma_start3A_227 = arith.constant 0 : i32
      %dma_start3A_228 = tpu.memref_slice %arg5[%arg1, %dma_start3A_226, %dma_start3A_227] : memref<16x250x80xi32, #tpu.memory_space<hbm>> -> memref<1x250x80xi32, #tpu.memory_space<hbm>>
      %dma_start3A_229 = tpu.memref_squeeze %dma_start3A_228 : memref<1x250x80xi32, #tpu.memory_space<hbm>> -> memref<250x80xi32, #tpu.memory_space<hbm>>
      tpu.enqueue_dma source(%dma_start3A_229 : memref<250x80xi32, #tpu.memory_space<hbm>>) target(%arg11 : memref<250x80xi32, #tpu.memory_space<vmem>>) target_semaphore(%run_scoped3A_221 : memref<!tpu.dma_semaphore, #tpu.memory_space<semaphore_mem>>)
      %dma_wait3A_230 = arith.constant 0 : i32
      %dma_wait3A_231 = arith.constant 0 : i32
      %dma_wait3A_232 = tpu.memref_slice %arg5[%arg1, %dma_wait3A_230, %dma_wait3A_231] : memref<16x250x80xi32, #tpu.memory_space<hbm>> -> memref<1x250x80xi32, #tpu.memory_space<hbm>>
      %dma_wait3A_233 = tpu.memref_squeeze %dma_wait3A_232 : memref<1x250x80xi32, #tpu.memory_space<hbm>> -> memref<250x80xi32, #tpu.memory_space<hbm>>
      %dma_wait3A_234 = arith.constant 0 : i32
      %dma_wait3A_235 = arith.constant 0 : i32
      %dma_wait3A_236 = tpu.memref_slice %arg5[%arg1, %dma_wait3A_234, %dma_wait3A_235] : memref<16x250x80xi32, #tpu.memory_space<hbm>> -> memref<1x250x80xi32, #tpu.memory_space<hbm>>
      %dma_wait3A_237 = tpu.memref_squeeze %dma_wait3A_236 : memref<1x250x80xi32, #tpu.memory_space<hbm>> -> memref<250x80xi32, #tpu.memory_space<hbm>>
      tpu.wait_dma2 semaphore(%run_scoped3A_221 : memref<!tpu.dma_semaphore, #tpu.memory_space<semaphore_mem>>) src(%dma_wait3A_237 : memref<250x80xi32, #tpu.memory_space<hbm>>) dst(%arg11 : memref<250x80xi32, #tpu.memory_space<vmem>>)
      tpu.yield
    }) : () -> ()
    %mul3A_31 = arith.constant 92160 : i32
    %mul3A_32 = arith.muli %arg0, %mul3A_31 : i32
    %scan3A_33 = arith.constant 0 : i32
    %scan3A_34 = arith.constant 0 : i32
    %scan3A_35 = arith.constant 250 : i32
    %scan3A_36 = arith.addi %scan3A_34, %scan3A_35 : i32
    %scan3A_37 = arith.constant 1 : i32
    scf.for %scan3A_221 = %scan3A_34 to %scan3A_36 step %scan3A_37  : i32 {
      %get3A_222 = arith.index_cast %scan3A_221 : i32 to index
      %get3A_223 = arith.constant 0 : index
      %get3A_224 = tpu.vector_load %arg11[%get3A_222, %get3A_223] {strides = array<i32>} : memref<250x80xi32, #tpu.memory_space<vmem>>, vector<16xi32>,
      %mul3A_225 = arith.constant 10240 : i32
      %mul3A_226 = vector.broadcast %mul3A_225 : i32 to vector<16xi32>
      %mul3A_227 = arith.muli %get3A_224, %mul3A_226 : vector<16xi32>
      %get3A_228 = arith.index_cast %scan3A_221 : i32 to index
      %get3A_229 = arith.constant 0 : index
      %get3A_230 = tpu.vector_load %arg9[%get3A_228, %get3A_229] {strides = array<i32>} : memref<250x80xi32, #tpu.memory_space<vmem>>, vector<16xi32>,
      %add3A_231 = arith.addi %mul3A_227, %get3A_230 : vector<16xi32>
      %add3A_232 = vector.broadcast %mul3A_32 : i32 to vector<16xi32>
      %add3A_233 = arith.addi %add3A_231, %add3A_232 : vector<16xi32>
      %swap3A = arith.index_cast %scan3A_221 : i32 to index
      %swap3A_234 = arith.constant 0 : index
      %swap3A_235 = tpu.vector_load %arg11[%swap3A, %swap3A_234] {strides = array<i32>} : memref<250x80xi32, #tpu.memory_space<vmem>>, vector<16xi32>,
      tpu.vector_store %arg11[%swap3A, %swap3A_234], %add3A_233 {strides = array<i32>} : memref<250x80xi32, #tpu.memory_space<vmem>>, vector<16xi32>,
      %get3A_236 = arith.index_cast %scan3A_221 : i32 to index
      %get3A_237 = arith.constant 16 : index
      %get3A_238 = tpu.vector_load %arg11[%get3A_236, %get3A_237] {strides = array<i32>} : memref<250x80xi32, #tpu.memory_space<vmem>>, vector<16xi32>,
      %mul3A_239 = arith.constant 10240 : i32
      %mul3A_240 = vector.broadcast %mul3A_239 : i32 to vector<16xi32>
      %mul3A_241 = arith.muli %get3A_238, %mul3A_240 : vector<16xi32>
      %get3A_242 = arith.index_cast %scan3A_221 : i32 to index
      %get3A_243 = arith.constant 16 : index
      %get3A_244 = tpu.vector_load %arg9[%get3A_242, %get3A_243] {strides = array<i32>} : memref<250x80xi32, #tpu.memory_space<vmem>>, vector<16xi32>,
      %add3A_245 = arith.addi %mul3A_241, %get3A_244 : vector<16xi32>
      %add3A_246 = vector.broadcast %mul3A_32 : i32 to vector<16xi32>
      %add3A_247 = arith.addi %add3A_245, %add3A_246 : vector<16xi32>
      %swap3A_248 = arith.index_cast %scan3A_221 : i32 to index
      %swap3A_249 = arith.constant 16 : index
      %swap3A_250 = tpu.vector_load %arg11[%swap3A_248, %swap3A_249] {strides = array<i32>} : memref<250x80xi32, #tpu.memory_space<vmem>>, vector<16xi32>,
      tpu.vector_store %arg11[%swap3A_248, %swap3A_249], %add3A_247 {strides = array<i32>} : memref<250x80xi32, #tpu.memory_space<vmem>>, vector<16xi32>,
      %get3A_251 = arith.index_cast %scan3A_221 : i32 to index
      %get3A_252 = arith.constant 32 : index
      %get3A_253 = tpu.vector_load %arg11[%get3A_251, %get3A_252] {strides = array<i32>} : memref<250x80xi32, #tpu.memory_space<vmem>>, vector<16xi32>,
      %mul3A_254 = arith.constant 10240 : i32
      %mul3A_255 = vector.broadcast %mul3A_254 : i32 to vector<16xi32>
      %mul3A_256 = arith.muli %get3A_253, %mul3A_255 : vector<16xi32>
      %get3A_257 = arith.index_cast %scan3A_221 : i32 to index
      %get3A_258 = arith.constant 32 : index
      %get3A_259 = tpu.vector_load %arg9[%get3A_257, %get3A_258] {strides = array<i32>} : memref<250x80xi32, #tpu.memory_space<vmem>>, vector<16xi32>,
      %add3A_260 = arith.addi %mul3A_256, %get3A_259 : vector<16xi32>
      %add3A_261 = vector.broadcast %mul3A_32 : i32 to vector<16xi32>
      %add3A_262 = arith.addi %add3A_260, %add3A_261 : vector<16xi32>
      %swap3A_263 = arith.index_cast %scan3A_221 : i32 to index
      %swap3A_264 = arith.constant 32 : index
      %swap3A_265 = tpu.vector_load %arg11[%swap3A_263, %swap3A_264] {strides = array<i32>} : memref<250x80xi32, #tpu.memory_space<vmem>>, vector<16xi32>,
      tpu.vector_store %arg11[%swap3A_263, %swap3A_264], %add3A_262 {strides = array<i32>} : memref<250x80xi32, #tpu.memory_space<vmem>>, vector<16xi32>,
      %get3A_266 = arith.index_cast %scan3A_221 : i32 to index
      %get3A_267 = arith.constant 48 : index
      %get3A_268 = tpu.vector_load %arg11[%get3A_266, %get3A_267] {strides = array<i32>} : memref<250x80xi32, #tpu.memory_space<vmem>>, vector<16xi32>,
      %mul3A_269 = arith.constant 10240 : i32
      %mul3A_270 = vector.broadcast %mul3A_269 : i32 to vector<16xi32>
      %mul3A_271 = arith.muli %get3A_268, %mul3A_270 : vector<16xi32>
      %get3A_272 = arith.index_cast %scan3A_221 : i32 to index
      %get3A_273 = arith.constant 48 : index
      %get3A_274 = tpu.vector_load %arg9[%get3A_272, %get3A_273] {strides = array<i32>} : memref<250x80xi32, #tpu.memory_space<vmem>>, vector<16xi32>,
      %add3A_275 = arith.addi %mul3A_271, %get3A_274 : vector<16xi32>
      %add3A_276 = vector.broadcast %mul3A_32 : i32 to vector<16xi32>
      %add3A_277 = arith.addi %add3A_275, %add3A_276 : vector<16xi32>
      %swap3A_278 = arith.index_cast %scan3A_221 : i32 to index
      %swap3A_279 = arith.constant 48 : index
      %swap3A_280 = tpu.vector_load %arg11[%swap3A_278, %swap3A_279] {strides = array<i32>} : memref<250x80xi32, #tpu.memory_space<vmem>>, vector<16xi32>,
      tpu.vector_store %arg11[%swap3A_278, %swap3A_279], %add3A_277 {strides = array<i32>} : memref<250x80xi32, #tpu.memory_space<vmem>>, vector<16xi32>,
      %get3A_281 = arith.index_cast %scan3A_221 : i32 to index
      %get3A_282 = arith.constant 64 : index
      %get3A_283 = tpu.vector_load %arg11[%get3A_281, %get3A_282] {strides = array<i32>} : memref<250x80xi32, #tpu.memory_space<vmem>>, vector<16xi32>,
      %mul3A_284 = arith.constant 10240 : i32
      %mul3A_285 = vector.broadcast %mul3A_284 : i32 to vector<16xi32>
      %mul3A_286 = arith.muli %get3A_283, %mul3A_285 : vector<16xi32>
      %get3A_287 = arith.index_cast %scan3A_221 : i32 to index
      %get3A_288 = arith.constant 64 : index
      %get3A_289 = tpu.vector_load %arg9[%get3A_287, %get3A_288] {strides = array<i32>} : memref<250x80xi32, #tpu.memory_space<vmem>>, vector<16xi32>,
      %add3A_290 = arith.addi %mul3A_286, %get3A_289 : vector<16xi32>
      %add3A_291 = vector.broadcast %mul3A_32 : i32 to vector<16xi32>
      %add3A_292 = arith.addi %add3A_290, %add3A_291 : vector<16xi32>
      %swap3A_293 = arith.index_cast %scan3A_221 : i32 to index
      %swap3A_294 = arith.constant 64 : index
      %swap3A_295 = tpu.vector_load %arg11[%swap3A_293, %swap3A_294] {strides = array<i32>} : memref<250x80xi32, #tpu.memory_space<vmem>>, vector<16xi32>,
      tpu.vector_store %arg11[%swap3A_293, %swap3A_294], %add3A_292 {strides = array<i32>} : memref<250x80xi32, #tpu.memory_space<vmem>>, vector<16xi32>,
    }
    %scan3A_38 = arith.constant 250 : i32
    %broadcast_in_dim3A_39 = arith.constant 1.000000e+00 : f32
    %broadcast_in_dim3A_40 = vector.broadcast %broadcast_in_dim3A_39 : f32 to vector<16xf32>
    %dma_start3A = arith.constant 0 : i32
    %dma_start3A_41 = arith.constant 0 : i32
    %dma_start3A_42 = tpu.memref_slice %arg11[%dma_start3A, %dma_start3A_41] : memref<250x80xi32, #tpu.memory_space<vmem>> -> memref<1x80xi32, #tpu.memory_space<vmem>>
    %dma_start3A_43 = tpu.memref_squeeze %dma_start3A_42 : memref<1x80xi32, #tpu.memory_space<vmem>> -> memref<80xi32, #tpu.memory_space<vmem>>
    %dma_start3A_44 = arith.constant 0 : i32
    %dma_start3A_45 = arith.constant 0 : i32
    %dma_start3A_46 = tpu.memref_slice %arg2[%dma_start3A_44, %dma_start3A_45] : memref<184320x64xf32, #tpu.memory_space<hbm>> -> memref<184320x64xf32, #tpu.memory_space<hbm>>
    tpu.enqueue_indirect_dma source(%dma_start3A_46 : memref<184320x64xf32, #tpu.memory_space<hbm>>) target(%arg12 : memref<80x64xf32, #tpu.memory_space<vmem>>) offsets(%dma_start3A_43 : memref<80xi32, #tpu.memory_space<vmem>>) semaphore(%arg18 : memref<!tpu.dma_semaphore, #tpu.memory_space<semaphore_mem>>)
    %dma_start3A_47 = arith.constant 1 : i32
    %dma_start3A_48 = arith.constant 0 : i32
    %dma_start3A_49 = tpu.memref_slice %arg11[%dma_start3A_47, %dma_start3A_48] : memref<250x80xi32, #tpu.memory_space<vmem>> -> memref<1x80xi32, #tpu.memory_space<vmem>>
    %dma_start3A_50 = tpu.memref_squeeze %dma_start3A_49 : memref<1x80xi32, #tpu.memory_space<vmem>> -> memref<80xi32, #tpu.memory_space<vmem>>
    %dma_start3A_51 = arith.constant 0 : i32
    %dma_start3A_52 = arith.constant 0 : i32
    %dma_start3A_53 = tpu.memref_slice %arg2[%dma_start3A_51, %dma_start3A_52] : memref<184320x64xf32, #tpu.memory_space<hbm>> -> memref<184320x64xf32, #tpu.memory_space<hbm>>
    tpu.enqueue_indirect_dma source(%dma_start3A_53 : memref<184320x64xf32, #tpu.memory_space<hbm>>) target(%arg13 : memref<80x64xf32, #tpu.memory_space<vmem>>) offsets(%dma_start3A_50 : memref<80xi32, #tpu.memory_space<vmem>>) semaphore(%arg19 : memref<!tpu.dma_semaphore, #tpu.memory_space<semaphore_mem>>)
    %dma_start3A_54 = arith.constant 2 : i32
    %dma_start3A_55 = arith.constant 0 : i32
    %dma_start3A_56 = tpu.memref_slice %arg11[%dma_start3A_54, %dma_start3A_55] : memref<250x80xi32, #tpu.memory_space<vmem>> -> memref<1x80xi32, #tpu.memory_space<vmem>>
    %dma_start3A_57 = tpu.memref_squeeze %dma_start3A_56 : memref<1x80xi32, #tpu.memory_space<vmem>> -> memref<80xi32, #tpu.memory_space<vmem>>
    %dma_start3A_58 = arith.constant 0 : i32
    %dma_start3A_59 = arith.constant 0 : i32
    %dma_start3A_60 = tpu.memref_slice %arg2[%dma_start3A_58, %dma_start3A_59] : memref<184320x64xf32, #tpu.memory_space<hbm>> -> memref<184320x64xf32, #tpu.memory_space<hbm>>
    tpu.enqueue_indirect_dma source(%dma_start3A_60 : memref<184320x64xf32, #tpu.memory_space<hbm>>) target(%arg14 : memref<80x64xf32, #tpu.memory_space<vmem>>) offsets(%dma_start3A_57 : memref<80xi32, #tpu.memory_space<vmem>>) semaphore(%arg20 : memref<!tpu.dma_semaphore, #tpu.memory_space<semaphore_mem>>)
    %dma_start3A_61 = arith.constant 3 : i32
    %dma_start3A_62 = arith.constant 0 : i32
    %dma_start3A_63 = tpu.memref_slice %arg11[%dma_start3A_61, %dma_start3A_62] : memref<250x80xi32, #tpu.memory_space<vmem>> -> memref<1x80xi32, #tpu.memory_space<vmem>>
    %dma_start3A_64 = tpu.memref_squeeze %dma_start3A_63 : memref<1x80xi32, #tpu.memory_space<vmem>> -> memref<80xi32, #tpu.memory_space<vmem>>
    %dma_start3A_65 = arith.constant 0 : i32
    %dma_start3A_66 = arith.constant 0 : i32
    %dma_start3A_67 = tpu.memref_slice %arg2[%dma_start3A_65, %dma_start3A_66] : memref<184320x64xf32, #tpu.memory_space<hbm>> -> memref<184320x64xf32, #tpu.memory_space<hbm>>
    tpu.enqueue_indirect_dma source(%dma_start3A_67 : memref<184320x64xf32, #tpu.memory_space<hbm>>) target(%arg15 : memref<80x64xf32, #tpu.memory_space<vmem>>) offsets(%dma_start3A_64 : memref<80xi32, #tpu.memory_space<vmem>>) semaphore(%arg21 : memref<!tpu.dma_semaphore, #tpu.memory_space<semaphore_mem>>)
    %scan3A_68 = arith.constant 0 : i32
    %scan3A_69 = arith.constant 0 : i32
    %scan3A_70 = arith.constant 62 : i32
    %scan3A_71 = arith.addi %scan3A_69, %scan3A_70 : i32
    %scan3A_72 = arith.constant 1 : i32
    scf.for %scan3A_221 = %scan3A_69 to %scan3A_71 step %scan3A_72  : i32 {
      %mul3A_222 = arith.constant 4 : i32
      %mul3A_223 = arith.muli %mul3A_222, %scan3A_221 : i32
      %add3A_224 = arith.constant 0 : i32
      %add3A_225 = arith.addi %mul3A_223, %add3A_224 : i32
      %dma_wait3A_226 = arith.constant 0 : i32
      %dma_wait3A_227 = arith.constant 0 : i32
      %dma_wait3A_228 = tpu.memref_slice %arg2[%dma_wait3A_226, %dma_wait3A_227] : memref<184320x64xf32, #tpu.memory_space<hbm>> -> memref<80x64xf32, #tpu.memory_space<hbm>>
      %dma_wait3A_229 = arith.constant 0 : i32
      %dma_wait3A_230 = arith.constant 0 : i32
      %dma_wait3A_231 = tpu.memref_slice %arg2[%dma_wait3A_229, %dma_wait3A_230] : memref<184320x64xf32, #tpu.memory_space<hbm>> -> memref<80x64xf32, #tpu.memory_space<hbm>>
      tpu.wait_dma2 semaphore(%arg18 : memref<!tpu.dma_semaphore, #tpu.memory_space<semaphore_mem>>) src(%dma_wait3A_231 : memref<80x64xf32, #tpu.memory_space<hbm>>) dst(%arg12 : memref<80x64xf32, #tpu.memory_space<vmem>>)
      "tpu.region"() ({
        %run_scoped3A_349 = tpu.sem_alloc : memref<!tpu.dma_semaphore, #tpu.memory_space<semaphore_mem>>
        %dma_start3A_350 = arith.constant 0 : i32
        %dma_start3A_351 = tpu.memref_slice %arg10[%add3A_225, %dma_start3A_350] : memref<250x80xi32, #tpu.memory_space<vmem>> -> memref<1x80xi32, #tpu.memory_space<vmem>>
        %dma_start3A_352 = tpu.memref_squeeze %dma_start3A_351 : memref<1x80xi32, #tpu.memory_space<vmem>> -> memref<80xi32, #tpu.memory_space<vmem>>
        %dma_start3A_353 = arith.constant 0 : i32
        %dma_start3A_354 = arith.constant 0 : i32
        %dma_start3A_355 = tpu.memref_slice %arg17[%dma_start3A_353, %dma_start3A_354] : memref<10000x64xf32, #tpu.memory_space<vmem_shared>> -> memref<10000x64xf32, #tpu.memory_space<vmem_shared>>
        tpu.enqueue_indirect_dma source(%arg12 : memref<80x64xf32, #tpu.memory_space<vmem>>) target(%dma_start3A_355 : memref<10000x64xf32, #tpu.memory_space<vmem_shared>>) offsets(%dma_start3A_352 : memref<80xi32, #tpu.memory_space<vmem>>) semaphore(%run_scoped3A_349 : memref<!tpu.dma_semaphore, #tpu.memory_space<semaphore_mem>>) {add = true}
        %dma_wait3A_356 = arith.constant 0 : i32
        %dma_wait3A_357 = tpu.memref_slice %arg10[%add3A_225, %dma_wait3A_356] : memref<250x80xi32, #tpu.memory_space<vmem>> -> memref<1x80xi32, #tpu.memory_space<vmem>>
        %dma_wait3A_358 = tpu.memref_squeeze %dma_wait3A_357 : memref<1x80xi32, #tpu.memory_space<vmem>> -> memref<80xi32, #tpu.memory_space<vmem>>
        %dma_wait3A_359 = arith.constant 0 : i32
        %dma_wait3A_360 = arith.constant 0 : i32
        %dma_wait3A_361 = tpu.memref_slice %arg17[%dma_wait3A_359, %dma_wait3A_360] : memref<10000x64xf32, #tpu.memory_space<vmem_shared>> -> memref<10000x64xf32, #tpu.memory_space<vmem_shared>>
        tpu.wait_indirect_dma semaphore(%run_scoped3A_349 : memref<!tpu.dma_semaphore, #tpu.memory_space<semaphore_mem>>) src(%arg12 : memref<80x64xf32, #tpu.memory_space<vmem>>) dst(%dma_wait3A_361 : memref<10000x64xf32, #tpu.memory_space<vmem_shared>>)
        tpu.yield
      }) : () -> ()
      %get3A_232 = arith.index_cast %add3A_225 : i32 to index
      %get3A_233 = arith.constant 0 : index
      %get3A_234 = tpu.vector_load %arg10[%get3A_232, %get3A_233] {strides = array<i32>} : memref<250x80xi32, #tpu.memory_space<vmem>>, vector<16xi32>,
      tpu.vector_store_idx %arg16[%get3A_234], %broadcast_in_dim3A_40 {add = true} : memref<10240xf32, #tpu.memory_space<vmem>>[vector<16xi32>], vector<16xf32>,
      %get3A_235 = arith.index_cast %add3A_225 : i32 to index
      %get3A_236 = arith.constant 16 : index
      %get3A_237 = tpu.vector_load %arg10[%get3A_235, %get3A_236] {strides = array<i32>} : memref<250x80xi32, #tpu.memory_space<vmem>>, vector<16xi32>,
      tpu.vector_store_idx %arg16[%get3A_237], %broadcast_in_dim3A_40 {add = true} : memref<10240xf32, #tpu.memory_space<vmem>>[vector<16xi32>], vector<16xf32>,
      %get3A_238 = arith.index_cast %add3A_225 : i32 to index
      %get3A_239 = arith.constant 32 : index
      %get3A_240 = tpu.vector_load %arg10[%get3A_238, %get3A_239] {strides = array<i32>} : memref<250x80xi32, #tpu.memory_space<vmem>>, vector<16xi32>,
      tpu.vector_store_idx %arg16[%get3A_240], %broadcast_in_dim3A_40 {add = true} : memref<10240xf32, #tpu.memory_space<vmem>>[vector<16xi32>], vector<16xf32>,
      %get3A_241 = arith.index_cast %add3A_225 : i32 to index
      %get3A_242 = arith.constant 48 : index
      %get3A_243 = tpu.vector_load %arg10[%get3A_241, %get3A_242] {strides = array<i32>} : memref<250x80xi32, #tpu.memory_space<vmem>>, vector<16xi32>,
      tpu.vector_store_idx %arg16[%get3A_243], %broadcast_in_dim3A_40 {add = true} : memref<10240xf32, #tpu.memory_space<vmem>>[vector<16xi32>], vector<16xf32>,
      %get3A_244 = arith.index_cast %add3A_225 : i32 to index
      %get3A_245 = arith.constant 64 : index
      %get3A_246 = tpu.vector_load %arg10[%get3A_244, %get3A_245] {strides = array<i32>} : memref<250x80xi32, #tpu.memory_space<vmem>>, vector<16xi32>,
      tpu.vector_store_idx %arg16[%get3A_246], %broadcast_in_dim3A_40 {add = true} : memref<10240xf32, #tpu.memory_space<vmem>>[vector<16xi32>], vector<16xf32>,
      %add3A_247 = arith.constant 4 : i32
      %add3A_248 = arith.addi %add3A_225, %add3A_247 : i32
      %lt3A = arith.constant 250 : i32
      %lt3A_249 = arith.cmpi slt, %add3A_248, %lt3A : i32
      %convert_element_type3A_250 = arith.extui %lt3A_249 : i1 to i32
      %cond3A_251 = arith.constant 0 : i32
      %cond3A_252 = arith.cmpi ne, %convert_element_type3A_250, %cond3A_251 : i32
      scf.if %cond3A_252 {
        %add3A_349 = arith.constant 4 : i32
        %add3A_350 = arith.addi %add3A_225, %add3A_349 : i32
        %dma_start3A_351 = arith.constant 0 : i32
        %dma_start3A_352 = tpu.memref_slice %arg11[%add3A_350, %dma_start3A_351] : memref<250x80xi32, #tpu.memory_space<vmem>> -> memref<1x80xi32, #tpu.memory_space<vmem>>
        %dma_start3A_353 = tpu.memref_squeeze %dma_start3A_352 : memref<1x80xi32, #tpu.memory_space<vmem>> -> memref<80xi32, #tpu.memory_space<vmem>>
        %dma_start3A_354 = arith.constant 0 : i32
        %dma_start3A_355 = arith.constant 0 : i32
        %dma_start3A_356 = tpu.memref_slice %arg2[%dma_start3A_354, %dma_start3A_355] : memref<184320x64xf32, #tpu.memory_space<hbm>> -> memref<184320x64xf32, #tpu.memory_space<hbm>>
        tpu.enqueue_indirect_dma source(%dma_start3A_356 : memref<184320x64xf32, #tpu.memory_space<hbm>>) target(%arg12 : memref<80x64xf32, #tpu.memory_space<vmem>>) offsets(%dma_start3A_353 : memref<80xi32, #tpu.memory_space<vmem>>) semaphore(%arg18 : memref<!tpu.dma_semaphore, #tpu.memory_space<semaphore_mem>>)
      } else {
      }
      %mul3A_253 = arith.constant 4 : i32
      %mul3A_254 = arith.muli %mul3A_253, %scan3A_221 : i32
      %add3A_255 = arith.constant 1 : i32
      %add3A_256 = arith.addi %mul3A_254, %add3A_255 : i32
      %dma_wait3A_257 = arith.constant 0 : i32
      %dma_wait3A_258 = arith.constant 0 : i32
      %dma_wait3A_259 = tpu.memref_slice %arg2[%dma_wait3A_257, %dma_wait3A_258] : memref<184320x64xf32, #tpu.memory_space<hbm>> -> memref<80x64xf32, #tpu.memory_space<hbm>>
      %dma_wait3A_260 = arith.constant 0 : i32
      %dma_wait3A_261 = arith.constant 0 : i32
      %dma_wait3A_262 = tpu.memref_slice %arg2[%dma_wait3A_260, %dma_wait3A_261] : memref<184320x64xf32, #tpu.memory_space<hbm>> -> memref<80x64xf32, #tpu.memory_space<hbm>>
      tpu.wait_dma2 semaphore(%arg19 : memref<!tpu.dma_semaphore, #tpu.memory_space<semaphore_mem>>) src(%dma_wait3A_262 : memref<80x64xf32, #tpu.memory_space<hbm>>) dst(%arg13 : memref<80x64xf32, #tpu.memory_space<vmem>>)
      "tpu.region"() ({
        %run_scoped3A_349 = tpu.sem_alloc : memref<!tpu.dma_semaphore, #tpu.memory_space<semaphore_mem>>
        %dma_start3A_350 = arith.constant 0 : i32
        %dma_start3A_351 = tpu.memref_slice %arg10[%add3A_256, %dma_start3A_350] : memref<250x80xi32, #tpu.memory_space<vmem>> -> memref<1x80xi32, #tpu.memory_space<vmem>>
        %dma_start3A_352 = tpu.memref_squeeze %dma_start3A_351 : memref<1x80xi32, #tpu.memory_space<vmem>> -> memref<80xi32, #tpu.memory_space<vmem>>
        %dma_start3A_353 = arith.constant 0 : i32
        %dma_start3A_354 = arith.constant 0 : i32
        %dma_start3A_355 = tpu.memref_slice %arg17[%dma_start3A_353, %dma_start3A_354] : memref<10000x64xf32, #tpu.memory_space<vmem_shared>> -> memref<10000x64xf32, #tpu.memory_space<vmem_shared>>
        tpu.enqueue_indirect_dma source(%arg13 : memref<80x64xf32, #tpu.memory_space<vmem>>) target(%dma_start3A_355 : memref<10000x64xf32, #tpu.memory_space<vmem_shared>>) offsets(%dma_start3A_352 : memref<80xi32, #tpu.memory_space<vmem>>) semaphore(%run_scoped3A_349 : memref<!tpu.dma_semaphore, #tpu.memory_space<semaphore_mem>>) {add = true}
        %dma_wait3A_356 = arith.constant 0 : i32
        %dma_wait3A_357 = tpu.memref_slice %arg10[%add3A_256, %dma_wait3A_356] : memref<250x80xi32, #tpu.memory_space<vmem>> -> memref<1x80xi32, #tpu.memory_space<vmem>>
        %dma_wait3A_358 = tpu.memref_squeeze %dma_wait3A_357 : memref<1x80xi32, #tpu.memory_space<vmem>> -> memref<80xi32, #tpu.memory_space<vmem>>
        %dma_wait3A_359 = arith.constant 0 : i32
        %dma_wait3A_360 = arith.constant 0 : i32
        %dma_wait3A_361 = tpu.memref_slice %arg17[%dma_wait3A_359, %dma_wait3A_360] : memref<10000x64xf32, #tpu.memory_space<vmem_shared>> -> memref<10000x64xf32, #tpu.memory_space<vmem_shared>>
        tpu.wait_indirect_dma semaphore(%run_scoped3A_349 : memref<!tpu.dma_semaphore, #tpu.memory_space<semaphore_mem>>) src(%arg13 : memref<80x64xf32, #tpu.memory_space<vmem>>) dst(%dma_wait3A_361 : memref<10000x64xf32, #tpu.memory_space<vmem_shared>>)
        tpu.yield
      }) : () -> ()
      %get3A_263 = arith.index_cast %add3A_256 : i32 to index
      %get3A_264 = arith.constant 0 : index
      %get3A_265 = tpu.vector_load %arg10[%get3A_263, %get3A_264] {strides = array<i32>} : memref<250x80xi32, #tpu.memory_space<vmem>>, vector<16xi32>,
      tpu.vector_store_idx %arg16[%get3A_265], %broadcast_in_dim3A_40 {add = true} : memref<10240xf32, #tpu.memory_space<vmem>>[vector<16xi32>], vector<16xf32>,
      %get3A_266 = arith.index_cast %add3A_256 : i32 to index
      %get3A_267 = arith.constant 16 : index
      %get3A_268 = tpu.vector_load %arg10[%get3A_266, %get3A_267] {strides = array<i32>} : memref<250x80xi32, #tpu.memory_space<vmem>>, vector<16xi32>,
      tpu.vector_store_idx %arg16[%get3A_268], %broadcast_in_dim3A_40 {add = true} : memref<10240xf32, #tpu.memory_space<vmem>>[vector<16xi32>], vector<16xf32>,
      %get3A_269 = arith.index_cast %add3A_256 : i32 to index
      %get3A_270 = arith.constant 32 : index
      %get3A_271 = tpu.vector_load %arg10[%get3A_269, %get3A_270] {strides = array<i32>} : memref<250x80xi32, #tpu.memory_space<vmem>>, vector<16xi32>,
      tpu.vector_store_idx %arg16[%get3A_271], %broadcast_in_dim3A_40 {add = true} : memref<10240xf32, #tpu.memory_space<vmem>>[vector<16xi32>], vector<16xf32>,
      %get3A_272 = arith.index_cast %add3A_256 : i32 to index
      %get3A_273 = arith.constant 48 : index
      %get3A_274 = tpu.vector_load %arg10[%get3A_272, %get3A_273] {strides = array<i32>} : memref<250x80xi32, #tpu.memory_space<vmem>>, vector<16xi32>,
      tpu.vector_store_idx %arg16[%get3A_274], %broadcast_in_dim3A_40 {add = true} : memref<10240xf32, #tpu.memory_space<vmem>>[vector<16xi32>], vector<16xf32>,
      %get3A_275 = arith.index_cast %add3A_256 : i32 to index
      %get3A_276 = arith.constant 64 : index
      %get3A_277 = tpu.vector_load %arg10[%get3A_275, %get3A_276] {strides = array<i32>} : memref<250x80xi32, #tpu.memory_space<vmem>>, vector<16xi32>,
      tpu.vector_store_idx %arg16[%get3A_277], %broadcast_in_dim3A_40 {add = true} : memref<10240xf32, #tpu.memory_space<vmem>>[vector<16xi32>], vector<16xf32>,
      %add3A_278 = arith.constant 4 : i32
      %add3A_279 = arith.addi %add3A_256, %add3A_278 : i32
      %lt3A_280 = arith.constant 250 : i32
      %lt3A_281 = arith.cmpi slt, %add3A_279, %lt3A_280 : i32
      %convert_element_type3A_282 = arith.extui %lt3A_281 : i1 to i32
      %cond3A_283 = arith.constant 0 : i32
      %cond3A_284 = arith.cmpi ne, %convert_element_type3A_282, %cond3A_283 : i32
      scf.if %cond3A_284 {
        %add3A_349 = arith.constant 4 : i32
        %add3A_350 = arith.addi %add3A_256, %add3A_349 : i32
        %dma_start3A_351 = arith.constant 0 : i32
        %dma_start3A_352 = tpu.memref_slice %arg11[%add3A_350, %dma_start3A_351] : memref<250x80xi32, #tpu.memory_space<vmem>> -> memref<1x80xi32, #tpu.memory_space<vmem>>
        %dma_start3A_353 = tpu.memref_squeeze %dma_start3A_352 : memref<1x80xi32, #tpu.memory_space<vmem>> -> memref<80xi32, #tpu.memory_space<vmem>>
        %dma_start3A_354 = arith.constant 0 : i32
        %dma_start3A_355 = arith.constant 0 : i32
        %dma_start3A_356 = tpu.memref_slice %arg2[%dma_start3A_354, %dma_start3A_355] : memref<184320x64xf32, #tpu.memory_space<hbm>> -> memref<184320x64xf32, #tpu.memory_space<hbm>>
        tpu.enqueue_indirect_dma source(%dma_start3A_356 : memref<184320x64xf32, #tpu.memory_space<hbm>>) target(%arg13 : memref<80x64xf32, #tpu.memory_space<vmem>>) offsets(%dma_start3A_353 : memref<80xi32, #tpu.memory_space<vmem>>) semaphore(%arg19 : memref<!tpu.dma_semaphore, #tpu.memory_space<semaphore_mem>>)
      } else {
      }
      %mul3A_285 = arith.constant 4 : i32
      %mul3A_286 = arith.muli %mul3A_285, %scan3A_221 : i32
      %add3A_287 = arith.constant 2 : i32
      %add3A_288 = arith.addi %mul3A_286, %add3A_287 : i32
      %dma_wait3A_289 = arith.constant 0 : i32
      %dma_wait3A_290 = arith.constant 0 : i32
      %dma_wait3A_291 = tpu.memref_slice %arg2[%dma_wait3A_289, %dma_wait3A_290] : memref<184320x64xf32, #tpu.memory_space<hbm>> -> memref<80x64xf32, #tpu.memory_space<hbm>>
      %dma_wait3A_292 = arith.constant 0 : i32
      %dma_wait3A_293 = arith.constant 0 : i32
      %dma_wait3A_294 = tpu.memref_slice %arg2[%dma_wait3A_292, %dma_wait3A_293] : memref<184320x64xf32, #tpu.memory_space<hbm>> -> memref<80x64xf32, #tpu.memory_space<hbm>>
      tpu.wait_dma2 semaphore(%arg20 : memref<!tpu.dma_semaphore, #tpu.memory_space<semaphore_mem>>) src(%dma_wait3A_294 : memref<80x64xf32, #tpu.memory_space<hbm>>) dst(%arg14 : memref<80x64xf32, #tpu.memory_space<vmem>>)
      "tpu.region"() ({
        %run_scoped3A_349 = tpu.sem_alloc : memref<!tpu.dma_semaphore, #tpu.memory_space<semaphore_mem>>
        %dma_start3A_350 = arith.constant 0 : i32
        %dma_start3A_351 = tpu.memref_slice %arg10[%add3A_288, %dma_start3A_350] : memref<250x80xi32, #tpu.memory_space<vmem>> -> memref<1x80xi32, #tpu.memory_space<vmem>>
        %dma_start3A_352 = tpu.memref_squeeze %dma_start3A_351 : memref<1x80xi32, #tpu.memory_space<vmem>> -> memref<80xi32, #tpu.memory_space<vmem>>
        %dma_start3A_353 = arith.constant 0 : i32
        %dma_start3A_354 = arith.constant 0 : i32
        %dma_start3A_355 = tpu.memref_slice %arg17[%dma_start3A_353, %dma_start3A_354] : memref<10000x64xf32, #tpu.memory_space<vmem_shared>> -> memref<10000x64xf32, #tpu.memory_space<vmem_shared>>
        tpu.enqueue_indirect_dma source(%arg14 : memref<80x64xf32, #tpu.memory_space<vmem>>) target(%dma_start3A_355 : memref<10000x64xf32, #tpu.memory_space<vmem_shared>>) offsets(%dma_start3A_352 : memref<80xi32, #tpu.memory_space<vmem>>) semaphore(%run_scoped3A_349 : memref<!tpu.dma_semaphore, #tpu.memory_space<semaphore_mem>>) {add = true}
        %dma_wait3A_356 = arith.constant 0 : i32
        %dma_wait3A_357 = tpu.memref_slice %arg10[%add3A_288, %dma_wait3A_356] : memref<250x80xi32, #tpu.memory_space<vmem>> -> memref<1x80xi32, #tpu.memory_space<vmem>>
        %dma_wait3A_358 = tpu.memref_squeeze %dma_wait3A_357 : memref<1x80xi32, #tpu.memory_space<vmem>> -> memref<80xi32, #tpu.memory_space<vmem>>
        %dma_wait3A_359 = arith.constant 0 : i32
        %dma_wait3A_360 = arith.constant 0 : i32
        %dma_wait3A_361 = tpu.memref_slice %arg17[%dma_wait3A_359, %dma_wait3A_360] : memref<10000x64xf32, #tpu.memory_space<vmem_shared>> -> memref<10000x64xf32, #tpu.memory_space<vmem_shared>>
        tpu.wait_indirect_dma semaphore(%run_scoped3A_349 : memref<!tpu.dma_semaphore, #tpu.memory_space<semaphore_mem>>) src(%arg14 : memref<80x64xf32, #tpu.memory_space<vmem>>) dst(%dma_wait3A_361 : memref<10000x64xf32, #tpu.memory_space<vmem_shared>>)
        tpu.yield
      }) : () -> ()
      %get3A_295 = arith.index_cast %add3A_288 : i32 to index
      %get3A_296 = arith.constant 0 : index
      %get3A_297 = tpu.vector_load %arg10[%get3A_295, %get3A_296] {strides = array<i32>} : memref<250x80xi32, #tpu.memory_space<vmem>>, vector<16xi32>,
      tpu.vector_store_idx %arg16[%get3A_297], %broadcast_in_dim3A_40 {add = true} : memref<10240xf32, #tpu.memory_space<vmem>>[vector<16xi32>], vector<16xf32>,
      %get3A_298 = arith.index_cast %add3A_288 : i32 to index
      %get3A_299 = arith.constant 16 : index
      %get3A_300 = tpu.vector_load %arg10[%get3A_298, %get3A_299] {strides = array<i32>} : memref<250x80xi32, #tpu.memory_space<vmem>>, vector<16xi32>,
      tpu.vector_store_idx %arg16[%get3A_300], %broadcast_in_dim3A_40 {add = true} : memref<10240xf32, #tpu.memory_space<vmem>>[vector<16xi32>], vector<16xf32>,
      %get3A_301 = arith.index_cast %add3A_288 : i32 to index
      %get3A_302 = arith.constant 32 : index
      %get3A_303 = tpu.vector_load %arg10[%get3A_301, %get3A_302] {strides = array<i32>} : memref<250x80xi32, #tpu.memory_space<vmem>>, vector<16xi32>,
      tpu.vector_store_idx %arg16[%get3A_303], %broadcast_in_dim3A_40 {add = true} : memref<10240xf32, #tpu.memory_space<vmem>>[vector<16xi32>], vector<16xf32>,
      %get3A_304 = arith.index_cast %add3A_288 : i32 to index
      %get3A_305 = arith.constant 48 : index
      %get3A_306 = tpu.vector_load %arg10[%get3A_304, %get3A_305] {strides = array<i32>} : memref<250x80xi32, #tpu.memory_space<vmem>>, vector<16xi32>,
      tpu.vector_store_idx %arg16[%get3A_306], %broadcast_in_dim3A_40 {add = true} : memref<10240xf32, #tpu.memory_space<vmem>>[vector<16xi32>], vector<16xf32>,
      %get3A_307 = arith.index_cast %add3A_288 : i32 to index
      %get3A_308 = arith.constant 64 : index
      %get3A_309 = tpu.vector_load %arg10[%get3A_307, %get3A_308] {strides = array<i32>} : memref<250x80xi32, #tpu.memory_space<vmem>>, vector<16xi32>,
      tpu.vector_store_idx %arg16[%get3A_309], %broadcast_in_dim3A_40 {add = true} : memref<10240xf32, #tpu.memory_space<vmem>>[vector<16xi32>], vector<16xf32>,
      %add3A_310 = arith.constant 4 : i32
      %add3A_311 = arith.addi %add3A_288, %add3A_310 : i32
      %lt3A_312 = arith.constant 250 : i32
      %lt3A_313 = arith.cmpi slt, %add3A_311, %lt3A_312 : i32
      %convert_element_type3A_314 = arith.extui %lt3A_313 : i1 to i32
      %cond3A_315 = arith.constant 0 : i32
      %cond3A_316 = arith.cmpi ne, %convert_element_type3A_314, %cond3A_315 : i32
      scf.if %cond3A_316 {
        %add3A_349 = arith.constant 4 : i32
        %add3A_350 = arith.addi %add3A_288, %add3A_349 : i32
        %dma_start3A_351 = arith.constant 0 : i32
        %dma_start3A_352 = tpu.memref_slice %arg11[%add3A_350, %dma_start3A_351] : memref<250x80xi32, #tpu.memory_space<vmem>> -> memref<1x80xi32, #tpu.memory_space<vmem>>
        %dma_start3A_353 = tpu.memref_squeeze %dma_start3A_352 : memref<1x80xi32, #tpu.memory_space<vmem>> -> memref<80xi32, #tpu.memory_space<vmem>>
        %dma_start3A_354 = arith.constant 0 : i32
        %dma_start3A_355 = arith.constant 0 : i32
        %dma_start3A_356 = tpu.memref_slice %arg2[%dma_start3A_354, %dma_start3A_355] : memref<184320x64xf32, #tpu.memory_space<hbm>> -> memref<184320x64xf32, #tpu.memory_space<hbm>>
        tpu.enqueue_indirect_dma source(%dma_start3A_356 : memref<184320x64xf32, #tpu.memory_space<hbm>>) target(%arg14 : memref<80x64xf32, #tpu.memory_space<vmem>>) offsets(%dma_start3A_353 : memref<80xi32, #tpu.memory_space<vmem>>) semaphore(%arg20 : memref<!tpu.dma_semaphore, #tpu.memory_space<semaphore_mem>>)
      } else {
      }
      %mul3A_317 = arith.constant 4 : i32
      %mul3A_318 = arith.muli %mul3A_317, %scan3A_221 : i32
      %add3A_319 = arith.constant 3 : i32
      %add3A_320 = arith.addi %mul3A_318, %add3A_319 : i32
      %dma_wait3A_321 = arith.constant 0 : i32
      %dma_wait3A_322 = arith.constant 0 : i32
      %dma_wait3A_323 = tpu.memref_slice %arg2[%dma_wait3A_321, %dma_wait3A_322] : memref<184320x64xf32, #tpu.memory_space<hbm>> -> memref<80x64xf32, #tpu.memory_space<hbm>>
      %dma_wait3A_324 = arith.constant 0 : i32
      %dma_wait3A_325 = arith.constant 0 : i32
      %dma_wait3A_326 = tpu.memref_slice %arg2[%dma_wait3A_324, %dma_wait3A_325] : memref<184320x64xf32, #tpu.memory_space<hbm>> -> memref<80x64xf32, #tpu.memory_space<hbm>>
      tpu.wait_dma2 semaphore(%arg21 : memref<!tpu.dma_semaphore, #tpu.memory_space<semaphore_mem>>) src(%dma_wait3A_326 : memref<80x64xf32, #tpu.memory_space<hbm>>) dst(%arg15 : memref<80x64xf32, #tpu.memory_space<vmem>>)
      "tpu.region"() ({
        %run_scoped3A_349 = tpu.sem_alloc : memref<!tpu.dma_semaphore, #tpu.memory_space<semaphore_mem>>
        %dma_start3A_350 = arith.constant 0 : i32
        %dma_start3A_351 = tpu.memref_slice %arg10[%add3A_320, %dma_start3A_350] : memref<250x80xi32, #tpu.memory_space<vmem>> -> memref<1x80xi32, #tpu.memory_space<vmem>>
        %dma_start3A_352 = tpu.memref_squeeze %dma_start3A_351 : memref<1x80xi32, #tpu.memory_space<vmem>> -> memref<80xi32, #tpu.memory_space<vmem>>
        %dma_start3A_353 = arith.constant 0 : i32
        %dma_start3A_354 = arith.constant 0 : i32
        %dma_start3A_355 = tpu.memref_slice %arg17[%dma_start3A_353, %dma_start3A_354] : memref<10000x64xf32, #tpu.memory_space<vmem_shared>> -> memref<10000x64xf32, #tpu.memory_space<vmem_shared>>
        tpu.enqueue_indirect_dma source(%arg15 : memref<80x64xf32, #tpu.memory_space<vmem>>) target(%dma_start3A_355 : memref<10000x64xf32, #tpu.memory_space<vmem_shared>>) offsets(%dma_start3A_352 : memref<80xi32, #tpu.memory_space<vmem>>) semaphore(%run_scoped3A_349 : memref<!tpu.dma_semaphore, #tpu.memory_space<semaphore_mem>>) {add = true}
        %dma_wait3A_356 = arith.constant 0 : i32
        %dma_wait3A_357 = tpu.memref_slice %arg10[%add3A_320, %dma_wait3A_356] : memref<250x80xi32, #tpu.memory_space<vmem>> -> memref<1x80xi32, #tpu.memory_space<vmem>>
        %dma_wait3A_358 = tpu.memref_squeeze %dma_wait3A_357 : memref<1x80xi32, #tpu.memory_space<vmem>> -> memref<80xi32, #tpu.memory_space<vmem>>
        %dma_wait3A_359 = arith.constant 0 : i32
        %dma_wait3A_360 = arith.constant 0 : i32
        %dma_wait3A_361 = tpu.memref_slice %arg17[%dma_wait3A_359, %dma_wait3A_360] : memref<10000x64xf32, #tpu.memory_space<vmem_shared>> -> memref<10000x64xf32, #tpu.memory_space<vmem_shared>>
        tpu.wait_indirect_dma semaphore(%run_scoped3A_349 : memref<!tpu.dma_semaphore, #tpu.memory_space<semaphore_mem>>) src(%arg15 : memref<80x64xf32, #tpu.memory_space<vmem>>) dst(%dma_wait3A_361 : memref<10000x64xf32, #tpu.memory_space<vmem_shared>>)
        tpu.yield
      }) : () -> ()
      %get3A_327 = arith.index_cast %add3A_320 : i32 to index
      %get3A_328 = arith.constant 0 : index
      %get3A_329 = tpu.vector_load %arg10[%get3A_327, %get3A_328] {strides = array<i32>} : memref<250x80xi32, #tpu.memory_space<vmem>>, vector<16xi32>,
      tpu.vector_store_idx %arg16[%get3A_329], %broadcast_in_dim3A_40 {add = true} : memref<10240xf32, #tpu.memory_space<vmem>>[vector<16xi32>], vector<16xf32>,
      %get3A_330 = arith.index_cast %add3A_320 : i32 to index
      %get3A_331 = arith.constant 16 : index
      %get3A_332 = tpu.vector_load %arg10[%get3A_330, %get3A_331] {strides = array<i32>} : memref<250x80xi32, #tpu.memory_space<vmem>>, vector<16xi32>,
      tpu.vector_store_idx %arg16[%get3A_332], %broadcast_in_dim3A_40 {add = true} : memref<10240xf32, #tpu.memory_space<vmem>>[vector<16xi32>], vector<16xf32>,
      %get3A_333 = arith.index_cast %add3A_320 : i32 to index
      %get3A_334 = arith.constant 32 : index
      %get3A_335 = tpu.vector_load %arg10[%get3A_333, %get3A_334] {strides = array<i32>} : memref<250x80xi32, #tpu.memory_space<vmem>>, vector<16xi32>,
      tpu.vector_store_idx %arg16[%get3A_335], %broadcast_in_dim3A_40 {add = true} : memref<10240xf32, #tpu.memory_space<vmem>>[vector<16xi32>], vector<16xf32>,
      %get3A_336 = arith.index_cast %add3A_320 : i32 to index
      %get3A_337 = arith.constant 48 : index
      %get3A_338 = tpu.vector_load %arg10[%get3A_336, %get3A_337] {strides = array<i32>} : memref<250x80xi32, #tpu.memory_space<vmem>>, vector<16xi32>,
      tpu.vector_store_idx %arg16[%get3A_338], %broadcast_in_dim3A_40 {add = true} : memref<10240xf32, #tpu.memory_space<vmem>>[vector<16xi32>], vector<16xf32>,
      %get3A_339 = arith.index_cast %add3A_320 : i32 to index
      %get3A_340 = arith.constant 64 : index
      %get3A_341 = tpu.vector_load %arg10[%get3A_339, %get3A_340] {strides = array<i32>} : memref<250x80xi32, #tpu.memory_space<vmem>>, vector<16xi32>,
      tpu.vector_store_idx %arg16[%get3A_341], %broadcast_in_dim3A_40 {add = true} : memref<10240xf32, #tpu.memory_space<vmem>>[vector<16xi32>], vector<16xf32>,
      %add3A_342 = arith.constant 4 : i32
      %add3A_343 = arith.addi %add3A_320, %add3A_342 : i32
      %lt3A_344 = arith.constant 250 : i32
      %lt3A_345 = arith.cmpi slt, %add3A_343, %lt3A_344 : i32
      %convert_element_type3A_346 = arith.extui %lt3A_345 : i1 to i32
      %cond3A_347 = arith.constant 0 : i32
      %cond3A_348 = arith.cmpi ne, %convert_element_type3A_346, %cond3A_347 : i32
      scf.if %cond3A_348 {
        %add3A_349 = arith.constant 4 : i32
        %add3A_350 = arith.addi %add3A_320, %add3A_349 : i32
        %dma_start3A_351 = arith.constant 0 : i32
        %dma_start3A_352 = tpu.memref_slice %arg11[%add3A_350, %dma_start3A_351] : memref<250x80xi32, #tpu.memory_space<vmem>> -> memref<1x80xi32, #tpu.memory_space<vmem>>
        %dma_start3A_353 = tpu.memref_squeeze %dma_start3A_352 : memref<1x80xi32, #tpu.memory_space<vmem>> -> memref<80xi32, #tpu.memory_space<vmem>>
        %dma_start3A_354 = arith.constant 0 : i32
        %dma_start3A_355 = arith.constant 0 : i32
        %dma_start3A_356 = tpu.memref_slice %arg2[%dma_start3A_354, %dma_start3A_355] : memref<184320x64xf32, #tpu.memory_space<hbm>> -> memref<184320x64xf32, #tpu.memory_space<hbm>>
        tpu.enqueue_indirect_dma source(%dma_start3A_356 : memref<184320x64xf32, #tpu.memory_space<hbm>>) target(%arg15 : memref<80x64xf32, #tpu.memory_space<vmem>>) offsets(%dma_start3A_353 : memref<80xi32, #tpu.memory_space<vmem>>) semaphore(%arg21 : memref<!tpu.dma_semaphore, #tpu.memory_space<semaphore_mem>>)
      } else {
      }
    }
    %scan3A_73 = arith.constant 62 : i32
    %dma_wait3A = arith.constant 0 : i32
    %dma_wait3A_74 = arith.constant 0 : i32
    %dma_wait3A_75 = tpu.memref_slice %arg2[%dma_wait3A, %dma_wait3A_74] : memref<184320x64xf32, #tpu.memory_space<hbm>> -> memref<80x64xf32, #tpu.memory_space<hbm>>
    %dma_wait3A_76 = arith.constant 0 : i32
    %dma_wait3A_77 = arith.constant 0 : i32
    %dma_wait3A_78 = tpu.memref_slice %arg2[%dma_wait3A_76, %dma_wait3A_77] : memref<184320x64xf32, #tpu.memory_space<hbm>> -> memref<80x64xf32, #tpu.memory_space<hbm>>
    tpu.wait_dma2 semaphore(%arg18 : memref<!tpu.dma_semaphore, #tpu.memory_space<semaphore_mem>>) src(%dma_wait3A_78 : memref<80x64xf32, #tpu.memory_space<hbm>>) dst(%arg12 : memref<80x64xf32, #tpu.memory_space<vmem>>)
    %run_scoped3A = arith.constant 248 : i32
    "tpu.region"() ({
      %run_scoped3A_221 = tpu.sem_alloc : memref<!tpu.dma_semaphore, #tpu.memory_space<semaphore_mem>>
      %dma_start3A_222 = arith.constant 0 : i32
      %dma_start3A_223 = tpu.memref_slice %arg10[%run_scoped3A, %dma_start3A_222] : memref<250x80xi32, #tpu.memory_space<vmem>> -> memref<1x80xi32, #tpu.memory_space<vmem>>
      %dma_start3A_224 = tpu.memref_squeeze %dma_start3A_223 : memref<1x80xi32, #tpu.memory_space<vmem>> -> memref<80xi32, #tpu.memory_space<vmem>>
      %dma_start3A_225 = arith.constant 0 : i32
      %dma_start3A_226 = arith.constant 0 : i32
      %dma_start3A_227 = tpu.memref_slice %arg17[%dma_start3A_225, %dma_start3A_226] : memref<10000x64xf32, #tpu.memory_space<vmem_shared>> -> memref<10000x64xf32, #tpu.memory_space<vmem_shared>>
      tpu.enqueue_indirect_dma source(%arg12 : memref<80x64xf32, #tpu.memory_space<vmem>>) target(%dma_start3A_227 : memref<10000x64xf32, #tpu.memory_space<vmem_shared>>) offsets(%dma_start3A_224 : memref<80xi32, #tpu.memory_space<vmem>>) semaphore(%run_scoped3A_221 : memref<!tpu.dma_semaphore, #tpu.memory_space<semaphore_mem>>) {add = true}
      %dma_wait3A_228 = arith.constant 0 : i32
      %dma_wait3A_229 = tpu.memref_slice %arg10[%run_scoped3A, %dma_wait3A_228] : memref<250x80xi32, #tpu.memory_space<vmem>> -> memref<1x80xi32, #tpu.memory_space<vmem>>
      %dma_wait3A_230 = tpu.memref_squeeze %dma_wait3A_229 : memref<1x80xi32, #tpu.memory_space<vmem>> -> memref<80xi32, #tpu.memory_space<vmem>>
      %dma_wait3A_231 = arith.constant 0 : i32
      %dma_wait3A_232 = arith.constant 0 : i32
      %dma_wait3A_233 = tpu.memref_slice %arg17[%dma_wait3A_231, %dma_wait3A_232] : memref<10000x64xf32, #tpu.memory_space<vmem_shared>> -> memref<10000x64xf32, #tpu.memory_space<vmem_shared>>
      tpu.wait_indirect_dma semaphore(%run_scoped3A_221 : memref<!tpu.dma_semaphore, #tpu.memory_space<semaphore_mem>>) src(%arg12 : memref<80x64xf32, #tpu.memory_space<vmem>>) dst(%dma_wait3A_233 : memref<10000x64xf32, #tpu.memory_space<vmem_shared>>)
      tpu.yield
    }) : () -> ()
    %get3A = arith.constant 248 : i32
    %get3A_79 = arith.index_cast %get3A : i32 to index
    %get3A_80 = arith.constant 0 : index
    %get3A_81 = tpu.vector_load %arg10[%get3A_79, %get3A_80] {strides = array<i32>} : memref<250x80xi32, #tpu.memory_space<vmem>>, vector<16xi32>,
    tpu.vector_store_idx %arg16[%get3A_81], %broadcast_in_dim3A_40 {add = true} : memref<10240xf32, #tpu.memory_space<vmem>>[vector<16xi32>], vector<16xf32>,
    %get3A_82 = arith.constant 248 : i32
    %get3A_83 = arith.index_cast %get3A_82 : i32 to index
    %get3A_84 = arith.constant 16 : index
    %get3A_85 = tpu.vector_load %arg10[%get3A_83, %get3A_84] {strides = array<i32>} : memref<250x80xi32, #tpu.memory_space<vmem>>, vector<16xi32>,
    tpu.vector_store_idx %arg16[%get3A_85], %broadcast_in_dim3A_40 {add = true} : memref<10240xf32, #tpu.memory_space<vmem>>[vector<16xi32>], vector<16xf32>,
    %get3A_86 = arith.constant 248 : i32
    %get3A_87 = arith.index_cast %get3A_86 : i32 to index
    %get3A_88 = arith.constant 32 : index
    %get3A_89 = tpu.vector_load %arg10[%get3A_87, %get3A_88] {strides = array<i32>} : memref<250x80xi32, #tpu.memory_space<vmem>>, vector<16xi32>,
    tpu.vector_store_idx %arg16[%get3A_89], %broadcast_in_dim3A_40 {add = true} : memref<10240xf32, #tpu.memory_space<vmem>>[vector<16xi32>], vector<16xf32>,
    %get3A_90 = arith.constant 248 : i32
    %get3A_91 = arith.index_cast %get3A_90 : i32 to index
    %get3A_92 = arith.constant 48 : index
    %get3A_93 = tpu.vector_load %arg10[%get3A_91, %get3A_92] {strides = array<i32>} : memref<250x80xi32, #tpu.memory_space<vmem>>, vector<16xi32>,
    tpu.vector_store_idx %arg16[%get3A_93], %broadcast_in_dim3A_40 {add = true} : memref<10240xf32, #tpu.memory_space<vmem>>[vector<16xi32>], vector<16xf32>,
    %get3A_94 = arith.constant 248 : i32
    %get3A_95 = arith.index_cast %get3A_94 : i32 to index
    %get3A_96 = arith.constant 64 : index
    %get3A_97 = tpu.vector_load %arg10[%get3A_95, %get3A_96] {strides = array<i32>} : memref<250x80xi32, #tpu.memory_space<vmem>>, vector<16xi32>,
    tpu.vector_store_idx %arg16[%get3A_97], %broadcast_in_dim3A_40 {add = true} : memref<10240xf32, #tpu.memory_space<vmem>>[vector<16xi32>], vector<16xf32>,
    %dma_wait3A_98 = arith.constant 0 : i32
    %dma_wait3A_99 = arith.constant 0 : i32
    %dma_wait3A_100 = tpu.memref_slice %arg2[%dma_wait3A_98, %dma_wait3A_99] : memref<184320x64xf32, #tpu.memory_space<hbm>> -> memref<80x64xf32, #tpu.memory_space<hbm>>
    %dma_wait3A_101 = arith.constant 0 : i32
    %dma_wait3A_102 = arith.constant 0 : i32
    %dma_wait3A_103 = tpu.memref_slice %arg2[%dma_wait3A_101, %dma_wait3A_102] : memref<184320x64xf32, #tpu.memory_space<hbm>> -> memref<80x64xf32, #tpu.memory_space<hbm>>
    tpu.wait_dma2 semaphore(%arg19 : memref<!tpu.dma_semaphore, #tpu.memory_space<semaphore_mem>>) src(%dma_wait3A_103 : memref<80x64xf32, #tpu.memory_space<hbm>>) dst(%arg13 : memref<80x64xf32, #tpu.memory_space<vmem>>)
    %run_scoped3A_104 = arith.constant 249 : i32
    "tpu.region"() ({
      %run_scoped3A_221 = tpu.sem_alloc : memref<!tpu.dma_semaphore, #tpu.memory_space<semaphore_mem>>
      %dma_start3A_222 = arith.constant 0 : i32
      %dma_start3A_223 = tpu.memref_slice %arg10[%run_scoped3A_104, %dma_start3A_222] : memref<250x80xi32, #tpu.memory_space<vmem>> -> memref<1x80xi32, #tpu.memory_space<vmem>>
      %dma_start3A_224 = tpu.memref_squeeze %dma_start3A_223 : memref<1x80xi32, #tpu.memory_space<vmem>> -> memref<80xi32, #tpu.memory_space<vmem>>
      %dma_start3A_225 = arith.constant 0 : i32
      %dma_start3A_226 = arith.constant 0 : i32
      %dma_start3A_227 = tpu.memref_slice %arg17[%dma_start3A_225, %dma_start3A_226] : memref<10000x64xf32, #tpu.memory_space<vmem_shared>> -> memref<10000x64xf32, #tpu.memory_space<vmem_shared>>
      tpu.enqueue_indirect_dma source(%arg13 : memref<80x64xf32, #tpu.memory_space<vmem>>) target(%dma_start3A_227 : memref<10000x64xf32, #tpu.memory_space<vmem_shared>>) offsets(%dma_start3A_224 : memref<80xi32, #tpu.memory_space<vmem>>) semaphore(%run_scoped3A_221 : memref<!tpu.dma_semaphore, #tpu.memory_space<semaphore_mem>>) {add = true}
      %dma_wait3A_228 = arith.constant 0 : i32
      %dma_wait3A_229 = tpu.memref_slice %arg10[%run_scoped3A_104, %dma_wait3A_228] : memref<250x80xi32, #tpu.memory_space<vmem>> -> memref<1x80xi32, #tpu.memory_space<vmem>>
      %dma_wait3A_230 = tpu.memref_squeeze %dma_wait3A_229 : memref<1x80xi32, #tpu.memory_space<vmem>> -> memref<80xi32, #tpu.memory_space<vmem>>
      %dma_wait3A_231 = arith.constant 0 : i32
      %dma_wait3A_232 = arith.constant 0 : i32
      %dma_wait3A_233 = tpu.memref_slice %arg17[%dma_wait3A_231, %dma_wait3A_232] : memref<10000x64xf32, #tpu.memory_space<vmem_shared>> -> memref<10000x64xf32, #tpu.memory_space<vmem_shared>>
      tpu.wait_indirect_dma semaphore(%run_scoped3A_221 : memref<!tpu.dma_semaphore, #tpu.memory_space<semaphore_mem>>) src(%arg13 : memref<80x64xf32, #tpu.memory_space<vmem>>) dst(%dma_wait3A_233 : memref<10000x64xf32, #tpu.memory_space<vmem_shared>>)
      tpu.yield
    }) : () -> ()
    %get3A_105 = arith.constant 249 : i32
    %get3A_106 = arith.index_cast %get3A_105 : i32 to index
    %get3A_107 = arith.constant 0 : index
    %get3A_108 = tpu.vector_load %arg10[%get3A_106, %get3A_107] {strides = array<i32>} : memref<250x80xi32, #tpu.memory_space<vmem>>, vector<16xi32>,
    tpu.vector_store_idx %arg16[%get3A_108], %broadcast_in_dim3A_40 {add = true} : memref<10240xf32, #tpu.memory_space<vmem>>[vector<16xi32>], vector<16xf32>,
    %get3A_109 = arith.constant 249 : i32
    %get3A_110 = arith.index_cast %get3A_109 : i32 to index
    %get3A_111 = arith.constant 16 : index
    %get3A_112 = tpu.vector_load %arg10[%get3A_110, %get3A_111] {strides = array<i32>} : memref<250x80xi32, #tpu.memory_space<vmem>>, vector<16xi32>,
    tpu.vector_store_idx %arg16[%get3A_112], %broadcast_in_dim3A_40 {add = true} : memref<10240xf32, #tpu.memory_space<vmem>>[vector<16xi32>], vector<16xf32>,
    %get3A_113 = arith.constant 249 : i32
    %get3A_114 = arith.index_cast %get3A_113 : i32 to index
    %get3A_115 = arith.constant 32 : index
    %get3A_116 = tpu.vector_load %arg10[%get3A_114, %get3A_115] {strides = array<i32>} : memref<250x80xi32, #tpu.memory_space<vmem>>, vector<16xi32>,
    tpu.vector_store_idx %arg16[%get3A_116], %broadcast_in_dim3A_40 {add = true} : memref<10240xf32, #tpu.memory_space<vmem>>[vector<16xi32>], vector<16xf32>,
    %get3A_117 = arith.constant 249 : i32
    %get3A_118 = arith.index_cast %get3A_117 : i32 to index
    %get3A_119 = arith.constant 48 : index
    %get3A_120 = tpu.vector_load %arg10[%get3A_118, %get3A_119] {strides = array<i32>} : memref<250x80xi32, #tpu.memory_space<vmem>>, vector<16xi32>,
    tpu.vector_store_idx %arg16[%get3A_120], %broadcast_in_dim3A_40 {add = true} : memref<10240xf32, #tpu.memory_space<vmem>>[vector<16xi32>], vector<16xf32>,
    %get3A_121 = arith.constant 249 : i32
    %get3A_122 = arith.index_cast %get3A_121 : i32 to index
    %get3A_123 = arith.constant 64 : index
    %get3A_124 = tpu.vector_load %arg10[%get3A_122, %get3A_123] {strides = array<i32>} : memref<250x80xi32, #tpu.memory_space<vmem>>, vector<16xi32>,
    tpu.vector_store_idx %arg16[%get3A_124], %broadcast_in_dim3A_40 {add = true} : memref<10240xf32, #tpu.memory_space<vmem>>[vector<16xi32>], vector<16xf32>,
    %barrier3A_125 = arith.constant 0 : index
    tpu.barrier barrier_id(%barrier3A_125)
    %add3A_126 = arith.constant 0 : i32
    %add3A_127 = arith.addi %mul3A_8, %add3A_126 : i32
    %eq3A = arith.constant 0 : i32
    %eq3A_128 = arith.cmpi eq, %arg0, %eq3A : i32
    %convert_element_type3A = arith.extui %eq3A_128 : i1 to i32
    %cond3A = arith.constant 0 : i32
    %cond3A_129 = arith.cmpi ne, %convert_element_type3A, %cond3A : i32
    scf.if %cond3A_129 {
      "tpu.region"() ({
        %run_scoped3A_221 = tpu.sem_alloc : memref<!tpu.dma_semaphore, #tpu.memory_space<semaphore_mem>>
        %dma_start3A_222 = arith.constant 0 : i32
        %dma_start3A_223 = tpu.memref_slice %arg6[%add3A_127, %dma_start3A_222] : memref<10240x64xf32, #tpu.memory_space<hbm>> -> memref<80x64xf32, #tpu.memory_space<hbm>>
        %dma_start3A_224 = arith.constant 0 : i32
        %dma_start3A_225 = tpu.memref_slice %arg17[%add3A_127, %dma_start3A_224] : memref<10000x64xf32, #tpu.memory_space<vmem_shared>> -> memref<80x64xf32, #tpu.memory_space<vmem_shared>>
        tpu.enqueue_dma source(%dma_start3A_225 : memref<80x64xf32, #tpu.memory_space<vmem_shared>>) target(%dma_start3A_223 : memref<80x64xf32, #tpu.memory_space<hbm>>) target_semaphore(%run_scoped3A_221 : memref<!tpu.dma_semaphore, #tpu.memory_space<semaphore_mem>>)
        %dma_wait3A_226 = arith.constant 0 : i32
        %dma_wait3A_227 = tpu.memref_slice %arg6[%add3A_127, %dma_wait3A_226] : memref<10240x64xf32, #tpu.memory_space<hbm>> -> memref<80x64xf32, #tpu.memory_space<hbm>>
        %dma_wait3A_228 = arith.constant 0 : i32
        %dma_wait3A_229 = tpu.memref_slice %arg17[%add3A_127, %dma_wait3A_228] : memref<10000x64xf32, #tpu.memory_space<vmem_shared>> -> memref<80x64xf32, #tpu.memory_space<vmem_shared>>
        tpu.wait_dma2 semaphore(%run_scoped3A_221 : memref<!tpu.dma_semaphore, #tpu.memory_space<semaphore_mem>>) src(%dma_wait3A_229 : memref<80x64xf32, #tpu.memory_space<vmem_shared>>) dst(%dma_wait3A_227 : memref<80x64xf32, #tpu.memory_space<hbm>>)
        tpu.yield
      }) : () -> ()
    } else {
    }
    %eq3A_130 = arith.constant 1 : i32
    %eq3A_131 = arith.cmpi eq, %arg0, %eq3A_130 : i32
    %convert_element_type3A_132 = arith.extui %eq3A_131 : i1 to i32
    %cond3A_133 = arith.constant 0 : i32
    %cond3A_134 = arith.cmpi ne, %convert_element_type3A_132, %cond3A_133 : i32
    scf.if %cond3A_134 {
      "tpu.region"() ({
        %run_scoped3A_221 = tpu.sem_alloc : memref<!tpu.dma_semaphore, #tpu.memory_space<semaphore_mem>>
        %dma_start3A_222 = arith.constant 0 : i32
        %dma_start3A_223 = tpu.memref_slice %arg7[%add3A_127, %dma_start3A_222] : memref<10240x64xf32, #tpu.memory_space<hbm>> -> memref<80x64xf32, #tpu.memory_space<hbm>>
        %dma_start3A_224 = arith.constant 0 : i32
        %dma_start3A_225 = tpu.memref_slice %arg17[%add3A_127, %dma_start3A_224] : memref<10000x64xf32, #tpu.memory_space<vmem_shared>> -> memref<80x64xf32, #tpu.memory_space<vmem_shared>>
        tpu.enqueue_dma source(%dma_start3A_225 : memref<80x64xf32, #tpu.memory_space<vmem_shared>>) target(%dma_start3A_223 : memref<80x64xf32, #tpu.memory_space<hbm>>) target_semaphore(%run_scoped3A_221 : memref<!tpu.dma_semaphore, #tpu.memory_space<semaphore_mem>>)
        %dma_wait3A_226 = arith.constant 0 : i32
        %dma_wait3A_227 = tpu.memref_slice %arg7[%add3A_127, %dma_wait3A_226] : memref<10240x64xf32, #tpu.memory_space<hbm>> -> memref<80x64xf32, #tpu.memory_space<hbm>>
        %dma_wait3A_228 = arith.constant 0 : i32
        %dma_wait3A_229 = tpu.memref_slice %arg17[%add3A_127, %dma_wait3A_228] : memref<10000x64xf32, #tpu.memory_space<vmem_shared>> -> memref<80x64xf32, #tpu.memory_space<vmem_shared>>
        tpu.wait_dma2 semaphore(%run_scoped3A_221 : memref<!tpu.dma_semaphore, #tpu.memory_space<semaphore_mem>>) src(%dma_wait3A_229 : memref<80x64xf32, #tpu.memory_space<vmem_shared>>) dst(%dma_wait3A_227 : memref<80x64xf32, #tpu.memory_space<hbm>>)
        tpu.yield
      }) : () -> ()
    } else {
    }
    %add3A_135 = arith.constant 80 : i32
    %add3A_136 = arith.addi %mul3A_8, %add3A_135 : i32
    %eq3A_137 = arith.constant 0 : i32
    %eq3A_138 = arith.cmpi eq, %arg0, %eq3A_137 : i32
    %convert_element_type3A_139 = arith.extui %eq3A_138 : i1 to i32
    %cond3A_140 = arith.constant 0 : i32
    %cond3A_141 = arith.cmpi ne, %convert_element_type3A_139, %cond3A_140 : i32
    scf.if %cond3A_141 {
      "tpu.region"() ({
        %run_scoped3A_221 = tpu.sem_alloc : memref<!tpu.dma_semaphore, #tpu.memory_space<semaphore_mem>>
        %dma_start3A_222 = arith.constant 0 : i32
        %dma_start3A_223 = tpu.memref_slice %arg6[%add3A_136, %dma_start3A_222] : memref<10240x64xf32, #tpu.memory_space<hbm>> -> memref<80x64xf32, #tpu.memory_space<hbm>>
        %dma_start3A_224 = arith.constant 0 : i32
        %dma_start3A_225 = tpu.memref_slice %arg17[%add3A_136, %dma_start3A_224] : memref<10000x64xf32, #tpu.memory_space<vmem_shared>> -> memref<80x64xf32, #tpu.memory_space<vmem_shared>>
        tpu.enqueue_dma source(%dma_start3A_225 : memref<80x64xf32, #tpu.memory_space<vmem_shared>>) target(%dma_start3A_223 : memref<80x64xf32, #tpu.memory_space<hbm>>) target_semaphore(%run_scoped3A_221 : memref<!tpu.dma_semaphore, #tpu.memory_space<semaphore_mem>>)
        %dma_wait3A_226 = arith.constant 0 : i32
        %dma_wait3A_227 = tpu.memref_slice %arg6[%add3A_136, %dma_wait3A_226] : memref<10240x64xf32, #tpu.memory_space<hbm>> -> memref<80x64xf32, #tpu.memory_space<hbm>>
        %dma_wait3A_228 = arith.constant 0 : i32
        %dma_wait3A_229 = tpu.memref_slice %arg17[%add3A_136, %dma_wait3A_228] : memref<10000x64xf32, #tpu.memory_space<vmem_shared>> -> memref<80x64xf32, #tpu.memory_space<vmem_shared>>
        tpu.wait_dma2 semaphore(%run_scoped3A_221 : memref<!tpu.dma_semaphore, #tpu.memory_space<semaphore_mem>>) src(%dma_wait3A_229 : memref<80x64xf32, #tpu.memory_space<vmem_shared>>) dst(%dma_wait3A_227 : memref<80x64xf32, #tpu.memory_space<hbm>>)
        tpu.yield
      }) : () -> ()
    } else {
    }
    %eq3A_142 = arith.constant 1 : i32
    %eq3A_143 = arith.cmpi eq, %arg0, %eq3A_142 : i32
    %convert_element_type3A_144 = arith.extui %eq3A_143 : i1 to i32
    %cond3A_145 = arith.constant 0 : i32
    %cond3A_146 = arith.cmpi ne, %convert_element_type3A_144, %cond3A_145 : i32
    scf.if %cond3A_146 {
      "tpu.region"() ({
        %run_scoped3A_221 = tpu.sem_alloc : memref<!tpu.dma_semaphore, #tpu.memory_space<semaphore_mem>>
        %dma_start3A_222 = arith.constant 0 : i32
        %dma_start3A_223 = tpu.memref_slice %arg7[%add3A_136, %dma_start3A_222] : memref<10240x64xf32, #tpu.memory_space<hbm>> -> memref<80x64xf32, #tpu.memory_space<hbm>>
        %dma_start3A_224 = arith.constant 0 : i32
        %dma_start3A_225 = tpu.memref_slice %arg17[%add3A_136, %dma_start3A_224] : memref<10000x64xf32, #tpu.memory_space<vmem_shared>> -> memref<80x64xf32, #tpu.memory_space<vmem_shared>>
        tpu.enqueue_dma source(%dma_start3A_225 : memref<80x64xf32, #tpu.memory_space<vmem_shared>>) target(%dma_start3A_223 : memref<80x64xf32, #tpu.memory_space<hbm>>) target_semaphore(%run_scoped3A_221 : memref<!tpu.dma_semaphore, #tpu.memory_space<semaphore_mem>>)
        %dma_wait3A_226 = arith.constant 0 : i32
        %dma_wait3A_227 = tpu.memref_slice %arg7[%add3A_136, %dma_wait3A_226] : memref<10240x64xf32, #tpu.memory_space<hbm>> -> memref<80x64xf32, #tpu.memory_space<hbm>>
        %dma_wait3A_228 = arith.constant 0 : i32
        %dma_wait3A_229 = tpu.memref_slice %arg17[%add3A_136, %dma_wait3A_228] : memref<10000x64xf32, #tpu.memory_space<vmem_shared>> -> memref<80x64xf32, #tpu.memory_space<vmem_shared>>
        tpu.wait_dma2 semaphore(%run_scoped3A_221 : memref<!tpu.dma_semaphore, #tpu.memory_space<semaphore_mem>>) src(%dma_wait3A_229 : memref<80x64xf32, #tpu.memory_space<vmem_shared>>) dst(%dma_wait3A_227 : memref<80x64xf32, #tpu.memory_space<hbm>>)
        tpu.yield
      }) : () -> ()
    } else {
    }
    %add3A_147 = arith.constant 160 : i32
    %add3A_148 = arith.addi %mul3A_8, %add3A_147 : i32
    %eq3A_149 = arith.constant 0 : i32
    %eq3A_150 = arith.cmpi eq, %arg0, %eq3A_149 : i32
    %convert_element_type3A_151 = arith.extui %eq3A_150 : i1 to i32
    %cond3A_152 = arith.constant 0 : i32
    %cond3A_153 = arith.cmpi ne, %convert_element_type3A_151, %cond3A_152 : i32
    scf.if %cond3A_153 {
      "tpu.region"() ({
        %run_scoped3A_221 = tpu.sem_alloc : memref<!tpu.dma_semaphore, #tpu.memory_space<semaphore_mem>>
        %dma_start3A_222 = arith.constant 0 : i32
        %dma_start3A_223 = tpu.memref_slice %arg6[%add3A_148, %dma_start3A_222] : memref<10240x64xf32, #tpu.memory_space<hbm>> -> memref<80x64xf32, #tpu.memory_space<hbm>>
        %dma_start3A_224 = arith.constant 0 : i32
        %dma_start3A_225 = tpu.memref_slice %arg17[%add3A_148, %dma_start3A_224] : memref<10000x64xf32, #tpu.memory_space<vmem_shared>> -> memref<80x64xf32, #tpu.memory_space<vmem_shared>>
        tpu.enqueue_dma source(%dma_start3A_225 : memref<80x64xf32, #tpu.memory_space<vmem_shared>>) target(%dma_start3A_223 : memref<80x64xf32, #tpu.memory_space<hbm>>) target_semaphore(%run_scoped3A_221 : memref<!tpu.dma_semaphore, #tpu.memory_space<semaphore_mem>>)
        %dma_wait3A_226 = arith.constant 0 : i32
        %dma_wait3A_227 = tpu.memref_slice %arg6[%add3A_148, %dma_wait3A_226] : memref<10240x64xf32, #tpu.memory_space<hbm>> -> memref<80x64xf32, #tpu.memory_space<hbm>>
        %dma_wait3A_228 = arith.constant 0 : i32
        %dma_wait3A_229 = tpu.memref_slice %arg17[%add3A_148, %dma_wait3A_228] : memref<10000x64xf32, #tpu.memory_space<vmem_shared>> -> memref<80x64xf32, #tpu.memory_space<vmem_shared>>
        tpu.wait_dma2 semaphore(%run_scoped3A_221 : memref<!tpu.dma_semaphore, #tpu.memory_space<semaphore_mem>>) src(%dma_wait3A_229 : memref<80x64xf32, #tpu.memory_space<vmem_shared>>) dst(%dma_wait3A_227 : memref<80x64xf32, #tpu.memory_space<hbm>>)
        tpu.yield
      }) : () -> ()
    } else {
    }
    %eq3A_154 = arith.constant 1 : i32
    %eq3A_155 = arith.cmpi eq, %arg0, %eq3A_154 : i32
    %convert_element_type3A_156 = arith.extui %eq3A_155 : i1 to i32
    %cond3A_157 = arith.constant 0 : i32
    %cond3A_158 = arith.cmpi ne, %convert_element_type3A_156, %cond3A_157 : i32
    scf.if %cond3A_158 {
      "tpu.region"() ({
        %run_scoped3A_221 = tpu.sem_alloc : memref<!tpu.dma_semaphore, #tpu.memory_space<semaphore_mem>>
        %dma_start3A_222 = arith.constant 0 : i32
        %dma_start3A_223 = tpu.memref_slice %arg7[%add3A_148, %dma_start3A_222] : memref<10240x64xf32, #tpu.memory_space<hbm>> -> memref<80x64xf32, #tpu.memory_space<hbm>>
        %dma_start3A_224 = arith.constant 0 : i32
        %dma_start3A_225 = tpu.memref_slice %arg17[%add3A_148, %dma_start3A_224] : memref<10000x64xf32, #tpu.memory_space<vmem_shared>> -> memref<80x64xf32, #tpu.memory_space<vmem_shared>>
        tpu.enqueue_dma source(%dma_start3A_225 : memref<80x64xf32, #tpu.memory_space<vmem_shared>>) target(%dma_start3A_223 : memref<80x64xf32, #tpu.memory_space<hbm>>) target_semaphore(%run_scoped3A_221 : memref<!tpu.dma_semaphore, #tpu.memory_space<semaphore_mem>>)
        %dma_wait3A_226 = arith.constant 0 : i32
        %dma_wait3A_227 = tpu.memref_slice %arg7[%add3A_148, %dma_wait3A_226] : memref<10240x64xf32, #tpu.memory_space<hbm>> -> memref<80x64xf32, #tpu.memory_space<hbm>>
        %dma_wait3A_228 = arith.constant 0 : i32
        %dma_wait3A_229 = tpu.memref_slice %arg17[%add3A_148, %dma_wait3A_228] : memref<10000x64xf32, #tpu.memory_space<vmem_shared>> -> memref<80x64xf32, #tpu.memory_space<vmem_shared>>
        tpu.wait_dma2 semaphore(%run_scoped3A_221 : memref<!tpu.dma_semaphore, #tpu.memory_space<semaphore_mem>>) src(%dma_wait3A_229 : memref<80x64xf32, #tpu.memory_space<vmem_shared>>) dst(%dma_wait3A_227 : memref<80x64xf32, #tpu.memory_space<hbm>>)
        tpu.yield
      }) : () -> ()
    } else {
    }
    %add3A_159 = arith.constant 240 : i32
    %add3A_160 = arith.addi %mul3A_8, %add3A_159 : i32
    %eq3A_161 = arith.constant 0 : i32
    %eq3A_162 = arith.cmpi eq, %arg0, %eq3A_161 : i32
    %convert_element_type3A_163 = arith.extui %eq3A_162 : i1 to i32
    %cond3A_164 = arith.constant 0 : i32
    %cond3A_165 = arith.cmpi ne, %convert_element_type3A_163, %cond3A_164 : i32
    scf.if %cond3A_165 {
      "tpu.region"() ({
        %run_scoped3A_221 = tpu.sem_alloc : memref<!tpu.dma_semaphore, #tpu.memory_space<semaphore_mem>>
        %dma_start3A_222 = arith.constant 0 : i32
        %dma_start3A_223 = tpu.memref_slice %arg6[%add3A_160, %dma_start3A_222] : memref<10240x64xf32, #tpu.memory_space<hbm>> -> memref<80x64xf32, #tpu.memory_space<hbm>>
        %dma_start3A_224 = arith.constant 0 : i32
        %dma_start3A_225 = tpu.memref_slice %arg17[%add3A_160, %dma_start3A_224] : memref<10000x64xf32, #tpu.memory_space<vmem_shared>> -> memref<80x64xf32, #tpu.memory_space<vmem_shared>>
        tpu.enqueue_dma source(%dma_start3A_225 : memref<80x64xf32, #tpu.memory_space<vmem_shared>>) target(%dma_start3A_223 : memref<80x64xf32, #tpu.memory_space<hbm>>) target_semaphore(%run_scoped3A_221 : memref<!tpu.dma_semaphore, #tpu.memory_space<semaphore_mem>>)
        %dma_wait3A_226 = arith.constant 0 : i32
        %dma_wait3A_227 = tpu.memref_slice %arg6[%add3A_160, %dma_wait3A_226] : memref<10240x64xf32, #tpu.memory_space<hbm>> -> memref<80x64xf32, #tpu.memory_space<hbm>>
        %dma_wait3A_228 = arith.constant 0 : i32
        %dma_wait3A_229 = tpu.memref_slice %arg17[%add3A_160, %dma_wait3A_228] : memref<10000x64xf32, #tpu.memory_space<vmem_shared>> -> memref<80x64xf32, #tpu.memory_space<vmem_shared>>
        tpu.wait_dma2 semaphore(%run_scoped3A_221 : memref<!tpu.dma_semaphore, #tpu.memory_space<semaphore_mem>>) src(%dma_wait3A_229 : memref<80x64xf32, #tpu.memory_space<vmem_shared>>) dst(%dma_wait3A_227 : memref<80x64xf32, #tpu.memory_space<hbm>>)
        tpu.yield
      }) : () -> ()
    } else {
    }
    %eq3A_166 = arith.constant 1 : i32
    %eq3A_167 = arith.cmpi eq, %arg0, %eq3A_166 : i32
    %convert_element_type3A_168 = arith.extui %eq3A_167 : i1 to i32
    %cond3A_169 = arith.constant 0 : i32
    %cond3A_170 = arith.cmpi ne, %convert_element_type3A_168, %cond3A_169 : i32
    scf.if %cond3A_170 {
      "tpu.region"() ({
        %run_scoped3A_221 = tpu.sem_alloc : memref<!tpu.dma_semaphore, #tpu.memory_space<semaphore_mem>>
        %dma_start3A_222 = arith.constant 0 : i32
        %dma_start3A_223 = tpu.memref_slice %arg7[%add3A_160, %dma_start3A_222] : memref<10240x64xf32, #tpu.memory_space<hbm>> -> memref<80x64xf32, #tpu.memory_space<hbm>>
        %dma_start3A_224 = arith.constant 0 : i32
        %dma_start3A_225 = tpu.memref_slice %arg17[%add3A_160, %dma_start3A_224] : memref<10000x64xf32, #tpu.memory_space<vmem_shared>> -> memref<80x64xf32, #tpu.memory_space<vmem_shared>>
        tpu.enqueue_dma source(%dma_start3A_225 : memref<80x64xf32, #tpu.memory_space<vmem_shared>>) target(%dma_start3A_223 : memref<80x64xf32, #tpu.memory_space<hbm>>) target_semaphore(%run_scoped3A_221 : memref<!tpu.dma_semaphore, #tpu.memory_space<semaphore_mem>>)
        %dma_wait3A_226 = arith.constant 0 : i32
        %dma_wait3A_227 = tpu.memref_slice %arg7[%add3A_160, %dma_wait3A_226] : memref<10240x64xf32, #tpu.memory_space<hbm>> -> memref<80x64xf32, #tpu.memory_space<hbm>>
        %dma_wait3A_228 = arith.constant 0 : i32
        %dma_wait3A_229 = tpu.memref_slice %arg17[%add3A_160, %dma_wait3A_228] : memref<10000x64xf32, #tpu.memory_space<vmem_shared>> -> memref<80x64xf32, #tpu.memory_space<vmem_shared>>
        tpu.wait_dma2 semaphore(%run_scoped3A_221 : memref<!tpu.dma_semaphore, #tpu.memory_space<semaphore_mem>>) src(%dma_wait3A_229 : memref<80x64xf32, #tpu.memory_space<vmem_shared>>) dst(%dma_wait3A_227 : memref<80x64xf32, #tpu.memory_space<hbm>>)
        tpu.yield
      }) : () -> ()
    } else {
    }
    %add3A_171 = arith.constant 320 : i32
    %add3A_172 = arith.addi %mul3A_8, %add3A_171 : i32
    %eq3A_173 = arith.constant 0 : i32
    %eq3A_174 = arith.cmpi eq, %arg0, %eq3A_173 : i32
    %convert_element_type3A_175 = arith.extui %eq3A_174 : i1 to i32
    %cond3A_176 = arith.constant 0 : i32
    %cond3A_177 = arith.cmpi ne, %convert_element_type3A_175, %cond3A_176 : i32
    scf.if %cond3A_177 {
      "tpu.region"() ({
        %run_scoped3A_221 = tpu.sem_alloc : memref<!tpu.dma_semaphore, #tpu.memory_space<semaphore_mem>>
        %dma_start3A_222 = arith.constant 0 : i32
        %dma_start3A_223 = tpu.memref_slice %arg6[%add3A_172, %dma_start3A_222] : memref<10240x64xf32, #tpu.memory_space<hbm>> -> memref<80x64xf32, #tpu.memory_space<hbm>>
        %dma_start3A_224 = arith.constant 0 : i32
        %dma_start3A_225 = tpu.memref_slice %arg17[%add3A_172, %dma_start3A_224] : memref<10000x64xf32, #tpu.memory_space<vmem_shared>> -> memref<80x64xf32, #tpu.memory_space<vmem_shared>>
        tpu.enqueue_dma source(%dma_start3A_225 : memref<80x64xf32, #tpu.memory_space<vmem_shared>>) target(%dma_start3A_223 : memref<80x64xf32, #tpu.memory_space<hbm>>) target_semaphore(%run_scoped3A_221 : memref<!tpu.dma_semaphore, #tpu.memory_space<semaphore_mem>>)
        %dma_wait3A_226 = arith.constant 0 : i32
        %dma_wait3A_227 = tpu.memref_slice %arg6[%add3A_172, %dma_wait3A_226] : memref<10240x64xf32, #tpu.memory_space<hbm>> -> memref<80x64xf32, #tpu.memory_space<hbm>>
        %dma_wait3A_228 = arith.constant 0 : i32
        %dma_wait3A_229 = tpu.memref_slice %arg17[%add3A_172, %dma_wait3A_228] : memref<10000x64xf32, #tpu.memory_space<vmem_shared>> -> memref<80x64xf32, #tpu.memory_space<vmem_shared>>
        tpu.wait_dma2 semaphore(%run_scoped3A_221 : memref<!tpu.dma_semaphore, #tpu.memory_space<semaphore_mem>>) src(%dma_wait3A_229 : memref<80x64xf32, #tpu.memory_space<vmem_shared>>) dst(%dma_wait3A_227 : memref<80x64xf32, #tpu.memory_space<hbm>>)
        tpu.yield
      }) : () -> ()
    } else {
    }
    %eq3A_178 = arith.constant 1 : i32
    %eq3A_179 = arith.cmpi eq, %arg0, %eq3A_178 : i32
    %convert_element_type3A_180 = arith.extui %eq3A_179 : i1 to i32
    %cond3A_181 = arith.constant 0 : i32
    %cond3A_182 = arith.cmpi ne, %convert_element_type3A_180, %cond3A_181 : i32
    scf.if %cond3A_182 {
      "tpu.region"() ({
        %run_scoped3A_221 = tpu.sem_alloc : memref<!tpu.dma_semaphore, #tpu.memory_space<semaphore_mem>>
        %dma_start3A_222 = arith.constant 0 : i32
        %dma_start3A_223 = tpu.memref_slice %arg7[%add3A_172, %dma_start3A_222] : memref<10240x64xf32, #tpu.memory_space<hbm>> -> memref<80x64xf32, #tpu.memory_space<hbm>>
        %dma_start3A_224 = arith.constant 0 : i32
        %dma_start3A_225 = tpu.memref_slice %arg17[%add3A_172, %dma_start3A_224] : memref<10000x64xf32, #tpu.memory_space<vmem_shared>> -> memref<80x64xf32, #tpu.memory_space<vmem_shared>>
        tpu.enqueue_dma source(%dma_start3A_225 : memref<80x64xf32, #tpu.memory_space<vmem_shared>>) target(%dma_start3A_223 : memref<80x64xf32, #tpu.memory_space<hbm>>) target_semaphore(%run_scoped3A_221 : memref<!tpu.dma_semaphore, #tpu.memory_space<semaphore_mem>>)
        %dma_wait3A_226 = arith.constant 0 : i32
        %dma_wait3A_227 = tpu.memref_slice %arg7[%add3A_172, %dma_wait3A_226] : memref<10240x64xf32, #tpu.memory_space<hbm>> -> memref<80x64xf32, #tpu.memory_space<hbm>>
        %dma_wait3A_228 = arith.constant 0 : i32
        %dma_wait3A_229 = tpu.memref_slice %arg17[%add3A_172, %dma_wait3A_228] : memref<10000x64xf32, #tpu.memory_space<vmem_shared>> -> memref<80x64xf32, #tpu.memory_space<vmem_shared>>
        tpu.wait_dma2 semaphore(%run_scoped3A_221 : memref<!tpu.dma_semaphore, #tpu.memory_space<semaphore_mem>>) src(%dma_wait3A_229 : memref<80x64xf32, #tpu.memory_space<vmem_shared>>) dst(%dma_wait3A_227 : memref<80x64xf32, #tpu.memory_space<hbm>>)
        tpu.yield
      }) : () -> ()
    } else {
    }
    %add3A_183 = arith.constant 400 : i32
    %add3A_184 = arith.addi %mul3A_8, %add3A_183 : i32
    %eq3A_185 = arith.constant 0 : i32
    %eq3A_186 = arith.cmpi eq, %arg0, %eq3A_185 : i32
    %convert_element_type3A_187 = arith.extui %eq3A_186 : i1 to i32
    %cond3A_188 = arith.constant 0 : i32
    %cond3A_189 = arith.cmpi ne, %convert_element_type3A_187, %cond3A_188 : i32
    scf.if %cond3A_189 {
      "tpu.region"() ({
        %run_scoped3A_221 = tpu.sem_alloc : memref<!tpu.dma_semaphore, #tpu.memory_space<semaphore_mem>>
        %dma_start3A_222 = arith.constant 0 : i32
        %dma_start3A_223 = tpu.memref_slice %arg6[%add3A_184, %dma_start3A_222] : memref<10240x64xf32, #tpu.memory_space<hbm>> -> memref<80x64xf32, #tpu.memory_space<hbm>>
        %dma_start3A_224 = arith.constant 0 : i32
        %dma_start3A_225 = tpu.memref_slice %arg17[%add3A_184, %dma_start3A_224] : memref<10000x64xf32, #tpu.memory_space<vmem_shared>> -> memref<80x64xf32, #tpu.memory_space<vmem_shared>>
        tpu.enqueue_dma source(%dma_start3A_225 : memref<80x64xf32, #tpu.memory_space<vmem_shared>>) target(%dma_start3A_223 : memref<80x64xf32, #tpu.memory_space<hbm>>) target_semaphore(%run_scoped3A_221 : memref<!tpu.dma_semaphore, #tpu.memory_space<semaphore_mem>>)
        %dma_wait3A_226 = arith.constant 0 : i32
        %dma_wait3A_227 = tpu.memref_slice %arg6[%add3A_184, %dma_wait3A_226] : memref<10240x64xf32, #tpu.memory_space<hbm>> -> memref<80x64xf32, #tpu.memory_space<hbm>>
        %dma_wait3A_228 = arith.constant 0 : i32
        %dma_wait3A_229 = tpu.memref_slice %arg17[%add3A_184, %dma_wait3A_228] : memref<10000x64xf32, #tpu.memory_space<vmem_shared>> -> memref<80x64xf32, #tpu.memory_space<vmem_shared>>
        tpu.wait_dma2 semaphore(%run_scoped3A_221 : memref<!tpu.dma_semaphore, #tpu.memory_space<semaphore_mem>>) src(%dma_wait3A_229 : memref<80x64xf32, #tpu.memory_space<vmem_shared>>) dst(%dma_wait3A_227 : memref<80x64xf32, #tpu.memory_space<hbm>>)
        tpu.yield
      }) : () -> ()
    } else {
    }
    %eq3A_190 = arith.constant 1 : i32
    %eq3A_191 = arith.cmpi eq, %arg0, %eq3A_190 : i32
    %convert_element_type3A_192 = arith.extui %eq3A_191 : i1 to i32
    %cond3A_193 = arith.constant 0 : i32
    %cond3A_194 = arith.cmpi ne, %convert_element_type3A_192, %cond3A_193 : i32
    scf.if %cond3A_194 {
      "tpu.region"() ({
        %run_scoped3A_221 = tpu.sem_alloc : memref<!tpu.dma_semaphore, #tpu.memory_space<semaphore_mem>>
        %dma_start3A_222 = arith.constant 0 : i32
        %dma_start3A_223 = tpu.memref_slice %arg7[%add3A_184, %dma_start3A_222] : memref<10240x64xf32, #tpu.memory_space<hbm>> -> memref<80x64xf32, #tpu.memory_space<hbm>>
        %dma_start3A_224 = arith.constant 0 : i32
        %dma_start3A_225 = tpu.memref_slice %arg17[%add3A_184, %dma_start3A_224] : memref<10000x64xf32, #tpu.memory_space<vmem_shared>> -> memref<80x64xf32, #tpu.memory_space<vmem_shared>>
        tpu.enqueue_dma source(%dma_start3A_225 : memref<80x64xf32, #tpu.memory_space<vmem_shared>>) target(%dma_start3A_223 : memref<80x64xf32, #tpu.memory_space<hbm>>) target_semaphore(%run_scoped3A_221 : memref<!tpu.dma_semaphore, #tpu.memory_space<semaphore_mem>>)
        %dma_wait3A_226 = arith.constant 0 : i32
        %dma_wait3A_227 = tpu.memref_slice %arg7[%add3A_184, %dma_wait3A_226] : memref<10240x64xf32, #tpu.memory_space<hbm>> -> memref<80x64xf32, #tpu.memory_space<hbm>>
        %dma_wait3A_228 = arith.constant 0 : i32
        %dma_wait3A_229 = tpu.memref_slice %arg17[%add3A_184, %dma_wait3A_228] : memref<10000x64xf32, #tpu.memory_space<vmem_shared>> -> memref<80x64xf32, #tpu.memory_space<vmem_shared>>
        tpu.wait_dma2 semaphore(%run_scoped3A_221 : memref<!tpu.dma_semaphore, #tpu.memory_space<semaphore_mem>>) src(%dma_wait3A_229 : memref<80x64xf32, #tpu.memory_space<vmem_shared>>) dst(%dma_wait3A_227 : memref<80x64xf32, #tpu.memory_space<hbm>>)
        tpu.yield
      }) : () -> ()
    } else {
    }
    %add3A_195 = arith.constant 480 : i32
    %add3A_196 = arith.addi %mul3A_8, %add3A_195 : i32
    %eq3A_197 = arith.constant 0 : i32
    %eq3A_198 = arith.cmpi eq, %arg0, %eq3A_197 : i32
    %convert_element_type3A_199 = arith.extui %eq3A_198 : i1 to i32
    %cond3A_200 = arith.constant 0 : i32
    %cond3A_201 = arith.cmpi ne, %convert_element_type3A_199, %cond3A_200 : i32
    scf.if %cond3A_201 {
      "tpu.region"() ({
        %run_scoped3A_221 = tpu.sem_alloc : memref<!tpu.dma_semaphore, #tpu.memory_space<semaphore_mem>>
        %dma_start3A_222 = arith.constant 0 : i32
        %dma_start3A_223 = tpu.memref_slice %arg6[%add3A_196, %dma_start3A_222] : memref<10240x64xf32, #tpu.memory_space<hbm>> -> memref<80x64xf32, #tpu.memory_space<hbm>>
        %dma_start3A_224 = arith.constant 0 : i32
        %dma_start3A_225 = tpu.memref_slice %arg17[%add3A_196, %dma_start3A_224] : memref<10000x64xf32, #tpu.memory_space<vmem_shared>> -> memref<80x64xf32, #tpu.memory_space<vmem_shared>>
        tpu.enqueue_dma source(%dma_start3A_225 : memref<80x64xf32, #tpu.memory_space<vmem_shared>>) target(%dma_start3A_223 : memref<80x64xf32, #tpu.memory_space<hbm>>) target_semaphore(%run_scoped3A_221 : memref<!tpu.dma_semaphore, #tpu.memory_space<semaphore_mem>>)
        %dma_wait3A_226 = arith.constant 0 : i32
        %dma_wait3A_227 = tpu.memref_slice %arg6[%add3A_196, %dma_wait3A_226] : memref<10240x64xf32, #tpu.memory_space<hbm>> -> memref<80x64xf32, #tpu.memory_space<hbm>>
        %dma_wait3A_228 = arith.constant 0 : i32
        %dma_wait3A_229 = tpu.memref_slice %arg17[%add3A_196, %dma_wait3A_228] : memref<10000x64xf32, #tpu.memory_space<vmem_shared>> -> memref<80x64xf32, #tpu.memory_space<vmem_shared>>
        tpu.wait_dma2 semaphore(%run_scoped3A_221 : memref<!tpu.dma_semaphore, #tpu.memory_space<semaphore_mem>>) src(%dma_wait3A_229 : memref<80x64xf32, #tpu.memory_space<vmem_shared>>) dst(%dma_wait3A_227 : memref<80x64xf32, #tpu.memory_space<hbm>>)
        tpu.yield
      }) : () -> ()
    } else {
    }
    %eq3A_202 = arith.constant 1 : i32
    %eq3A_203 = arith.cmpi eq, %arg0, %eq3A_202 : i32
    %convert_element_type3A_204 = arith.extui %eq3A_203 : i1 to i32
    %cond3A_205 = arith.constant 0 : i32
    %cond3A_206 = arith.cmpi ne, %convert_element_type3A_204, %cond3A_205 : i32
    scf.if %cond3A_206 {
      "tpu.region"() ({
        %run_scoped3A_221 = tpu.sem_alloc : memref<!tpu.dma_semaphore, #tpu.memory_space<semaphore_mem>>
        %dma_start3A_222 = arith.constant 0 : i32
        %dma_start3A_223 = tpu.memref_slice %arg7[%add3A_196, %dma_start3A_222] : memref<10240x64xf32, #tpu.memory_space<hbm>> -> memref<80x64xf32, #tpu.memory_space<hbm>>
        %dma_start3A_224 = arith.constant 0 : i32
        %dma_start3A_225 = tpu.memref_slice %arg17[%add3A_196, %dma_start3A_224] : memref<10000x64xf32, #tpu.memory_space<vmem_shared>> -> memref<80x64xf32, #tpu.memory_space<vmem_shared>>
        tpu.enqueue_dma source(%dma_start3A_225 : memref<80x64xf32, #tpu.memory_space<vmem_shared>>) target(%dma_start3A_223 : memref<80x64xf32, #tpu.memory_space<hbm>>) target_semaphore(%run_scoped3A_221 : memref<!tpu.dma_semaphore, #tpu.memory_space<semaphore_mem>>)
        %dma_wait3A_226 = arith.constant 0 : i32
        %dma_wait3A_227 = tpu.memref_slice %arg7[%add3A_196, %dma_wait3A_226] : memref<10240x64xf32, #tpu.memory_space<hbm>> -> memref<80x64xf32, #tpu.memory_space<hbm>>
        %dma_wait3A_228 = arith.constant 0 : i32
        %dma_wait3A_229 = tpu.memref_slice %arg17[%add3A_196, %dma_wait3A_228] : memref<10000x64xf32, #tpu.memory_space<vmem_shared>> -> memref<80x64xf32, #tpu.memory_space<vmem_shared>>
        tpu.wait_dma2 semaphore(%run_scoped3A_221 : memref<!tpu.dma_semaphore, #tpu.memory_space<semaphore_mem>>) src(%dma_wait3A_229 : memref<80x64xf32, #tpu.memory_space<vmem_shared>>) dst(%dma_wait3A_227 : memref<80x64xf32, #tpu.memory_space<hbm>>)
        tpu.yield
      }) : () -> ()
    } else {
    }
    %add3A_207 = arith.constant 560 : i32
    %add3A_208 = arith.addi %mul3A_8, %add3A_207 : i32
    %eq3A_209 = arith.constant 0 : i32
    %eq3A_210 = arith.cmpi eq, %arg0, %eq3A_209 : i32
    %convert_element_type3A_211 = arith.extui %eq3A_210 : i1 to i32
    %cond3A_212 = arith.constant 0 : i32
    %cond3A_213 = arith.cmpi ne, %convert_element_type3A_211, %cond3A_212 : i32
    scf.if %cond3A_213 {
      "tpu.region"() ({
        %run_scoped3A_221 = tpu.sem_alloc : memref<!tpu.dma_semaphore, #tpu.memory_space<semaphore_mem>>
        %dma_start3A_222 = arith.constant 0 : i32
        %dma_start3A_223 = tpu.memref_slice %arg6[%add3A_208, %dma_start3A_222] : memref<10240x64xf32, #tpu.memory_space<hbm>> -> memref<65x64xf32, #tpu.memory_space<hbm>>
        %dma_start3A_224 = arith.constant 0 : i32
        %dma_start3A_225 = tpu.memref_slice %arg17[%add3A_208, %dma_start3A_224] : memref<10000x64xf32, #tpu.memory_space<vmem_shared>> -> memref<65x64xf32, #tpu.memory_space<vmem_shared>>
        tpu.enqueue_dma source(%dma_start3A_225 : memref<65x64xf32, #tpu.memory_space<vmem_shared>>) target(%dma_start3A_223 : memref<65x64xf32, #tpu.memory_space<hbm>>) target_semaphore(%run_scoped3A_221 : memref<!tpu.dma_semaphore, #tpu.memory_space<semaphore_mem>>)
        %dma_wait3A_226 = arith.constant 0 : i32
        %dma_wait3A_227 = tpu.memref_slice %arg6[%add3A_208, %dma_wait3A_226] : memref<10240x64xf32, #tpu.memory_space<hbm>> -> memref<65x64xf32, #tpu.memory_space<hbm>>
        %dma_wait3A_228 = arith.constant 0 : i32
        %dma_wait3A_229 = tpu.memref_slice %arg17[%add3A_208, %dma_wait3A_228] : memref<10000x64xf32, #tpu.memory_space<vmem_shared>> -> memref<65x64xf32, #tpu.memory_space<vmem_shared>>
        tpu.wait_dma2 semaphore(%run_scoped3A_221 : memref<!tpu.dma_semaphore, #tpu.memory_space<semaphore_mem>>) src(%dma_wait3A_229 : memref<65x64xf32, #tpu.memory_space<vmem_shared>>) dst(%dma_wait3A_227 : memref<65x64xf32, #tpu.memory_space<hbm>>)
        tpu.yield
      }) : () -> ()
    } else {
    }
    %eq3A_214 = arith.constant 1 : i32
    %eq3A_215 = arith.cmpi eq, %arg0, %eq3A_214 : i32
    %convert_element_type3A_216 = arith.extui %eq3A_215 : i1 to i32
    %cond3A_217 = arith.constant 0 : i32
    %cond3A_218 = arith.cmpi ne, %convert_element_type3A_216, %cond3A_217 : i32
    scf.if %cond3A_218 {
      "tpu.region"() ({
        %run_scoped3A_221 = tpu.sem_alloc : memref<!tpu.dma_semaphore, #tpu.memory_space<semaphore_mem>>
        %dma_start3A_222 = arith.constant 0 : i32
        %dma_start3A_223 = tpu.memref_slice %arg7[%add3A_208, %dma_start3A_222] : memref<10240x64xf32, #tpu.memory_space<hbm>> -> memref<65x64xf32, #tpu.memory_space<hbm>>
        %dma_start3A_224 = arith.constant 0 : i32
        %dma_start3A_225 = tpu.memref_slice %arg17[%add3A_208, %dma_start3A_224] : memref<10000x64xf32, #tpu.memory_space<vmem_shared>> -> memref<65x64xf32, #tpu.memory_space<vmem_shared>>
        tpu.enqueue_dma source(%dma_start3A_225 : memref<65x64xf32, #tpu.memory_space<vmem_shared>>) target(%dma_start3A_223 : memref<65x64xf32, #tpu.memory_space<hbm>>) target_semaphore(%run_scoped3A_221 : memref<!tpu.dma_semaphore, #tpu.memory_space<semaphore_mem>>)
        %dma_wait3A_226 = arith.constant 0 : i32
        %dma_wait3A_227 = tpu.memref_slice %arg7[%add3A_208, %dma_wait3A_226] : memref<10240x64xf32, #tpu.memory_space<hbm>> -> memref<65x64xf32, #tpu.memory_space<hbm>>
        %dma_wait3A_228 = arith.constant 0 : i32
        %dma_wait3A_229 = tpu.memref_slice %arg17[%add3A_208, %dma_wait3A_228] : memref<10000x64xf32, #tpu.memory_space<vmem_shared>> -> memref<65x64xf32, #tpu.memory_space<vmem_shared>>
        tpu.wait_dma2 semaphore(%run_scoped3A_221 : memref<!tpu.dma_semaphore, #tpu.memory_space<semaphore_mem>>) src(%dma_wait3A_229 : memref<65x64xf32, #tpu.memory_space<vmem_shared>>) dst(%dma_wait3A_227 : memref<65x64xf32, #tpu.memory_space<hbm>>)
        tpu.yield
      }) : () -> ()
    } else {
    }
    %mul3A_219 = arith.constant 10240 : i32
    %mul3A_220 = arith.muli %add3A, %mul3A_219 : i32
    "tpu.region"() ({
      %run_scoped3A_221 = tpu.sem_alloc : memref<!tpu.dma_semaphore, #tpu.memory_space<semaphore_mem>>
      %dma_start3A_222 = tpu.memref_slice %arg8[%mul3A_220] : memref<327680xf32, #tpu.memory_space<hbm>> -> memref<10240xf32, #tpu.memory_space<hbm>>
      %dma_start3A_223 = tpu.memref_slice %arg8[%mul3A_220] : memref<327680xf32, #tpu.memory_space<hbm>> -> memref<10240xf32, #tpu.memory_space<hbm>>
      tpu.enqueue_dma source(%arg16 : memref<10240xf32, #tpu.memory_space<vmem>>) target(%dma_start3A_223 : memref<10240xf32, #tpu.memory_space<hbm>>) target_semaphore(%run_scoped3A_221 : memref<!tpu.dma_semaphore, #tpu.memory_space<semaphore_mem>>)
      %dma_wait3A_224 = tpu.memref_slice %arg8[%mul3A_220] : memref<327680xf32, #tpu.memory_space<hbm>> -> memref<10240xf32, #tpu.memory_space<hbm>>
      %dma_wait3A_225 = tpu.memref_slice %arg8[%mul3A_220] : memref<327680xf32, #tpu.memory_space<hbm>> -> memref<10240xf32, #tpu.memory_space<hbm>>
      tpu.wait_dma2 semaphore(%run_scoped3A_221 : memref<!tpu.dma_semaphore, #tpu.memory_space<semaphore_mem>>) src(%arg16 : memref<10240xf32, #tpu.memory_space<vmem>>) dst(%dma_wait3A_225 : memref<10240xf32, #tpu.memory_space<hbm>>)
      tpu.yield
    }) : () -> ()
    return
  }
}

#map = affine_map<(d0, d1) -> (0, 0)>
#map1 = affine_map<(d0, d1) -> (0, 0, 0)>
#map2 = affine_map<(d0, d1) -> (0)>
module attributes {stable_mosaic.version = 14 : i64} {
  func.func @_sc_agg_body(%arg0: i32, %arg1: i32, %arg2: memref<184320x64xf32, #tpu.memory_space<hbm>>, %arg3: memref<16x250x80xi32, #tpu.memory_space<hbm>>, %arg4: memref<16x250x80xi32, #tpu.memory_space<hbm>>, %arg5: memref<16x250x80xi32, #tpu.memory_space<hbm>>, %arg6: memref<10240x64xf32, #tpu.memory_space<hbm>>, %arg7: memref<10240x64xf32, #tpu.memory_space<hbm>>, %arg8: memref<327680xf32, #tpu.memory_space<hbm>>, %arg9: memref<250x80xi32, #tpu.memory_space<vmem>>, %arg10: memref<250x80xi32, #tpu.memory_space<vmem>>, %arg11: memref<250x80xi32, #tpu.memory_space<vmem>>, %arg12: memref<80x64xf32, #tpu.memory_space<vmem>>, %arg13: memref<80x64xf32, #tpu.memory_space<vmem>>, %arg14: memref<80x64xf32, #tpu.memory_space<vmem>>, %arg15: memref<80x64xf32, #tpu.memory_space<vmem>>, %arg16: memref<10240xf32, #tpu.memory_space<vmem>>, %arg17: memref<10000x64xf32, #tpu.memory_space<vmem_shared>>, %arg18: memref<!tpu.dma_semaphore, #tpu.memory_space<semaphore_mem>>, %arg19: memref<!tpu.dma_semaphore, #tpu.memory_space<semaphore_mem>>, %arg20: memref<!tpu.dma_semaphore, #tpu.memory_space<semaphore_mem>>, %arg21: memref<!tpu.dma_semaphore, #tpu.memory_space<semaphore_mem>>) attributes {dimension_semantics = [#tpu.dimension_semantics<core_parallel>, #tpu.dimension_semantics<subcore_parallel>], iteration_bounds = array<i64: 2, 16>, scalar_prefetch = 0 : i64, scratch_operands = 13 : i64, tpu.core_type = #tpu.core_type<sc_vector_subcore>, window_params = [{transform_indices = #map}, {transform_indices = #map1}, {transform_indices = #map1}, {transform_indices = #map1}, {transform_indices = #map}, {transform_indices = #map}, {transform_indices = #map2}]} {
    %mul3A = arith.constant 2 : i32
    %mul3A_0 = arith.muli %arg1, %mul3A : i32
    %add3A = arith.addi %mul3A_0, %arg0 : i32
    %broadcast_in_dim3A = arith.constant 0.000000e+00 : f32
    %broadcast_in_dim3A_1 = vector.broadcast %broadcast_in_dim3A : f32 to vector<16xf32>
    %scan3A = arith.constant 0 : i32
    %scan3A_2 = arith.constant 0 : i32
    %scan3A_3 = arith.constant 80 : i32
    %scan3A_4 = arith.addi %scan3A_2, %scan3A_3 : i32
    %scan3A_5 = arith.constant 1 : i32
    scf.for %scan3A_221 = %scan3A_2 to %scan3A_4 step %scan3A_5  : i32 {
      %swap3A = arith.index_cast %scan3A_221 : i32 to index
      %swap3A_222 = arith.constant 0 : index
      %swap3A_223 = tpu.vector_load %arg12[%swap3A, %swap3A_222] {strides = array<i32>} : memref<80x64xf32, #tpu.memory_space<vmem>>, vector<16xf32>,
      tpu.vector_store %arg12[%swap3A, %swap3A_222], %broadcast_in_dim3A_1 {strides = array<i32>} : memref<80x64xf32, #tpu.memory_space<vmem>>, vector<16xf32>,
      %swap3A_224 = arith.index_cast %scan3A_221 : i32 to index
      %swap3A_225 = arith.constant 16 : index
      %swap3A_226 = tpu.vector_load %arg12[%swap3A_224, %swap3A_225] {strides = array<i32>} : memref<80x64xf32, #tpu.memory_space<vmem>>, vector<16xf32>,
      tpu.vector_store %arg12[%swap3A_224, %swap3A_225], %broadcast_in_dim3A_1 {strides = array<i32>} : memref<80x64xf32, #tpu.memory_space<vmem>>, vector<16xf32>,
      %swap3A_227 = arith.index_cast %scan3A_221 : i32 to index
      %swap3A_228 = arith.constant 32 : index
      %swap3A_229 = tpu.vector_load %arg12[%swap3A_227, %swap3A_228] {strides = array<i32>} : memref<80x64xf32, #tpu.memory_space<vmem>>, vector<16xf32>,
      tpu.vector_store %arg12[%swap3A_227, %swap3A_228], %broadcast_in_dim3A_1 {strides = array<i32>} : memref<80x64xf32, #tpu.memory_space<vmem>>, vector<16xf32>,
      %swap3A_230 = arith.index_cast %scan3A_221 : i32 to index
      %swap3A_231 = arith.constant 48 : index
      %swap3A_232 = tpu.vector_load %arg12[%swap3A_230, %swap3A_231] {strides = array<i32>} : memref<80x64xf32, #tpu.memory_space<vmem>>, vector<16xf32>,
      tpu.vector_store %arg12[%swap3A_230, %swap3A_231], %broadcast_in_dim3A_1 {strides = array<i32>} : memref<80x64xf32, #tpu.memory_space<vmem>>, vector<16xf32>,
    }
    %scan3A_6 = arith.constant 80 : i32
    %mul3A_7 = arith.constant 625 : i32
    %mul3A_8 = arith.muli %arg1, %mul3A_7 : i32
    %add3A_9 = arith.constant 0 : i32
    %add3A_10 = arith.addi %mul3A_8, %add3A_9 : i32
    "tpu.region"() ({
      %run_scoped3A_221 = tpu.sem_alloc : memref<!tpu.dma_semaphore, #tpu.memory_space<semaphore_mem>>
      %dma_start3A_222 = arith.constant 0 : i32
      %dma_start3A_223 = arith.constant 0 : i32
      %dma_start3A_224 = tpu.memref_slice %arg12[%dma_start3A_222, %dma_start3A_223] : memref<80x64xf32, #tpu.memory_space<vmem>> -> memref<80x64xf32, #tpu.memory_space<vmem>>
      %dma_start3A_225 = arith.constant 0 : i32
      %dma_start3A_226 = tpu.memref_slice %arg17[%add3A_10, %dma_start3A_225] : memref<10000x64xf32, #tpu.memory_space<vmem_shared>> -> memref<80x64xf32, #tpu.memory_space<vmem_shared>>
      %dma_start3A_227 = arith.constant 0 : i32
      %dma_start3A_228 = tpu.memref_slice %arg17[%add3A_10, %dma_start3A_227] : memref<10000x64xf32, #tpu.memory_space<vmem_shared>> -> memref<80x64xf32, #tpu.memory_space<vmem_shared>>
      %dma_start3A_229 = arith.constant 0 : i32
      %dma_start3A_230 = arith.constant 0 : i32
      %dma_start3A_231 = tpu.memref_slice %arg12[%dma_start3A_229, %dma_start3A_230] : memref<80x64xf32, #tpu.memory_space<vmem>> -> memref<80x64xf32, #tpu.memory_space<vmem>>
      tpu.enqueue_dma source(%dma_start3A_231 : memref<80x64xf32, #tpu.memory_space<vmem>>) target(%dma_start3A_228 : memref<80x64xf32, #tpu.memory_space<vmem_shared>>) target_semaphore(%run_scoped3A_221 : memref<!tpu.dma_semaphore, #tpu.memory_space<semaphore_mem>>)
      %dma_wait3A_232 = arith.constant 0 : i32
      %dma_wait3A_233 = arith.constant 0 : i32
      %dma_wait3A_234 = tpu.memref_slice %arg12[%dma_wait3A_232, %dma_wait3A_233] : memref<80x64xf32, #tpu.memory_space<vmem>> -> memref<80x64xf32, #tpu.memory_space<vmem>>
      %dma_wait3A_235 = arith.constant 0 : i32
      %dma_wait3A_236 = tpu.memref_slice %arg17[%add3A_10, %dma_wait3A_235] : memref<10000x64xf32, #tpu.memory_space<vmem_shared>> -> memref<80x64xf32, #tpu.memory_space<vmem_shared>>
      %dma_wait3A_237 = arith.constant 0 : i32
      %dma_wait3A_238 = tpu.memref_slice %arg17[%add3A_10, %dma_wait3A_237] : memref<10000x64xf32, #tpu.memory_space<vmem_shared>> -> memref<80x64xf32, #tpu.memory_space<vmem_shared>>
      %dma_wait3A_239 = arith.constant 0 : i32
      %dma_wait3A_240 = arith.constant 0 : i32
      %dma_wait3A_241 = tpu.memref_slice %arg12[%dma_wait3A_239, %dma_wait3A_240] : memref<80x64xf32, #tpu.memory_space<vmem>> -> memref<80x64xf32, #tpu.memory_space<vmem>>
      tpu.wait_dma2 semaphore(%run_scoped3A_221 : memref<!tpu.dma_semaphore, #tpu.memory_space<semaphore_mem>>) src(%dma_wait3A_241 : memref<80x64xf32, #tpu.memory_space<vmem>>) dst(%dma_wait3A_238 : memref<80x64xf32, #tpu.memory_space<vmem_shared>>)
      tpu.yield
    }) : () -> ()
    %add3A_11 = arith.constant 80 : i32
    %add3A_12 = arith.addi %mul3A_8, %add3A_11 : i32
    "tpu.region"() ({
      %run_scoped3A_221 = tpu.sem_alloc : memref<!tpu.dma_semaphore, #tpu.memory_space<semaphore_mem>>
      %dma_start3A_222 = arith.constant 0 : i32
      %dma_start3A_223 = arith.constant 0 : i32
      %dma_start3A_224 = tpu.memref_slice %arg12[%dma_start3A_222, %dma_start3A_223] : memref<80x64xf32, #tpu.memory_space<vmem>> -> memref<80x64xf32, #tpu.memory_space<vmem>>
      %dma_start3A_225 = arith.constant 0 : i32
      %dma_start3A_226 = tpu.memref_slice %arg17[%add3A_12, %dma_start3A_225] : memref<10000x64xf32, #tpu.memory_space<vmem_shared>> -> memref<80x64xf32, #tpu.memory_space<vmem_shared>>
      %dma_start3A_227 = arith.constant 0 : i32
      %dma_start3A_228 = tpu.memref_slice %arg17[%add3A_12, %dma_start3A_227] : memref<10000x64xf32, #tpu.memory_space<vmem_shared>> -> memref<80x64xf32, #tpu.memory_space<vmem_shared>>
      %dma_start3A_229 = arith.constant 0 : i32
      %dma_start3A_230 = arith.constant 0 : i32
      %dma_start3A_231 = tpu.memref_slice %arg12[%dma_start3A_229, %dma_start3A_230] : memref<80x64xf32, #tpu.memory_space<vmem>> -> memref<80x64xf32, #tpu.memory_space<vmem>>
      tpu.enqueue_dma source(%dma_start3A_231 : memref<80x64xf32, #tpu.memory_space<vmem>>) target(%dma_start3A_228 : memref<80x64xf32, #tpu.memory_space<vmem_shared>>) target_semaphore(%run_scoped3A_221 : memref<!tpu.dma_semaphore, #tpu.memory_space<semaphore_mem>>)
      %dma_wait3A_232 = arith.constant 0 : i32
      %dma_wait3A_233 = arith.constant 0 : i32
      %dma_wait3A_234 = tpu.memref_slice %arg12[%dma_wait3A_232, %dma_wait3A_233] : memref<80x64xf32, #tpu.memory_space<vmem>> -> memref<80x64xf32, #tpu.memory_space<vmem>>
      %dma_wait3A_235 = arith.constant 0 : i32
      %dma_wait3A_236 = tpu.memref_slice %arg17[%add3A_12, %dma_wait3A_235] : memref<10000x64xf32, #tpu.memory_space<vmem_shared>> -> memref<80x64xf32, #tpu.memory_space<vmem_shared>>
      %dma_wait3A_237 = arith.constant 0 : i32
      %dma_wait3A_238 = tpu.memref_slice %arg17[%add3A_12, %dma_wait3A_237] : memref<10000x64xf32, #tpu.memory_space<vmem_shared>> -> memref<80x64xf32, #tpu.memory_space<vmem_shared>>
      %dma_wait3A_239 = arith.constant 0 : i32
      %dma_wait3A_240 = arith.constant 0 : i32
      %dma_wait3A_241 = tpu.memref_slice %arg12[%dma_wait3A_239, %dma_wait3A_240] : memref<80x64xf32, #tpu.memory_space<vmem>> -> memref<80x64xf32, #tpu.memory_space<vmem>>
      tpu.wait_dma2 semaphore(%run_scoped3A_221 : memref<!tpu.dma_semaphore, #tpu.memory_space<semaphore_mem>>) src(%dma_wait3A_241 : memref<80x64xf32, #tpu.memory_space<vmem>>) dst(%dma_wait3A_238 : memref<80x64xf32, #tpu.memory_space<vmem_shared>>)
      tpu.yield
    }) : () -> ()
    %add3A_13 = arith.constant 160 : i32
    %add3A_14 = arith.addi %mul3A_8, %add3A_13 : i32
    "tpu.region"() ({
      %run_scoped3A_221 = tpu.sem_alloc : memref<!tpu.dma_semaphore, #tpu.memory_space<semaphore_mem>>
      %dma_start3A_222 = arith.constant 0 : i32
      %dma_start3A_223 = arith.constant 0 : i32
      %dma_start3A_224 = tpu.memref_slice %arg12[%dma_start3A_222, %dma_start3A_223] : memref<80x64xf32, #tpu.memory_space<vmem>> -> memref<80x64xf32, #tpu.memory_space<vmem>>
      %dma_start3A_225 = arith.constant 0 : i32
      %dma_start3A_226 = tpu.memref_slice %arg17[%add3A_14, %dma_start3A_225] : memref<10000x64xf32, #tpu.memory_space<vmem_shared>> -> memref<80x64xf32, #tpu.memory_space<vmem_shared>>
      %dma_start3A_227 = arith.constant 0 : i32
      %dma_start3A_228 = tpu.memref_slice %arg17[%add3A_14, %dma_start3A_227] : memref<10000x64xf32, #tpu.memory_space<vmem_shared>> -> memref<80x64xf32, #tpu.memory_space<vmem_shared>>
      %dma_start3A_229 = arith.constant 0 : i32
      %dma_start3A_230 = arith.constant 0 : i32
      %dma_start3A_231 = tpu.memref_slice %arg12[%dma_start3A_229, %dma_start3A_230] : memref<80x64xf32, #tpu.memory_space<vmem>> -> memref<80x64xf32, #tpu.memory_space<vmem>>
      tpu.enqueue_dma source(%dma_start3A_231 : memref<80x64xf32, #tpu.memory_space<vmem>>) target(%dma_start3A_228 : memref<80x64xf32, #tpu.memory_space<vmem_shared>>) target_semaphore(%run_scoped3A_221 : memref<!tpu.dma_semaphore, #tpu.memory_space<semaphore_mem>>)
      %dma_wait3A_232 = arith.constant 0 : i32
      %dma_wait3A_233 = arith.constant 0 : i32
      %dma_wait3A_234 = tpu.memref_slice %arg12[%dma_wait3A_232, %dma_wait3A_233] : memref<80x64xf32, #tpu.memory_space<vmem>> -> memref<80x64xf32, #tpu.memory_space<vmem>>
      %dma_wait3A_235 = arith.constant 0 : i32
      %dma_wait3A_236 = tpu.memref_slice %arg17[%add3A_14, %dma_wait3A_235] : memref<10000x64xf32, #tpu.memory_space<vmem_shared>> -> memref<80x64xf32, #tpu.memory_space<vmem_shared>>
      %dma_wait3A_237 = arith.constant 0 : i32
      %dma_wait3A_238 = tpu.memref_slice %arg17[%add3A_14, %dma_wait3A_237] : memref<10000x64xf32, #tpu.memory_space<vmem_shared>> -> memref<80x64xf32, #tpu.memory_space<vmem_shared>>
      %dma_wait3A_239 = arith.constant 0 : i32
      %dma_wait3A_240 = arith.constant 0 : i32
      %dma_wait3A_241 = tpu.memref_slice %arg12[%dma_wait3A_239, %dma_wait3A_240] : memref<80x64xf32, #tpu.memory_space<vmem>> -> memref<80x64xf32, #tpu.memory_space<vmem>>
      tpu.wait_dma2 semaphore(%run_scoped3A_221 : memref<!tpu.dma_semaphore, #tpu.memory_space<semaphore_mem>>) src(%dma_wait3A_241 : memref<80x64xf32, #tpu.memory_space<vmem>>) dst(%dma_wait3A_238 : memref<80x64xf32, #tpu.memory_space<vmem_shared>>)
      tpu.yield
    }) : () -> ()
    %add3A_15 = arith.constant 240 : i32
    %add3A_16 = arith.addi %mul3A_8, %add3A_15 : i32
    "tpu.region"() ({
      %run_scoped3A_221 = tpu.sem_alloc : memref<!tpu.dma_semaphore, #tpu.memory_space<semaphore_mem>>
      %dma_start3A_222 = arith.constant 0 : i32
      %dma_start3A_223 = arith.constant 0 : i32
      %dma_start3A_224 = tpu.memref_slice %arg12[%dma_start3A_222, %dma_start3A_223] : memref<80x64xf32, #tpu.memory_space<vmem>> -> memref<80x64xf32, #tpu.memory_space<vmem>>
      %dma_start3A_225 = arith.constant 0 : i32
      %dma_start3A_226 = tpu.memref_slice %arg17[%add3A_16, %dma_start3A_225] : memref<10000x64xf32, #tpu.memory_space<vmem_shared>> -> memref<80x64xf32, #tpu.memory_space<vmem_shared>>
      %dma_start3A_227 = arith.constant 0 : i32
      %dma_start3A_228 = tpu.memref_slice %arg17[%add3A_16, %dma_start3A_227] : memref<10000x64xf32, #tpu.memory_space<vmem_shared>> -> memref<80x64xf32, #tpu.memory_space<vmem_shared>>
      %dma_start3A_229 = arith.constant 0 : i32
      %dma_start3A_230 = arith.constant 0 : i32
      %dma_start3A_231 = tpu.memref_slice %arg12[%dma_start3A_229, %dma_start3A_230] : memref<80x64xf32, #tpu.memory_space<vmem>> -> memref<80x64xf32, #tpu.memory_space<vmem>>
      tpu.enqueue_dma source(%dma_start3A_231 : memref<80x64xf32, #tpu.memory_space<vmem>>) target(%dma_start3A_228 : memref<80x64xf32, #tpu.memory_space<vmem_shared>>) target_semaphore(%run_scoped3A_221 : memref<!tpu.dma_semaphore, #tpu.memory_space<semaphore_mem>>)
      %dma_wait3A_232 = arith.constant 0 : i32
      %dma_wait3A_233 = arith.constant 0 : i32
      %dma_wait3A_234 = tpu.memref_slice %arg12[%dma_wait3A_232, %dma_wait3A_233] : memref<80x64xf32, #tpu.memory_space<vmem>> -> memref<80x64xf32, #tpu.memory_space<vmem>>
      %dma_wait3A_235 = arith.constant 0 : i32
      %dma_wait3A_236 = tpu.memref_slice %arg17[%add3A_16, %dma_wait3A_235] : memref<10000x64xf32, #tpu.memory_space<vmem_shared>> -> memref<80x64xf32, #tpu.memory_space<vmem_shared>>
      %dma_wait3A_237 = arith.constant 0 : i32
      %dma_wait3A_238 = tpu.memref_slice %arg17[%add3A_16, %dma_wait3A_237] : memref<10000x64xf32, #tpu.memory_space<vmem_shared>> -> memref<80x64xf32, #tpu.memory_space<vmem_shared>>
      %dma_wait3A_239 = arith.constant 0 : i32
      %dma_wait3A_240 = arith.constant 0 : i32
      %dma_wait3A_241 = tpu.memref_slice %arg12[%dma_wait3A_239, %dma_wait3A_240] : memref<80x64xf32, #tpu.memory_space<vmem>> -> memref<80x64xf32, #tpu.memory_space<vmem>>
      tpu.wait_dma2 semaphore(%run_scoped3A_221 : memref<!tpu.dma_semaphore, #tpu.memory_space<semaphore_mem>>) src(%dma_wait3A_241 : memref<80x64xf32, #tpu.memory_space<vmem>>) dst(%dma_wait3A_238 : memref<80x64xf32, #tpu.memory_space<vmem_shared>>)
      tpu.yield
    }) : () -> ()
    %add3A_17 = arith.constant 320 : i32
    %add3A_18 = arith.addi %mul3A_8, %add3A_17 : i32
    "tpu.region"() ({
      %run_scoped3A_221 = tpu.sem_alloc : memref<!tpu.dma_semaphore, #tpu.memory_space<semaphore_mem>>
      %dma_start3A_222 = arith.constant 0 : i32
      %dma_start3A_223 = arith.constant 0 : i32
      %dma_start3A_224 = tpu.memref_slice %arg12[%dma_start3A_222, %dma_start3A_223] : memref<80x64xf32, #tpu.memory_space<vmem>> -> memref<80x64xf32, #tpu.memory_space<vmem>>
      %dma_start3A_225 = arith.constant 0 : i32
      %dma_start3A_226 = tpu.memref_slice %arg17[%add3A_18, %dma_start3A_225] : memref<10000x64xf32, #tpu.memory_space<vmem_shared>> -> memref<80x64xf32, #tpu.memory_space<vmem_shared>>
      %dma_start3A_227 = arith.constant 0 : i32
      %dma_start3A_228 = tpu.memref_slice %arg17[%add3A_18, %dma_start3A_227] : memref<10000x64xf32, #tpu.memory_space<vmem_shared>> -> memref<80x64xf32, #tpu.memory_space<vmem_shared>>
      %dma_start3A_229 = arith.constant 0 : i32
      %dma_start3A_230 = arith.constant 0 : i32
      %dma_start3A_231 = tpu.memref_slice %arg12[%dma_start3A_229, %dma_start3A_230] : memref<80x64xf32, #tpu.memory_space<vmem>> -> memref<80x64xf32, #tpu.memory_space<vmem>>
      tpu.enqueue_dma source(%dma_start3A_231 : memref<80x64xf32, #tpu.memory_space<vmem>>) target(%dma_start3A_228 : memref<80x64xf32, #tpu.memory_space<vmem_shared>>) target_semaphore(%run_scoped3A_221 : memref<!tpu.dma_semaphore, #tpu.memory_space<semaphore_mem>>)
      %dma_wait3A_232 = arith.constant 0 : i32
      %dma_wait3A_233 = arith.constant 0 : i32
      %dma_wait3A_234 = tpu.memref_slice %arg12[%dma_wait3A_232, %dma_wait3A_233] : memref<80x64xf32, #tpu.memory_space<vmem>> -> memref<80x64xf32, #tpu.memory_space<vmem>>
      %dma_wait3A_235 = arith.constant 0 : i32
      %dma_wait3A_236 = tpu.memref_slice %arg17[%add3A_18, %dma_wait3A_235] : memref<10000x64xf32, #tpu.memory_space<vmem_shared>> -> memref<80x64xf32, #tpu.memory_space<vmem_shared>>
      %dma_wait3A_237 = arith.constant 0 : i32
      %dma_wait3A_238 = tpu.memref_slice %arg17[%add3A_18, %dma_wait3A_237] : memref<10000x64xf32, #tpu.memory_space<vmem_shared>> -> memref<80x64xf32, #tpu.memory_space<vmem_shared>>
      %dma_wait3A_239 = arith.constant 0 : i32
      %dma_wait3A_240 = arith.constant 0 : i32
      %dma_wait3A_241 = tpu.memref_slice %arg12[%dma_wait3A_239, %dma_wait3A_240] : memref<80x64xf32, #tpu.memory_space<vmem>> -> memref<80x64xf32, #tpu.memory_space<vmem>>
      tpu.wait_dma2 semaphore(%run_scoped3A_221 : memref<!tpu.dma_semaphore, #tpu.memory_space<semaphore_mem>>) src(%dma_wait3A_241 : memref<80x64xf32, #tpu.memory_space<vmem>>) dst(%dma_wait3A_238 : memref<80x64xf32, #tpu.memory_space<vmem_shared>>)
      tpu.yield
    }) : () -> ()
    %add3A_19 = arith.constant 400 : i32
    %add3A_20 = arith.addi %mul3A_8, %add3A_19 : i32
    "tpu.region"() ({
      %run_scoped3A_221 = tpu.sem_alloc : memref<!tpu.dma_semaphore, #tpu.memory_space<semaphore_mem>>
      %dma_start3A_222 = arith.constant 0 : i32
      %dma_start3A_223 = arith.constant 0 : i32
      %dma_start3A_224 = tpu.memref_slice %arg12[%dma_start3A_222, %dma_start3A_223] : memref<80x64xf32, #tpu.memory_space<vmem>> -> memref<80x64xf32, #tpu.memory_space<vmem>>
      %dma_start3A_225 = arith.constant 0 : i32
      %dma_start3A_226 = tpu.memref_slice %arg17[%add3A_20, %dma_start3A_225] : memref<10000x64xf32, #tpu.memory_space<vmem_shared>> -> memref<80x64xf32, #tpu.memory_space<vmem_shared>>
      %dma_start3A_227 = arith.constant 0 : i32
      %dma_start3A_228 = tpu.memref_slice %arg17[%add3A_20, %dma_start3A_227] : memref<10000x64xf32, #tpu.memory_space<vmem_shared>> -> memref<80x64xf32, #tpu.memory_space<vmem_shared>>
      %dma_start3A_229 = arith.constant 0 : i32
      %dma_start3A_230 = arith.constant 0 : i32
      %dma_start3A_231 = tpu.memref_slice %arg12[%dma_start3A_229, %dma_start3A_230] : memref<80x64xf32, #tpu.memory_space<vmem>> -> memref<80x64xf32, #tpu.memory_space<vmem>>
      tpu.enqueue_dma source(%dma_start3A_231 : memref<80x64xf32, #tpu.memory_space<vmem>>) target(%dma_start3A_228 : memref<80x64xf32, #tpu.memory_space<vmem_shared>>) target_semaphore(%run_scoped3A_221 : memref<!tpu.dma_semaphore, #tpu.memory_space<semaphore_mem>>)
      %dma_wait3A_232 = arith.constant 0 : i32
      %dma_wait3A_233 = arith.constant 0 : i32
      %dma_wait3A_234 = tpu.memref_slice %arg12[%dma_wait3A_232, %dma_wait3A_233] : memref<80x64xf32, #tpu.memory_space<vmem>> -> memref<80x64xf32, #tpu.memory_space<vmem>>
      %dma_wait3A_235 = arith.constant 0 : i32
      %dma_wait3A_236 = tpu.memref_slice %arg17[%add3A_20, %dma_wait3A_235] : memref<10000x64xf32, #tpu.memory_space<vmem_shared>> -> memref<80x64xf32, #tpu.memory_space<vmem_shared>>
      %dma_wait3A_237 = arith.constant 0 : i32
      %dma_wait3A_238 = tpu.memref_slice %arg17[%add3A_20, %dma_wait3A_237] : memref<10000x64xf32, #tpu.memory_space<vmem_shared>> -> memref<80x64xf32, #tpu.memory_space<vmem_shared>>
      %dma_wait3A_239 = arith.constant 0 : i32
      %dma_wait3A_240 = arith.constant 0 : i32
      %dma_wait3A_241 = tpu.memref_slice %arg12[%dma_wait3A_239, %dma_wait3A_240] : memref<80x64xf32, #tpu.memory_space<vmem>> -> memref<80x64xf32, #tpu.memory_space<vmem>>
      tpu.wait_dma2 semaphore(%run_scoped3A_221 : memref<!tpu.dma_semaphore, #tpu.memory_space<semaphore_mem>>) src(%dma_wait3A_241 : memref<80x64xf32, #tpu.memory_space<vmem>>) dst(%dma_wait3A_238 : memref<80x64xf32, #tpu.memory_space<vmem_shared>>)
      tpu.yield
    }) : () -> ()
    %add3A_21 = arith.constant 480 : i32
    %add3A_22 = arith.addi %mul3A_8, %add3A_21 : i32
    "tpu.region"() ({
      %run_scoped3A_221 = tpu.sem_alloc : memref<!tpu.dma_semaphore, #tpu.memory_space<semaphore_mem>>
      %dma_start3A_222 = arith.constant 0 : i32
      %dma_start3A_223 = arith.constant 0 : i32
      %dma_start3A_224 = tpu.memref_slice %arg12[%dma_start3A_222, %dma_start3A_223] : memref<80x64xf32, #tpu.memory_space<vmem>> -> memref<80x64xf32, #tpu.memory_space<vmem>>
      %dma_start3A_225 = arith.constant 0 : i32
      %dma_start3A_226 = tpu.memref_slice %arg17[%add3A_22, %dma_start3A_225] : memref<10000x64xf32, #tpu.memory_space<vmem_shared>> -> memref<80x64xf32, #tpu.memory_space<vmem_shared>>
      %dma_start3A_227 = arith.constant 0 : i32
      %dma_start3A_228 = tpu.memref_slice %arg17[%add3A_22, %dma_start3A_227] : memref<10000x64xf32, #tpu.memory_space<vmem_shared>> -> memref<80x64xf32, #tpu.memory_space<vmem_shared>>
      %dma_start3A_229 = arith.constant 0 : i32
      %dma_start3A_230 = arith.constant 0 : i32
      %dma_start3A_231 = tpu.memref_slice %arg12[%dma_start3A_229, %dma_start3A_230] : memref<80x64xf32, #tpu.memory_space<vmem>> -> memref<80x64xf32, #tpu.memory_space<vmem>>
      tpu.enqueue_dma source(%dma_start3A_231 : memref<80x64xf32, #tpu.memory_space<vmem>>) target(%dma_start3A_228 : memref<80x64xf32, #tpu.memory_space<vmem_shared>>) target_semaphore(%run_scoped3A_221 : memref<!tpu.dma_semaphore, #tpu.memory_space<semaphore_mem>>)
      %dma_wait3A_232 = arith.constant 0 : i32
      %dma_wait3A_233 = arith.constant 0 : i32
      %dma_wait3A_234 = tpu.memref_slice %arg12[%dma_wait3A_232, %dma_wait3A_233] : memref<80x64xf32, #tpu.memory_space<vmem>> -> memref<80x64xf32, #tpu.memory_space<vmem>>
      %dma_wait3A_235 = arith.constant 0 : i32
      %dma_wait3A_236 = tpu.memref_slice %arg17[%add3A_22, %dma_wait3A_235] : memref<10000x64xf32, #tpu.memory_space<vmem_shared>> -> memref<80x64xf32, #tpu.memory_space<vmem_shared>>
      %dma_wait3A_237 = arith.constant 0 : i32
      %dma_wait3A_238 = tpu.memref_slice %arg17[%add3A_22, %dma_wait3A_237] : memref<10000x64xf32, #tpu.memory_space<vmem_shared>> -> memref<80x64xf32, #tpu.memory_space<vmem_shared>>
      %dma_wait3A_239 = arith.constant 0 : i32
      %dma_wait3A_240 = arith.constant 0 : i32
      %dma_wait3A_241 = tpu.memref_slice %arg12[%dma_wait3A_239, %dma_wait3A_240] : memref<80x64xf32, #tpu.memory_space<vmem>> -> memref<80x64xf32, #tpu.memory_space<vmem>>
      tpu.wait_dma2 semaphore(%run_scoped3A_221 : memref<!tpu.dma_semaphore, #tpu.memory_space<semaphore_mem>>) src(%dma_wait3A_241 : memref<80x64xf32, #tpu.memory_space<vmem>>) dst(%dma_wait3A_238 : memref<80x64xf32, #tpu.memory_space<vmem_shared>>)
      tpu.yield
    }) : () -> ()
    %add3A_23 = arith.constant 560 : i32
    %add3A_24 = arith.addi %mul3A_8, %add3A_23 : i32
    "tpu.region"() ({
      %run_scoped3A_221 = tpu.sem_alloc : memref<!tpu.dma_semaphore, #tpu.memory_space<semaphore_mem>>
      %dma_start3A_222 = arith.constant 0 : i32
      %dma_start3A_223 = arith.constant 0 : i32
      %dma_start3A_224 = tpu.memref_slice %arg12[%dma_start3A_222, %dma_start3A_223] : memref<80x64xf32, #tpu.memory_space<vmem>> -> memref<65x64xf32, #tpu.memory_space<vmem>>
      %dma_start3A_225 = arith.constant 0 : i32
      %dma_start3A_226 = tpu.memref_slice %arg17[%add3A_24, %dma_start3A_225] : memref<10000x64xf32, #tpu.memory_space<vmem_shared>> -> memref<65x64xf32, #tpu.memory_space<vmem_shared>>
      %dma_start3A_227 = arith.constant 0 : i32
      %dma_start3A_228 = tpu.memref_slice %arg17[%add3A_24, %dma_start3A_227] : memref<10000x64xf32, #tpu.memory_space<vmem_shared>> -> memref<65x64xf32, #tpu.memory_space<vmem_shared>>
      %dma_start3A_229 = arith.constant 0 : i32
      %dma_start3A_230 = arith.constant 0 : i32
      %dma_start3A_231 = tpu.memref_slice %arg12[%dma_start3A_229, %dma_start3A_230] : memref<80x64xf32, #tpu.memory_space<vmem>> -> memref<65x64xf32, #tpu.memory_space<vmem>>
      tpu.enqueue_dma source(%dma_start3A_231 : memref<65x64xf32, #tpu.memory_space<vmem>>) target(%dma_start3A_228 : memref<65x64xf32, #tpu.memory_space<vmem_shared>>) target_semaphore(%run_scoped3A_221 : memref<!tpu.dma_semaphore, #tpu.memory_space<semaphore_mem>>)
      %dma_wait3A_232 = arith.constant 0 : i32
      %dma_wait3A_233 = arith.constant 0 : i32
      %dma_wait3A_234 = tpu.memref_slice %arg12[%dma_wait3A_232, %dma_wait3A_233] : memref<80x64xf32, #tpu.memory_space<vmem>> -> memref<65x64xf32, #tpu.memory_space<vmem>>
      %dma_wait3A_235 = arith.constant 0 : i32
      %dma_wait3A_236 = tpu.memref_slice %arg17[%add3A_24, %dma_wait3A_235] : memref<10000x64xf32, #tpu.memory_space<vmem_shared>> -> memref<65x64xf32, #tpu.memory_space<vmem_shared>>
      %dma_wait3A_237 = arith.constant 0 : i32
      %dma_wait3A_238 = tpu.memref_slice %arg17[%add3A_24, %dma_wait3A_237] : memref<10000x64xf32, #tpu.memory_space<vmem_shared>> -> memref<65x64xf32, #tpu.memory_space<vmem_shared>>
      %dma_wait3A_239 = arith.constant 0 : i32
      %dma_wait3A_240 = arith.constant 0 : i32
      %dma_wait3A_241 = tpu.memref_slice %arg12[%dma_wait3A_239, %dma_wait3A_240] : memref<80x64xf32, #tpu.memory_space<vmem>> -> memref<65x64xf32, #tpu.memory_space<vmem>>
      tpu.wait_dma2 semaphore(%run_scoped3A_221 : memref<!tpu.dma_semaphore, #tpu.memory_space<semaphore_mem>>) src(%dma_wait3A_241 : memref<65x64xf32, #tpu.memory_space<vmem>>) dst(%dma_wait3A_238 : memref<65x64xf32, #tpu.memory_space<vmem_shared>>)
      tpu.yield
    }) : () -> ()
    %scan3A_25 = arith.constant 0 : i32
    %scan3A_26 = arith.constant 0 : i32
    %scan3A_27 = arith.constant 640 : i32
    %scan3A_28 = arith.addi %scan3A_26, %scan3A_27 : i32
    %scan3A_29 = arith.constant 1 : i32
    scf.for %scan3A_221 = %scan3A_26 to %scan3A_28 step %scan3A_29  : i32 {
      %mul3A_222 = arith.constant 16 : i32
      %mul3A_223 = arith.muli %scan3A_221, %mul3A_222 : i32
      %swap3A = arith.index_cast %mul3A_223 : i32 to index
      %swap3A_224 = tpu.vector_load %arg16[%swap3A] {strides = array<i32>} : memref<10240xf32, #tpu.memory_space<vmem>>, vector<16xf32>,
      tpu.vector_store %arg16[%swap3A], %broadcast_in_dim3A_1 {strides = array<i32>} : memref<10240xf32, #tpu.memory_space<vmem>>, vector<16xf32>,
    }
    %scan3A_30 = arith.constant 640 : i32
    %barrier3A = arith.constant 0 : index
    tpu.barrier barrier_id(%barrier3A)
    "tpu.region"() ({
      %run_scoped3A_221 = tpu.sem_alloc : memref<!tpu.dma_semaphore, #tpu.memory_space<semaphore_mem>>
      %dma_start3A_222 = arith.constant 0 : i32
      %dma_start3A_223 = arith.constant 0 : i32
      %dma_start3A_224 = tpu.memref_slice %arg3[%arg1, %dma_start3A_222, %dma_start3A_223] : memref<16x250x80xi32, #tpu.memory_space<hbm>> -> memref<1x250x80xi32, #tpu.memory_space<hbm>>
      %dma_start3A_225 = tpu.memref_squeeze %dma_start3A_224 : memref<1x250x80xi32, #tpu.memory_space<hbm>> -> memref<250x80xi32, #tpu.memory_space<hbm>>
      %dma_start3A_226 = arith.constant 0 : i32
      %dma_start3A_227 = arith.constant 0 : i32
      %dma_start3A_228 = tpu.memref_slice %arg3[%arg1, %dma_start3A_226, %dma_start3A_227] : memref<16x250x80xi32, #tpu.memory_space<hbm>> -> memref<1x250x80xi32, #tpu.memory_space<hbm>>
      %dma_start3A_229 = tpu.memref_squeeze %dma_start3A_228 : memref<1x250x80xi32, #tpu.memory_space<hbm>> -> memref<250x80xi32, #tpu.memory_space<hbm>>
      tpu.enqueue_dma source(%dma_start3A_229 : memref<250x80xi32, #tpu.memory_space<hbm>>) target(%arg9 : memref<250x80xi32, #tpu.memory_space<vmem>>) target_semaphore(%run_scoped3A_221 : memref<!tpu.dma_semaphore, #tpu.memory_space<semaphore_mem>>)
      %dma_wait3A_230 = arith.constant 0 : i32
      %dma_wait3A_231 = arith.constant 0 : i32
      %dma_wait3A_232 = tpu.memref_slice %arg3[%arg1, %dma_wait3A_230, %dma_wait3A_231] : memref<16x250x80xi32, #tpu.memory_space<hbm>> -> memref<1x250x80xi32, #tpu.memory_space<hbm>>
      %dma_wait3A_233 = tpu.memref_squeeze %dma_wait3A_232 : memref<1x250x80xi32, #tpu.memory_space<hbm>> -> memref<250x80xi32, #tpu.memory_space<hbm>>
      %dma_wait3A_234 = arith.constant 0 : i32
      %dma_wait3A_235 = arith.constant 0 : i32
      %dma_wait3A_236 = tpu.memref_slice %arg3[%arg1, %dma_wait3A_234, %dma_wait3A_235] : memref<16x250x80xi32, #tpu.memory_space<hbm>> -> memref<1x250x80xi32, #tpu.memory_space<hbm>>
      %dma_wait3A_237 = tpu.memref_squeeze %dma_wait3A_236 : memref<1x250x80xi32, #tpu.memory_space<hbm>> -> memref<250x80xi32, #tpu.memory_space<hbm>>
      tpu.wait_dma2 semaphore(%run_scoped3A_221 : memref<!tpu.dma_semaphore, #tpu.memory_space<semaphore_mem>>) src(%dma_wait3A_237 : memref<250x80xi32, #tpu.memory_space<hbm>>) dst(%arg9 : memref<250x80xi32, #tpu.memory_space<vmem>>)
      tpu.yield
    }) : () -> ()
    "tpu.region"() ({
      %run_scoped3A_221 = tpu.sem_alloc : memref<!tpu.dma_semaphore, #tpu.memory_space<semaphore_mem>>
      %dma_start3A_222 = arith.constant 0 : i32
      %dma_start3A_223 = arith.constant 0 : i32
      %dma_start3A_224 = tpu.memref_slice %arg4[%arg1, %dma_start3A_222, %dma_start3A_223] : memref<16x250x80xi32, #tpu.memory_space<hbm>> -> memref<1x250x80xi32, #tpu.memory_space<hbm>>
      %dma_start3A_225 = tpu.memref_squeeze %dma_start3A_224 : memref<1x250x80xi32, #tpu.memory_space<hbm>> -> memref<250x80xi32, #tpu.memory_space<hbm>>
      %dma_start3A_226 = arith.constant 0 : i32
      %dma_start3A_227 = arith.constant 0 : i32
      %dma_start3A_228 = tpu.memref_slice %arg4[%arg1, %dma_start3A_226, %dma_start3A_227] : memref<16x250x80xi32, #tpu.memory_space<hbm>> -> memref<1x250x80xi32, #tpu.memory_space<hbm>>
      %dma_start3A_229 = tpu.memref_squeeze %dma_start3A_228 : memref<1x250x80xi32, #tpu.memory_space<hbm>> -> memref<250x80xi32, #tpu.memory_space<hbm>>
      tpu.enqueue_dma source(%dma_start3A_229 : memref<250x80xi32, #tpu.memory_space<hbm>>) target(%arg10 : memref<250x80xi32, #tpu.memory_space<vmem>>) target_semaphore(%run_scoped3A_221 : memref<!tpu.dma_semaphore, #tpu.memory_space<semaphore_mem>>)
      %dma_wait3A_230 = arith.constant 0 : i32
      %dma_wait3A_231 = arith.constant 0 : i32
      %dma_wait3A_232 = tpu.memref_slice %arg4[%arg1, %dma_wait3A_230, %dma_wait3A_231] : memref<16x250x80xi32, #tpu.memory_space<hbm>> -> memref<1x250x80xi32, #tpu.memory_space<hbm>>
      %dma_wait3A_233 = tpu.memref_squeeze %dma_wait3A_232 : memref<1x250x80xi32, #tpu.memory_space<hbm>> -> memref<250x80xi32, #tpu.memory_space<hbm>>
      %dma_wait3A_234 = arith.constant 0 : i32
      %dma_wait3A_235 = arith.constant 0 : i32
      %dma_wait3A_236 = tpu.memref_slice %arg4[%arg1, %dma_wait3A_234, %dma_wait3A_235] : memref<16x250x80xi32, #tpu.memory_space<hbm>> -> memref<1x250x80xi32, #tpu.memory_space<hbm>>
      %dma_wait3A_237 = tpu.memref_squeeze %dma_wait3A_236 : memref<1x250x80xi32, #tpu.memory_space<hbm>> -> memref<250x80xi32, #tpu.memory_space<hbm>>
      tpu.wait_dma2 semaphore(%run_scoped3A_221 : memref<!tpu.dma_semaphore, #tpu.memory_space<semaphore_mem>>) src(%dma_wait3A_237 : memref<250x80xi32, #tpu.memory_space<hbm>>) dst(%arg10 : memref<250x80xi32, #tpu.memory_space<vmem>>)
      tpu.yield
    }) : () -> ()
    "tpu.region"() ({
      %run_scoped3A_221 = tpu.sem_alloc : memref<!tpu.dma_semaphore, #tpu.memory_space<semaphore_mem>>
      %dma_start3A_222 = arith.constant 0 : i32
      %dma_start3A_223 = arith.constant 0 : i32
      %dma_start3A_224 = tpu.memref_slice %arg5[%arg1, %dma_start3A_222, %dma_start3A_223] : memref<16x250x80xi32, #tpu.memory_space<hbm>> -> memref<1x250x80xi32, #tpu.memory_space<hbm>>
      %dma_start3A_225 = tpu.memref_squeeze %dma_start3A_224 : memref<1x250x80xi32, #tpu.memory_space<hbm>> -> memref<250x80xi32, #tpu.memory_space<hbm>>
      %dma_start3A_226 = arith.constant 0 : i32
      %dma_start3A_227 = arith.constant 0 : i32
      %dma_start3A_228 = tpu.memref_slice %arg5[%arg1, %dma_start3A_226, %dma_start3A_227] : memref<16x250x80xi32, #tpu.memory_space<hbm>> -> memref<1x250x80xi32, #tpu.memory_space<hbm>>
      %dma_start3A_229 = tpu.memref_squeeze %dma_start3A_228 : memref<1x250x80xi32, #tpu.memory_space<hbm>> -> memref<250x80xi32, #tpu.memory_space<hbm>>
      tpu.enqueue_dma source(%dma_start3A_229 : memref<250x80xi32, #tpu.memory_space<hbm>>) target(%arg11 : memref<250x80xi32, #tpu.memory_space<vmem>>) target_semaphore(%run_scoped3A_221 : memref<!tpu.dma_semaphore, #tpu.memory_space<semaphore_mem>>)
      %dma_wait3A_230 = arith.constant 0 : i32
      %dma_wait3A_231 = arith.constant 0 : i32
      %dma_wait3A_232 = tpu.memref_slice %arg5[%arg1, %dma_wait3A_230, %dma_wait3A_231] : memref<16x250x80xi32, #tpu.memory_space<hbm>> -> memref<1x250x80xi32, #tpu.memory_space<hbm>>
      %dma_wait3A_233 = tpu.memref_squeeze %dma_wait3A_232 : memref<1x250x80xi32, #tpu.memory_space<hbm>> -> memref<250x80xi32, #tpu.memory_space<hbm>>
      %dma_wait3A_234 = arith.constant 0 : i32
      %dma_wait3A_235 = arith.constant 0 : i32
      %dma_wait3A_236 = tpu.memref_slice %arg5[%arg1, %dma_wait3A_234, %dma_wait3A_235] : memref<16x250x80xi32, #tpu.memory_space<hbm>> -> memref<1x250x80xi32, #tpu.memory_space<hbm>>
      %dma_wait3A_237 = tpu.memref_squeeze %dma_wait3A_236 : memref<1x250x80xi32, #tpu.memory_space<hbm>> -> memref<250x80xi32, #tpu.memory_space<hbm>>
      tpu.wait_dma2 semaphore(%run_scoped3A_221 : memref<!tpu.dma_semaphore, #tpu.memory_space<semaphore_mem>>) src(%dma_wait3A_237 : memref<250x80xi32, #tpu.memory_space<hbm>>) dst(%arg11 : memref<250x80xi32, #tpu.memory_space<vmem>>)
      tpu.yield
    }) : () -> ()
    %mul3A_31 = arith.constant 92160 : i32
    %mul3A_32 = arith.muli %arg0, %mul3A_31 : i32
    %scan3A_33 = arith.constant 0 : i32
    %scan3A_34 = arith.constant 0 : i32
    %scan3A_35 = arith.constant 250 : i32
    %scan3A_36 = arith.addi %scan3A_34, %scan3A_35 : i32
    %scan3A_37 = arith.constant 1 : i32
    scf.for %scan3A_221 = %scan3A_34 to %scan3A_36 step %scan3A_37  : i32 {
      %get3A_222 = arith.index_cast %scan3A_221 : i32 to index
      %get3A_223 = arith.constant 0 : index
      %get3A_224 = tpu.vector_load %arg11[%get3A_222, %get3A_223] {strides = array<i32>} : memref<250x80xi32, #tpu.memory_space<vmem>>, vector<16xi32>,
      %mul3A_225 = arith.constant 10240 : i32
      %mul3A_226 = vector.broadcast %mul3A_225 : i32 to vector<16xi32>
      %mul3A_227 = arith.muli %get3A_224, %mul3A_226 : vector<16xi32>
      %get3A_228 = arith.index_cast %scan3A_221 : i32 to index
      %get3A_229 = arith.constant 0 : index
      %get3A_230 = tpu.vector_load %arg9[%get3A_228, %get3A_229] {strides = array<i32>} : memref<250x80xi32, #tpu.memory_space<vmem>>, vector<16xi32>,
      %add3A_231 = arith.addi %mul3A_227, %get3A_230 : vector<16xi32>
      %add3A_232 = vector.broadcast %mul3A_32 : i32 to vector<16xi32>
      %add3A_233 = arith.addi %add3A_231, %add3A_232 : vector<16xi32>
      %swap3A = arith.index_cast %scan3A_221 : i32 to index
      %swap3A_234 = arith.constant 0 : index
      %swap3A_235 = tpu.vector_load %arg11[%swap3A, %swap3A_234] {strides = array<i32>} : memref<250x80xi32, #tpu.memory_space<vmem>>, vector<16xi32>,
      tpu.vector_store %arg11[%swap3A, %swap3A_234], %add3A_233 {strides = array<i32>} : memref<250x80xi32, #tpu.memory_space<vmem>>, vector<16xi32>,
      %get3A_236 = arith.index_cast %scan3A_221 : i32 to index
      %get3A_237 = arith.constant 16 : index
      %get3A_238 = tpu.vector_load %arg11[%get3A_236, %get3A_237] {strides = array<i32>} : memref<250x80xi32, #tpu.memory_space<vmem>>, vector<16xi32>,
      %mul3A_239 = arith.constant 10240 : i32
      %mul3A_240 = vector.broadcast %mul3A_239 : i32 to vector<16xi32>
      %mul3A_241 = arith.muli %get3A_238, %mul3A_240 : vector<16xi32>
      %get3A_242 = arith.index_cast %scan3A_221 : i32 to index
      %get3A_243 = arith.constant 16 : index
      %get3A_244 = tpu.vector_load %arg9[%get3A_242, %get3A_243] {strides = array<i32>} : memref<250x80xi32, #tpu.memory_space<vmem>>, vector<16xi32>,
      %add3A_245 = arith.addi %mul3A_241, %get3A_244 : vector<16xi32>
      %add3A_246 = vector.broadcast %mul3A_32 : i32 to vector<16xi32>
      %add3A_247 = arith.addi %add3A_245, %add3A_246 : vector<16xi32>
      %swap3A_248 = arith.index_cast %scan3A_221 : i32 to index
      %swap3A_249 = arith.constant 16 : index
      %swap3A_250 = tpu.vector_load %arg11[%swap3A_248, %swap3A_249] {strides = array<i32>} : memref<250x80xi32, #tpu.memory_space<vmem>>, vector<16xi32>,
      tpu.vector_store %arg11[%swap3A_248, %swap3A_249], %add3A_247 {strides = array<i32>} : memref<250x80xi32, #tpu.memory_space<vmem>>, vector<16xi32>,
      %get3A_251 = arith.index_cast %scan3A_221 : i32 to index
      %get3A_252 = arith.constant 32 : index
      %get3A_253 = tpu.vector_load %arg11[%get3A_251, %get3A_252] {strides = array<i32>} : memref<250x80xi32, #tpu.memory_space<vmem>>, vector<16xi32>,
      %mul3A_254 = arith.constant 10240 : i32
      %mul3A_255 = vector.broadcast %mul3A_254 : i32 to vector<16xi32>
      %mul3A_256 = arith.muli %get3A_253, %mul3A_255 : vector<16xi32>
      %get3A_257 = arith.index_cast %scan3A_221 : i32 to index
      %get3A_258 = arith.constant 32 : index
      %get3A_259 = tpu.vector_load %arg9[%get3A_257, %get3A_258] {strides = array<i32>} : memref<250x80xi32, #tpu.memory_space<vmem>>, vector<16xi32>,
      %add3A_260 = arith.addi %mul3A_256, %get3A_259 : vector<16xi32>
      %add3A_261 = vector.broadcast %mul3A_32 : i32 to vector<16xi32>
      %add3A_262 = arith.addi %add3A_260, %add3A_261 : vector<16xi32>
      %swap3A_263 = arith.index_cast %scan3A_221 : i32 to index
      %swap3A_264 = arith.constant 32 : index
      %swap3A_265 = tpu.vector_load %arg11[%swap3A_263, %swap3A_264] {strides = array<i32>} : memref<250x80xi32, #tpu.memory_space<vmem>>, vector<16xi32>,
      tpu.vector_store %arg11[%swap3A_263, %swap3A_264], %add3A_262 {strides = array<i32>} : memref<250x80xi32, #tpu.memory_space<vmem>>, vector<16xi32>,
      %get3A_266 = arith.index_cast %scan3A_221 : i32 to index
      %get3A_267 = arith.constant 48 : index
      %get3A_268 = tpu.vector_load %arg11[%get3A_266, %get3A_267] {strides = array<i32>} : memref<250x80xi32, #tpu.memory_space<vmem>>, vector<16xi32>,
      %mul3A_269 = arith.constant 10240 : i32
      %mul3A_270 = vector.broadcast %mul3A_269 : i32 to vector<16xi32>
      %mul3A_271 = arith.muli %get3A_268, %mul3A_270 : vector<16xi32>
      %get3A_272 = arith.index_cast %scan3A_221 : i32 to index
      %get3A_273 = arith.constant 48 : index
      %get3A_274 = tpu.vector_load %arg9[%get3A_272, %get3A_273] {strides = array<i32>} : memref<250x80xi32, #tpu.memory_space<vmem>>, vector<16xi32>,
      %add3A_275 = arith.addi %mul3A_271, %get3A_274 : vector<16xi32>
      %add3A_276 = vector.broadcast %mul3A_32 : i32 to vector<16xi32>
      %add3A_277 = arith.addi %add3A_275, %add3A_276 : vector<16xi32>
      %swap3A_278 = arith.index_cast %scan3A_221 : i32 to index
      %swap3A_279 = arith.constant 48 : index
      %swap3A_280 = tpu.vector_load %arg11[%swap3A_278, %swap3A_279] {strides = array<i32>} : memref<250x80xi32, #tpu.memory_space<vmem>>, vector<16xi32>,
      tpu.vector_store %arg11[%swap3A_278, %swap3A_279], %add3A_277 {strides = array<i32>} : memref<250x80xi32, #tpu.memory_space<vmem>>, vector<16xi32>,
      %get3A_281 = arith.index_cast %scan3A_221 : i32 to index
      %get3A_282 = arith.constant 64 : index
      %get3A_283 = tpu.vector_load %arg11[%get3A_281, %get3A_282] {strides = array<i32>} : memref<250x80xi32, #tpu.memory_space<vmem>>, vector<16xi32>,
      %mul3A_284 = arith.constant 10240 : i32
      %mul3A_285 = vector.broadcast %mul3A_284 : i32 to vector<16xi32>
      %mul3A_286 = arith.muli %get3A_283, %mul3A_285 : vector<16xi32>
      %get3A_287 = arith.index_cast %scan3A_221 : i32 to index
      %get3A_288 = arith.constant 64 : index
      %get3A_289 = tpu.vector_load %arg9[%get3A_287, %get3A_288] {strides = array<i32>} : memref<250x80xi32, #tpu.memory_space<vmem>>, vector<16xi32>,
      %add3A_290 = arith.addi %mul3A_286, %get3A_289 : vector<16xi32>
      %add3A_291 = vector.broadcast %mul3A_32 : i32 to vector<16xi32>
      %add3A_292 = arith.addi %add3A_290, %add3A_291 : vector<16xi32>
      %swap3A_293 = arith.index_cast %scan3A_221 : i32 to index
      %swap3A_294 = arith.constant 64 : index
      %swap3A_295 = tpu.vector_load %arg11[%swap3A_293, %swap3A_294] {strides = array<i32>} : memref<250x80xi32, #tpu.memory_space<vmem>>, vector<16xi32>,
      tpu.vector_store %arg11[%swap3A_293, %swap3A_294], %add3A_292 {strides = array<i32>} : memref<250x80xi32, #tpu.memory_space<vmem>>, vector<16xi32>,
    }
    %scan3A_38 = arith.constant 250 : i32
    %broadcast_in_dim3A_39 = arith.constant 1.000000e+00 : f32
    %broadcast_in_dim3A_40 = vector.broadcast %broadcast_in_dim3A_39 : f32 to vector<16xf32>
    %dma_start3A = arith.constant 0 : i32
    %dma_start3A_41 = arith.constant 0 : i32
    %dma_start3A_42 = tpu.memref_slice %arg11[%dma_start3A, %dma_start3A_41] : memref<250x80xi32, #tpu.memory_space<vmem>> -> memref<1x80xi32, #tpu.memory_space<vmem>>
    %dma_start3A_43 = tpu.memref_squeeze %dma_start3A_42 : memref<1x80xi32, #tpu.memory_space<vmem>> -> memref<80xi32, #tpu.memory_space<vmem>>
    %dma_start3A_44 = arith.constant 0 : i32
    %dma_start3A_45 = arith.constant 0 : i32
    %dma_start3A_46 = tpu.memref_slice %arg2[%dma_start3A_44, %dma_start3A_45] : memref<184320x64xf32, #tpu.memory_space<hbm>> -> memref<184320x64xf32, #tpu.memory_space<hbm>>
    tpu.enqueue_indirect_dma source(%dma_start3A_46 : memref<184320x64xf32, #tpu.memory_space<hbm>>) target(%arg12 : memref<80x64xf32, #tpu.memory_space<vmem>>) offsets(%dma_start3A_43 : memref<80xi32, #tpu.memory_space<vmem>>) semaphore(%arg18 : memref<!tpu.dma_semaphore, #tpu.memory_space<semaphore_mem>>)
    %dma_start3A_47 = arith.constant 1 : i32
    %dma_start3A_48 = arith.constant 0 : i32
    %dma_start3A_49 = tpu.memref_slice %arg11[%dma_start3A_47, %dma_start3A_48] : memref<250x80xi32, #tpu.memory_space<vmem>> -> memref<1x80xi32, #tpu.memory_space<vmem>>
    %dma_start3A_50 = tpu.memref_squeeze %dma_start3A_49 : memref<1x80xi32, #tpu.memory_space<vmem>> -> memref<80xi32, #tpu.memory_space<vmem>>
    %dma_start3A_51 = arith.constant 0 : i32
    %dma_start3A_52 = arith.constant 0 : i32
    %dma_start3A_53 = tpu.memref_slice %arg2[%dma_start3A_51, %dma_start3A_52] : memref<184320x64xf32, #tpu.memory_space<hbm>> -> memref<184320x64xf32, #tpu.memory_space<hbm>>
    tpu.enqueue_indirect_dma source(%dma_start3A_53 : memref<184320x64xf32, #tpu.memory_space<hbm>>) target(%arg13 : memref<80x64xf32, #tpu.memory_space<vmem>>) offsets(%dma_start3A_50 : memref<80xi32, #tpu.memory_space<vmem>>) semaphore(%arg19 : memref<!tpu.dma_semaphore, #tpu.memory_space<semaphore_mem>>)
    %dma_start3A_54 = arith.constant 2 : i32
    %dma_start3A_55 = arith.constant 0 : i32
    %dma_start3A_56 = tpu.memref_slice %arg11[%dma_start3A_54, %dma_start3A_55] : memref<250x80xi32, #tpu.memory_space<vmem>> -> memref<1x80xi32, #tpu.memory_space<vmem>>
    %dma_start3A_57 = tpu.memref_squeeze %dma_start3A_56 : memref<1x80xi32, #tpu.memory_space<vmem>> -> memref<80xi32, #tpu.memory_space<vmem>>
    %dma_start3A_58 = arith.constant 0 : i32
    %dma_start3A_59 = arith.constant 0 : i32
    %dma_start3A_60 = tpu.memref_slice %arg2[%dma_start3A_58, %dma_start3A_59] : memref<184320x64xf32, #tpu.memory_space<hbm>> -> memref<184320x64xf32, #tpu.memory_space<hbm>>
    tpu.enqueue_indirect_dma source(%dma_start3A_60 : memref<184320x64xf32, #tpu.memory_space<hbm>>) target(%arg14 : memref<80x64xf32, #tpu.memory_space<vmem>>) offsets(%dma_start3A_57 : memref<80xi32, #tpu.memory_space<vmem>>) semaphore(%arg20 : memref<!tpu.dma_semaphore, #tpu.memory_space<semaphore_mem>>)
    %dma_start3A_61 = arith.constant 3 : i32
    %dma_start3A_62 = arith.constant 0 : i32
    %dma_start3A_63 = tpu.memref_slice %arg11[%dma_start3A_61, %dma_start3A_62] : memref<250x80xi32, #tpu.memory_space<vmem>> -> memref<1x80xi32, #tpu.memory_space<vmem>>
    %dma_start3A_64 = tpu.memref_squeeze %dma_start3A_63 : memref<1x80xi32, #tpu.memory_space<vmem>> -> memref<80xi32, #tpu.memory_space<vmem>>
    %dma_start3A_65 = arith.constant 0 : i32
    %dma_start3A_66 = arith.constant 0 : i32
    %dma_start3A_67 = tpu.memref_slice %arg2[%dma_start3A_65, %dma_start3A_66] : memref<184320x64xf32, #tpu.memory_space<hbm>> -> memref<184320x64xf32, #tpu.memory_space<hbm>>
    tpu.enqueue_indirect_dma source(%dma_start3A_67 : memref<184320x64xf32, #tpu.memory_space<hbm>>) target(%arg15 : memref<80x64xf32, #tpu.memory_space<vmem>>) offsets(%dma_start3A_64 : memref<80xi32, #tpu.memory_space<vmem>>) semaphore(%arg21 : memref<!tpu.dma_semaphore, #tpu.memory_space<semaphore_mem>>)
    %scan3A_68 = arith.constant 0 : i32
    %scan3A_69 = arith.constant 0 : i32
    %scan3A_70 = arith.constant 62 : i32
    %scan3A_71 = arith.addi %scan3A_69, %scan3A_70 : i32
    %scan3A_72 = arith.constant 1 : i32
    scf.for %scan3A_221 = %scan3A_69 to %scan3A_71 step %scan3A_72  : i32 {
      %mul3A_222 = arith.constant 4 : i32
      %mul3A_223 = arith.muli %mul3A_222, %scan3A_221 : i32
      %add3A_224 = arith.constant 0 : i32
      %add3A_225 = arith.addi %mul3A_223, %add3A_224 : i32
      %dma_wait3A_226 = arith.constant 0 : i32
      %dma_wait3A_227 = arith.constant 0 : i32
      %dma_wait3A_228 = tpu.memref_slice %arg2[%dma_wait3A_226, %dma_wait3A_227] : memref<184320x64xf32, #tpu.memory_space<hbm>> -> memref<80x64xf32, #tpu.memory_space<hbm>>
      %dma_wait3A_229 = arith.constant 0 : i32
      %dma_wait3A_230 = arith.constant 0 : i32
      %dma_wait3A_231 = tpu.memref_slice %arg2[%dma_wait3A_229, %dma_wait3A_230] : memref<184320x64xf32, #tpu.memory_space<hbm>> -> memref<80x64xf32, #tpu.memory_space<hbm>>
      tpu.wait_dma2 semaphore(%arg18 : memref<!tpu.dma_semaphore, #tpu.memory_space<semaphore_mem>>) src(%dma_wait3A_231 : memref<80x64xf32, #tpu.memory_space<hbm>>) dst(%arg12 : memref<80x64xf32, #tpu.memory_space<vmem>>)
      "tpu.region"() ({
        %run_scoped3A_349 = tpu.sem_alloc : memref<!tpu.dma_semaphore, #tpu.memory_space<semaphore_mem>>
        %dma_start3A_350 = arith.constant 0 : i32
        %dma_start3A_351 = tpu.memref_slice %arg10[%add3A_225, %dma_start3A_350] : memref<250x80xi32, #tpu.memory_space<vmem>> -> memref<1x80xi32, #tpu.memory_space<vmem>>
        %dma_start3A_352 = tpu.memref_squeeze %dma_start3A_351 : memref<1x80xi32, #tpu.memory_space<vmem>> -> memref<80xi32, #tpu.memory_space<vmem>>
        %dma_start3A_353 = arith.constant 0 : i32
        %dma_start3A_354 = arith.constant 0 : i32
        %dma_start3A_355 = tpu.memref_slice %arg17[%dma_start3A_353, %dma_start3A_354] : memref<10000x64xf32, #tpu.memory_space<vmem_shared>> -> memref<10000x64xf32, #tpu.memory_space<vmem_shared>>
        tpu.enqueue_indirect_dma source(%arg12 : memref<80x64xf32, #tpu.memory_space<vmem>>) target(%dma_start3A_355 : memref<10000x64xf32, #tpu.memory_space<vmem_shared>>) offsets(%dma_start3A_352 : memref<80xi32, #tpu.memory_space<vmem>>) semaphore(%run_scoped3A_349 : memref<!tpu.dma_semaphore, #tpu.memory_space<semaphore_mem>>) {add = true}
        %dma_wait3A_356 = arith.constant 0 : i32
        %dma_wait3A_357 = tpu.memref_slice %arg10[%add3A_225, %dma_wait3A_356] : memref<250x80xi32, #tpu.memory_space<vmem>> -> memref<1x80xi32, #tpu.memory_space<vmem>>
        %dma_wait3A_358 = tpu.memref_squeeze %dma_wait3A_357 : memref<1x80xi32, #tpu.memory_space<vmem>> -> memref<80xi32, #tpu.memory_space<vmem>>
        %dma_wait3A_359 = arith.constant 0 : i32
        %dma_wait3A_360 = arith.constant 0 : i32
        %dma_wait3A_361 = tpu.memref_slice %arg17[%dma_wait3A_359, %dma_wait3A_360] : memref<10000x64xf32, #tpu.memory_space<vmem_shared>> -> memref<10000x64xf32, #tpu.memory_space<vmem_shared>>
        tpu.wait_indirect_dma semaphore(%run_scoped3A_349 : memref<!tpu.dma_semaphore, #tpu.memory_space<semaphore_mem>>) src(%arg12 : memref<80x64xf32, #tpu.memory_space<vmem>>) dst(%dma_wait3A_361 : memref<10000x64xf32, #tpu.memory_space<vmem_shared>>)
        tpu.yield
      }) : () -> ()
      %get3A_232 = arith.index_cast %add3A_225 : i32 to index
      %get3A_233 = arith.constant 0 : index
      %get3A_234 = tpu.vector_load %arg10[%get3A_232, %get3A_233] {strides = array<i32>} : memref<250x80xi32, #tpu.memory_space<vmem>>, vector<16xi32>,
      tpu.vector_store_idx %arg16[%get3A_234], %broadcast_in_dim3A_40 {add = true} : memref<10240xf32, #tpu.memory_space<vmem>>[vector<16xi32>], vector<16xf32>,
      %get3A_235 = arith.index_cast %add3A_225 : i32 to index
      %get3A_236 = arith.constant 16 : index
      %get3A_237 = tpu.vector_load %arg10[%get3A_235, %get3A_236] {strides = array<i32>} : memref<250x80xi32, #tpu.memory_space<vmem>>, vector<16xi32>,
      tpu.vector_store_idx %arg16[%get3A_237], %broadcast_in_dim3A_40 {add = true} : memref<10240xf32, #tpu.memory_space<vmem>>[vector<16xi32>], vector<16xf32>,
      %get3A_238 = arith.index_cast %add3A_225 : i32 to index
      %get3A_239 = arith.constant 32 : index
      %get3A_240 = tpu.vector_load %arg10[%get3A_238, %get3A_239] {strides = array<i32>} : memref<250x80xi32, #tpu.memory_space<vmem>>, vector<16xi32>,
      tpu.vector_store_idx %arg16[%get3A_240], %broadcast_in_dim3A_40 {add = true} : memref<10240xf32, #tpu.memory_space<vmem>>[vector<16xi32>], vector<16xf32>,
      %get3A_241 = arith.index_cast %add3A_225 : i32 to index
      %get3A_242 = arith.constant 48 : index
      %get3A_243 = tpu.vector_load %arg10[%get3A_241, %get3A_242] {strides = array<i32>} : memref<250x80xi32, #tpu.memory_space<vmem>>, vector<16xi32>,
      tpu.vector_store_idx %arg16[%get3A_243], %broadcast_in_dim3A_40 {add = true} : memref<10240xf32, #tpu.memory_space<vmem>>[vector<16xi32>], vector<16xf32>,
      %get3A_244 = arith.index_cast %add3A_225 : i32 to index
      %get3A_245 = arith.constant 64 : index
      %get3A_246 = tpu.vector_load %arg10[%get3A_244, %get3A_245] {strides = array<i32>} : memref<250x80xi32, #tpu.memory_space<vmem>>, vector<16xi32>,
      tpu.vector_store_idx %arg16[%get3A_246], %broadcast_in_dim3A_40 {add = true} : memref<10240xf32, #tpu.memory_space<vmem>>[vector<16xi32>], vector<16xf32>,
      %add3A_247 = arith.constant 4 : i32
      %add3A_248 = arith.addi %add3A_225, %add3A_247 : i32
      %lt3A = arith.constant 250 : i32
      %lt3A_249 = arith.cmpi slt, %add3A_248, %lt3A : i32
      %convert_element_type3A_250 = arith.extui %lt3A_249 : i1 to i32
      %cond3A_251 = arith.constant 0 : i32
      %cond3A_252 = arith.cmpi ne, %convert_element_type3A_250, %cond3A_251 : i32
      scf.if %cond3A_252 {
        %add3A_349 = arith.constant 4 : i32
        %add3A_350 = arith.addi %add3A_225, %add3A_349 : i32
        %dma_start3A_351 = arith.constant 0 : i32
        %dma_start3A_352 = tpu.memref_slice %arg11[%add3A_350, %dma_start3A_351] : memref<250x80xi32, #tpu.memory_space<vmem>> -> memref<1x80xi32, #tpu.memory_space<vmem>>
        %dma_start3A_353 = tpu.memref_squeeze %dma_start3A_352 : memref<1x80xi32, #tpu.memory_space<vmem>> -> memref<80xi32, #tpu.memory_space<vmem>>
        %dma_start3A_354 = arith.constant 0 : i32
        %dma_start3A_355 = arith.constant 0 : i32
        %dma_start3A_356 = tpu.memref_slice %arg2[%dma_start3A_354, %dma_start3A_355] : memref<184320x64xf32, #tpu.memory_space<hbm>> -> memref<184320x64xf32, #tpu.memory_space<hbm>>
        tpu.enqueue_indirect_dma source(%dma_start3A_356 : memref<184320x64xf32, #tpu.memory_space<hbm>>) target(%arg12 : memref<80x64xf32, #tpu.memory_space<vmem>>) offsets(%dma_start3A_353 : memref<80xi32, #tpu.memory_space<vmem>>) semaphore(%arg18 : memref<!tpu.dma_semaphore, #tpu.memory_space<semaphore_mem>>)
      } else {
      }
      %mul3A_253 = arith.constant 4 : i32
      %mul3A_254 = arith.muli %mul3A_253, %scan3A_221 : i32
      %add3A_255 = arith.constant 1 : i32
      %add3A_256 = arith.addi %mul3A_254, %add3A_255 : i32
      %dma_wait3A_257 = arith.constant 0 : i32
      %dma_wait3A_258 = arith.constant 0 : i32
      %dma_wait3A_259 = tpu.memref_slice %arg2[%dma_wait3A_257, %dma_wait3A_258] : memref<184320x64xf32, #tpu.memory_space<hbm>> -> memref<80x64xf32, #tpu.memory_space<hbm>>
      %dma_wait3A_260 = arith.constant 0 : i32
      %dma_wait3A_261 = arith.constant 0 : i32
      %dma_wait3A_262 = tpu.memref_slice %arg2[%dma_wait3A_260, %dma_wait3A_261] : memref<184320x64xf32, #tpu.memory_space<hbm>> -> memref<80x64xf32, #tpu.memory_space<hbm>>
      tpu.wait_dma2 semaphore(%arg19 : memref<!tpu.dma_semaphore, #tpu.memory_space<semaphore_mem>>) src(%dma_wait3A_262 : memref<80x64xf32, #tpu.memory_space<hbm>>) dst(%arg13 : memref<80x64xf32, #tpu.memory_space<vmem>>)
      "tpu.region"() ({
        %run_scoped3A_349 = tpu.sem_alloc : memref<!tpu.dma_semaphore, #tpu.memory_space<semaphore_mem>>
        %dma_start3A_350 = arith.constant 0 : i32
        %dma_start3A_351 = tpu.memref_slice %arg10[%add3A_256, %dma_start3A_350] : memref<250x80xi32, #tpu.memory_space<vmem>> -> memref<1x80xi32, #tpu.memory_space<vmem>>
        %dma_start3A_352 = tpu.memref_squeeze %dma_start3A_351 : memref<1x80xi32, #tpu.memory_space<vmem>> -> memref<80xi32, #tpu.memory_space<vmem>>
        %dma_start3A_353 = arith.constant 0 : i32
        %dma_start3A_354 = arith.constant 0 : i32
        %dma_start3A_355 = tpu.memref_slice %arg17[%dma_start3A_353, %dma_start3A_354] : memref<10000x64xf32, #tpu.memory_space<vmem_shared>> -> memref<10000x64xf32, #tpu.memory_space<vmem_shared>>
        tpu.enqueue_indirect_dma source(%arg13 : memref<80x64xf32, #tpu.memory_space<vmem>>) target(%dma_start3A_355 : memref<10000x64xf32, #tpu.memory_space<vmem_shared>>) offsets(%dma_start3A_352 : memref<80xi32, #tpu.memory_space<vmem>>) semaphore(%run_scoped3A_349 : memref<!tpu.dma_semaphore, #tpu.memory_space<semaphore_mem>>) {add = true}
        %dma_wait3A_356 = arith.constant 0 : i32
        %dma_wait3A_357 = tpu.memref_slice %arg10[%add3A_256, %dma_wait3A_356] : memref<250x80xi32, #tpu.memory_space<vmem>> -> memref<1x80xi32, #tpu.memory_space<vmem>>
        %dma_wait3A_358 = tpu.memref_squeeze %dma_wait3A_357 : memref<1x80xi32, #tpu.memory_space<vmem>> -> memref<80xi32, #tpu.memory_space<vmem>>
        %dma_wait3A_359 = arith.constant 0 : i32
        %dma_wait3A_360 = arith.constant 0 : i32
        %dma_wait3A_361 = tpu.memref_slice %arg17[%dma_wait3A_359, %dma_wait3A_360] : memref<10000x64xf32, #tpu.memory_space<vmem_shared>> -> memref<10000x64xf32, #tpu.memory_space<vmem_shared>>
        tpu.wait_indirect_dma semaphore(%run_scoped3A_349 : memref<!tpu.dma_semaphore, #tpu.memory_space<semaphore_mem>>) src(%arg13 : memref<80x64xf32, #tpu.memory_space<vmem>>) dst(%dma_wait3A_361 : memref<10000x64xf32, #tpu.memory_space<vmem_shared>>)
        tpu.yield
      }) : () -> ()
      %get3A_263 = arith.index_cast %add3A_256 : i32 to index
      %get3A_264 = arith.constant 0 : index
      %get3A_265 = tpu.vector_load %arg10[%get3A_263, %get3A_264] {strides = array<i32>} : memref<250x80xi32, #tpu.memory_space<vmem>>, vector<16xi32>,
      tpu.vector_store_idx %arg16[%get3A_265], %broadcast_in_dim3A_40 {add = true} : memref<10240xf32, #tpu.memory_space<vmem>>[vector<16xi32>], vector<16xf32>,
      %get3A_266 = arith.index_cast %add3A_256 : i32 to index
      %get3A_267 = arith.constant 16 : index
      %get3A_268 = tpu.vector_load %arg10[%get3A_266, %get3A_267] {strides = array<i32>} : memref<250x80xi32, #tpu.memory_space<vmem>>, vector<16xi32>,
      tpu.vector_store_idx %arg16[%get3A_268], %broadcast_in_dim3A_40 {add = true} : memref<10240xf32, #tpu.memory_space<vmem>>[vector<16xi32>], vector<16xf32>,
      %get3A_269 = arith.index_cast %add3A_256 : i32 to index
      %get3A_270 = arith.constant 32 : index
      %get3A_271 = tpu.vector_load %arg10[%get3A_269, %get3A_270] {strides = array<i32>} : memref<250x80xi32, #tpu.memory_space<vmem>>, vector<16xi32>,
      tpu.vector_store_idx %arg16[%get3A_271], %broadcast_in_dim3A_40 {add = true} : memref<10240xf32, #tpu.memory_space<vmem>>[vector<16xi32>], vector<16xf32>,
      %get3A_272 = arith.index_cast %add3A_256 : i32 to index
      %get3A_273 = arith.constant 48 : index
      %get3A_274 = tpu.vector_load %arg10[%get3A_272, %get3A_273] {strides = array<i32>} : memref<250x80xi32, #tpu.memory_space<vmem>>, vector<16xi32>,
      tpu.vector_store_idx %arg16[%get3A_274], %broadcast_in_dim3A_40 {add = true} : memref<10240xf32, #tpu.memory_space<vmem>>[vector<16xi32>], vector<16xf32>,
      %get3A_275 = arith.index_cast %add3A_256 : i32 to index
      %get3A_276 = arith.constant 64 : index
      %get3A_277 = tpu.vector_load %arg10[%get3A_275, %get3A_276] {strides = array<i32>} : memref<250x80xi32, #tpu.memory_space<vmem>>, vector<16xi32>,
      tpu.vector_store_idx %arg16[%get3A_277], %broadcast_in_dim3A_40 {add = true} : memref<10240xf32, #tpu.memory_space<vmem>>[vector<16xi32>], vector<16xf32>,
      %add3A_278 = arith.constant 4 : i32
      %add3A_279 = arith.addi %add3A_256, %add3A_278 : i32
      %lt3A_280 = arith.constant 250 : i32
      %lt3A_281 = arith.cmpi slt, %add3A_279, %lt3A_280 : i32
      %convert_element_type3A_282 = arith.extui %lt3A_281 : i1 to i32
      %cond3A_283 = arith.constant 0 : i32
      %cond3A_284 = arith.cmpi ne, %convert_element_type3A_282, %cond3A_283 : i32
      scf.if %cond3A_284 {
        %add3A_349 = arith.constant 4 : i32
        %add3A_350 = arith.addi %add3A_256, %add3A_349 : i32
        %dma_start3A_351 = arith.constant 0 : i32
        %dma_start3A_352 = tpu.memref_slice %arg11[%add3A_350, %dma_start3A_351] : memref<250x80xi32, #tpu.memory_space<vmem>> -> memref<1x80xi32, #tpu.memory_space<vmem>>
        %dma_start3A_353 = tpu.memref_squeeze %dma_start3A_352 : memref<1x80xi32, #tpu.memory_space<vmem>> -> memref<80xi32, #tpu.memory_space<vmem>>
        %dma_start3A_354 = arith.constant 0 : i32
        %dma_start3A_355 = arith.constant 0 : i32
        %dma_start3A_356 = tpu.memref_slice %arg2[%dma_start3A_354, %dma_start3A_355] : memref<184320x64xf32, #tpu.memory_space<hbm>> -> memref<184320x64xf32, #tpu.memory_space<hbm>>
        tpu.enqueue_indirect_dma source(%dma_start3A_356 : memref<184320x64xf32, #tpu.memory_space<hbm>>) target(%arg13 : memref<80x64xf32, #tpu.memory_space<vmem>>) offsets(%dma_start3A_353 : memref<80xi32, #tpu.memory_space<vmem>>) semaphore(%arg19 : memref<!tpu.dma_semaphore, #tpu.memory_space<semaphore_mem>>)
      } else {
      }
      %mul3A_285 = arith.constant 4 : i32
      %mul3A_286 = arith.muli %mul3A_285, %scan3A_221 : i32
      %add3A_287 = arith.constant 2 : i32
      %add3A_288 = arith.addi %mul3A_286, %add3A_287 : i32
      %dma_wait3A_289 = arith.constant 0 : i32
      %dma_wait3A_290 = arith.constant 0 : i32
      %dma_wait3A_291 = tpu.memref_slice %arg2[%dma_wait3A_289, %dma_wait3A_290] : memref<184320x64xf32, #tpu.memory_space<hbm>> -> memref<80x64xf32, #tpu.memory_space<hbm>>
      %dma_wait3A_292 = arith.constant 0 : i32
      %dma_wait3A_293 = arith.constant 0 : i32
      %dma_wait3A_294 = tpu.memref_slice %arg2[%dma_wait3A_292, %dma_wait3A_293] : memref<184320x64xf32, #tpu.memory_space<hbm>> -> memref<80x64xf32, #tpu.memory_space<hbm>>
      tpu.wait_dma2 semaphore(%arg20 : memref<!tpu.dma_semaphore, #tpu.memory_space<semaphore_mem>>) src(%dma_wait3A_294 : memref<80x64xf32, #tpu.memory_space<hbm>>) dst(%arg14 : memref<80x64xf32, #tpu.memory_space<vmem>>)
      "tpu.region"() ({
        %run_scoped3A_349 = tpu.sem_alloc : memref<!tpu.dma_semaphore, #tpu.memory_space<semaphore_mem>>
        %dma_start3A_350 = arith.constant 0 : i32
        %dma_start3A_351 = tpu.memref_slice %arg10[%add3A_288, %dma_start3A_350] : memref<250x80xi32, #tpu.memory_space<vmem>> -> memref<1x80xi32, #tpu.memory_space<vmem>>
        %dma_start3A_352 = tpu.memref_squeeze %dma_start3A_351 : memref<1x80xi32, #tpu.memory_space<vmem>> -> memref<80xi32, #tpu.memory_space<vmem>>
        %dma_start3A_353 = arith.constant 0 : i32
        %dma_start3A_354 = arith.constant 0 : i32
        %dma_start3A_355 = tpu.memref_slice %arg17[%dma_start3A_353, %dma_start3A_354] : memref<10000x64xf32, #tpu.memory_space<vmem_shared>> -> memref<10000x64xf32, #tpu.memory_space<vmem_shared>>
        tpu.enqueue_indirect_dma source(%arg14 : memref<80x64xf32, #tpu.memory_space<vmem>>) target(%dma_start3A_355 : memref<10000x64xf32, #tpu.memory_space<vmem_shared>>) offsets(%dma_start3A_352 : memref<80xi32, #tpu.memory_space<vmem>>) semaphore(%run_scoped3A_349 : memref<!tpu.dma_semaphore, #tpu.memory_space<semaphore_mem>>) {add = true}
        %dma_wait3A_356 = arith.constant 0 : i32
        %dma_wait3A_357 = tpu.memref_slice %arg10[%add3A_288, %dma_wait3A_356] : memref<250x80xi32, #tpu.memory_space<vmem>> -> memref<1x80xi32, #tpu.memory_space<vmem>>
        %dma_wait3A_358 = tpu.memref_squeeze %dma_wait3A_357 : memref<1x80xi32, #tpu.memory_space<vmem>> -> memref<80xi32, #tpu.memory_space<vmem>>
        %dma_wait3A_359 = arith.constant 0 : i32
        %dma_wait3A_360 = arith.constant 0 : i32
        %dma_wait3A_361 = tpu.memref_slice %arg17[%dma_wait3A_359, %dma_wait3A_360] : memref<10000x64xf32, #tpu.memory_space<vmem_shared>> -> memref<10000x64xf32, #tpu.memory_space<vmem_shared>>
        tpu.wait_indirect_dma semaphore(%run_scoped3A_349 : memref<!tpu.dma_semaphore, #tpu.memory_space<semaphore_mem>>) src(%arg14 : memref<80x64xf32, #tpu.memory_space<vmem>>) dst(%dma_wait3A_361 : memref<10000x64xf32, #tpu.memory_space<vmem_shared>>)
        tpu.yield
      }) : () -> ()
      %get3A_295 = arith.index_cast %add3A_288 : i32 to index
      %get3A_296 = arith.constant 0 : index
      %get3A_297 = tpu.vector_load %arg10[%get3A_295, %get3A_296] {strides = array<i32>} : memref<250x80xi32, #tpu.memory_space<vmem>>, vector<16xi32>,
      tpu.vector_store_idx %arg16[%get3A_297], %broadcast_in_dim3A_40 {add = true} : memref<10240xf32, #tpu.memory_space<vmem>>[vector<16xi32>], vector<16xf32>,
      %get3A_298 = arith.index_cast %add3A_288 : i32 to index
      %get3A_299 = arith.constant 16 : index
      %get3A_300 = tpu.vector_load %arg10[%get3A_298, %get3A_299] {strides = array<i32>} : memref<250x80xi32, #tpu.memory_space<vmem>>, vector<16xi32>,
      tpu.vector_store_idx %arg16[%get3A_300], %broadcast_in_dim3A_40 {add = true} : memref<10240xf32, #tpu.memory_space<vmem>>[vector<16xi32>], vector<16xf32>,
      %get3A_301 = arith.index_cast %add3A_288 : i32 to index
      %get3A_302 = arith.constant 32 : index
      %get3A_303 = tpu.vector_load %arg10[%get3A_301, %get3A_302] {strides = array<i32>} : memref<250x80xi32, #tpu.memory_space<vmem>>, vector<16xi32>,
      tpu.vector_store_idx %arg16[%get3A_303], %broadcast_in_dim3A_40 {add = true} : memref<10240xf32, #tpu.memory_space<vmem>>[vector<16xi32>], vector<16xf32>,
      %get3A_304 = arith.index_cast %add3A_288 : i32 to index
      %get3A_305 = arith.constant 48 : index
      %get3A_306 = tpu.vector_load %arg10[%get3A_304, %get3A_305] {strides = array<i32>} : memref<250x80xi32, #tpu.memory_space<vmem>>, vector<16xi32>,
      tpu.vector_store_idx %arg16[%get3A_306], %broadcast_in_dim3A_40 {add = true} : memref<10240xf32, #tpu.memory_space<vmem>>[vector<16xi32>], vector<16xf32>,
      %get3A_307 = arith.index_cast %add3A_288 : i32 to index
      %get3A_308 = arith.constant 64 : index
      %get3A_309 = tpu.vector_load %arg10[%get3A_307, %get3A_308] {strides = array<i32>} : memref<250x80xi32, #tpu.memory_space<vmem>>, vector<16xi32>,
      tpu.vector_store_idx %arg16[%get3A_309], %broadcast_in_dim3A_40 {add = true} : memref<10240xf32, #tpu.memory_space<vmem>>[vector<16xi32>], vector<16xf32>,
      %add3A_310 = arith.constant 4 : i32
      %add3A_311 = arith.addi %add3A_288, %add3A_310 : i32
      %lt3A_312 = arith.constant 250 : i32
      %lt3A_313 = arith.cmpi slt, %add3A_311, %lt3A_312 : i32
      %convert_element_type3A_314 = arith.extui %lt3A_313 : i1 to i32
      %cond3A_315 = arith.constant 0 : i32
      %cond3A_316 = arith.cmpi ne, %convert_element_type3A_314, %cond3A_315 : i32
      scf.if %cond3A_316 {
        %add3A_349 = arith.constant 4 : i32
        %add3A_350 = arith.addi %add3A_288, %add3A_349 : i32
        %dma_start3A_351 = arith.constant 0 : i32
        %dma_start3A_352 = tpu.memref_slice %arg11[%add3A_350, %dma_start3A_351] : memref<250x80xi32, #tpu.memory_space<vmem>> -> memref<1x80xi32, #tpu.memory_space<vmem>>
        %dma_start3A_353 = tpu.memref_squeeze %dma_start3A_352 : memref<1x80xi32, #tpu.memory_space<vmem>> -> memref<80xi32, #tpu.memory_space<vmem>>
        %dma_start3A_354 = arith.constant 0 : i32
        %dma_start3A_355 = arith.constant 0 : i32
        %dma_start3A_356 = tpu.memref_slice %arg2[%dma_start3A_354, %dma_start3A_355] : memref<184320x64xf32, #tpu.memory_space<hbm>> -> memref<184320x64xf32, #tpu.memory_space<hbm>>
        tpu.enqueue_indirect_dma source(%dma_start3A_356 : memref<184320x64xf32, #tpu.memory_space<hbm>>) target(%arg14 : memref<80x64xf32, #tpu.memory_space<vmem>>) offsets(%dma_start3A_353 : memref<80xi32, #tpu.memory_space<vmem>>) semaphore(%arg20 : memref<!tpu.dma_semaphore, #tpu.memory_space<semaphore_mem>>)
      } else {
      }
      %mul3A_317 = arith.constant 4 : i32
      %mul3A_318 = arith.muli %mul3A_317, %scan3A_221 : i32
      %add3A_319 = arith.constant 3 : i32
      %add3A_320 = arith.addi %mul3A_318, %add3A_319 : i32
      %dma_wait3A_321 = arith.constant 0 : i32
      %dma_wait3A_322 = arith.constant 0 : i32
      %dma_wait3A_323 = tpu.memref_slice %arg2[%dma_wait3A_321, %dma_wait3A_322] : memref<184320x64xf32, #tpu.memory_space<hbm>> -> memref<80x64xf32, #tpu.memory_space<hbm>>
      %dma_wait3A_324 = arith.constant 0 : i32
      %dma_wait3A_325 = arith.constant 0 : i32
      %dma_wait3A_326 = tpu.memref_slice %arg2[%dma_wait3A_324, %dma_wait3A_325] : memref<184320x64xf32, #tpu.memory_space<hbm>> -> memref<80x64xf32, #tpu.memory_space<hbm>>
      tpu.wait_dma2 semaphore(%arg21 : memref<!tpu.dma_semaphore, #tpu.memory_space<semaphore_mem>>) src(%dma_wait3A_326 : memref<80x64xf32, #tpu.memory_space<hbm>>) dst(%arg15 : memref<80x64xf32, #tpu.memory_space<vmem>>)
      "tpu.region"() ({
        %run_scoped3A_349 = tpu.sem_alloc : memref<!tpu.dma_semaphore, #tpu.memory_space<semaphore_mem>>
        %dma_start3A_350 = arith.constant 0 : i32
        %dma_start3A_351 = tpu.memref_slice %arg10[%add3A_320, %dma_start3A_350] : memref<250x80xi32, #tpu.memory_space<vmem>> -> memref<1x80xi32, #tpu.memory_space<vmem>>
        %dma_start3A_352 = tpu.memref_squeeze %dma_start3A_351 : memref<1x80xi32, #tpu.memory_space<vmem>> -> memref<80xi32, #tpu.memory_space<vmem>>
        %dma_start3A_353 = arith.constant 0 : i32
        %dma_start3A_354 = arith.constant 0 : i32
        %dma_start3A_355 = tpu.memref_slice %arg17[%dma_start3A_353, %dma_start3A_354] : memref<10000x64xf32, #tpu.memory_space<vmem_shared>> -> memref<10000x64xf32, #tpu.memory_space<vmem_shared>>
        tpu.enqueue_indirect_dma source(%arg15 : memref<80x64xf32, #tpu.memory_space<vmem>>) target(%dma_start3A_355 : memref<10000x64xf32, #tpu.memory_space<vmem_shared>>) offsets(%dma_start3A_352 : memref<80xi32, #tpu.memory_space<vmem>>) semaphore(%run_scoped3A_349 : memref<!tpu.dma_semaphore, #tpu.memory_space<semaphore_mem>>) {add = true}
        %dma_wait3A_356 = arith.constant 0 : i32
        %dma_wait3A_357 = tpu.memref_slice %arg10[%add3A_320, %dma_wait3A_356] : memref<250x80xi32, #tpu.memory_space<vmem>> -> memref<1x80xi32, #tpu.memory_space<vmem>>
        %dma_wait3A_358 = tpu.memref_squeeze %dma_wait3A_357 : memref<1x80xi32, #tpu.memory_space<vmem>> -> memref<80xi32, #tpu.memory_space<vmem>>
        %dma_wait3A_359 = arith.constant 0 : i32
        %dma_wait3A_360 = arith.constant 0 : i32
        %dma_wait3A_361 = tpu.memref_slice %arg17[%dma_wait3A_359, %dma_wait3A_360] : memref<10000x64xf32, #tpu.memory_space<vmem_shared>> -> memref<10000x64xf32, #tpu.memory_space<vmem_shared>>
        tpu.wait_indirect_dma semaphore(%run_scoped3A_349 : memref<!tpu.dma_semaphore, #tpu.memory_space<semaphore_mem>>) src(%arg15 : memref<80x64xf32, #tpu.memory_space<vmem>>) dst(%dma_wait3A_361 : memref<10000x64xf32, #tpu.memory_space<vmem_shared>>)
        tpu.yield
      }) : () -> ()
      %get3A_327 = arith.index_cast %add3A_320 : i32 to index
      %get3A_328 = arith.constant 0 : index
      %get3A_329 = tpu.vector_load %arg10[%get3A_327, %get3A_328] {strides = array<i32>} : memref<250x80xi32, #tpu.memory_space<vmem>>, vector<16xi32>,
      tpu.vector_store_idx %arg16[%get3A_329], %broadcast_in_dim3A_40 {add = true} : memref<10240xf32, #tpu.memory_space<vmem>>[vector<16xi32>], vector<16xf32>,
      %get3A_330 = arith.index_cast %add3A_320 : i32 to index
      %get3A_331 = arith.constant 16 : index
      %get3A_332 = tpu.vector_load %arg10[%get3A_330, %get3A_331] {strides = array<i32>} : memref<250x80xi32, #tpu.memory_space<vmem>>, vector<16xi32>,
      tpu.vector_store_idx %arg16[%get3A_332], %broadcast_in_dim3A_40 {add = true} : memref<10240xf32, #tpu.memory_space<vmem>>[vector<16xi32>], vector<16xf32>,
      %get3A_333 = arith.index_cast %add3A_320 : i32 to index
      %get3A_334 = arith.constant 32 : index
      %get3A_335 = tpu.vector_load %arg10[%get3A_333, %get3A_334] {strides = array<i32>} : memref<250x80xi32, #tpu.memory_space<vmem>>, vector<16xi32>,
      tpu.vector_store_idx %arg16[%get3A_335], %broadcast_in_dim3A_40 {add = true} : memref<10240xf32, #tpu.memory_space<vmem>>[vector<16xi32>], vector<16xf32>,
      %get3A_336 = arith.index_cast %add3A_320 : i32 to index
      %get3A_337 = arith.constant 48 : index
      %get3A_338 = tpu.vector_load %arg10[%get3A_336, %get3A_337] {strides = array<i32>} : memref<250x80xi32, #tpu.memory_space<vmem>>, vector<16xi32>,
      tpu.vector_store_idx %arg16[%get3A_338], %broadcast_in_dim3A_40 {add = true} : memref<10240xf32, #tpu.memory_space<vmem>>[vector<16xi32>], vector<16xf32>,
      %get3A_339 = arith.index_cast %add3A_320 : i32 to index
      %get3A_340 = arith.constant 64 : index
      %get3A_341 = tpu.vector_load %arg10[%get3A_339, %get3A_340] {strides = array<i32>} : memref<250x80xi32, #tpu.memory_space<vmem>>, vector<16xi32>,
      tpu.vector_store_idx %arg16[%get3A_341], %broadcast_in_dim3A_40 {add = true} : memref<10240xf32, #tpu.memory_space<vmem>>[vector<16xi32>], vector<16xf32>,
      %add3A_342 = arith.constant 4 : i32
      %add3A_343 = arith.addi %add3A_320, %add3A_342 : i32
      %lt3A_344 = arith.constant 250 : i32
      %lt3A_345 = arith.cmpi slt, %add3A_343, %lt3A_344 : i32
      %convert_element_type3A_346 = arith.extui %lt3A_345 : i1 to i32
      %cond3A_347 = arith.constant 0 : i32
      %cond3A_348 = arith.cmpi ne, %convert_element_type3A_346, %cond3A_347 : i32
      scf.if %cond3A_348 {
        %add3A_349 = arith.constant 4 : i32
        %add3A_350 = arith.addi %add3A_320, %add3A_349 : i32
        %dma_start3A_351 = arith.constant 0 : i32
        %dma_start3A_352 = tpu.memref_slice %arg11[%add3A_350, %dma_start3A_351] : memref<250x80xi32, #tpu.memory_space<vmem>> -> memref<1x80xi32, #tpu.memory_space<vmem>>
        %dma_start3A_353 = tpu.memref_squeeze %dma_start3A_352 : memref<1x80xi32, #tpu.memory_space<vmem>> -> memref<80xi32, #tpu.memory_space<vmem>>
        %dma_start3A_354 = arith.constant 0 : i32
        %dma_start3A_355 = arith.constant 0 : i32
        %dma_start3A_356 = tpu.memref_slice %arg2[%dma_start3A_354, %dma_start3A_355] : memref<184320x64xf32, #tpu.memory_space<hbm>> -> memref<184320x64xf32, #tpu.memory_space<hbm>>
        tpu.enqueue_indirect_dma source(%dma_start3A_356 : memref<184320x64xf32, #tpu.memory_space<hbm>>) target(%arg15 : memref<80x64xf32, #tpu.memory_space<vmem>>) offsets(%dma_start3A_353 : memref<80xi32, #tpu.memory_space<vmem>>) semaphore(%arg21 : memref<!tpu.dma_semaphore, #tpu.memory_space<semaphore_mem>>)
      } else {
      }
    }
    %scan3A_73 = arith.constant 62 : i32
    %dma_wait3A = arith.constant 0 : i32
    %dma_wait3A_74 = arith.constant 0 : i32
    %dma_wait3A_75 = tpu.memref_slice %arg2[%dma_wait3A, %dma_wait3A_74] : memref<184320x64xf32, #tpu.memory_space<hbm>> -> memref<80x64xf32, #tpu.memory_space<hbm>>
    %dma_wait3A_76 = arith.constant 0 : i32
    %dma_wait3A_77 = arith.constant 0 : i32
    %dma_wait3A_78 = tpu.memref_slice %arg2[%dma_wait3A_76, %dma_wait3A_77] : memref<184320x64xf32, #tpu.memory_space<hbm>> -> memref<80x64xf32, #tpu.memory_space<hbm>>
    tpu.wait_dma2 semaphore(%arg18 : memref<!tpu.dma_semaphore, #tpu.memory_space<semaphore_mem>>) src(%dma_wait3A_78 : memref<80x64xf32, #tpu.memory_space<hbm>>) dst(%arg12 : memref<80x64xf32, #tpu.memory_space<vmem>>)
    %run_scoped3A = arith.constant 248 : i32
    "tpu.region"() ({
      %run_scoped3A_221 = tpu.sem_alloc : memref<!tpu.dma_semaphore, #tpu.memory_space<semaphore_mem>>
      %dma_start3A_222 = arith.constant 0 : i32
      %dma_start3A_223 = tpu.memref_slice %arg10[%run_scoped3A, %dma_start3A_222] : memref<250x80xi32, #tpu.memory_space<vmem>> -> memref<1x80xi32, #tpu.memory_space<vmem>>
      %dma_start3A_224 = tpu.memref_squeeze %dma_start3A_223 : memref<1x80xi32, #tpu.memory_space<vmem>> -> memref<80xi32, #tpu.memory_space<vmem>>
      %dma_start3A_225 = arith.constant 0 : i32
      %dma_start3A_226 = arith.constant 0 : i32
      %dma_start3A_227 = tpu.memref_slice %arg17[%dma_start3A_225, %dma_start3A_226] : memref<10000x64xf32, #tpu.memory_space<vmem_shared>> -> memref<10000x64xf32, #tpu.memory_space<vmem_shared>>
      tpu.enqueue_indirect_dma source(%arg12 : memref<80x64xf32, #tpu.memory_space<vmem>>) target(%dma_start3A_227 : memref<10000x64xf32, #tpu.memory_space<vmem_shared>>) offsets(%dma_start3A_224 : memref<80xi32, #tpu.memory_space<vmem>>) semaphore(%run_scoped3A_221 : memref<!tpu.dma_semaphore, #tpu.memory_space<semaphore_mem>>) {add = true}
      %dma_wait3A_228 = arith.constant 0 : i32
      %dma_wait3A_229 = tpu.memref_slice %arg10[%run_scoped3A, %dma_wait3A_228] : memref<250x80xi32, #tpu.memory_space<vmem>> -> memref<1x80xi32, #tpu.memory_space<vmem>>
      %dma_wait3A_230 = tpu.memref_squeeze %dma_wait3A_229 : memref<1x80xi32, #tpu.memory_space<vmem>> -> memref<80xi32, #tpu.memory_space<vmem>>
      %dma_wait3A_231 = arith.constant 0 : i32
      %dma_wait3A_232 = arith.constant 0 : i32
      %dma_wait3A_233 = tpu.memref_slice %arg17[%dma_wait3A_231, %dma_wait3A_232] : memref<10000x64xf32, #tpu.memory_space<vmem_shared>> -> memref<10000x64xf32, #tpu.memory_space<vmem_shared>>
      tpu.wait_indirect_dma semaphore(%run_scoped3A_221 : memref<!tpu.dma_semaphore, #tpu.memory_space<semaphore_mem>>) src(%arg12 : memref<80x64xf32, #tpu.memory_space<vmem>>) dst(%dma_wait3A_233 : memref<10000x64xf32, #tpu.memory_space<vmem_shared>>)
      tpu.yield
    }) : () -> ()
    %get3A = arith.constant 248 : i32
    %get3A_79 = arith.index_cast %get3A : i32 to index
    %get3A_80 = arith.constant 0 : index
    %get3A_81 = tpu.vector_load %arg10[%get3A_79, %get3A_80] {strides = array<i32>} : memref<250x80xi32, #tpu.memory_space<vmem>>, vector<16xi32>,
    tpu.vector_store_idx %arg16[%get3A_81], %broadcast_in_dim3A_40 {add = true} : memref<10240xf32, #tpu.memory_space<vmem>>[vector<16xi32>], vector<16xf32>,
    %get3A_82 = arith.constant 248 : i32
    %get3A_83 = arith.index_cast %get3A_82 : i32 to index
    %get3A_84 = arith.constant 16 : index
    %get3A_85 = tpu.vector_load %arg10[%get3A_83, %get3A_84] {strides = array<i32>} : memref<250x80xi32, #tpu.memory_space<vmem>>, vector<16xi32>,
    tpu.vector_store_idx %arg16[%get3A_85], %broadcast_in_dim3A_40 {add = true} : memref<10240xf32, #tpu.memory_space<vmem>>[vector<16xi32>], vector<16xf32>,
    %get3A_86 = arith.constant 248 : i32
    %get3A_87 = arith.index_cast %get3A_86 : i32 to index
    %get3A_88 = arith.constant 32 : index
    %get3A_89 = tpu.vector_load %arg10[%get3A_87, %get3A_88] {strides = array<i32>} : memref<250x80xi32, #tpu.memory_space<vmem>>, vector<16xi32>,
    tpu.vector_store_idx %arg16[%get3A_89], %broadcast_in_dim3A_40 {add = true} : memref<10240xf32, #tpu.memory_space<vmem>>[vector<16xi32>], vector<16xf32>,
    %get3A_90 = arith.constant 248 : i32
    %get3A_91 = arith.index_cast %get3A_90 : i32 to index
    %get3A_92 = arith.constant 48 : index
    %get3A_93 = tpu.vector_load %arg10[%get3A_91, %get3A_92] {strides = array<i32>} : memref<250x80xi32, #tpu.memory_space<vmem>>, vector<16xi32>,
    tpu.vector_store_idx %arg16[%get3A_93], %broadcast_in_dim3A_40 {add = true} : memref<10240xf32, #tpu.memory_space<vmem>>[vector<16xi32>], vector<16xf32>,
    %get3A_94 = arith.constant 248 : i32
    %get3A_95 = arith.index_cast %get3A_94 : i32 to index
    %get3A_96 = arith.constant 64 : index
    %get3A_97 = tpu.vector_load %arg10[%get3A_95, %get3A_96] {strides = array<i32>} : memref<250x80xi32, #tpu.memory_space<vmem>>, vector<16xi32>,
    tpu.vector_store_idx %arg16[%get3A_97], %broadcast_in_dim3A_40 {add = true} : memref<10240xf32, #tpu.memory_space<vmem>>[vector<16xi32>], vector<16xf32>,
    %dma_wait3A_98 = arith.constant 0 : i32
    %dma_wait3A_99 = arith.constant 0 : i32
    %dma_wait3A_100 = tpu.memref_slice %arg2[%dma_wait3A_98, %dma_wait3A_99] : memref<184320x64xf32, #tpu.memory_space<hbm>> -> memref<80x64xf32, #tpu.memory_space<hbm>>
    %dma_wait3A_101 = arith.constant 0 : i32
    %dma_wait3A_102 = arith.constant 0 : i32
    %dma_wait3A_103 = tpu.memref_slice %arg2[%dma_wait3A_101, %dma_wait3A_102] : memref<184320x64xf32, #tpu.memory_space<hbm>> -> memref<80x64xf32, #tpu.memory_space<hbm>>
    tpu.wait_dma2 semaphore(%arg19 : memref<!tpu.dma_semaphore, #tpu.memory_space<semaphore_mem>>) src(%dma_wait3A_103 : memref<80x64xf32, #tpu.memory_space<hbm>>) dst(%arg13 : memref<80x64xf32, #tpu.memory_space<vmem>>)
    %run_scoped3A_104 = arith.constant 249 : i32
    "tpu.region"() ({
      %run_scoped3A_221 = tpu.sem_alloc : memref<!tpu.dma_semaphore, #tpu.memory_space<semaphore_mem>>
      %dma_start3A_222 = arith.constant 0 : i32
      %dma_start3A_223 = tpu.memref_slice %arg10[%run_scoped3A_104, %dma_start3A_222] : memref<250x80xi32, #tpu.memory_space<vmem>> -> memref<1x80xi32, #tpu.memory_space<vmem>>
      %dma_start3A_224 = tpu.memref_squeeze %dma_start3A_223 : memref<1x80xi32, #tpu.memory_space<vmem>> -> memref<80xi32, #tpu.memory_space<vmem>>
      %dma_start3A_225 = arith.constant 0 : i32
      %dma_start3A_226 = arith.constant 0 : i32
      %dma_start3A_227 = tpu.memref_slice %arg17[%dma_start3A_225, %dma_start3A_226] : memref<10000x64xf32, #tpu.memory_space<vmem_shared>> -> memref<10000x64xf32, #tpu.memory_space<vmem_shared>>
      tpu.enqueue_indirect_dma source(%arg13 : memref<80x64xf32, #tpu.memory_space<vmem>>) target(%dma_start3A_227 : memref<10000x64xf32, #tpu.memory_space<vmem_shared>>) offsets(%dma_start3A_224 : memref<80xi32, #tpu.memory_space<vmem>>) semaphore(%run_scoped3A_221 : memref<!tpu.dma_semaphore, #tpu.memory_space<semaphore_mem>>) {add = true}
      %dma_wait3A_228 = arith.constant 0 : i32
      %dma_wait3A_229 = tpu.memref_slice %arg10[%run_scoped3A_104, %dma_wait3A_228] : memref<250x80xi32, #tpu.memory_space<vmem>> -> memref<1x80xi32, #tpu.memory_space<vmem>>
      %dma_wait3A_230 = tpu.memref_squeeze %dma_wait3A_229 : memref<1x80xi32, #tpu.memory_space<vmem>> -> memref<80xi32, #tpu.memory_space<vmem>>
      %dma_wait3A_231 = arith.constant 0 : i32
      %dma_wait3A_232 = arith.constant 0 : i32
      %dma_wait3A_233 = tpu.memref_slice %arg17[%dma_wait3A_231, %dma_wait3A_232] : memref<10000x64xf32, #tpu.memory_space<vmem_shared>> -> memref<10000x64xf32, #tpu.memory_space<vmem_shared>>
      tpu.wait_indirect_dma semaphore(%run_scoped3A_221 : memref<!tpu.dma_semaphore, #tpu.memory_space<semaphore_mem>>) src(%arg13 : memref<80x64xf32, #tpu.memory_space<vmem>>) dst(%dma_wait3A_233 : memref<10000x64xf32, #tpu.memory_space<vmem_shared>>)
      tpu.yield
    }) : () -> ()
    %get3A_105 = arith.constant 249 : i32
    %get3A_106 = arith.index_cast %get3A_105 : i32 to index
    %get3A_107 = arith.constant 0 : index
    %get3A_108 = tpu.vector_load %arg10[%get3A_106, %get3A_107] {strides = array<i32>} : memref<250x80xi32, #tpu.memory_space<vmem>>, vector<16xi32>,
    tpu.vector_store_idx %arg16[%get3A_108], %broadcast_in_dim3A_40 {add = true} : memref<10240xf32, #tpu.memory_space<vmem>>[vector<16xi32>], vector<16xf32>,
    %get3A_109 = arith.constant 249 : i32
    %get3A_110 = arith.index_cast %get3A_109 : i32 to index
    %get3A_111 = arith.constant 16 : index
    %get3A_112 = tpu.vector_load %arg10[%get3A_110, %get3A_111] {strides = array<i32>} : memref<250x80xi32, #tpu.memory_space<vmem>>, vector<16xi32>,
    tpu.vector_store_idx %arg16[%get3A_112], %broadcast_in_dim3A_40 {add = true} : memref<10240xf32, #tpu.memory_space<vmem>>[vector<16xi32>], vector<16xf32>,
    %get3A_113 = arith.constant 249 : i32
    %get3A_114 = arith.index_cast %get3A_113 : i32 to index
    %get3A_115 = arith.constant 32 : index
    %get3A_116 = tpu.vector_load %arg10[%get3A_114, %get3A_115] {strides = array<i32>} : memref<250x80xi32, #tpu.memory_space<vmem>>, vector<16xi32>,
    tpu.vector_store_idx %arg16[%get3A_116], %broadcast_in_dim3A_40 {add = true} : memref<10240xf32, #tpu.memory_space<vmem>>[vector<16xi32>], vector<16xf32>,
    %get3A_117 = arith.constant 249 : i32
    %get3A_118 = arith.index_cast %get3A_117 : i32 to index
    %get3A_119 = arith.constant 48 : index
    %get3A_120 = tpu.vector_load %arg10[%get3A_118, %get3A_119] {strides = array<i32>} : memref<250x80xi32, #tpu.memory_space<vmem>>, vector<16xi32>,
    tpu.vector_store_idx %arg16[%get3A_120], %broadcast_in_dim3A_40 {add = true} : memref<10240xf32, #tpu.memory_space<vmem>>[vector<16xi32>], vector<16xf32>,
    %get3A_121 = arith.constant 249 : i32
    %get3A_122 = arith.index_cast %get3A_121 : i32 to index
    %get3A_123 = arith.constant 64 : index
    %get3A_124 = tpu.vector_load %arg10[%get3A_122, %get3A_123] {strides = array<i32>} : memref<250x80xi32, #tpu.memory_space<vmem>>, vector<16xi32>,
    tpu.vector_store_idx %arg16[%get3A_124], %broadcast_in_dim3A_40 {add = true} : memref<10240xf32, #tpu.memory_space<vmem>>[vector<16xi32>], vector<16xf32>,
    %barrier3A_125 = arith.constant 0 : index
    tpu.barrier barrier_id(%barrier3A_125)
    %add3A_126 = arith.constant 0 : i32
    %add3A_127 = arith.addi %mul3A_8, %add3A_126 : i32
    %eq3A = arith.constant 0 : i32
    %eq3A_128 = arith.cmpi eq, %arg0, %eq3A : i32
    %convert_element_type3A = arith.extui %eq3A_128 : i1 to i32
    %cond3A = arith.constant 0 : i32
    %cond3A_129 = arith.cmpi ne, %convert_element_type3A, %cond3A : i32
    scf.if %cond3A_129 {
      "tpu.region"() ({
        %run_scoped3A_221 = tpu.sem_alloc : memref<!tpu.dma_semaphore, #tpu.memory_space<semaphore_mem>>
        %dma_start3A_222 = arith.constant 0 : i32
        %dma_start3A_223 = tpu.memref_slice %arg6[%add3A_127, %dma_start3A_222] : memref<10240x64xf32, #tpu.memory_space<hbm>> -> memref<80x64xf32, #tpu.memory_space<hbm>>
        %dma_start3A_224 = arith.constant 0 : i32
        %dma_start3A_225 = tpu.memref_slice %arg17[%add3A_127, %dma_start3A_224] : memref<10000x64xf32, #tpu.memory_space<vmem_shared>> -> memref<80x64xf32, #tpu.memory_space<vmem_shared>>
        tpu.enqueue_dma source(%dma_start3A_225 : memref<80x64xf32, #tpu.memory_space<vmem_shared>>) target(%dma_start3A_223 : memref<80x64xf32, #tpu.memory_space<hbm>>) target_semaphore(%run_scoped3A_221 : memref<!tpu.dma_semaphore, #tpu.memory_space<semaphore_mem>>)
        %dma_wait3A_226 = arith.constant 0 : i32
        %dma_wait3A_227 = tpu.memref_slice %arg6[%add3A_127, %dma_wait3A_226] : memref<10240x64xf32, #tpu.memory_space<hbm>> -> memref<80x64xf32, #tpu.memory_space<hbm>>
        %dma_wait3A_228 = arith.constant 0 : i32
        %dma_wait3A_229 = tpu.memref_slice %arg17[%add3A_127, %dma_wait3A_228] : memref<10000x64xf32, #tpu.memory_space<vmem_shared>> -> memref<80x64xf32, #tpu.memory_space<vmem_shared>>
        tpu.wait_dma2 semaphore(%run_scoped3A_221 : memref<!tpu.dma_semaphore, #tpu.memory_space<semaphore_mem>>) src(%dma_wait3A_229 : memref<80x64xf32, #tpu.memory_space<vmem_shared>>) dst(%dma_wait3A_227 : memref<80x64xf32, #tpu.memory_space<hbm>>)
        tpu.yield
      }) : () -> ()
    } else {
    }
    %eq3A_130 = arith.constant 1 : i32
    %eq3A_131 = arith.cmpi eq, %arg0, %eq3A_130 : i32
    %convert_element_type3A_132 = arith.extui %eq3A_131 : i1 to i32
    %cond3A_133 = arith.constant 0 : i32
    %cond3A_134 = arith.cmpi ne, %convert_element_type3A_132, %cond3A_133 : i32
    scf.if %cond3A_134 {
      "tpu.region"() ({
        %run_scoped3A_221 = tpu.sem_alloc : memref<!tpu.dma_semaphore, #tpu.memory_space<semaphore_mem>>
        %dma_start3A_222 = arith.constant 0 : i32
        %dma_start3A_223 = tpu.memref_slice %arg7[%add3A_127, %dma_start3A_222] : memref<10240x64xf32, #tpu.memory_space<hbm>> -> memref<80x64xf32, #tpu.memory_space<hbm>>
        %dma_start3A_224 = arith.constant 0 : i32
        %dma_start3A_225 = tpu.memref_slice %arg17[%add3A_127, %dma_start3A_224] : memref<10000x64xf32, #tpu.memory_space<vmem_shared>> -> memref<80x64xf32, #tpu.memory_space<vmem_shared>>
        tpu.enqueue_dma source(%dma_start3A_225 : memref<80x64xf32, #tpu.memory_space<vmem_shared>>) target(%dma_start3A_223 : memref<80x64xf32, #tpu.memory_space<hbm>>) target_semaphore(%run_scoped3A_221 : memref<!tpu.dma_semaphore, #tpu.memory_space<semaphore_mem>>)
        %dma_wait3A_226 = arith.constant 0 : i32
        %dma_wait3A_227 = tpu.memref_slice %arg7[%add3A_127, %dma_wait3A_226] : memref<10240x64xf32, #tpu.memory_space<hbm>> -> memref<80x64xf32, #tpu.memory_space<hbm>>
        %dma_wait3A_228 = arith.constant 0 : i32
        %dma_wait3A_229 = tpu.memref_slice %arg17[%add3A_127, %dma_wait3A_228] : memref<10000x64xf32, #tpu.memory_space<vmem_shared>> -> memref<80x64xf32, #tpu.memory_space<vmem_shared>>
        tpu.wait_dma2 semaphore(%run_scoped3A_221 : memref<!tpu.dma_semaphore, #tpu.memory_space<semaphore_mem>>) src(%dma_wait3A_229 : memref<80x64xf32, #tpu.memory_space<vmem_shared>>) dst(%dma_wait3A_227 : memref<80x64xf32, #tpu.memory_space<hbm>>)
        tpu.yield
      }) : () -> ()
    } else {
    }
    %add3A_135 = arith.constant 80 : i32
    %add3A_136 = arith.addi %mul3A_8, %add3A_135 : i32
    %eq3A_137 = arith.constant 0 : i32
    %eq3A_138 = arith.cmpi eq, %arg0, %eq3A_137 : i32
    %convert_element_type3A_139 = arith.extui %eq3A_138 : i1 to i32
    %cond3A_140 = arith.constant 0 : i32
    %cond3A_141 = arith.cmpi ne, %convert_element_type3A_139, %cond3A_140 : i32
    scf.if %cond3A_141 {
      "tpu.region"() ({
        %run_scoped3A_221 = tpu.sem_alloc : memref<!tpu.dma_semaphore, #tpu.memory_space<semaphore_mem>>
        %dma_start3A_222 = arith.constant 0 : i32
        %dma_start3A_223 = tpu.memref_slice %arg6[%add3A_136, %dma_start3A_222] : memref<10240x64xf32, #tpu.memory_space<hbm>> -> memref<80x64xf32, #tpu.memory_space<hbm>>
        %dma_start3A_224 = arith.constant 0 : i32
        %dma_start3A_225 = tpu.memref_slice %arg17[%add3A_136, %dma_start3A_224] : memref<10000x64xf32, #tpu.memory_space<vmem_shared>> -> memref<80x64xf32, #tpu.memory_space<vmem_shared>>
        tpu.enqueue_dma source(%dma_start3A_225 : memref<80x64xf32, #tpu.memory_space<vmem_shared>>) target(%dma_start3A_223 : memref<80x64xf32, #tpu.memory_space<hbm>>) target_semaphore(%run_scoped3A_221 : memref<!tpu.dma_semaphore, #tpu.memory_space<semaphore_mem>>)
        %dma_wait3A_226 = arith.constant 0 : i32
        %dma_wait3A_227 = tpu.memref_slice %arg6[%add3A_136, %dma_wait3A_226] : memref<10240x64xf32, #tpu.memory_space<hbm>> -> memref<80x64xf32, #tpu.memory_space<hbm>>
        %dma_wait3A_228 = arith.constant 0 : i32
        %dma_wait3A_229 = tpu.memref_slice %arg17[%add3A_136, %dma_wait3A_228] : memref<10000x64xf32, #tpu.memory_space<vmem_shared>> -> memref<80x64xf32, #tpu.memory_space<vmem_shared>>
        tpu.wait_dma2 semaphore(%run_scoped3A_221 : memref<!tpu.dma_semaphore, #tpu.memory_space<semaphore_mem>>) src(%dma_wait3A_229 : memref<80x64xf32, #tpu.memory_space<vmem_shared>>) dst(%dma_wait3A_227 : memref<80x64xf32, #tpu.memory_space<hbm>>)
        tpu.yield
      }) : () -> ()
    } else {
    }
    %eq3A_142 = arith.constant 1 : i32
    %eq3A_143 = arith.cmpi eq, %arg0, %eq3A_142 : i32
    %convert_element_type3A_144 = arith.extui %eq3A_143 : i1 to i32
    %cond3A_145 = arith.constant 0 : i32
    %cond3A_146 = arith.cmpi ne, %convert_element_type3A_144, %cond3A_145 : i32
    scf.if %cond3A_146 {
      "tpu.region"() ({
        %run_scoped3A_221 = tpu.sem_alloc : memref<!tpu.dma_semaphore, #tpu.memory_space<semaphore_mem>>
        %dma_start3A_222 = arith.constant 0 : i32
        %dma_start3A_223 = tpu.memref_slice %arg7[%add3A_136, %dma_start3A_222] : memref<10240x64xf32, #tpu.memory_space<hbm>> -> memref<80x64xf32, #tpu.memory_space<hbm>>
        %dma_start3A_224 = arith.constant 0 : i32
        %dma_start3A_225 = tpu.memref_slice %arg17[%add3A_136, %dma_start3A_224] : memref<10000x64xf32, #tpu.memory_space<vmem_shared>> -> memref<80x64xf32, #tpu.memory_space<vmem_shared>>
        tpu.enqueue_dma source(%dma_start3A_225 : memref<80x64xf32, #tpu.memory_space<vmem_shared>>) target(%dma_start3A_223 : memref<80x64xf32, #tpu.memory_space<hbm>>) target_semaphore(%run_scoped3A_221 : memref<!tpu.dma_semaphore, #tpu.memory_space<semaphore_mem>>)
        %dma_wait3A_226 = arith.constant 0 : i32
        %dma_wait3A_227 = tpu.memref_slice %arg7[%add3A_136, %dma_wait3A_226] : memref<10240x64xf32, #tpu.memory_space<hbm>> -> memref<80x64xf32, #tpu.memory_space<hbm>>
        %dma_wait3A_228 = arith.constant 0 : i32
        %dma_wait3A_229 = tpu.memref_slice %arg17[%add3A_136, %dma_wait3A_228] : memref<10000x64xf32, #tpu.memory_space<vmem_shared>> -> memref<80x64xf32, #tpu.memory_space<vmem_shared>>
        tpu.wait_dma2 semaphore(%run_scoped3A_221 : memref<!tpu.dma_semaphore, #tpu.memory_space<semaphore_mem>>) src(%dma_wait3A_229 : memref<80x64xf32, #tpu.memory_space<vmem_shared>>) dst(%dma_wait3A_227 : memref<80x64xf32, #tpu.memory_space<hbm>>)
        tpu.yield
      }) : () -> ()
    } else {
    }
    %add3A_147 = arith.constant 160 : i32
    %add3A_148 = arith.addi %mul3A_8, %add3A_147 : i32
    %eq3A_149 = arith.constant 0 : i32
    %eq3A_150 = arith.cmpi eq, %arg0, %eq3A_149 : i32
    %convert_element_type3A_151 = arith.extui %eq3A_150 : i1 to i32
    %cond3A_152 = arith.constant 0 : i32
    %cond3A_153 = arith.cmpi ne, %convert_element_type3A_151, %cond3A_152 : i32
    scf.if %cond3A_153 {
      "tpu.region"() ({
        %run_scoped3A_221 = tpu.sem_alloc : memref<!tpu.dma_semaphore, #tpu.memory_space<semaphore_mem>>
        %dma_start3A_222 = arith.constant 0 : i32
        %dma_start3A_223 = tpu.memref_slice %arg6[%add3A_148, %dma_start3A_222] : memref<10240x64xf32, #tpu.memory_space<hbm>> -> memref<80x64xf32, #tpu.memory_space<hbm>>
        %dma_start3A_224 = arith.constant 0 : i32
        %dma_start3A_225 = tpu.memref_slice %arg17[%add3A_148, %dma_start3A_224] : memref<10000x64xf32, #tpu.memory_space<vmem_shared>> -> memref<80x64xf32, #tpu.memory_space<vmem_shared>>
        tpu.enqueue_dma source(%dma_start3A_225 : memref<80x64xf32, #tpu.memory_space<vmem_shared>>) target(%dma_start3A_223 : memref<80x64xf32, #tpu.memory_space<hbm>>) target_semaphore(%run_scoped3A_221 : memref<!tpu.dma_semaphore, #tpu.memory_space<semaphore_mem>>)
        %dma_wait3A_226 = arith.constant 0 : i32
        %dma_wait3A_227 = tpu.memref_slice %arg6[%add3A_148, %dma_wait3A_226] : memref<10240x64xf32, #tpu.memory_space<hbm>> -> memref<80x64xf32, #tpu.memory_space<hbm>>
        %dma_wait3A_228 = arith.constant 0 : i32
        %dma_wait3A_229 = tpu.memref_slice %arg17[%add3A_148, %dma_wait3A_228] : memref<10000x64xf32, #tpu.memory_space<vmem_shared>> -> memref<80x64xf32, #tpu.memory_space<vmem_shared>>
        tpu.wait_dma2 semaphore(%run_scoped3A_221 : memref<!tpu.dma_semaphore, #tpu.memory_space<semaphore_mem>>) src(%dma_wait3A_229 : memref<80x64xf32, #tpu.memory_space<vmem_shared>>) dst(%dma_wait3A_227 : memref<80x64xf32, #tpu.memory_space<hbm>>)
        tpu.yield
      }) : () -> ()
    } else {
    }
    %eq3A_154 = arith.constant 1 : i32
    %eq3A_155 = arith.cmpi eq, %arg0, %eq3A_154 : i32
    %convert_element_type3A_156 = arith.extui %eq3A_155 : i1 to i32
    %cond3A_157 = arith.constant 0 : i32
    %cond3A_158 = arith.cmpi ne, %convert_element_type3A_156, %cond3A_157 : i32
    scf.if %cond3A_158 {
      "tpu.region"() ({
        %run_scoped3A_221 = tpu.sem_alloc : memref<!tpu.dma_semaphore, #tpu.memory_space<semaphore_mem>>
        %dma_start3A_222 = arith.constant 0 : i32
        %dma_start3A_223 = tpu.memref_slice %arg7[%add3A_148, %dma_start3A_222] : memref<10240x64xf32, #tpu.memory_space<hbm>> -> memref<80x64xf32, #tpu.memory_space<hbm>>
        %dma_start3A_224 = arith.constant 0 : i32
        %dma_start3A_225 = tpu.memref_slice %arg17[%add3A_148, %dma_start3A_224] : memref<10000x64xf32, #tpu.memory_space<vmem_shared>> -> memref<80x64xf32, #tpu.memory_space<vmem_shared>>
        tpu.enqueue_dma source(%dma_start3A_225 : memref<80x64xf32, #tpu.memory_space<vmem_shared>>) target(%dma_start3A_223 : memref<80x64xf32, #tpu.memory_space<hbm>>) target_semaphore(%run_scoped3A_221 : memref<!tpu.dma_semaphore, #tpu.memory_space<semaphore_mem>>)
        %dma_wait3A_226 = arith.constant 0 : i32
        %dma_wait3A_227 = tpu.memref_slice %arg7[%add3A_148, %dma_wait3A_226] : memref<10240x64xf32, #tpu.memory_space<hbm>> -> memref<80x64xf32, #tpu.memory_space<hbm>>
        %dma_wait3A_228 = arith.constant 0 : i32
        %dma_wait3A_229 = tpu.memref_slice %arg17[%add3A_148, %dma_wait3A_228] : memref<10000x64xf32, #tpu.memory_space<vmem_shared>> -> memref<80x64xf32, #tpu.memory_space<vmem_shared>>
        tpu.wait_dma2 semaphore(%run_scoped3A_221 : memref<!tpu.dma_semaphore, #tpu.memory_space<semaphore_mem>>) src(%dma_wait3A_229 : memref<80x64xf32, #tpu.memory_space<vmem_shared>>) dst(%dma_wait3A_227 : memref<80x64xf32, #tpu.memory_space<hbm>>)
        tpu.yield
      }) : () -> ()
    } else {
    }
    %add3A_159 = arith.constant 240 : i32
    %add3A_160 = arith.addi %mul3A_8, %add3A_159 : i32
    %eq3A_161 = arith.constant 0 : i32
    %eq3A_162 = arith.cmpi eq, %arg0, %eq3A_161 : i32
    %convert_element_type3A_163 = arith.extui %eq3A_162 : i1 to i32
    %cond3A_164 = arith.constant 0 : i32
    %cond3A_165 = arith.cmpi ne, %convert_element_type3A_163, %cond3A_164 : i32
    scf.if %cond3A_165 {
      "tpu.region"() ({
        %run_scoped3A_221 = tpu.sem_alloc : memref<!tpu.dma_semaphore, #tpu.memory_space<semaphore_mem>>
        %dma_start3A_222 = arith.constant 0 : i32
        %dma_start3A_223 = tpu.memref_slice %arg6[%add3A_160, %dma_start3A_222] : memref<10240x64xf32, #tpu.memory_space<hbm>> -> memref<80x64xf32, #tpu.memory_space<hbm>>
        %dma_start3A_224 = arith.constant 0 : i32
        %dma_start3A_225 = tpu.memref_slice %arg17[%add3A_160, %dma_start3A_224] : memref<10000x64xf32, #tpu.memory_space<vmem_shared>> -> memref<80x64xf32, #tpu.memory_space<vmem_shared>>
        tpu.enqueue_dma source(%dma_start3A_225 : memref<80x64xf32, #tpu.memory_space<vmem_shared>>) target(%dma_start3A_223 : memref<80x64xf32, #tpu.memory_space<hbm>>) target_semaphore(%run_scoped3A_221 : memref<!tpu.dma_semaphore, #tpu.memory_space<semaphore_mem>>)
        %dma_wait3A_226 = arith.constant 0 : i32
        %dma_wait3A_227 = tpu.memref_slice %arg6[%add3A_160, %dma_wait3A_226] : memref<10240x64xf32, #tpu.memory_space<hbm>> -> memref<80x64xf32, #tpu.memory_space<hbm>>
        %dma_wait3A_228 = arith.constant 0 : i32
        %dma_wait3A_229 = tpu.memref_slice %arg17[%add3A_160, %dma_wait3A_228] : memref<10000x64xf32, #tpu.memory_space<vmem_shared>> -> memref<80x64xf32, #tpu.memory_space<vmem_shared>>
        tpu.wait_dma2 semaphore(%run_scoped3A_221 : memref<!tpu.dma_semaphore, #tpu.memory_space<semaphore_mem>>) src(%dma_wait3A_229 : memref<80x64xf32, #tpu.memory_space<vmem_shared>>) dst(%dma_wait3A_227 : memref<80x64xf32, #tpu.memory_space<hbm>>)
        tpu.yield
      }) : () -> ()
    } else {
    }
    %eq3A_166 = arith.constant 1 : i32
    %eq3A_167 = arith.cmpi eq, %arg0, %eq3A_166 : i32
    %convert_element_type3A_168 = arith.extui %eq3A_167 : i1 to i32
    %cond3A_169 = arith.constant 0 : i32
    %cond3A_170 = arith.cmpi ne, %convert_element_type3A_168, %cond3A_169 : i32
    scf.if %cond3A_170 {
      "tpu.region"() ({
        %run_scoped3A_221 = tpu.sem_alloc : memref<!tpu.dma_semaphore, #tpu.memory_space<semaphore_mem>>
        %dma_start3A_222 = arith.constant 0 : i32
        %dma_start3A_223 = tpu.memref_slice %arg7[%add3A_160, %dma_start3A_222] : memref<10240x64xf32, #tpu.memory_space<hbm>> -> memref<80x64xf32, #tpu.memory_space<hbm>>
        %dma_start3A_224 = arith.constant 0 : i32
        %dma_start3A_225 = tpu.memref_slice %arg17[%add3A_160, %dma_start3A_224] : memref<10000x64xf32, #tpu.memory_space<vmem_shared>> -> memref<80x64xf32, #tpu.memory_space<vmem_shared>>
        tpu.enqueue_dma source(%dma_start3A_225 : memref<80x64xf32, #tpu.memory_space<vmem_shared>>) target(%dma_start3A_223 : memref<80x64xf32, #tpu.memory_space<hbm>>) target_semaphore(%run_scoped3A_221 : memref<!tpu.dma_semaphore, #tpu.memory_space<semaphore_mem>>)
        %dma_wait3A_226 = arith.constant 0 : i32
        %dma_wait3A_227 = tpu.memref_slice %arg7[%add3A_160, %dma_wait3A_226] : memref<10240x64xf32, #tpu.memory_space<hbm>> -> memref<80x64xf32, #tpu.memory_space<hbm>>
        %dma_wait3A_228 = arith.constant 0 : i32
        %dma_wait3A_229 = tpu.memref_slice %arg17[%add3A_160, %dma_wait3A_228] : memref<10000x64xf32, #tpu.memory_space<vmem_shared>> -> memref<80x64xf32, #tpu.memory_space<vmem_shared>>
        tpu.wait_dma2 semaphore(%run_scoped3A_221 : memref<!tpu.dma_semaphore, #tpu.memory_space<semaphore_mem>>) src(%dma_wait3A_229 : memref<80x64xf32, #tpu.memory_space<vmem_shared>>) dst(%dma_wait3A_227 : memref<80x64xf32, #tpu.memory_space<hbm>>)
        tpu.yield
      }) : () -> ()
    } else {
    }
    %add3A_171 = arith.constant 320 : i32
    %add3A_172 = arith.addi %mul3A_8, %add3A_171 : i32
    %eq3A_173 = arith.constant 0 : i32
    %eq3A_174 = arith.cmpi eq, %arg0, %eq3A_173 : i32
    %convert_element_type3A_175 = arith.extui %eq3A_174 : i1 to i32
    %cond3A_176 = arith.constant 0 : i32
    %cond3A_177 = arith.cmpi ne, %convert_element_type3A_175, %cond3A_176 : i32
    scf.if %cond3A_177 {
      "tpu.region"() ({
        %run_scoped3A_221 = tpu.sem_alloc : memref<!tpu.dma_semaphore, #tpu.memory_space<semaphore_mem>>
        %dma_start3A_222 = arith.constant 0 : i32
        %dma_start3A_223 = tpu.memref_slice %arg6[%add3A_172, %dma_start3A_222] : memref<10240x64xf32, #tpu.memory_space<hbm>> -> memref<80x64xf32, #tpu.memory_space<hbm>>
        %dma_start3A_224 = arith.constant 0 : i32
        %dma_start3A_225 = tpu.memref_slice %arg17[%add3A_172, %dma_start3A_224] : memref<10000x64xf32, #tpu.memory_space<vmem_shared>> -> memref<80x64xf32, #tpu.memory_space<vmem_shared>>
        tpu.enqueue_dma source(%dma_start3A_225 : memref<80x64xf32, #tpu.memory_space<vmem_shared>>) target(%dma_start3A_223 : memref<80x64xf32, #tpu.memory_space<hbm>>) target_semaphore(%run_scoped3A_221 : memref<!tpu.dma_semaphore, #tpu.memory_space<semaphore_mem>>)
        %dma_wait3A_226 = arith.constant 0 : i32
        %dma_wait3A_227 = tpu.memref_slice %arg6[%add3A_172, %dma_wait3A_226] : memref<10240x64xf32, #tpu.memory_space<hbm>> -> memref<80x64xf32, #tpu.memory_space<hbm>>
        %dma_wait3A_228 = arith.constant 0 : i32
        %dma_wait3A_229 = tpu.memref_slice %arg17[%add3A_172, %dma_wait3A_228] : memref<10000x64xf32, #tpu.memory_space<vmem_shared>> -> memref<80x64xf32, #tpu.memory_space<vmem_shared>>
        tpu.wait_dma2 semaphore(%run_scoped3A_221 : memref<!tpu.dma_semaphore, #tpu.memory_space<semaphore_mem>>) src(%dma_wait3A_229 : memref<80x64xf32, #tpu.memory_space<vmem_shared>>) dst(%dma_wait3A_227 : memref<80x64xf32, #tpu.memory_space<hbm>>)
        tpu.yield
      }) : () -> ()
    } else {
    }
    %eq3A_178 = arith.constant 1 : i32
    %eq3A_179 = arith.cmpi eq, %arg0, %eq3A_178 : i32
    %convert_element_type3A_180 = arith.extui %eq3A_179 : i1 to i32
    %cond3A_181 = arith.constant 0 : i32
    %cond3A_182 = arith.cmpi ne, %convert_element_type3A_180, %cond3A_181 : i32
    scf.if %cond3A_182 {
      "tpu.region"() ({
        %run_scoped3A_221 = tpu.sem_alloc : memref<!tpu.dma_semaphore, #tpu.memory_space<semaphore_mem>>
        %dma_start3A_222 = arith.constant 0 : i32
        %dma_start3A_223 = tpu.memref_slice %arg7[%add3A_172, %dma_start3A_222] : memref<10240x64xf32, #tpu.memory_space<hbm>> -> memref<80x64xf32, #tpu.memory_space<hbm>>
        %dma_start3A_224 = arith.constant 0 : i32
        %dma_start3A_225 = tpu.memref_slice %arg17[%add3A_172, %dma_start3A_224] : memref<10000x64xf32, #tpu.memory_space<vmem_shared>> -> memref<80x64xf32, #tpu.memory_space<vmem_shared>>
        tpu.enqueue_dma source(%dma_start3A_225 : memref<80x64xf32, #tpu.memory_space<vmem_shared>>) target(%dma_start3A_223 : memref<80x64xf32, #tpu.memory_space<hbm>>) target_semaphore(%run_scoped3A_221 : memref<!tpu.dma_semaphore, #tpu.memory_space<semaphore_mem>>)
        %dma_wait3A_226 = arith.constant 0 : i32
        %dma_wait3A_227 = tpu.memref_slice %arg7[%add3A_172, %dma_wait3A_226] : memref<10240x64xf32, #tpu.memory_space<hbm>> -> memref<80x64xf32, #tpu.memory_space<hbm>>
        %dma_wait3A_228 = arith.constant 0 : i32
        %dma_wait3A_229 = tpu.memref_slice %arg17[%add3A_172, %dma_wait3A_228] : memref<10000x64xf32, #tpu.memory_space<vmem_shared>> -> memref<80x64xf32, #tpu.memory_space<vmem_shared>>
        tpu.wait_dma2 semaphore(%run_scoped3A_221 : memref<!tpu.dma_semaphore, #tpu.memory_space<semaphore_mem>>) src(%dma_wait3A_229 : memref<80x64xf32, #tpu.memory_space<vmem_shared>>) dst(%dma_wait3A_227 : memref<80x64xf32, #tpu.memory_space<hbm>>)
        tpu.yield
      }) : () -> ()
    } else {
    }
    %add3A_183 = arith.constant 400 : i32
    %add3A_184 = arith.addi %mul3A_8, %add3A_183 : i32
    %eq3A_185 = arith.constant 0 : i32
    %eq3A_186 = arith.cmpi eq, %arg0, %eq3A_185 : i32
    %convert_element_type3A_187 = arith.extui %eq3A_186 : i1 to i32
    %cond3A_188 = arith.constant 0 : i32
    %cond3A_189 = arith.cmpi ne, %convert_element_type3A_187, %cond3A_188 : i32
    scf.if %cond3A_189 {
      "tpu.region"() ({
        %run_scoped3A_221 = tpu.sem_alloc : memref<!tpu.dma_semaphore, #tpu.memory_space<semaphore_mem>>
        %dma_start3A_222 = arith.constant 0 : i32
        %dma_start3A_223 = tpu.memref_slice %arg6[%add3A_184, %dma_start3A_222] : memref<10240x64xf32, #tpu.memory_space<hbm>> -> memref<80x64xf32, #tpu.memory_space<hbm>>
        %dma_start3A_224 = arith.constant 0 : i32
        %dma_start3A_225 = tpu.memref_slice %arg17[%add3A_184, %dma_start3A_224] : memref<10000x64xf32, #tpu.memory_space<vmem_shared>> -> memref<80x64xf32, #tpu.memory_space<vmem_shared>>
        tpu.enqueue_dma source(%dma_start3A_225 : memref<80x64xf32, #tpu.memory_space<vmem_shared>>) target(%dma_start3A_223 : memref<80x64xf32, #tpu.memory_space<hbm>>) target_semaphore(%run_scoped3A_221 : memref<!tpu.dma_semaphore, #tpu.memory_space<semaphore_mem>>)
        %dma_wait3A_226 = arith.constant 0 : i32
        %dma_wait3A_227 = tpu.memref_slice %arg6[%add3A_184, %dma_wait3A_226] : memref<10240x64xf32, #tpu.memory_space<hbm>> -> memref<80x64xf32, #tpu.memory_space<hbm>>
        %dma_wait3A_228 = arith.constant 0 : i32
        %dma_wait3A_229 = tpu.memref_slice %arg17[%add3A_184, %dma_wait3A_228] : memref<10000x64xf32, #tpu.memory_space<vmem_shared>> -> memref<80x64xf32, #tpu.memory_space<vmem_shared>>
        tpu.wait_dma2 semaphore(%run_scoped3A_221 : memref<!tpu.dma_semaphore, #tpu.memory_space<semaphore_mem>>) src(%dma_wait3A_229 : memref<80x64xf32, #tpu.memory_space<vmem_shared>>) dst(%dma_wait3A_227 : memref<80x64xf32, #tpu.memory_space<hbm>>)
        tpu.yield
      }) : () -> ()
    } else {
    }
    %eq3A_190 = arith.constant 1 : i32
    %eq3A_191 = arith.cmpi eq, %arg0, %eq3A_190 : i32
    %convert_element_type3A_192 = arith.extui %eq3A_191 : i1 to i32
    %cond3A_193 = arith.constant 0 : i32
    %cond3A_194 = arith.cmpi ne, %convert_element_type3A_192, %cond3A_193 : i32
    scf.if %cond3A_194 {
      "tpu.region"() ({
        %run_scoped3A_221 = tpu.sem_alloc : memref<!tpu.dma_semaphore, #tpu.memory_space<semaphore_mem>>
        %dma_start3A_222 = arith.constant 0 : i32
        %dma_start3A_223 = tpu.memref_slice %arg7[%add3A_184, %dma_start3A_222] : memref<10240x64xf32, #tpu.memory_space<hbm>> -> memref<80x64xf32, #tpu.memory_space<hbm>>
        %dma_start3A_224 = arith.constant 0 : i32
        %dma_start3A_225 = tpu.memref_slice %arg17[%add3A_184, %dma_start3A_224] : memref<10000x64xf32, #tpu.memory_space<vmem_shared>> -> memref<80x64xf32, #tpu.memory_space<vmem_shared>>
        tpu.enqueue_dma source(%dma_start3A_225 : memref<80x64xf32, #tpu.memory_space<vmem_shared>>) target(%dma_start3A_223 : memref<80x64xf32, #tpu.memory_space<hbm>>) target_semaphore(%run_scoped3A_221 : memref<!tpu.dma_semaphore, #tpu.memory_space<semaphore_mem>>)
        %dma_wait3A_226 = arith.constant 0 : i32
        %dma_wait3A_227 = tpu.memref_slice %arg7[%add3A_184, %dma_wait3A_226] : memref<10240x64xf32, #tpu.memory_space<hbm>> -> memref<80x64xf32, #tpu.memory_space<hbm>>
        %dma_wait3A_228 = arith.constant 0 : i32
        %dma_wait3A_229 = tpu.memref_slice %arg17[%add3A_184, %dma_wait3A_228] : memref<10000x64xf32, #tpu.memory_space<vmem_shared>> -> memref<80x64xf32, #tpu.memory_space<vmem_shared>>
        tpu.wait_dma2 semaphore(%run_scoped3A_221 : memref<!tpu.dma_semaphore, #tpu.memory_space<semaphore_mem>>) src(%dma_wait3A_229 : memref<80x64xf32, #tpu.memory_space<vmem_shared>>) dst(%dma_wait3A_227 : memref<80x64xf32, #tpu.memory_space<hbm>>)
        tpu.yield
      }) : () -> ()
    } else {
    }
    %add3A_195 = arith.constant 480 : i32
    %add3A_196 = arith.addi %mul3A_8, %add3A_195 : i32
    %eq3A_197 = arith.constant 0 : i32
    %eq3A_198 = arith.cmpi eq, %arg0, %eq3A_197 : i32
    %convert_element_type3A_199 = arith.extui %eq3A_198 : i1 to i32
    %cond3A_200 = arith.constant 0 : i32
    %cond3A_201 = arith.cmpi ne, %convert_element_type3A_199, %cond3A_200 : i32
    scf.if %cond3A_201 {
      "tpu.region"() ({
        %run_scoped3A_221 = tpu.sem_alloc : memref<!tpu.dma_semaphore, #tpu.memory_space<semaphore_mem>>
        %dma_start3A_222 = arith.constant 0 : i32
        %dma_start3A_223 = tpu.memref_slice %arg6[%add3A_196, %dma_start3A_222] : memref<10240x64xf32, #tpu.memory_space<hbm>> -> memref<80x64xf32, #tpu.memory_space<hbm>>
        %dma_start3A_224 = arith.constant 0 : i32
        %dma_start3A_225 = tpu.memref_slice %arg17[%add3A_196, %dma_start3A_224] : memref<10000x64xf32, #tpu.memory_space<vmem_shared>> -> memref<80x64xf32, #tpu.memory_space<vmem_shared>>
        tpu.enqueue_dma source(%dma_start3A_225 : memref<80x64xf32, #tpu.memory_space<vmem_shared>>) target(%dma_start3A_223 : memref<80x64xf32, #tpu.memory_space<hbm>>) target_semaphore(%run_scoped3A_221 : memref<!tpu.dma_semaphore, #tpu.memory_space<semaphore_mem>>)
        %dma_wait3A_226 = arith.constant 0 : i32
        %dma_wait3A_227 = tpu.memref_slice %arg6[%add3A_196, %dma_wait3A_226] : memref<10240x64xf32, #tpu.memory_space<hbm>> -> memref<80x64xf32, #tpu.memory_space<hbm>>
        %dma_wait3A_228 = arith.constant 0 : i32
        %dma_wait3A_229 = tpu.memref_slice %arg17[%add3A_196, %dma_wait3A_228] : memref<10000x64xf32, #tpu.memory_space<vmem_shared>> -> memref<80x64xf32, #tpu.memory_space<vmem_shared>>
        tpu.wait_dma2 semaphore(%run_scoped3A_221 : memref<!tpu.dma_semaphore, #tpu.memory_space<semaphore_mem>>) src(%dma_wait3A_229 : memref<80x64xf32, #tpu.memory_space<vmem_shared>>) dst(%dma_wait3A_227 : memref<80x64xf32, #tpu.memory_space<hbm>>)
        tpu.yield
      }) : () -> ()
    } else {
    }
    %eq3A_202 = arith.constant 1 : i32
    %eq3A_203 = arith.cmpi eq, %arg0, %eq3A_202 : i32
    %convert_element_type3A_204 = arith.extui %eq3A_203 : i1 to i32
    %cond3A_205 = arith.constant 0 : i32
    %cond3A_206 = arith.cmpi ne, %convert_element_type3A_204, %cond3A_205 : i32
    scf.if %cond3A_206 {
      "tpu.region"() ({
        %run_scoped3A_221 = tpu.sem_alloc : memref<!tpu.dma_semaphore, #tpu.memory_space<semaphore_mem>>
        %dma_start3A_222 = arith.constant 0 : i32
        %dma_start3A_223 = tpu.memref_slice %arg7[%add3A_196, %dma_start3A_222] : memref<10240x64xf32, #tpu.memory_space<hbm>> -> memref<80x64xf32, #tpu.memory_space<hbm>>
        %dma_start3A_224 = arith.constant 0 : i32
        %dma_start3A_225 = tpu.memref_slice %arg17[%add3A_196, %dma_start3A_224] : memref<10000x64xf32, #tpu.memory_space<vmem_shared>> -> memref<80x64xf32, #tpu.memory_space<vmem_shared>>
        tpu.enqueue_dma source(%dma_start3A_225 : memref<80x64xf32, #tpu.memory_space<vmem_shared>>) target(%dma_start3A_223 : memref<80x64xf32, #tpu.memory_space<hbm>>) target_semaphore(%run_scoped3A_221 : memref<!tpu.dma_semaphore, #tpu.memory_space<semaphore_mem>>)
        %dma_wait3A_226 = arith.constant 0 : i32
        %dma_wait3A_227 = tpu.memref_slice %arg7[%add3A_196, %dma_wait3A_226] : memref<10240x64xf32, #tpu.memory_space<hbm>> -> memref<80x64xf32, #tpu.memory_space<hbm>>
        %dma_wait3A_228 = arith.constant 0 : i32
        %dma_wait3A_229 = tpu.memref_slice %arg17[%add3A_196, %dma_wait3A_228] : memref<10000x64xf32, #tpu.memory_space<vmem_shared>> -> memref<80x64xf32, #tpu.memory_space<vmem_shared>>
        tpu.wait_dma2 semaphore(%run_scoped3A_221 : memref<!tpu.dma_semaphore, #tpu.memory_space<semaphore_mem>>) src(%dma_wait3A_229 : memref<80x64xf32, #tpu.memory_space<vmem_shared>>) dst(%dma_wait3A_227 : memref<80x64xf32, #tpu.memory_space<hbm>>)
        tpu.yield
      }) : () -> ()
    } else {
    }
    %add3A_207 = arith.constant 560 : i32
    %add3A_208 = arith.addi %mul3A_8, %add3A_207 : i32
    %eq3A_209 = arith.constant 0 : i32
    %eq3A_210 = arith.cmpi eq, %arg0, %eq3A_209 : i32
    %convert_element_type3A_211 = arith.extui %eq3A_210 : i1 to i32
    %cond3A_212 = arith.constant 0 : i32
    %cond3A_213 = arith.cmpi ne, %convert_element_type3A_211, %cond3A_212 : i32
    scf.if %cond3A_213 {
      "tpu.region"() ({
        %run_scoped3A_221 = tpu.sem_alloc : memref<!tpu.dma_semaphore, #tpu.memory_space<semaphore_mem>>
        %dma_start3A_222 = arith.constant 0 : i32
        %dma_start3A_223 = tpu.memref_slice %arg6[%add3A_208, %dma_start3A_222] : memref<10240x64xf32, #tpu.memory_space<hbm>> -> memref<65x64xf32, #tpu.memory_space<hbm>>
        %dma_start3A_224 = arith.constant 0 : i32
        %dma_start3A_225 = tpu.memref_slice %arg17[%add3A_208, %dma_start3A_224] : memref<10000x64xf32, #tpu.memory_space<vmem_shared>> -> memref<65x64xf32, #tpu.memory_space<vmem_shared>>
        tpu.enqueue_dma source(%dma_start3A_225 : memref<65x64xf32, #tpu.memory_space<vmem_shared>>) target(%dma_start3A_223 : memref<65x64xf32, #tpu.memory_space<hbm>>) target_semaphore(%run_scoped3A_221 : memref<!tpu.dma_semaphore, #tpu.memory_space<semaphore_mem>>)
        %dma_wait3A_226 = arith.constant 0 : i32
        %dma_wait3A_227 = tpu.memref_slice %arg6[%add3A_208, %dma_wait3A_226] : memref<10240x64xf32, #tpu.memory_space<hbm>> -> memref<65x64xf32, #tpu.memory_space<hbm>>
        %dma_wait3A_228 = arith.constant 0 : i32
        %dma_wait3A_229 = tpu.memref_slice %arg17[%add3A_208, %dma_wait3A_228] : memref<10000x64xf32, #tpu.memory_space<vmem_shared>> -> memref<65x64xf32, #tpu.memory_space<vmem_shared>>
        tpu.wait_dma2 semaphore(%run_scoped3A_221 : memref<!tpu.dma_semaphore, #tpu.memory_space<semaphore_mem>>) src(%dma_wait3A_229 : memref<65x64xf32, #tpu.memory_space<vmem_shared>>) dst(%dma_wait3A_227 : memref<65x64xf32, #tpu.memory_space<hbm>>)
        tpu.yield
      }) : () -> ()
    } else {
    }
    %eq3A_214 = arith.constant 1 : i32
    %eq3A_215 = arith.cmpi eq, %arg0, %eq3A_214 : i32
    %convert_element_type3A_216 = arith.extui %eq3A_215 : i1 to i32
    %cond3A_217 = arith.constant 0 : i32
    %cond3A_218 = arith.cmpi ne, %convert_element_type3A_216, %cond3A_217 : i32
    scf.if %cond3A_218 {
      "tpu.region"() ({
        %run_scoped3A_221 = tpu.sem_alloc : memref<!tpu.dma_semaphore, #tpu.memory_space<semaphore_mem>>
        %dma_start3A_222 = arith.constant 0 : i32
        %dma_start3A_223 = tpu.memref_slice %arg7[%add3A_208, %dma_start3A_222] : memref<10240x64xf32, #tpu.memory_space<hbm>> -> memref<65x64xf32, #tpu.memory_space<hbm>>
        %dma_start3A_224 = arith.constant 0 : i32
        %dma_start3A_225 = tpu.memref_slice %arg17[%add3A_208, %dma_start3A_224] : memref<10000x64xf32, #tpu.memory_space<vmem_shared>> -> memref<65x64xf32, #tpu.memory_space<vmem_shared>>
        tpu.enqueue_dma source(%dma_start3A_225 : memref<65x64xf32, #tpu.memory_space<vmem_shared>>) target(%dma_start3A_223 : memref<65x64xf32, #tpu.memory_space<hbm>>) target_semaphore(%run_scoped3A_221 : memref<!tpu.dma_semaphore, #tpu.memory_space<semaphore_mem>>)
        %dma_wait3A_226 = arith.constant 0 : i32
        %dma_wait3A_227 = tpu.memref_slice %arg7[%add3A_208, %dma_wait3A_226] : memref<10240x64xf32, #tpu.memory_space<hbm>> -> memref<65x64xf32, #tpu.memory_space<hbm>>
        %dma_wait3A_228 = arith.constant 0 : i32
        %dma_wait3A_229 = tpu.memref_slice %arg17[%add3A_208, %dma_wait3A_228] : memref<10000x64xf32, #tpu.memory_space<vmem_shared>> -> memref<65x64xf32, #tpu.memory_space<vmem_shared>>
        tpu.wait_dma2 semaphore(%run_scoped3A_221 : memref<!tpu.dma_semaphore, #tpu.memory_space<semaphore_mem>>) src(%dma_wait3A_229 : memref<65x64xf32, #tpu.memory_space<vmem_shared>>) dst(%dma_wait3A_227 : memref<65x64xf32, #tpu.memory_space<hbm>>)
        tpu.yield
      }) : () -> ()
    } else {
    }
    %mul3A_219 = arith.constant 10240 : i32
    %mul3A_220 = arith.muli %add3A, %mul3A_219 : i32
    "tpu.region"() ({
      %run_scoped3A_221 = tpu.sem_alloc : memref<!tpu.dma_semaphore, #tpu.memory_space<semaphore_mem>>
      %dma_start3A_222 = tpu.memref_slice %arg8[%mul3A_220] : memref<327680xf32, #tpu.memory_space<hbm>> -> memref<10240xf32, #tpu.memory_space<hbm>>
      %dma_start3A_223 = tpu.memref_slice %arg8[%mul3A_220] : memref<327680xf32, #tpu.memory_space<hbm>> -> memref<10240xf32, #tpu.memory_space<hbm>>
      tpu.enqueue_dma source(%arg16 : memref<10240xf32, #tpu.memory_space<vmem>>) target(%dma_start3A_223 : memref<10240xf32, #tpu.memory_space<hbm>>) target_semaphore(%run_scoped3A_221 : memref<!tpu.dma_semaphore, #tpu.memory_space<semaphore_mem>>)
      %dma_wait3A_224 = tpu.memref_slice %arg8[%mul3A_220] : memref<327680xf32, #tpu.memory_space<hbm>> -> memref<10240xf32, #tpu.memory_space<hbm>>
      %dma_wait3A_225 = tpu.memref_slice %arg8[%mul3A_220] : memref<327680xf32, #tpu.memory_space<hbm>> -> memref<10240xf32, #tpu.memory_space<hbm>>
      tpu.wait_dma2 semaphore(%run_scoped3A_221 : memref<!tpu.dma_semaphore, #tpu.memory_space<semaphore_mem>>) src(%arg16 : memref<10240xf32, #tpu.memory_space<vmem>>) dst(%dma_wait3A_225 : memref<10240xf32, #tpu.memory_space<hbm>>)
      tpu.yield
    }) : () -> ()
    return
  }
}

module attributes {stable_mosaic.version = 14 : i64} {
  func.func @_mm_body(%arg0: i32, %arg1: i32, %arg2: i32, %arg3: memref<2048x128xf32, #tpu.memory_space<vmem>>, %arg4: memref<1x1x128x64xf32, #tpu.memory_space<vmem>>, %arg5: memref<1x1x2048x64xf32, #tpu.memory_space<vmem>>) attributes {dimension_semantics = [#tpu.dimension_semantics<arbitrary>, #tpu.dimension_semantics<arbitrary>, #tpu.dimension_semantics<arbitrary>], iteration_bounds = array<i64: 2, 5, 9>, scalar_prefetch = 0 : i64, scratch_operands = 0 : i64, tpu.core_type = #tpu.core_type<tc>, window_params = [{transform_indices = @transform_0, window_bounds = array<i64: 2048, 128>}, {transform_indices = @transform_1, window_bounds = array<i64: 1, 1, 128, 64>}, {transform_indices = @transform_2, window_bounds = array<i64: 1, 1, 2048, 64>}]} {
    %get3A = arith.constant 0 : index
    %get3A_0 = arith.constant 0 : index
    %get3A_1 = vector.load %arg3[%get3A, %get3A_0] : memref<2048x128xf32, #tpu.memory_space<vmem>>, vector<2048x128xf32>
    %get3A_2 = arith.constant 0 : index
    %get3A_3 = arith.constant 0 : index
    %get3A_4 = arith.constant 0 : index
    %get3A_5 = arith.constant 0 : index
    %get3A_6 = vector.load %arg4[%get3A_2, %get3A_3, %get3A_4, %get3A_5] : memref<1x1x128x64xf32, #tpu.memory_space<vmem>>, vector<1x1x128x64xf32>
    %get3A_7 = vector.shape_cast %get3A_6 : vector<1x1x128x64xf32> to vector<128x64xf32>
    %dot_general3A = arith.constant dense<0.000000e+00> : vector<2048x64xf32>
    %dot_general3A_8 = tpu.matmul %get3A_1, %get3A_7, %dot_general3A {dimension_numbers = #tpu.dot_dimension_numbers<[1], [0], [0], [1], [0, 0, 1, 1], [], []>, transpose_lhs_hint = false} : vector<2048x128xf32>, vector<128x64xf32>, vector<2048x64xf32> -> vector<2048x64xf32>
    %swap3A = arith.constant 0 : index
    %swap3A_9 = arith.constant 0 : index
    %swap3A_10 = arith.constant 0 : index
    %swap3A_11 = arith.constant 0 : index
    %swap3A_12 = vector.load %arg5[%swap3A, %swap3A_9, %swap3A_10, %swap3A_11] : memref<1x1x2048x64xf32, #tpu.memory_space<vmem>>, vector<1x1x2048x64xf32>
    %swap3A_13 = vector.shape_cast %swap3A_12 : vector<1x1x2048x64xf32> to vector<2048x64xf32>
    %swap3A_14 = vector.shape_cast %dot_general3A_8 : vector<2048x64xf32> to vector<1x1x2048x64xf32>
    tpu.vector_store %arg5[%swap3A, %swap3A_9, %swap3A_10, %swap3A_11], %swap3A_14 {strides = array<i32>} : memref<1x1x2048x64xf32, #tpu.memory_space<vmem>>, vector<1x1x2048x64xf32>,
    return
  }
  func.func @transform_0(%arg0: i32, %arg1: i32, %arg2: i32) -> (i32, i32) {
    %c0_i32 = arith.constant 0 : i32
    %c0_i32_0 = arith.constant 0 : i32
    return %arg1, %c0_i32 : i32, i32
  }
  func.func @transform_1(%arg0: i32, %arg1: i32, %arg2: i32) -> (i32, i32, i32, i32) {
    %c0_i32 = arith.constant 0 : i32
    %c0_i32_0 = arith.constant 0 : i32
    %c0_i32_1 = arith.constant 0 : i32
    return %arg0, %arg2, %c0_i32, %c0_i32_0 : i32, i32, i32, i32
  }
  func.func @transform_2(%arg0: i32, %arg1: i32, %arg2: i32) -> (i32, i32, i32, i32) {
    %c0_i32 = arith.constant 0 : i32
    %c0_i32_0 = arith.constant 0 : i32
    return %arg0, %arg2, %arg1, %c0_i32 : i32, i32, i32, i32
  }
}

module attributes {stable_mosaic.version = 14 : i64} {
  func.func @_combine_body(%arg0: i32, %arg1: memref<2048x64xf32, #tpu.memory_space<vmem>>, %arg2: memref<2048x64xf32, #tpu.memory_space<vmem>>, %arg3: memref<32x2048xf32, #tpu.memory_space<vmem>>, %arg4: memref<2048x64xf32, #tpu.memory_space<vmem>>, %arg5: memref<2048x64xf32, #tpu.memory_space<vmem>>, %arg6: memref<1x128xf32, #tpu.memory_space<vmem>>, %arg7: memref<2048x128xf32, #tpu.memory_space<vmem>>) attributes {dimension_semantics = [#tpu.dimension_semantics<arbitrary>], iteration_bounds = array<i64: 5>, scalar_prefetch = 0 : i64, scratch_operands = 0 : i64, tpu.core_type = #tpu.core_type<tc>, window_params = [{transform_indices = @transform_0, window_bounds = array<i64: 2048, 64>}, {transform_indices = @transform_1, window_bounds = array<i64: 2048, 64>}, {transform_indices = @transform_2, window_bounds = array<i64: 32, 2048>}, {transform_indices = @transform_3, window_bounds = array<i64: 2048, 64>}, {transform_indices = @transform_4, window_bounds = array<i64: 2048, 64>}, {pipeline_mode = #tpu.pipeline_mode<synchronous>, transform_indices = @transform_5, window_bounds = array<i64: 1, 128>}, {transform_indices = @transform_6, window_bounds = array<i64: 2048, 128>}]} {
    %get3A = arith.constant 0 : index
    %get3A_0 = arith.constant 0 : index
    %get3A_1 = vector.load %arg3[%get3A, %get3A_0] : memref<32x2048xf32, #tpu.memory_space<vmem>>, vector<32x2048xf32>
    %reduce_sum3A = arith.constant dense<0.000000e+00> : vector<2048xf32>
    %reduce_sum3A_2 = vector.multi_reduction <add>, %get3A_1, %reduce_sum3A [0] : vector<32x2048xf32> to vector<2048xf32>
    %mul3A = arith.constant 5.000000e-01 : f32
    %mul3A_3 = vector.broadcast %mul3A : f32 to vector<2048xf32>
    %mul3A_4 = arith.mulf %reduce_sum3A_2, %mul3A_3 : vector<2048xf32>
    %max3A = arith.constant 1.000000e+00 : f32
    %max3A_5 = vector.broadcast %max3A : f32 to vector<2048xf32>
    %max3A_6 = arith.maximumf %mul3A_4, %max3A_5 : vector<2048xf32>
    %div3A = arith.constant 1.000000e+00 : f32
    %div3A_7 = vector.broadcast %div3A : f32 to vector<2048xf32>
    %div3A_8 = arith.divf %div3A_7, %max3A_6 : vector<2048xf32>
    %get3A_9 = arith.constant 0 : index
    %get3A_10 = arith.constant 0 : index
    %get3A_11 = vector.load %arg1[%get3A_9, %get3A_10] : memref<2048x64xf32, #tpu.memory_space<vmem>>, vector<2048x64xf32>
    %broadcast_in_dim3A = vector.shape_cast %div3A_8 : vector<2048xf32> to vector<2048x1xf32>
    %mul3A_12 = vector.broadcast %broadcast_in_dim3A : vector<2048x1xf32> to vector<2048x64xf32>
    %mul3A_13 = arith.mulf %get3A_11, %mul3A_12 : vector<2048x64xf32>
    %get3A_14 = arith.constant 0 : index
    %get3A_15 = arith.constant 0 : index
    %get3A_16 = vector.load %arg4[%get3A_14, %get3A_15] : memref<2048x64xf32, #tpu.memory_space<vmem>>, vector<2048x64xf32>
    %add3A = arith.addf %mul3A_13, %get3A_16 : vector<2048x64xf32>
    %get3A_17 = arith.constant 0 : index
    %get3A_18 = arith.constant 0 : index
    %get3A_19 = vector.load %arg2[%get3A_17, %get3A_18] : memref<2048x64xf32, #tpu.memory_space<vmem>>, vector<2048x64xf32>
    %broadcast_in_dim3A_20 = vector.shape_cast %div3A_8 : vector<2048xf32> to vector<2048x1xf32>
    %mul3A_21 = vector.broadcast %broadcast_in_dim3A_20 : vector<2048x1xf32> to vector<2048x64xf32>
    %mul3A_22 = arith.mulf %get3A_19, %mul3A_21 : vector<2048x64xf32>
    %get3A_23 = arith.constant 0 : index
    %get3A_24 = arith.constant 0 : index
    %get3A_25 = vector.load %arg5[%get3A_23, %get3A_24] : memref<2048x64xf32, #tpu.memory_space<vmem>>, vector<2048x64xf32>
    %add3A_26 = arith.addf %mul3A_22, %get3A_25 : vector<2048x64xf32>
    %concatenate3A = tpu.concatenate %add3A, %add3A_26 in 1 : vector<2048x64xf32>, vector<2048x64xf32> -> vector<2048x128xf32>
    %get3A_27 = arith.constant 0 : index
    %get3A_28 = arith.constant 0 : index
    %get3A_29 = vector.load %arg6[%get3A_27, %get3A_28] : memref<1x128xf32, #tpu.memory_space<vmem>>, vector<1x128xf32>
    %add3A_30 = vector.broadcast %get3A_29 : vector<1x128xf32> to vector<2048x128xf32>
    %add3A_31 = arith.addf %concatenate3A, %add3A_30 : vector<2048x128xf32>
    %max3A_32 = arith.constant 0.000000e+00 : f32
    %max3A_33 = vector.broadcast %max3A_32 : f32 to vector<2048x128xf32>
    %max3A_34 = arith.maximumf %add3A_31, %max3A_33 : vector<2048x128xf32>
    %swap3A = arith.constant 0 : index
    %swap3A_35 = arith.constant 0 : index
    %swap3A_36 = vector.load %arg7[%swap3A, %swap3A_35] : memref<2048x128xf32, #tpu.memory_space<vmem>>, vector<2048x128xf32>
    tpu.vector_store %arg7[%swap3A, %swap3A_35], %max3A_34 {strides = array<i32>} : memref<2048x128xf32, #tpu.memory_space<vmem>>, vector<2048x128xf32>,
    return
  }
  func.func @transform_0(%arg0: i32) -> (i32, i32) {
    %c0_i32 = arith.constant 0 : i32
    %c0_i32_0 = arith.constant 0 : i32
    return %arg0, %c0_i32 : i32, i32
  }
  func.func @transform_1(%arg0: i32) -> (i32, i32) {
    %c0_i32 = arith.constant 0 : i32
    %c0_i32_0 = arith.constant 0 : i32
    return %arg0, %c0_i32 : i32, i32
  }
  func.func @transform_2(%arg0: i32) -> (i32, i32) {
    %c0_i32 = arith.constant 0 : i32
    %c0_i32_0 = arith.constant 0 : i32
    return %c0_i32, %arg0 : i32, i32
  }
  func.func @transform_3(%arg0: i32) -> (i32, i32) {
    %c0_i32 = arith.constant 0 : i32
    %c0_i32_0 = arith.constant 0 : i32
    return %arg0, %c0_i32 : i32, i32
  }
  func.func @transform_4(%arg0: i32) -> (i32, i32) {
    %c0_i32 = arith.constant 0 : i32
    %c0_i32_0 = arith.constant 0 : i32
    return %arg0, %c0_i32 : i32, i32
  }
  func.func @transform_5(%arg0: i32) -> (i32, i32) {
    %c0_i32 = arith.constant 0 : i32
    %c0_i32_0 = arith.constant 0 : i32
    %c0_i32_1 = arith.constant 0 : i32
    return %c0_i32, %c0_i32_0 : i32, i32
  }
  func.func @transform_6(%arg0: i32) -> (i32, i32) {
    %c0_i32 = arith.constant 0 : i32
    %c0_i32_0 = arith.constant 0 : i32
    return %arg0, %c0_i32 : i32, i32
  }
}

module attributes {stable_mosaic.version = 14 : i64} {
  func.func @_combine_body(%arg0: i32, %arg1: memref<2048x64xf32, #tpu.memory_space<vmem>>, %arg2: memref<2048x64xf32, #tpu.memory_space<vmem>>, %arg3: memref<32x2048xf32, #tpu.memory_space<vmem>>, %arg4: memref<2048x64xf32, #tpu.memory_space<vmem>>, %arg5: memref<2048x64xf32, #tpu.memory_space<vmem>>, %arg6: memref<1x128xf32, #tpu.memory_space<vmem>>, %arg7: memref<2048x128xf32, #tpu.memory_space<vmem>>) attributes {dimension_semantics = [#tpu.dimension_semantics<arbitrary>], iteration_bounds = array<i64: 5>, scalar_prefetch = 0 : i64, scratch_operands = 0 : i64, tpu.core_type = #tpu.core_type<tc>, window_params = [{transform_indices = @transform_0, window_bounds = array<i64: 2048, 64>}, {transform_indices = @transform_1, window_bounds = array<i64: 2048, 64>}, {transform_indices = @transform_2, window_bounds = array<i64: 32, 2048>}, {transform_indices = @transform_3, window_bounds = array<i64: 2048, 64>}, {transform_indices = @transform_4, window_bounds = array<i64: 2048, 64>}, {pipeline_mode = #tpu.pipeline_mode<synchronous>, transform_indices = @transform_5, window_bounds = array<i64: 1, 128>}, {transform_indices = @transform_6, window_bounds = array<i64: 2048, 128>}]} {
    %get3A = arith.constant 0 : index
    %get3A_0 = arith.constant 0 : index
    %get3A_1 = vector.load %arg3[%get3A, %get3A_0] : memref<32x2048xf32, #tpu.memory_space<vmem>>, vector<32x2048xf32>
    %reduce_sum3A = arith.constant dense<0.000000e+00> : vector<2048xf32>
    %reduce_sum3A_2 = vector.multi_reduction <add>, %get3A_1, %reduce_sum3A [0] : vector<32x2048xf32> to vector<2048xf32>
    %mul3A = arith.constant 5.000000e-01 : f32
    %mul3A_3 = vector.broadcast %mul3A : f32 to vector<2048xf32>
    %mul3A_4 = arith.mulf %reduce_sum3A_2, %mul3A_3 : vector<2048xf32>
    %max3A = arith.constant 1.000000e+00 : f32
    %max3A_5 = vector.broadcast %max3A : f32 to vector<2048xf32>
    %max3A_6 = arith.maximumf %mul3A_4, %max3A_5 : vector<2048xf32>
    %div3A = arith.constant 1.000000e+00 : f32
    %div3A_7 = vector.broadcast %div3A : f32 to vector<2048xf32>
    %div3A_8 = arith.divf %div3A_7, %max3A_6 : vector<2048xf32>
    %get3A_9 = arith.constant 0 : index
    %get3A_10 = arith.constant 0 : index
    %get3A_11 = vector.load %arg1[%get3A_9, %get3A_10] : memref<2048x64xf32, #tpu.memory_space<vmem>>, vector<2048x64xf32>
    %broadcast_in_dim3A = vector.shape_cast %div3A_8 : vector<2048xf32> to vector<2048x1xf32>
    %mul3A_12 = vector.broadcast %broadcast_in_dim3A : vector<2048x1xf32> to vector<2048x64xf32>
    %mul3A_13 = arith.mulf %get3A_11, %mul3A_12 : vector<2048x64xf32>
    %get3A_14 = arith.constant 0 : index
    %get3A_15 = arith.constant 0 : index
    %get3A_16 = vector.load %arg4[%get3A_14, %get3A_15] : memref<2048x64xf32, #tpu.memory_space<vmem>>, vector<2048x64xf32>
    %add3A = arith.addf %mul3A_13, %get3A_16 : vector<2048x64xf32>
    %get3A_17 = arith.constant 0 : index
    %get3A_18 = arith.constant 0 : index
    %get3A_19 = vector.load %arg2[%get3A_17, %get3A_18] : memref<2048x64xf32, #tpu.memory_space<vmem>>, vector<2048x64xf32>
    %broadcast_in_dim3A_20 = vector.shape_cast %div3A_8 : vector<2048xf32> to vector<2048x1xf32>
    %mul3A_21 = vector.broadcast %broadcast_in_dim3A_20 : vector<2048x1xf32> to vector<2048x64xf32>
    %mul3A_22 = arith.mulf %get3A_19, %mul3A_21 : vector<2048x64xf32>
    %get3A_23 = arith.constant 0 : index
    %get3A_24 = arith.constant 0 : index
    %get3A_25 = vector.load %arg5[%get3A_23, %get3A_24] : memref<2048x64xf32, #tpu.memory_space<vmem>>, vector<2048x64xf32>
    %add3A_26 = arith.addf %mul3A_22, %get3A_25 : vector<2048x64xf32>
    %concatenate3A = tpu.concatenate %add3A, %add3A_26 in 1 : vector<2048x64xf32>, vector<2048x64xf32> -> vector<2048x128xf32>
    %get3A_27 = arith.constant 0 : index
    %get3A_28 = arith.constant 0 : index
    %get3A_29 = vector.load %arg6[%get3A_27, %get3A_28] : memref<1x128xf32, #tpu.memory_space<vmem>>, vector<1x128xf32>
    %add3A_30 = vector.broadcast %get3A_29 : vector<1x128xf32> to vector<2048x128xf32>
    %add3A_31 = arith.addf %concatenate3A, %add3A_30 : vector<2048x128xf32>
    %swap3A = arith.constant 0 : index
    %swap3A_32 = arith.constant 0 : index
    %swap3A_33 = vector.load %arg7[%swap3A, %swap3A_32] : memref<2048x128xf32, #tpu.memory_space<vmem>>, vector<2048x128xf32>
    tpu.vector_store %arg7[%swap3A, %swap3A_32], %add3A_31 {strides = array<i32>} : memref<2048x128xf32, #tpu.memory_space<vmem>>, vector<2048x128xf32>,
    return
  }
  func.func @transform_0(%arg0: i32) -> (i32, i32) {
    %c0_i32 = arith.constant 0 : i32
    %c0_i32_0 = arith.constant 0 : i32
    return %arg0, %c0_i32 : i32, i32
  }
  func.func @transform_1(%arg0: i32) -> (i32, i32) {
    %c0_i32 = arith.constant 0 : i32
    %c0_i32_0 = arith.constant 0 : i32
    return %arg0, %c0_i32 : i32, i32
  }
  func.func @transform_2(%arg0: i32) -> (i32, i32) {
    %c0_i32 = arith.constant 0 : i32
    %c0_i32_0 = arith.constant 0 : i32
    return %c0_i32, %arg0 : i32, i32
  }
  func.func @transform_3(%arg0: i32) -> (i32, i32) {
    %c0_i32 = arith.constant 0 : i32
    %c0_i32_0 = arith.constant 0 : i32
    return %arg0, %c0_i32 : i32, i32
  }
  func.func @transform_4(%arg0: i32) -> (i32, i32) {
    %c0_i32 = arith.constant 0 : i32
    %c0_i32_0 = arith.constant 0 : i32
    return %arg0, %c0_i32 : i32, i32
  }
  func.func @transform_5(%arg0: i32) -> (i32, i32) {
    %c0_i32 = arith.constant 0 : i32
    %c0_i32_0 = arith.constant 0 : i32
    %c0_i32_1 = arith.constant 0 : i32
    return %c0_i32, %c0_i32_0 : i32, i32
  }
  func.func @transform_6(%arg0: i32) -> (i32, i32) {
    %c0_i32 = arith.constant 0 : i32
    %c0_i32_0 = arith.constant 0 : i32
    return %arg0, %c0_i32 : i32, i32
  }
}

</mosaic_0001>

<sc_bundles>
// kernel: kernel.11.cloned.1.call-start
scs
__scs_entry_jumppad:
0x0: {  	(pc) =	sbr.rel $0x88, $3  }
0x1: {  	(tag) =	ssettag $0x0;
	lr =	simm.s32 $0x1  }
0x2: {  	[smem:$0x3F98] =	sst lr;
	_ =	strace $0xD0000000  }
0x3: {  	_ = 	snop  }
0x4: {  	_ = 	snop  }
0x5: {  	_ = 	snop  }
0x6: {  	_ = 	snop  }
0x7: {  	_ = 	snop  }
__scs_overlays_trampoline_lowered:
0x8: {  	[smem:$0x3FA7] =	sst s0  }
0x9: {  	[smem:$0x3FA8] =	sst s1  }
0xa: {  	[smem:$0x3FA9] =	sst s2  }
0xb: {  	[smem:$0x3FAA] =	sst s3  }
0xc: {  	[smem:$0x3FAB] =	sst s4  }
0xd: {  	[smem:$0x3FAC] =	sst s5  }
0xe: {  	[smem:$0x3FAD] =	sst s6  }
0xf: {  	[smem:$0x3FAE] =	sst s7  }
0x10: {  	[smem:$0x3FAF] =	sst s8  }
0x11: {  	[smem:$0x3FB0] =	sst s9;
	s0 =	simm.s32 @!p0 $0x0  }
0x12: {  	s1 =	sld [smem:$0x3F96];
	s0 =	simm.s32 @p0 $0x1  }
0x13: {  	[smem:$0x3FB1] =	sst s0;
	s0 =	simm.s32 @!p1 $0x0  }
0x14: {  	s2 =	sld [smem:$0x3F95];
	s0 =	simm.s32 @p1 $0x1  }
0x15: {  	[smem:$0x3FB2] =	sst s0;
	s0 =	simm.s32 @!p2 $0x0  }
0x16: {  	s3 =	sld [smem:$0x3FDB];
	s0 =	simm.s32 @p2 $0x1  }
0x17: {  	s4 =	simm.s32 $0x1BF5;
	[smem:$0x3FB4] =	sst s0  }
0x18: {  	s0 =	sld [smem:$0x3F97];
	_ =	swait.ge [sflag:s4], $0x0  }
0x19: {  	s7 =	sld [smem:$0x3F98]  }
0x1a: {  	s8 =	sadd.s32 $0xFFFFE003, lr  }
0x1b: {  	s9 =	sadd.s32 $0xFFFFFEF7, lr;
	s5 =	simm.s32 $0xFFFFFFFF;
	p2 =	slt.u32 s8, $0xFFFFF086  }
0x1c: {  	p1 =	slt.u32 s9, $0xF7A;
	s5 =	simm.s32 @!p2 $0x0  }
0x1d: {  	s5 =	simm.s32 @p1 $0x1;
	p0 =	seq.s32 s7, s2  }
0x1e: {  	s7 =	smul.u32 @!p0 $0xF7A, s2;
	p2 =	seq.s32 @!p0 s5, $0x0  }
0x1f: {  	s9 =	smul.u32 $0xF7A, s1;
	s8 =	simm.s32 @!p0 $0x1BF5;
	p2 =	por !p2, p0  }
0x20: {  	[sflag:s8] =	ssyncset.s32 @!p0 $0xFFFFF086;
	s6 =	sadd.s32 @!p0 s3, s7;
	s7 =	simm.s32 @!p0 $0x108  }
0x21: {  	s3 =	sadd.s32 s3, s9;
	s6 =	sadd.s32 @!p0 $0x88, s6;
	s7 =	simm.s32 @p2 $0x1082  }
0x22: {  	[simem:s7], [sflag:s8] =	dma.local @!p0 [hbm:s6], $0xF7A  }
0x23: {  	s9 =	sor.u32 $0xD0000000, s2;
	s6 =	simm.s32 $0x108;
	_ =	swait.ge @!p0 [sflag:s8], $0x0  }
0x24: {  	s3 =	sadd.s32 $0x88, s3;
	s6 =	simm.s32 @!p1 $0x1082;
	[sflag:s4] =	ssyncset.s32 $0xFFFFF086  }
0x25: {  	[simem:s6], [sflag:s4] =	dma.local [hbm:s3], $0xF7A  }
0x26: {  	[smem:$0x3F98] =	sst s1;
	(tag) =	ssettag s2;
	_ =	strace s9  }
0x27: {  	s1 =	sld [smem:$0x3FA8]  }
0x28: {  	s2 =	sld [smem:$0x3FA9]  }
0x29: {  	s4 =	sld [smem:$0x3FAB]  }
0x2a: {  	p0 =	seq.s32 s5, $0x0;
	s5 =	sld [smem:$0x3FAC]  }
0x2b: {  	s6 =	sld [smem:$0x3FAD]  }
0x2c: {  	s7 =	sld [smem:$0x3FAE]  }
0x2d: {  	s3 =	simm.s32 $0x108;
	s8 =	sld [smem:$0x3FAF]  }
0x2e: {  	s3 =	simm.s32 @!p0 $0x1082;
	s9 =	sld [smem:$0x3FB0]  }
0x2f: {  	lr =	sadd.s32 s0, s3;
	s0 =	sld [smem:$0x3FA7]  }
0x30: {  	s3 =	sld [smem:$0x3FAA]  }
0x31: {  	[smem:$0x3FB3] =	sst s10  }
0x32: {  	s10 =	sld [smem:$0x3FB1];
	_ =	sdelay $0x3  }
0x33: {  	p0 =	seq.s32 s10, $0x1;
	s10 =	sld [smem:$0x3FB3];
	_ =	sdelay $0x3  }
0x34: {  	[smem:$0x3FB3] =	sst s10  }
0x35: {  	s10 =	sld [smem:$0x3FB2];
	_ =	sdelay $0x3  }
0x36: {  	p1 =	seq.s32 s10, $0x1;
	s10 =	sld [smem:$0x3FB3];
	_ =	sdelay $0x3  }
0x37: {  	[smem:$0x3FB3] =	sst s10  }
0x38: {  	s10 =	sld [smem:$0x3FB4]  }
0x39: {  	_ = 	snop;
	(pc) =	sbr.ind lr, $3  }
0x3a: {  	_ = 	snop  }
0x3b: {  	_ = 	snop  }
0x3c: {  	p2 =	seq.s32 s10, $0x1;
	s10 =	sld [smem:$0x3FB3]  }
0x3d: {  	_ =	shalt  }
0x3e: {  	_ =	shalt  }
0x3f: {  	_ =	shalt  }
0x40: {  	_ =	shalt  }
0x41: {  	_ =	shalt  }
0x42: {  	_ =	shalt  }
0x43: {  	_ =	shalt  }
0x44: {  	_ =	shalt  }
0x45: {  	_ =	shalt  }
0x46: {  	_ =	shalt  }
0x47: {  	_ =	shalt  }
0x48: {  	_ =	shalt  }
0x49: {  	_ =	shalt  }
0x4a: {  	_ =	shalt  }
0x4b: {  	_ =	shalt  }
0x4c: {  	_ =	shalt  }
0x4d: {  	_ =	shalt  }
0x4e: {  	_ =	shalt  }
0x4f: {  	_ =	shalt  }
0x50: {  	_ =	shalt  }
0x51: {  	_ =	shalt  }
0x52: {  	_ =	shalt  }
0x53: {  	_ =	shalt  }
0x54: {  	_ =	shalt  }
0x55: {  	_ =	shalt  }
0x56: {  	_ =	shalt  }
0x57: {  	_ =	shalt  }
0x58: {  	_ =	shalt  }
0x59: {  	_ =	shalt  }
0x5a: {  	_ =	shalt  }
0x5b: {  	_ =	shalt  }
0x5c: {  	_ =	shalt  }
0x5d: {  	_ =	shalt  }
0x5e: {  	_ =	shalt  }
0x5f: {  	_ =	shalt  }
0x60: {  	_ =	shalt  }
0x61: {  	_ =	shalt  }
0x62: {  	_ =	shalt  }
0x63: {  	_ =	shalt  }
0x64: {  	_ =	shalt  }
0x65: {  	_ =	shalt  }
0x66: {  	_ =	shalt  }
0x67: {  	_ =	shalt  }
0x68: {  	_ =	shalt  }
0x69: {  	_ =	shalt  }
0x6a: {  	_ =	shalt  }
0x6b: {  	_ =	shalt  }
0x6c: {  	_ =	shalt  }
0x6d: {  	_ =	shalt  }
0x6e: {  	_ =	shalt  }
0x6f: {  	_ =	shalt  }
0x70: {  	_ =	shalt  }
0x71: {  	_ =	shalt  }
0x72: {  	_ =	shalt  }
0x73: {  	_ =	shalt  }
0x74: {  	_ =	shalt  }
0x75: {  	_ =	shalt  }
0x76: {  	_ =	shalt  }
0x77: {  	_ =	shalt  }
0x78: {  	_ =	shalt  }
0x79: {  	_ =	shalt  }
0x7a: {  	_ =	shalt  }
0x7b: {  	_ =	shalt  }
0x7c: {  	_ =	shalt  }
0x7d: {  	_ =	shalt  }
0x7e: {  	_ =	shalt  }
0x7f: {  	_ =	shalt  }
0x80: {  	_ =	shalt  }
0x81: {  	_ =	shalt  }
0x82: {  	_ =	shalt  }
0x83: {  	_ =	shalt  }
0x84: {  	_ =	shalt  }
0x85: {  	_ =	shalt  }
0x86: {  	_ =	shalt  }
0x87: {  	_ =	shalt  }
.Lfunc_end0:
.L_simem_size_0:
called_computation.1_lowered:
.L_overlay_start_0:
0x88: {  	s2 =	sld [smem:$0x3FD9]  }
0x89: {  	s3 =	sld [smem:$0x3FFE];
	_ =	sdelay $0x1  }
0x8a: {  	s1 =	srdreg.scid  }
0x8b: {  	s0 =	sand.u32 $0x1, s1  }
0x8c: {  	s17 =	sshll.u32 s0, $0xA;
	s2 =	sadd.s32 s3, s2  }
0x8d: {  	s2 =	sadd.s32 s2, s17  }
0x8e: {  	[smem:$0x3FBF] =	sst s2  }
0x8f: {  	_ = 	snop  }
0x90: {  	s2 =	sld [smem:$0x3FC7]  }
0x91: {  	s18 =	sld [smem:$0x3FD0];
	(tm) =	ssettm $0x1  }
0x92: {  	s4 =	sld [smem:$0x3FFB];
	_ =	sdelay $0x3  }
0x93: {  	_ =	strace s4  }
0x94: {  	s4 =	sld [smem:$0x3FFC];
	_ =	sdelay $0x3  }
0x95: {  	_ =	strace s4  }
0x96: {  	s4 =	sld [smem:$0x3FFD];
	_ =	sdelay $0x3  }
0x97: {  	_ =	strace s4  }
0x98: {  	_ =	strace $0x8FFFFFFF  }
0x99: {  	s19 =	sld [smem:$0x3FDB];
	_ =	sdelay $0x1  }
0x9a: {  	s5 =	simm.s32 $_scs_section_size  }
0x9b: {  	s6 =	simm.s32 $_size__tile_overlayer_lowered;
	s7 =	simm.s32 $_tile_overlayer_lowered  }
0x9c: {  	s22 =	simm.s32 $0x1BFF;
	s21 =	sshll.u32 s7, $0x1;
	s4 =	sadd.s32 s5, s19  }
0x9d: {  	s8 =	simm.s32 $0x0;
	s20 =	sshll.u32 s6, $0x1;
	s6 =	sadd.s32 s21, s4  }
0x9e: {  	[timem:s8], [sflag:s22] =	dma.local [hbm:s6], s20  }
0x9f: {  	_ =	swait.ge [sflag:s22], s20  }
0xa0: {  	s5 =	ssub.s32 $0x0, s20;
	[sflag:s22] =	ssyncset.done $0x0  }
0xa1: {  	[sflag:s22] =	ssyncadd.s32 s5;
	_ =	sdelay $0x1  }
0xa2: {  	s23 =	simm.s32 $0x1B8B  }
0xa3: {  	_ =	swait.ge [sflag:s23], $0x1  }
0xa4: {  	[sflag:s23] =	ssyncset.done $0x0  }
0xa5: {  	s25 =	simm.s32 $0x1B8E;
	s24 =	sld [smem:$0x3FFE];
	[sflag:s23] =	ssyncadd.s32 $0xFFFFFFFF  }
0xa6: {  	s26 =	simm.s32 $execute0_lowered;
	[smem:$0x3FD2] =	sst s25  }
0xa7: {  	s6 =	sshll.u32 s26, $0x1;
	_ =	strace $0x80000049;
	[dreg:$0x1] =	wrdreg $0xFFFFFFFF  }
0xa8: {  	s28 =	simm.s32 $_size_execute0_lowered;
	s4 =	sadd.s32 s4, s6;
	[dreg:$0x0] =	wrdreg $0x0  }
0xa9: {  	s6 =	sshll.u32 s28, $0x1;
	[dreg:$0x2] =	wrdreg s4  }
0xaa: {  	[dreg:$0x3] =	wrdreg s6  }
0xab: {  	[dreg:$0x4] =	wrdreg $0xC0  }
0xac: {  	_ =	task [dreg:s8], $0x5FFFF  }
0xad: {  	[dreg:$0x1] =	wrdreg $0xFFFFFFFF  }
0xae: {  	[dreg:$0x0] =	wrdreg $0x60  }
0xaf: {  	[dreg:$0x2] =	wrdreg s24  }
0xb0: {  	[dreg:$0x3] =	wrdreg s2  }
0xb1: {  	[dreg:$0x4] =	wrdreg s18  }
0xb2: {  	[dreg:$0x5] =	wrdreg $0x162600  }
0xb3: {  	[dreg:$0x6] =	wrdreg $0x9  }
0xb4: {  	_ =	task.clear_ibuf [dreg:s8], $0x7FFFF;
	_ =	strace $0x90000049  }
0xb5: {  	s29 =	simm.s32 $0x9;
	_ =	strace $0x8000004B  }
0xb6: {  	_ =	swait.ge [sflag:s29], $0x1  }
0xb7: {  	[sflag:s29] =	ssyncadd.s32 $0xFFFFFFFF  }
0xb8: {  	_ =	strace $0x9000004B  }
0xb9: {  	_ =	sfence  }
0xba: {  	s30 =	sld [smem:$0x0];
	_ =	sdelay $0x2  }
0xbb: {  	s31 =	sshll.u32 s1, $0xD;
	s1 =	sshrl.u32 s1, $0x2  }
0xbc: {  	s3 =	sand.u32 $0x4000, s31;
	s1 =	sadd.s32 s1, s30  }
0xbd: {  	s0 =	sor.u32 s3, s0;
	s1 =	sshll.u32 s1, $0x11  }
0xbe: {  	s0 =	sor.u32 s1, s0  }
0xbf: {  	s0 =	sadd.s32 $0x8F2B, s0  }
0xc0: {  	[sflag:s0] =	ssyncadd.remote.s32 $0x1  }
0xc1: {  	_ =	sfence.sel $0xFFFF  }
0xc2: {  	[dreg:$0x0] =	wrdreg $0xFFFFFFFF;
	(pc) =	sbr.abs _section_cstart, $3  }
0xc3: {  	[dreg:$0x1] =	wrdreg $0xFFFFFFFF  }
0xc4: {  	_ =	task.clear_ibuf [dreg:s8], $0x2FFFF;
	_ =	strace $0x9FFFFFFF  }
0xc5: {  	(tm) =	ssettm $0x7FFFFFFF  }
tec
execute0_lowered:
.L_overlay_start_1:
0x0: {  	(tag) =	ssettag $0x1  }
0x1: {  	s0 =	rddreg [dreg:$0x0]  }
0x2: {  	s1 =	rddreg [dreg:$0x1]  }
0x3: {  	s3 =	rddreg [dreg:$0x2]  }
0x4: {  	s2 =	rddreg [dreg:$0x3]  }
0x5: {  	s4 =	simm.s32 $0x0;
	s8 =	stileid.u32;
	s25 =	srdreg.scid  }
0x6: {  	s28 =	simm.s32 $0x5;
	s30 =	simm.s32 $0x9C40;
	s31 =	simm.s32 $0x50  }
0x7: {  	s29 =	simm.s32 $0x11260;
	[smem:$0x7FF] =	sst s4;
	s5 =	smul.u32 $0x9C4, s8  }
0x8: {  	s4 =	sand.u32 $0x1, s25;
	s6 =	sshll.u32 s8, $0x1;
	s8 =	smul.u32 $0x9C40, s8  }
0x9: {  	s9 =	sadd.s32 $0x457C00, s0;
	s6 =	sor.u32 s4, s6;
	s7 =	ssub.s32 $0x2, s4  }
0xa: {  	p0 =	seq.s32 s4, $0x0;
	s6 =	smul.u32 $0x500, s6;
	s10 =	sshrl.u32 s7, $0x1  }
0xb: {  	s16 =	sadd.s32 $0x2800, s8;
	s17 =	sadd.s32 $0x3C00, s8;
	s18 =	sadd.s32 $0x5000, s8  }
0xc: {  	s19 =	sadd.s32 $0x6400, s8;
	s20 =	sadd.s32 $0x7800, s8;
	s21 =	sadd.s32 $0x8C00, s8  }
0xd: {  	s11 =	sshrl.u32 s8, $0x3;
	s9 =	smov.u32 @p0 s3;
	s1 =	sadd.s32 s1, s5  }
0xe: {  	s7 =	ssub.s32 s7, s10;
	s10 =	sadd.s32 $0x1400, s8;
	s13 =	sshrl.u32 s16, $0x3  }
0xf: {  	s14 =	sshrl.u32 s17, $0x3;
	s15 =	sshrl.u32 s18, $0x3;
	s26 =	sshrl.u32 s19, $0x3  }
0x10: {  	s22 =	sshrl.u32 s20, $0x3;
	s11 =	sadd.s32 s9, s11;
	s25 =	sshrl.u32 s21, $0x3  }
0x11: {  	s16 =	sadd.s32 s16, s2;
	s17 =	sadd.s32 s17, s2;
	s18 =	sadd.s32 s18, s2  }
0x12: {  	s19 =	sadd.s32 s19, s2;
	s20 =	sadd.s32 s20, s2;
	s21 =	sadd.s32 s21, s2  }
0x13: {  	s12 =	sshrl.u32 s10, $0x3;
	[dreg:$0x5] =	wrdreg s11;
	s13 =	sadd.s32 s9, s13  }
0x14: {  	s23 =	sadd.s32 s9, s14;
	s24 =	sadd.s32 s9, s15;
	s3 =	sadd.s32 s9, s26  }
0x15: {  	s26 =	sadd.s32 s9, s22;
	s11 =	sadd.s32 s6, s0;
	[dreg:$0x7] =	wrdreg s13  }
0x16: {  	s14 =	sadd.s32 s8, s2;
	s15 =	sadd.s32 s10, s2;
	[dreg:$0x8] =	wrdreg s23  }
0x17: {  	s22 =	smul.u32 $0x16800, s4;
	s4 =	simm.s32 $0x13A60;
	[dreg:$0x9] =	wrdreg s24  }
0x18: {  	s6 =	simm.s32 $0x3;
	s8 =	simm.s32 $0x0;
	[dreg:$0xa] =	wrdreg s3  }
0x19: {  	s12 =	sadd.s32 s9, s12;
	[dreg:$0xb] =	wrdreg s26;
	s3 =	sadd.s32 s9, s25  }
0x1a: {  	s9 =	sadd.s32 s5, s0;
	s13 =	sadd.s32 $0x2E5C00, s0;
	s24 =	sadd.s32 $0x44DC00, s11  }
.Ltmp0:
0x1b: {  	s25 =	smax.u32 s7, $0x1;
	s26 =	simm.s32 $0xEA60;
	(pc) =	sbr.rel .LBB2_1-.Ltmp0, $4  }
0x1c: {  	s0 =	simm.s32 $0x1;
	s5 =	simm.s32 $0x2;
	[dreg:$0x6] =	wrdreg s12  }
0x1d: {  	s7 =	simm.s32 $0x4;
	[dreg:$0xc] =	wrdreg s3;
	s12 =	sadd.s32 $0xBE00, s9  }
0x1e: {  	s23 =	sadd.s32 $0x2000, s9;
	_ =	strace $0x8000004A;
	[dreg:$0xd] =	wrdreg s1  }
0x1f: {  	v1 =	vimm.f32 $0.0e+00;
	v2 =	vimm.f32 $1.000000000e+00;
	s3 =	simm.s32 $0xFE60;
	v0 =	vmov s22;
	[dreg:$0xe] =	wrdreg s12;
	s1 =	simm.s32 $0x12660  }
.LBB2_10:
0x20: {  	_ =	swait.ge [sflag:s0], $0x1400  }
0x21: {  	[sflag:s0] =	ssyncset.done $0x0  }
0x22: {  	s9 =	simm.s32 $0x9BA0;
	[sflag:s0] =	ssyncadd.s32 $0xFFFFEC00  }
0x23: {  	[spmem:s2] =	stream.indirect.scatter.add.f32 [tilespmem:s26], [sflag:$0x5], $0x40, s9, s31, $0xb8;
	[tilespmem:$0x1FEA0] =	vst v63  }
0x24: {  	_ =	swait.ge [sflag:s28], $0x1400  }
0x25: {  	[sflag:s28] =	ssyncset.done $0x0  }
0x26: {  	[sflag:s28] =	ssyncadd.s32 $0xFFFFEC00  }
0x27: {  	v3 =	vld [tilespmem:$0x9BA0];
	_ =	sdelay $0x7  }
0x28: {  	[tilespmem:v3+s4+$0x0] =	vst.idx.add.f32.msk $0xffff, v2  }
0x29: {  	v3 =	vld [tilespmem:$0x9BB0];
	_ =	sdelay $0x7  }
0x2a: {  	[tilespmem:v3+s4+$0x0] =	vst.idx.add.f32.msk $0xffff, v2  }
0x2b: {  	v3 =	vld [tilespmem:$0x9BC0];
	_ =	sdelay $0x7  }
0x2c: {  	[tilespmem:v3+s4+$0x0] =	vst.idx.add.f32.msk $0xffff, v2  }
0x2d: {  	v3 =	vld [tilespmem:$0x9BD0];
	_ =	sdelay $0x7  }
0x2e: {  	[tilespmem:v3+s4+$0x0] =	vst.idx.add.f32.msk $0xffff, v2  }
0x2f: {  	v3 =	vld [tilespmem:$0x9BE0];
	_ =	sdelay $0x7  }
0x30: {  	[tilespmem:v3+s4+$0x0] =	vst.idx.add.f32.msk $0xffff, v2  }
0x31: {  	_ =	swait.ge [sflag:s5], $0x1400  }
0x32: {  	[sflag:s5] =	ssyncset.done $0x0  }
0x33: {  	s10 =	simm.s32 $0x9BF0;
	[sflag:s5] =	ssyncadd.s32 $0xFFFFEC00  }
0x34: {  	[spmem:s2] =	stream.indirect.scatter.add.f32 [tilespmem:s3], [sflag:$0x5], $0x40, s10, s31, $0xb8;
	[tilespmem:$0x1FEA0] =	vst v63  }
0x35: {  	_ =	swait.ge [sflag:s28], $0x1400  }
0x36: {  	[sflag:s28] =	ssyncset.done $0x0  }
0x37: {  	[sflag:s28] =	ssyncadd.s32 $0xFFFFEC00  }
0x38: {  	v3 =	vld [tilespmem:$0x9BF0];
	_ =	sdelay $0x7  }
0x39: {  	[tilespmem:v3+s4+$0x0] =	vst.idx.add.f32.msk $0xffff, v2  }
0x3a: {  	v3 =	vld [tilespmem:$0x9C00];
	_ =	sdelay $0x7  }
0x3b: {  	[tilespmem:v3+s4+$0x0] =	vst.idx.add.f32.msk $0xffff, v2  }
0x3c: {  	v3 =	vld [tilespmem:$0x9C10];
	_ =	sdelay $0x7  }
0x3d: {  	[tilespmem:v3+s4+$0x0] =	vst.idx.add.f32.msk $0xffff, v2  }
0x3e: {  	v3 =	vld [tilespmem:$0x9C20];
	_ =	sdelay $0x7  }
0x3f: {  	[tilespmem:v3+s4+$0x0] =	vst.idx.add.f32.msk $0xffff, v2  }
0x40: {  	v3 =	vld [tilespmem:$0x9C30];
	_ =	sdelay $0x7  }
0x41: {  	s11 =	stileid.u32;
	[tilespmem:v3+s4+$0x0] =	vst.idx.add.f32.msk $0xffff, v2  }
0x42: {  	s9 =	sshll.u32 s11, $0x6;
	[bflag:$0x0] =	sbarrier.arrive $0xFFFF  }
0x43: {  	s9 =	sor.u32 $0x1C05, s9;
	s10 =	sshrl.u32 s14, $0x3;
	s11 =	rddreg [dreg:$0x5]  }
0x44: {  	[hbm:s11], [sflag:s9] =	dma.local [spmem:s10], $0x280  }
0x45: {  	_ =	swait.ge [sflag:s28], $0x280  }
0x46: {  	[sflag:s28] =	ssyncset.done $0x0  }
0x47: {  	s12 =	sshrl.u32 s15, $0x3;
	s22 =	rddreg [dreg:$0x6];
	[sflag:s28] =	ssyncadd.s32 $0xFFFFFD80  }
0x48: {  	[hbm:s22], [sflag:s9] =	dma.local [spmem:s12], $0x280  }
0x49: {  	_ =	swait.ge [sflag:s28], $0x280  }
0x4a: {  	[sflag:s28] =	ssyncset.done $0x0  }
0x4b: {  	s12 =	sshrl.u32 s16, $0x3;
	s22 =	rddreg [dreg:$0x7];
	[sflag:s28] =	ssyncadd.s32 $0xFFFFFD80  }
0x4c: {  	[hbm:s22], [sflag:s9] =	dma.local [spmem:s12], $0x280  }
0x4d: {  	_ =	swait.ge [sflag:s28], $0x280  }
0x4e: {  	[sflag:s28] =	ssyncset.done $0x0  }
0x4f: {  	s12 =	sshrl.u32 s17, $0x3;
	s22 =	rddreg [dreg:$0x8];
	[sflag:s28] =	ssyncadd.s32 $0xFFFFFD80  }
0x50: {  	[hbm:s22], [sflag:s9] =	dma.local [spmem:s12], $0x280  }
0x51: {  	_ =	swait.ge [sflag:s28], $0x280  }
0x52: {  	[sflag:s28] =	ssyncset.done $0x0  }
0x53: {  	s12 =	sshrl.u32 s18, $0x3;
	s22 =	rddreg [dreg:$0x9];
	[sflag:s28] =	ssyncadd.s32 $0xFFFFFD80  }
0x54: {  	[hbm:s22], [sflag:s9] =	dma.local [spmem:s12], $0x280  }
0x55: {  	_ =	swait.ge [sflag:s28], $0x280  }
0x56: {  	[sflag:s28] =	ssyncset.done $0x0  }
0x57: {  	s12 =	sshrl.u32 s19, $0x3;
	s22 =	rddreg [dreg:$0xa];
	[sflag:s28] =	ssyncadd.s32 $0xFFFFFD80  }
0x58: {  	[hbm:s22], [sflag:s9] =	dma.local [spmem:s12], $0x280  }
0x59: {  	_ =	swait.ge [sflag:s28], $0x280  }
0x5a: {  	[sflag:s28] =	ssyncset.done $0x0  }
0x5b: {  	s12 =	sshrl.u32 s20, $0x3;
	s22 =	rddreg [dreg:$0xb];
	[sflag:s28] =	ssyncadd.s32 $0xFFFFFD80  }
0x5c: {  	[hbm:s22], [sflag:s9] =	dma.local [spmem:s12], $0x280  }
0x5d: {  	_ =	swait.ge [sflag:s28], $0x280  }
0x5e: {  	[sflag:s28] =	ssyncset.done $0x0  }
0x5f: {  	s11 =	sshrl.u32 s21, $0x3;
	s12 =	rddreg [dreg:$0xc];
	[sflag:s28] =	ssyncadd.s32 $0xFFFFFD80  }
0x60: {  	[hbm:s12], [sflag:s9] =	dma.local [spmem:s11], $0x208  }
0x61: {  	s8 =	sadd.s32 $0x1, s8;
	_ =	swait.ge [sflag:s28], $0x208  }
0x62: {  	p0 =	sne.s32 s8, s25;
	[sflag:s28] =	ssyncset.done $0x0  }
.Ltmp1:
0x63: {  	s22 =	simm.s32 $0x0;
	[sflag:s28] =	ssyncadd.s32 $0xFFFFFDF8;
	(pc) =	sbr.rel @!p0 .LBB2_11-.Ltmp1, $4  }
0x64: {  	[hbm4b:s24+s22] =	stream.linear.scatter [tilespmem:s4], [sflag:$0x5], $0x2800, $0x38;
	[tilespmem:$0x1FEA0] =	vst v63  }
0x65: {  	_ =	swait.ge [sflag:s28], $0x2800  }
0x66: {  	[sflag:s28] =	ssyncset.done $0x0  }
0x67: {  	[sflag:s28] =	ssyncadd.s32 $0xFFFFD800  }
.LBB2_1:
0x68: {  	s10 =	simm.s32 $0x100;
	s9 =	simm.s32 $0x0  }
.LBB2_2:
0x69: {  	p0 =	sne.s32 s10, $0x4F00;
	[tilespmem:s9+$0xEA90] =	vst v1;
	s11 =	smov.u32 s10;
	s10 =	sadd.s32 $0x100, s10  }
.Ltmp2:
0x6a: {  	[tilespmem:s9+$0xEA80] =	vst v1;
	(pc) =	sbr.rel @p0 .LBB2_2-.Ltmp2, $3  }
0x6b: {  	[tilespmem:s9+$0xEA60] =	vst v1  }
0x6c: {  	[tilespmem:s9+$0xEA70] =	vst v1;
	_ =	sdelay $0x1  }
0x6d: {  	s9 =	sshra.s32 s11, $0x2  }
0x6e: {  	[tilespmem:s9+$0xEA90] =	vst v1  }
0x6f: {  	[tilespmem:s9+$0xEA80] =	vst v1  }
0x70: {  	[tilespmem:s9+$0xEA60] =	vst v1  }
0x71: {  	[tilespmem:s9+$0xEA70] =	vst v1  }
0x72: {  	[spmem:s14] =	stream.linear.scatter [tilespmem:s26], [sflag:$0x5], $0x1400, $0x38;
	[tilespmem:$0x1FEA0] =	vst v63  }
0x73: {  	_ =	swait.ge [sflag:s28], $0x1400  }
0x74: {  	[sflag:s28] =	ssyncset.done $0x0  }
0x75: {  	[sflag:s28] =	ssyncadd.s32 $0xFFFFEC00  }
0x76: {  	[spmem:s15] =	stream.linear.scatter [tilespmem:s26], [sflag:$0x5], $0x1400, $0x38;
	[tilespmem:$0x1FEA0] =	vst v63  }
0x77: {  	_ =	swait.ge [sflag:s28], $0x1400  }
0x78: {  	[sflag:s28] =	ssyncset.done $0x0  }
0x79: {  	[sflag:s28] =	ssyncadd.s32 $0xFFFFEC00  }
0x7a: {  	[spmem:s16] =	stream.linear.scatter [tilespmem:s26], [sflag:$0x5], $0x1400, $0x38;
	[tilespmem:$0x1FEA0] =	vst v63  }
0x7b: {  	_ =	swait.ge [sflag:s28], $0x1400  }
0x7c: {  	[sflag:s28] =	ssyncset.done $0x0  }
0x7d: {  	[sflag:s28] =	ssyncadd.s32 $0xFFFFEC00  }
0x7e: {  	[spmem:s17] =	stream.linear.scatter [tilespmem:s26], [sflag:$0x5], $0x1400, $0x38;
	[tilespmem:$0x1FEA0] =	vst v63  }
0x7f: {  	_ =	swait.ge [sflag:s28], $0x1400  }
0x80: {  	[sflag:s28] =	ssyncset.done $0x0  }
0x81: {  	[sflag:s28] =	ssyncadd.s32 $0xFFFFEC00  }
0x82: {  	[spmem:s18] =	stream.linear.scatter [tilespmem:s26], [sflag:$0x5], $0x1400, $0x38;
	[tilespmem:$0x1FEA0] =	vst v63  }
0x83: {  	_ =	swait.ge [sflag:s28], $0x1400  }
0x84: {  	[sflag:s28] =	ssyncset.done $0x0  }
0x85: {  	[sflag:s28] =	ssyncadd.s32 $0xFFFFEC00  }
0x86: {  	[spmem:s19] =	stream.linear.scatter [tilespmem:s26], [sflag:$0x5], $0x1400, $0x38;
	[tilespmem:$0x1FEA0] =	vst v63  }
0x87: {  	_ =	swait.ge [sflag:s28], $0x1400  }
0x88: {  	[sflag:s28] =	ssyncset.done $0x0  }
0x89: {  	[sflag:s28] =	ssyncadd.s32 $0xFFFFEC00  }
0x8a: {  	[spmem:s20] =	stream.linear.scatter [tilespmem:s26], [sflag:$0x5], $0x1400, $0x38;
	[tilespmem:$0x1FEA0] =	vst v63  }
0x8b: {  	_ =	swait.ge [sflag:s28], $0x1400  }
0x8c: {  	[sflag:s28] =	ssyncset.done $0x0  }
0x8d: {  	[sflag:s28] =	ssyncadd.s32 $0xFFFFEC00  }
0x8e: {  	[spmem:s21] =	stream.linear.scatter [tilespmem:s26], [sflag:$0x5], $0x1040, $0x38;
	[tilespmem:$0x1FEA0] =	vst v63  }
0x8f: {  	_ =	swait.ge [sflag:s28], $0x1040  }
0x90: {  	[sflag:s28] =	ssyncset.done $0x0  }
0x91: {  	s9 =	simm.s32 $0x40;
	s10 =	simm.s32 $0x0;
	[sflag:s28] =	ssyncadd.s32 $0xFFFFEFC0  }
.LBB2_4:
0x92: {  	p0 =	sne.s32 s9, $0x9FC0;
	[tilespmem:s10+$0x13A60] =	vst v1;
	s10 =	smov.u32 s9;
	s9 =	sadd.s32 $0x40, s9  }
.Ltmp3:
0x93: {  	(pc) =	sbr.rel @p0 .LBB2_4-.Ltmp3, $2  }
0x94: {  	_ =	sdelay $0x2  }
0x95: {  	s10 =	sshra.s32 s10, $0x2  }
0x96: {  	[tilespmem:s10+$0x13A60] =	vst v1  }
0x97: {  	[bflag:$0x0] =	sbarrier.arrive $0xFFFF  }
0x98: {  	s9 =	simm.s32 $0x0;
	s11 =	rddreg [dreg:$0xe]  }
0x99: {  	[tilespmem:s9], [sflag:$0x5] =	stream.linear.gather [hbm4b:s11+s9], $0x4E20, $0x38;
	[tilespmem:$0x1FEA0] =	vst v63  }
0x9a: {  	_ =	swait.ge [sflag:s28], $0x4E20  }
0x9b: {  	[sflag:s28] =	ssyncset.done $0x0  }
0x9c: {  	s12 =	simm.s32 $0x4E20;
	[sflag:s28] =	ssyncadd.s32 $0xFFFFB1E0  }
0x9d: {  	[tilespmem:s12], [sflag:$0x5] =	stream.linear.gather [hbm4b:s23+s9], $0x4E20, $0x38;
	[tilespmem:$0x1FEA0] =	vst v63  }
0x9e: {  	_ =	swait.ge [sflag:s28], $0x4E20  }
0x9f: {  	[sflag:s28] =	ssyncset.done $0x0  }
0xa0: {  	s22 =	rddreg [dreg:$0xd];
	[sflag:s28] =	ssyncadd.s32 $0xFFFFB1E0  }
0xa1: {  	[tilespmem:s30], [sflag:$0x5] =	stream.linear.gather [hbm4b:s22+s9], $0x4E20, $0x38;
	[tilespmem:$0x1FEA0] =	vst v63  }
0xa2: {  	_ =	swait.ge [sflag:s28], $0x4E20  }
0xa3: {  	[sflag:s28] =	ssyncset.done $0x0  }
0xa4: {  	s9 =	simm.s32 $0x0;
	[sflag:s28] =	ssyncadd.s32 $0xFFFFB1E0  }
0xa5: {  	v6 =	vld [tilespmem:s9+$0x0]  }
0xa6: {  	v5 =	vld [tilespmem:s9+$0x10]  }
0xa7: {  	v4 =	vld [tilespmem:s9+$0x20]  }
0xa8: {  	v3 =	vld [tilespmem:s9+$0x30]  }
0xa9: {  	v10 =	vld [tilespmem:s9+$0x9C40]  }
0xaa: {  	v9 =	vld [tilespmem:s9+$0x9C50]  }
0xab: {  	v8 =	vld [tilespmem:s9+$0x9C60]  }
0xac: {  	s10 =	simm.s32 $0x140;
	v7 =	vld [tilespmem:s9+$0x9C70]  }
.LBB2_6:
0xad: {  	p0 =	sne.s32 s10, $0x13740;
	v11 =	vld [tilespmem:s9+$0x9C80]  }
0xae: {  	s11 =	sshra.s32 s10, $0x2;
	v10 =	vmul.u32 $0x2800, v10;
	v12 =	vld [tilespmem:s9+$0x40]  }
0xaf: {  	v13 =	vadd.s32 v0, v6;
	v6 =	vld [tilespmem:s11+$0x0];
	v9 =	vmul.u32 $0x2800, v9  }
0xb0: {  	v10 =	vadd.s32 v10, v13;
	v13 =	vadd.s32 v0, v5;
	v5 =	vld [tilespmem:s11+$0x10];
	v8 =	vmul.u32 $0x2800, v8  }
0xb1: {  	[tilespmem:s9+$0x9C40] =	vst v10;
	v9 =	vadd.s32 v9, v13;
	v10 =	vadd.s32 v0, v4;
	v4 =	vld [tilespmem:s11+$0x20];
	v7 =	vmul.u32 $0x2800, v7  }
.Ltmp4:
0xb2: {  	[tilespmem:s9+$0x9C50] =	vst v9;
	v8 =	vadd.s32 v8, v10;
	v9 =	vadd.s32 v0, v3;
	v3 =	vld [tilespmem:s11+$0x30];
	v11 =	vmul.u32 $0x2800, v11;
	(pc) =	sbr.rel @p0 .LBB2_6-.Ltmp4, $4  }
0xb3: {  	v10 =	vld [tilespmem:s11+$0x9C40];
	[tilespmem:s9+$0x9C60] =	vst v8;
	v7 =	vadd.s32 v7, v9;
	v8 =	vadd.s32 v0, v12  }
0xb4: {  	v9 =	vld [tilespmem:s11+$0x9C50];
	[tilespmem:s9+$0x9C70] =	vst v7;
	v7 =	vadd.s32 v11, v8  }
0xb5: {  	v8 =	vld [tilespmem:s11+$0x9C60];
	[tilespmem:s9+$0x9C80] =	vst v7;
	s9 =	smov.u32 s11  }
0xb6: {  	s10 =	sadd.s32 $0x140, s10;
	v7 =	vld [tilespmem:s9+$0x9C70]  }
0xb7: {  	v11 =	vld [tilespmem:s9+$0x9C80]  }
0xb8: {  	v12 =	vld [tilespmem:s9+$0x40];
	v10 =	vmul.u32 $0x2800, v10  }
0xb9: {  	v6 =	vadd.s32 v0, v6;
	v9 =	vmul.u32 $0x2800, v9  }
0xba: {  	v5 =	vadd.s32 v0, v5;
	v6 =	vadd.s32 v10, v6;
	v8 =	vmul.u32 $0x2800, v8  }
0xbb: {  	v4 =	vadd.s32 v0, v4;
	[tilespmem:s9+$0x9C40] =	vst v6;
	v5 =	vadd.s32 v9, v5;
	v61 =	vmul.u32 $0x2800, v7  }
0xbc: {  	v3 =	vadd.s32 v0, v3;
	[tilespmem:s9+$0x9C50] =	vst v5;
	v4 =	vadd.s32 v8, v4;
	v62 =	vmul.u32 $0x2800, v11  }
0xbd: {  	v63 =	vadd.s32 v0, v12;
	[tilespmem:s9+$0x9C60] =	vst v4;
	v3 =	vadd.s32 v61, v3  }
0xbe: {  	[tilespmem:s9+$0x9C70] =	vst v3;
	v3 =	vadd.s32 v62, v63  }
0xbf: {  	[tilespmem:s9+$0x9C80] =	vst v3  }
0xc0: {  	[tilespmem:s26], [sflag:$0x1] =	stream.indirect.gather [hbm4b:s13+s31], $0x40, s30, s31, $0xb8;
	[tilespmem:$0x1FEA0] =	vst v63  }
0xc1: {  	s11 =	simm.s32 $0x9C90  }
0xc2: {  	[tilespmem:s3], [sflag:$0x2] =	stream.indirect.gather [hbm4b:s13+s31], $0x40, s11, s31, $0xb8;
	[tilespmem:$0x1FEA0] =	vst v63  }
0xc3: {  	s12 =	simm.s32 $0x9CE0  }
0xc4: {  	[tilespmem:s29], [sflag:$0x3] =	stream.indirect.gather [hbm4b:s13+s31], $0x40, s12, s31, $0xb8;
	[tilespmem:$0x1FEA0] =	vst v63  }
0xc5: {  	s22 =	simm.s32 $0x9D30;
	s9 =	simm.s32 $0x0  }
0xc6: {  	[tilespmem:s1], [sflag:$0x4] =	stream.indirect.gather [hbm4b:s13+s31], $0x40, s22, s31, $0xb8;
	[tilespmem:$0x1FEA0] =	vst v63  }
.LBB2_8:
0xc7: {  	_ =	swait.ge [sflag:s0], $0x1400  }
0xc8: {  	s10 =	sshra.s32 s9, $0x2;
	[sflag:s0] =	ssyncset.done $0x0  }
0xc9: {  	s11 =	sadd.s32 $0x4E20, s10;
	[sflag:s0] =	ssyncadd.s32 $0xFFFFEC00  }
0xca: {  	[spmem:s2] =	stream.indirect.scatter.add.f32 [tilespmem:s26], [sflag:$0x5], $0x40, s11, s31, $0xb8;
	[tilespmem:$0x1FEA0] =	vst v63  }
0xcb: {  	_ =	swait.ge [sflag:s28], $0x1400  }
0xcc: {  	[sflag:s28] =	ssyncset.done $0x0  }
0xcd: {  	[sflag:s28] =	ssyncadd.s32 $0xFFFFEC00  }
0xce: {  	v3 =	vld [tilespmem:s10+$0x4E20];
	_ =	sdelay $0x7  }
0xcf: {  	[tilespmem:v3+s4+$0x0] =	vst.idx.add.f32.msk $0xffff, v2  }
0xd0: {  	v3 =	vld [tilespmem:s10+$0x4E30];
	_ =	sdelay $0x7  }
0xd1: {  	[tilespmem:v3+s4+$0x0] =	vst.idx.add.f32.msk $0xffff, v2  }
0xd2: {  	v3 =	vld [tilespmem:s10+$0x4E40];
	_ =	sdelay $0x7  }
0xd3: {  	[tilespmem:v3+s4+$0x0] =	vst.idx.add.f32.msk $0xffff, v2  }
0xd4: {  	v3 =	vld [tilespmem:s10+$0x4E50];
	_ =	sdelay $0x7  }
0xd5: {  	[tilespmem:v3+s4+$0x0] =	vst.idx.add.f32.msk $0xffff, v2  }
0xd6: {  	v3 =	vld [tilespmem:s10+$0x4E60];
	_ =	sdelay $0x7  }
0xd7: {  	s22 =	sadd.s32 $0x9D80, s10;
	[tilespmem:v3+s4+$0x0] =	vst.idx.add.f32.msk $0xffff, v2  }
0xd8: {  	[tilespmem:s26], [sflag:$0x1] =	stream.indirect.gather [hbm4b:s13+s31], $0x40, s22, s31, $0xb8;
	[tilespmem:$0x1FEA0] =	vst v63  }
0xd9: {  	_ =	swait.ge [sflag:s5], $0x1400  }
0xda: {  	[sflag:s5] =	ssyncset.done $0x0  }
0xdb: {  	s12 =	sadd.s32 $0x4E70, s10;
	[sflag:s5] =	ssyncadd.s32 $0xFFFFEC00  }
0xdc: {  	[spmem:s2] =	stream.indirect.scatter.add.f32 [tilespmem:s3], [sflag:$0x5], $0x40, s12, s31, $0xb8;
	[tilespmem:$0x1FEA0] =	vst v63  }
0xdd: {  	_ =	swait.ge [sflag:s28], $0x1400  }
0xde: {  	[sflag:s28] =	ssyncset.done $0x0  }
0xdf: {  	[sflag:s28] =	ssyncadd.s32 $0xFFFFEC00  }
0xe0: {  	v3 =	vld [tilespmem:s10+$0x4E70];
	_ =	sdelay $0x7  }
0xe1: {  	[tilespmem:v3+s4+$0x0] =	vst.idx.add.f32.msk $0xffff, v2  }
0xe2: {  	v3 =	vld [tilespmem:s10+$0x4E80];
	_ =	sdelay $0x7  }
0xe3: {  	[tilespmem:v3+s4+$0x0] =	vst.idx.add.f32.msk $0xffff, v2  }
0xe4: {  	v3 =	vld [tilespmem:s10+$0x4E90];
	_ =	sdelay $0x7  }
0xe5: {  	[tilespmem:v3+s4+$0x0] =	vst.idx.add.f32.msk $0xffff, v2  }
0xe6: {  	v3 =	vld [tilespmem:s10+$0x4EA0];
	_ =	sdelay $0x7  }
0xe7: {  	[tilespmem:v3+s4+$0x0] =	vst.idx.add.f32.msk $0xffff, v2  }
0xe8: {  	v3 =	vld [tilespmem:s10+$0x4EB0];
	_ =	sdelay $0x7  }
0xe9: {  	s22 =	sadd.s32 $0x9DD0, s10;
	[tilespmem:v3+s4+$0x0] =	vst.idx.add.f32.msk $0xffff, v2  }
0xea: {  	[tilespmem:s3], [sflag:$0x2] =	stream.indirect.gather [hbm4b:s13+s31], $0x40, s22, s31, $0xb8;
	[tilespmem:$0x1FEA0] =	vst v63  }
0xeb: {  	_ =	swait.ge [sflag:s6], $0x1400  }
0xec: {  	[sflag:s6] =	ssyncset.done $0x0  }
0xed: {  	s12 =	sadd.s32 $0x4EC0, s10;
	[sflag:s6] =	ssyncadd.s32 $0xFFFFEC00  }
0xee: {  	[spmem:s2] =	stream.indirect.scatter.add.f32 [tilespmem:s29], [sflag:$0x5], $0x40, s12, s31, $0xb8;
	[tilespmem:$0x1FEA0] =	vst v63  }
0xef: {  	_ =	swait.ge [sflag:s28], $0x1400  }
0xf0: {  	[sflag:s28] =	ssyncset.done $0x0  }
0xf1: {  	[sflag:s28] =	ssyncadd.s32 $0xFFFFEC00  }
0xf2: {  	v3 =	vld [tilespmem:s10+$0x4EC0];
	_ =	sdelay $0x7  }
0xf3: {  	[tilespmem:v3+s4+$0x0] =	vst.idx.add.f32.msk $0xffff, v2  }
0xf4: {  	v3 =	vld [tilespmem:s10+$0x4ED0];
	_ =	sdelay $0x7  }
0xf5: {  	[tilespmem:v3+s4+$0x0] =	vst.idx.add.f32.msk $0xffff, v2  }
0xf6: {  	v3 =	vld [tilespmem:s10+$0x4EE0];
	_ =	sdelay $0x7  }
0xf7: {  	[tilespmem:v3+s4+$0x0] =	vst.idx.add.f32.msk $0xffff, v2  }
0xf8: {  	v3 =	vld [tilespmem:s10+$0x4EF0];
	_ =	sdelay $0x7  }
0xf9: {  	[tilespmem:v3+s4+$0x0] =	vst.idx.add.f32.msk $0xffff, v2  }
0xfa: {  	v3 =	vld [tilespmem:s10+$0x4F00];
	_ =	sdelay $0x5  }
0xfb: {  	p0 =	seq.s32 s9, $0x13100  }
0xfc: {  	s11 =	sshra.s32 @!p0 s9, $0x2  }
0xfd: {  	s11 =	sadd.s32 @!p0 $0x9E20, s11;
	s22 =	simm.s32 @!p0 $0x11260;
	s12 =	simm.s32 @!p0 $0x50;
	[tilespmem:v3+s4+$0x0] =	vst.idx.add.f32.msk $0xffff, v2  }
0xfe: {  	[tilespmem:s22], [sflag:$0x3] =	stream.indirect.gather @!p0 [hbm4b:s13+s12], $0x40, s11, s12, $0xb8;
	[tilespmem:$0x1FEA0] =	vst v63  }
0xff: {  	_ =	swait.ge [sflag:s7], $0x1400  }
0x100: {  	[sflag:s7] =	ssyncset.done $0x0  }
0x101: {  	s22 =	sadd.s32 $0x4F10, s10;
	[sflag:s7] =	ssyncadd.s32 $0xFFFFEC00  }
0x102: {  	[spmem:s2] =	stream.indirect.scatter.add.f32 [tilespmem:s1], [sflag:$0x5], $0x40, s22, s31, $0xb8;
	[tilespmem:$0x1FEA0] =	vst v63  }
0x103: {  	_ =	swait.ge [sflag:s28], $0x1400  }
0x104: {  	[sflag:s28] =	ssyncset.done $0x0  }
0x105: {  	[sflag:s28] =	ssyncadd.s32 $0xFFFFEC00  }
0x106: {  	v3 =	vld [tilespmem:s10+$0x4F10];
	_ =	sdelay $0x7  }
0x107: {  	[tilespmem:v3+s4+$0x0] =	vst.idx.add.f32.msk $0xffff, v2  }
0x108: {  	v3 =	vld [tilespmem:s10+$0x4F20];
	_ =	sdelay $0x7  }
0x109: {  	[tilespmem:v3+s4+$0x0] =	vst.idx.add.f32.msk $0xffff, v2  }
0x10a: {  	v3 =	vld [tilespmem:s10+$0x4F30];
	_ =	sdelay $0x7  }
0x10b: {  	[tilespmem:v3+s4+$0x0] =	vst.idx.add.f32.msk $0xffff, v2  }
0x10c: {  	v3 =	vld [tilespmem:s10+$0x4F40];
	_ =	sdelay $0x7  }
0x10d: {  	[tilespmem:v3+s4+$0x0] =	vst.idx.add.f32.msk $0xffff, v2  }
0x10e: {  	v3 =	vld [tilespmem:s10+$0x4F50];
	_ =	sdelay $0x3  }
.Ltmp5:
0x10f: {  	_ = 	snop;
	(pc) =	sbr.rel @p0 .LBB2_10-.Ltmp5, $2  }
0x110: {  	_ =	sdelay $0x2  }
0x111: {  	[tilespmem:v3+s4+$0x0] =	vst.idx.add.f32.msk $0xffff, v2  }
.Ltmp6:
0x112: {  	(pc) =	sbr.rel .LBB2_8-.Ltmp6, $3  }
0x113: {  	_ =	sdelay $0x1  }
0x114: {  	s10 =	sadd.s32 $0x9E70, s10;
	s9 =	sadd.s32 $0x500, s9  }
0x115: {  	[tilespmem:s1], [sflag:$0x4] =	stream.indirect.gather [hbm4b:s13+s31], $0x40, s10, s31, $0xb8;
	[tilespmem:$0x1FEA0] =	vst v63  }
.LBB2_11:
0x116: {  	_ =	sfence.sel $0x180000  }
0x117: {  	[bflag:$0x0] =	sbarrier.arrive $0xFFFF  }
0x118: {  	_ =	strace $0x9000004A  }
0x119: {  	s0 =	stileid.u32;
	[bflag:$0x2] =	sbarrier.arrive $0xFFFF  }
0x11a: {  	p0 =	sne.s32 s0, $0x0;
	s0 =	rddreg [dreg:$0x4]  }
0x11b: {  	s0 =	sadd.s32 @!p0 $0x100000, s0  }
0x11c: {  	[sflag:s0] =	ssyncadd.tile.s32 @!p0 $0x1;
	_ =	shalt  }
.Lfunc_end2:
_tile_overlayer_lowered:
.L_overlay_start_2:
0x11d: {  	(tag) =	ssettag $0x2  }
0x11e: {  	s0 =	rddreg [dreg:$0x0];
	s2 =	stileid.u32  }
0x11f: {  	s1 =	rddreg [dreg:$0x1];
	p0 =	sne.s32 s2, $0x0  }
0x120: {  	s3 =	rddreg [dreg:$0x2];
	[bflag:$0x3] =	sbarrier.arrive $0xFFFF;
	s2 =	simm.s32 @!p0 $0x1C05  }
0x121: {  	[timem:s3], [sflag:s2] =	dma.local @!p0 [hbm:s0], s1  }
0x122: {  	s0 =	simm.s32 @!p0 $0x5  }
0x123: {  	_ =	swait.ge @!p0 [sflag:s0], s1  }
0x124: {  	s1 =	ssub.s32 @!p0 $0x0, s1;
	[sflag:s0] =	ssyncset.done @!p0 $0x0  }
0x125: {  	[sflag:s0] =	ssyncadd.s32 @!p0 s1  }
0x126: {  	[bflag:$0x3] =	sbarrier.arrive $0xFFFF  }
0x127: {  	_ =	shalt  }

// kernel: kernel.8.cloned.1.call-start
scs
__scs_entry_jumppad:
0x0: {  	(pc) =	sbr.rel $0x88, $3  }
0x1: {  	(tag) =	ssettag $0x0;
	lr =	simm.s32 $0x1  }
0x2: {  	[smem:$0x3F98] =	sst lr;
	_ =	strace $0xD0000000  }
0x3: {  	_ = 	snop  }
0x4: {  	_ = 	snop  }
0x5: {  	_ = 	snop  }
0x6: {  	_ = 	snop  }
0x7: {  	_ = 	snop  }
__scs_overlays_trampoline_lowered:
0x8: {  	[smem:$0x3FA7] =	sst s0  }
0x9: {  	[smem:$0x3FA8] =	sst s1  }
0xa: {  	[smem:$0x3FA9] =	sst s2  }
0xb: {  	[smem:$0x3FAA] =	sst s3  }
0xc: {  	[smem:$0x3FAB] =	sst s4  }
0xd: {  	[smem:$0x3FAC] =	sst s5  }
0xe: {  	[smem:$0x3FAD] =	sst s6  }
0xf: {  	[smem:$0x3FAE] =	sst s7  }
0x10: {  	[smem:$0x3FAF] =	sst s8  }
0x11: {  	[smem:$0x3FB0] =	sst s9;
	s0 =	simm.s32 @!p0 $0x0  }
0x12: {  	s1 =	sld [smem:$0x3F96];
	s0 =	simm.s32 @p0 $0x1  }
0x13: {  	[smem:$0x3FB1] =	sst s0;
	s0 =	simm.s32 @!p1 $0x0  }
0x14: {  	s2 =	sld [smem:$0x3F95];
	s0 =	simm.s32 @p1 $0x1  }
0x15: {  	[smem:$0x3FB2] =	sst s0;
	s0 =	simm.s32 @!p2 $0x0  }
0x16: {  	s3 =	sld [smem:$0x3FDB];
	s0 =	simm.s32 @p2 $0x1  }
0x17: {  	s4 =	simm.s32 $0x1BF5;
	[smem:$0x3FB4] =	sst s0  }
0x18: {  	s0 =	sld [smem:$0x3F97];
	_ =	swait.ge [sflag:s4], $0x0  }
0x19: {  	s7 =	sld [smem:$0x3F98]  }
0x1a: {  	s8 =	sadd.s32 $0xFFFFE003, lr  }
0x1b: {  	s9 =	sadd.s32 $0xFFFFFEF7, lr;
	s5 =	simm.s32 $0xFFFFFFFF;
	p2 =	slt.u32 s8, $0xFFFFF086  }
0x1c: {  	p1 =	slt.u32 s9, $0xF7A;
	s5 =	simm.s32 @!p2 $0x0  }
0x1d: {  	s5 =	simm.s32 @p1 $0x1;
	p0 =	seq.s32 s7, s2  }
0x1e: {  	s7 =	smul.u32 @!p0 $0xF7A, s2;
	p2 =	seq.s32 @!p0 s5, $0x0  }
0x1f: {  	s9 =	smul.u32 $0xF7A, s1;
	s8 =	simm.s32 @!p0 $0x1BF5;
	p2 =	por !p2, p0  }
0x20: {  	[sflag:s8] =	ssyncset.s32 @!p0 $0xFFFFF086;
	s6 =	sadd.s32 @!p0 s3, s7;
	s7 =	simm.s32 @!p0 $0x108  }
0x21: {  	s3 =	sadd.s32 s3, s9;
	s6 =	sadd.s32 @!p0 $0x88, s6;
	s7 =	simm.s32 @p2 $0x1082  }
0x22: {  	[simem:s7], [sflag:s8] =	dma.local @!p0 [hbm:s6], $0xF7A  }
0x23: {  	s9 =	sor.u32 $0xD0000000, s2;
	s6 =	simm.s32 $0x108;
	_ =	swait.ge @!p0 [sflag:s8], $0x0  }
0x24: {  	s3 =	sadd.s32 $0x88, s3;
	s6 =	simm.s32 @!p1 $0x1082;
	[sflag:s4] =	ssyncset.s32 $0xFFFFF086  }
0x25: {  	[simem:s6], [sflag:s4] =	dma.local [hbm:s3], $0xF7A  }
0x26: {  	[smem:$0x3F98] =	sst s1;
	(tag) =	ssettag s2;
	_ =	strace s9  }
0x27: {  	s1 =	sld [smem:$0x3FA8]  }
0x28: {  	s2 =	sld [smem:$0x3FA9]  }
0x29: {  	s4 =	sld [smem:$0x3FAB]  }
0x2a: {  	p0 =	seq.s32 s5, $0x0;
	s5 =	sld [smem:$0x3FAC]  }
0x2b: {  	s6 =	sld [smem:$0x3FAD]  }
0x2c: {  	s7 =	sld [smem:$0x3FAE]  }
0x2d: {  	s3 =	simm.s32 $0x108;
	s8 =	sld [smem:$0x3FAF]  }
0x2e: {  	s3 =	simm.s32 @!p0 $0x1082;
	s9 =	sld [smem:$0x3FB0]  }
0x2f: {  	lr =	sadd.s32 s0, s3;
	s0 =	sld [smem:$0x3FA7]  }
0x30: {  	s3 =	sld [smem:$0x3FAA]  }
0x31: {  	[smem:$0x3FB3] =	sst s10  }
0x32: {  	s10 =	sld [smem:$0x3FB1];
	_ =	sdelay $0x3  }
0x33: {  	p0 =	seq.s32 s10, $0x1;
	s10 =	sld [smem:$0x3FB3];
	_ =	sdelay $0x3  }
0x34: {  	[smem:$0x3FB3] =	sst s10  }
0x35: {  	s10 =	sld [smem:$0x3FB2];
	_ =	sdelay $0x3  }
0x36: {  	p1 =	seq.s32 s10, $0x1;
	s10 =	sld [smem:$0x3FB3];
	_ =	sdelay $0x3  }
0x37: {  	[smem:$0x3FB3] =	sst s10  }
0x38: {  	s10 =	sld [smem:$0x3FB4]  }
0x39: {  	_ = 	snop;
	(pc) =	sbr.ind lr, $3  }
0x3a: {  	_ = 	snop  }
0x3b: {  	_ = 	snop  }
0x3c: {  	p2 =	seq.s32 s10, $0x1;
	s10 =	sld [smem:$0x3FB3]  }
0x3d: {  	_ =	shalt  }
0x3e: {  	_ =	shalt  }
0x3f: {  	_ =	shalt  }
0x40: {  	_ =	shalt  }
0x41: {  	_ =	shalt  }
0x42: {  	_ =	shalt  }
0x43: {  	_ =	shalt  }
0x44: {  	_ =	shalt  }
0x45: {  	_ =	shalt  }
0x46: {  	_ =	shalt  }
0x47: {  	_ =	shalt  }
0x48: {  	_ =	shalt  }
0x49: {  	_ =	shalt  }
0x4a: {  	_ =	shalt  }
0x4b: {  	_ =	shalt  }
0x4c: {  	_ =	shalt  }
0x4d: {  	_ =	shalt  }
0x4e: {  	_ =	shalt  }
0x4f: {  	_ =	shalt  }
0x50: {  	_ =	shalt  }
0x51: {  	_ =	shalt  }
0x52: {  	_ =	shalt  }
0x53: {  	_ =	shalt  }
0x54: {  	_ =	shalt  }
0x55: {  	_ =	shalt  }
0x56: {  	_ =	shalt  }
0x57: {  	_ =	shalt  }
0x58: {  	_ =	shalt  }
0x59: {  	_ =	shalt  }
0x5a: {  	_ =	shalt  }
0x5b: {  	_ =	shalt  }
0x5c: {  	_ =	shalt  }
0x5d: {  	_ =	shalt  }
0x5e: {  	_ =	shalt  }
0x5f: {  	_ =	shalt  }
0x60: {  	_ =	shalt  }
0x61: {  	_ =	shalt  }
0x62: {  	_ =	shalt  }
0x63: {  	_ =	shalt  }
0x64: {  	_ =	shalt  }
0x65: {  	_ =	shalt  }
0x66: {  	_ =	shalt  }
0x67: {  	_ =	shalt  }
0x68: {  	_ =	shalt  }
0x69: {  	_ =	shalt  }
0x6a: {  	_ =	shalt  }
0x6b: {  	_ =	shalt  }
0x6c: {  	_ =	shalt  }
0x6d: {  	_ =	shalt  }
0x6e: {  	_ =	shalt  }
0x6f: {  	_ =	shalt  }
0x70: {  	_ =	shalt  }
0x71: {  	_ =	shalt  }
0x72: {  	_ =	shalt  }
0x73: {  	_ =	shalt  }
0x74: {  	_ =	shalt  }
0x75: {  	_ =	shalt  }
0x76: {  	_ =	shalt  }
0x77: {  	_ =	shalt  }
0x78: {  	_ =	shalt  }
0x79: {  	_ =	shalt  }
0x7a: {  	_ =	shalt  }
0x7b: {  	_ =	shalt  }
0x7c: {  	_ =	shalt  }
0x7d: {  	_ =	shalt  }
0x7e: {  	_ =	shalt  }
0x7f: {  	_ =	shalt  }
0x80: {  	_ =	shalt  }
0x81: {  	_ =	shalt  }
0x82: {  	_ =	shalt  }
0x83: {  	_ =	shalt  }
0x84: {  	_ =	shalt  }
0x85: {  	_ =	shalt  }
0x86: {  	_ =	shalt  }
0x87: {  	_ =	shalt  }
.Lfunc_end0:
.L_simem_size_0:
called_computation_lowered:
.L_overlay_start_0:
0x88: {  	s2 =	sld [smem:$0x3FD9]  }
0x89: {  	s3 =	sld [smem:$0x3FFE];
	_ =	sdelay $0x1  }
0x8a: {  	s1 =	srdreg.scid  }
0x8b: {  	s0 =	sand.u32 $0x1, s1  }
0x8c: {  	s17 =	sshll.u32 s0, $0xA;
	s2 =	sadd.s32 s3, s2  }
0x8d: {  	s2 =	sadd.s32 s2, s17  }
0x8e: {  	[smem:$0x3FBF] =	sst s2  }
0x8f: {  	_ = 	snop  }
0x90: {  	s2 =	sld [smem:$0x3FC7]  }
0x91: {  	s18 =	sld [smem:$0x3FD0];
	(tm) =	ssettm $0x1  }
0x92: {  	s4 =	sld [smem:$0x3FFB];
	_ =	sdelay $0x3  }
0x93: {  	_ =	strace s4  }
0x94: {  	s4 =	sld [smem:$0x3FFC];
	_ =	sdelay $0x3  }
0x95: {  	_ =	strace s4  }
0x96: {  	s4 =	sld [smem:$0x3FFD];
	_ =	sdelay $0x3  }
0x97: {  	_ =	strace s4  }
0x98: {  	_ =	strace $0x8FFFFFFF  }
0x99: {  	s19 =	sld [smem:$0x3FDB];
	_ =	sdelay $0x1  }
0x9a: {  	s5 =	simm.s32 $_scs_section_size  }
0x9b: {  	s6 =	simm.s32 $_size__tile_overlayer_lowered;
	s7 =	simm.s32 $_tile_overlayer_lowered  }
0x9c: {  	s22 =	simm.s32 $0x1BFF;
	s21 =	sshll.u32 s7, $0x1;
	s4 =	sadd.s32 s5, s19  }
0x9d: {  	s8 =	simm.s32 $0x0;
	s20 =	sshll.u32 s6, $0x1;
	s6 =	sadd.s32 s21, s4  }
0x9e: {  	[timem:s8], [sflag:s22] =	dma.local [hbm:s6], s20  }
0x9f: {  	_ =	swait.ge [sflag:s22], s20  }
0xa0: {  	s5 =	ssub.s32 $0x0, s20;
	[sflag:s22] =	ssyncset.done $0x0  }
0xa1: {  	[sflag:s22] =	ssyncadd.s32 s5;
	_ =	sdelay $0x1  }
0xa2: {  	s23 =	simm.s32 $0x1B8B  }
0xa3: {  	_ =	swait.ge [sflag:s23], $0x1  }
0xa4: {  	[sflag:s23] =	ssyncset.done $0x0  }
0xa5: {  	s25 =	simm.s32 $0x1B8E;
	s24 =	sld [smem:$0x3FFE];
	[sflag:s23] =	ssyncadd.s32 $0xFFFFFFFF  }
0xa6: {  	s26 =	simm.s32 $execute0_lowered;
	[smem:$0x3FD2] =	sst s25  }
0xa7: {  	s6 =	sshll.u32 s26, $0x1;
	_ =	strace $0x80000046;
	[dreg:$0x1] =	wrdreg $0xFFFFFFFF  }
0xa8: {  	s28 =	simm.s32 $_size_execute0_lowered;
	s4 =	sadd.s32 s4, s6;
	[dreg:$0x0] =	wrdreg $0x0  }
0xa9: {  	s6 =	sshll.u32 s28, $0x1;
	[dreg:$0x2] =	wrdreg s4  }
0xaa: {  	[dreg:$0x3] =	wrdreg s6  }
0xab: {  	[dreg:$0x4] =	wrdreg $0xC0  }
0xac: {  	_ =	task [dreg:s8], $0x5FFFF  }
0xad: {  	[dreg:$0x1] =	wrdreg $0xFFFFFFFF  }
0xae: {  	[dreg:$0x0] =	wrdreg $0x60  }
0xaf: {  	[dreg:$0x2] =	wrdreg s24  }
0xb0: {  	[dreg:$0x3] =	wrdreg s2  }
0xb1: {  	[dreg:$0x4] =	wrdreg s18  }
0xb2: {  	[dreg:$0x5] =	wrdreg $0x162600  }
0xb3: {  	[dreg:$0x6] =	wrdreg $0x9  }
0xb4: {  	_ =	task.clear_ibuf [dreg:s8], $0x7FFFF;
	_ =	strace $0x90000046  }
0xb5: {  	s29 =	simm.s32 $0x9;
	_ =	strace $0x80000048  }
0xb6: {  	_ =	swait.ge [sflag:s29], $0x1  }
0xb7: {  	[sflag:s29] =	ssyncadd.s32 $0xFFFFFFFF  }
0xb8: {  	_ =	strace $0x90000048  }
0xb9: {  	_ =	sfence  }
0xba: {  	s30 =	sld [smem:$0x0];
	_ =	sdelay $0x2  }
0xbb: {  	s31 =	sshll.u32 s1, $0xD;
	s1 =	sshrl.u32 s1, $0x2  }
0xbc: {  	s3 =	sand.u32 $0x4000, s31;
	s1 =	sadd.s32 s1, s30  }
0xbd: {  	s0 =	sor.u32 s3, s0;
	s1 =	sshll.u32 s1, $0x11  }
0xbe: {  	s0 =	sor.u32 s1, s0  }
0xbf: {  	s0 =	sadd.s32 $0x8F2B, s0  }
0xc0: {  	[sflag:s0] =	ssyncadd.remote.s32 $0x1  }
0xc1: {  	_ =	sfence.sel $0xFFFF  }
0xc2: {  	[dreg:$0x0] =	wrdreg $0xFFFFFFFF;
	(pc) =	sbr.abs _section_cstart, $3  }
0xc3: {  	[dreg:$0x1] =	wrdreg $0xFFFFFFFF  }
0xc4: {  	_ =	task.clear_ibuf [dreg:s8], $0x2FFFF;
	_ =	strace $0x9FFFFFFF  }
0xc5: {  	(tm) =	ssettm $0x7FFFFFFF  }
tec
execute0_lowered:
.L_overlay_start_1:
0x0: {  	(tag) =	ssettag $0x1  }
0x1: {  	s0 =	rddreg [dreg:$0x0]  }
0x2: {  	s1 =	rddreg [dreg:$0x1]  }
0x3: {  	s3 =	rddreg [dreg:$0x2]  }
0x4: {  	s2 =	rddreg [dreg:$0x3]  }
0x5: {  	s4 =	simm.s32 $0x0;
	s8 =	stileid.u32;
	s25 =	srdreg.scid  }
0x6: {  	s28 =	simm.s32 $0x5;
	s30 =	simm.s32 $0x9C40;
	s31 =	simm.s32 $0x50  }
0x7: {  	s29 =	simm.s32 $0x11260;
	[smem:$0x7FF] =	sst s4;
	s5 =	smul.u32 $0x9C4, s8  }
0x8: {  	s4 =	sand.u32 $0x1, s25;
	s6 =	sshll.u32 s8, $0x1;
	s8 =	smul.u32 $0x9C40, s8  }
0x9: {  	s9 =	sadd.s32 $0x457C00, s0;
	s6 =	sor.u32 s4, s6;
	s7 =	ssub.s32 $0x2, s4  }
0xa: {  	p0 =	seq.s32 s4, $0x0;
	s6 =	smul.u32 $0x500, s6;
	s10 =	sshrl.u32 s7, $0x1  }
0xb: {  	s16 =	sadd.s32 $0x2800, s8;
	s17 =	sadd.s32 $0x3C00, s8;
	s18 =	sadd.s32 $0x5000, s8  }
0xc: {  	s19 =	sadd.s32 $0x6400, s8;
	s20 =	sadd.s32 $0x7800, s8;
	s21 =	sadd.s32 $0x8C00, s8  }
0xd: {  	s11 =	sshrl.u32 s8, $0x3;
	s9 =	smov.u32 @p0 s3;
	s1 =	sadd.s32 s1, s5  }
0xe: {  	s7 =	ssub.s32 s7, s10;
	s10 =	sadd.s32 $0x1400, s8;
	s13 =	sshrl.u32 s16, $0x3  }
0xf: {  	s14 =	sshrl.u32 s17, $0x3;
	s15 =	sshrl.u32 s18, $0x3;
	s26 =	sshrl.u32 s19, $0x3  }
0x10: {  	s22 =	sshrl.u32 s20, $0x3;
	s11 =	sadd.s32 s9, s11;
	s25 =	sshrl.u32 s21, $0x3  }
0x11: {  	s16 =	sadd.s32 s16, s2;
	s17 =	sadd.s32 s17, s2;
	s18 =	sadd.s32 s18, s2  }
0x12: {  	s19 =	sadd.s32 s19, s2;
	s20 =	sadd.s32 s20, s2;
	s21 =	sadd.s32 s21, s2  }
0x13: {  	s12 =	sshrl.u32 s10, $0x3;
	[dreg:$0x5] =	wrdreg s11;
	s13 =	sadd.s32 s9, s13  }
0x14: {  	s23 =	sadd.s32 s9, s14;
	s24 =	sadd.s32 s9, s15;
	s3 =	sadd.s32 s9, s26  }
0x15: {  	s26 =	sadd.s32 s9, s22;
	s11 =	sadd.s32 s6, s0;
	[dreg:$0x7] =	wrdreg s13  }
0x16: {  	s14 =	sadd.s32 s8, s2;
	s15 =	sadd.s32 s10, s2;
	[dreg:$0x8] =	wrdreg s23  }
0x17: {  	s22 =	smul.u32 $0x16800, s4;
	s4 =	simm.s32 $0x13A60;
	[dreg:$0x9] =	wrdreg s24  }
0x18: {  	s6 =	simm.s32 $0x3;
	s8 =	simm.s32 $0x0;
	[dreg:$0xa] =	wrdreg s3  }
0x19: {  	s12 =	sadd.s32 s9, s12;
	[dreg:$0xb] =	wrdreg s26;
	s3 =	sadd.s32 s9, s25  }
0x1a: {  	s9 =	sadd.s32 s5, s0;
	s13 =	sadd.s32 $0x2E5C00, s0;
	s24 =	sadd.s32 $0x44DC00, s11  }
.Ltmp0:
0x1b: {  	s25 =	smax.u32 s7, $0x1;
	s26 =	simm.s32 $0xEA60;
	(pc) =	sbr.rel .LBB2_1-.Ltmp0, $4  }
0x1c: {  	s0 =	simm.s32 $0x1;
	s5 =	simm.s32 $0x2;
	[dreg:$0x6] =	wrdreg s12  }
0x1d: {  	s7 =	simm.s32 $0x4;
	[dreg:$0xc] =	wrdreg s3;
	s12 =	sadd.s32 $0xBE00, s9  }
0x1e: {  	s23 =	sadd.s32 $0x2000, s9;
	_ =	strace $0x80000047;
	[dreg:$0xd] =	wrdreg s1  }
0x1f: {  	v1 =	vimm.f32 $0.0e+00;
	v2 =	vimm.f32 $1.000000000e+00;
	s3 =	simm.s32 $0xFE60;
	v0 =	vmov s22;
	[dreg:$0xe] =	wrdreg s12;
	s1 =	simm.s32 $0x12660  }
.LBB2_10:
0x20: {  	_ =	swait.ge [sflag:s0], $0x1400  }
0x21: {  	[sflag:s0] =	ssyncset.done $0x0  }
0x22: {  	s9 =	simm.s32 $0x9BA0;
	[sflag:s0] =	ssyncadd.s32 $0xFFFFEC00  }
0x23: {  	[spmem:s2] =	stream.indirect.scatter.add.f32 [tilespmem:s26], [sflag:$0x5], $0x40, s9, s31, $0xb8;
	[tilespmem:$0x1FEA0] =	vst v63  }
0x24: {  	_ =	swait.ge [sflag:s28], $0x1400  }
0x25: {  	[sflag:s28] =	ssyncset.done $0x0  }
0x26: {  	[sflag:s28] =	ssyncadd.s32 $0xFFFFEC00  }
0x27: {  	v3 =	vld [tilespmem:$0x9BA0];
	_ =	sdelay $0x7  }
0x28: {  	[tilespmem:v3+s4+$0x0] =	vst.idx.add.f32.msk $0xffff, v2  }
0x29: {  	v3 =	vld [tilespmem:$0x9BB0];
	_ =	sdelay $0x7  }
0x2a: {  	[tilespmem:v3+s4+$0x0] =	vst.idx.add.f32.msk $0xffff, v2  }
0x2b: {  	v3 =	vld [tilespmem:$0x9BC0];
	_ =	sdelay $0x7  }
0x2c: {  	[tilespmem:v3+s4+$0x0] =	vst.idx.add.f32.msk $0xffff, v2  }
0x2d: {  	v3 =	vld [tilespmem:$0x9BD0];
	_ =	sdelay $0x7  }
0x2e: {  	[tilespmem:v3+s4+$0x0] =	vst.idx.add.f32.msk $0xffff, v2  }
0x2f: {  	v3 =	vld [tilespmem:$0x9BE0];
	_ =	sdelay $0x7  }
0x30: {  	[tilespmem:v3+s4+$0x0] =	vst.idx.add.f32.msk $0xffff, v2  }
0x31: {  	_ =	swait.ge [sflag:s5], $0x1400  }
0x32: {  	[sflag:s5] =	ssyncset.done $0x0  }
0x33: {  	s10 =	simm.s32 $0x9BF0;
	[sflag:s5] =	ssyncadd.s32 $0xFFFFEC00  }
0x34: {  	[spmem:s2] =	stream.indirect.scatter.add.f32 [tilespmem:s3], [sflag:$0x5], $0x40, s10, s31, $0xb8;
	[tilespmem:$0x1FEA0] =	vst v63  }
0x35: {  	_ =	swait.ge [sflag:s28], $0x1400  }
0x36: {  	[sflag:s28] =	ssyncset.done $0x0  }
0x37: {  	[sflag:s28] =	ssyncadd.s32 $0xFFFFEC00  }
0x38: {  	v3 =	vld [tilespmem:$0x9BF0];
	_ =	sdelay $0x7  }
0x39: {  	[tilespmem:v3+s4+$0x0] =	vst.idx.add.f32.msk $0xffff, v2  }
0x3a: {  	v3 =	vld [tilespmem:$0x9C00];
	_ =	sdelay $0x7  }
0x3b: {  	[tilespmem:v3+s4+$0x0] =	vst.idx.add.f32.msk $0xffff, v2  }
0x3c: {  	v3 =	vld [tilespmem:$0x9C10];
	_ =	sdelay $0x7  }
0x3d: {  	[tilespmem:v3+s4+$0x0] =	vst.idx.add.f32.msk $0xffff, v2  }
0x3e: {  	v3 =	vld [tilespmem:$0x9C20];
	_ =	sdelay $0x7  }
0x3f: {  	[tilespmem:v3+s4+$0x0] =	vst.idx.add.f32.msk $0xffff, v2  }
0x40: {  	v3 =	vld [tilespmem:$0x9C30];
	_ =	sdelay $0x7  }
0x41: {  	s11 =	stileid.u32;
	[tilespmem:v3+s4+$0x0] =	vst.idx.add.f32.msk $0xffff, v2  }
0x42: {  	s9 =	sshll.u32 s11, $0x6;
	[bflag:$0x0] =	sbarrier.arrive $0xFFFF  }
0x43: {  	s9 =	sor.u32 $0x1C05, s9;
	s10 =	sshrl.u32 s14, $0x3;
	s11 =	rddreg [dreg:$0x5]  }
0x44: {  	[hbm:s11], [sflag:s9] =	dma.local [spmem:s10], $0x280  }
0x45: {  	_ =	swait.ge [sflag:s28], $0x280  }
0x46: {  	[sflag:s28] =	ssyncset.done $0x0  }
0x47: {  	s12 =	sshrl.u32 s15, $0x3;
	s22 =	rddreg [dreg:$0x6];
	[sflag:s28] =	ssyncadd.s32 $0xFFFFFD80  }
0x48: {  	[hbm:s22], [sflag:s9] =	dma.local [spmem:s12], $0x280  }
0x49: {  	_ =	swait.ge [sflag:s28], $0x280  }
0x4a: {  	[sflag:s28] =	ssyncset.done $0x0  }
0x4b: {  	s12 =	sshrl.u32 s16, $0x3;
	s22 =	rddreg [dreg:$0x7];
	[sflag:s28] =	ssyncadd.s32 $0xFFFFFD80  }
0x4c: {  	[hbm:s22], [sflag:s9] =	dma.local [spmem:s12], $0x280  }
0x4d: {  	_ =	swait.ge [sflag:s28], $0x280  }
0x4e: {  	[sflag:s28] =	ssyncset.done $0x0  }
0x4f: {  	s12 =	sshrl.u32 s17, $0x3;
	s22 =	rddreg [dreg:$0x8];
	[sflag:s28] =	ssyncadd.s32 $0xFFFFFD80  }
0x50: {  	[hbm:s22], [sflag:s9] =	dma.local [spmem:s12], $0x280  }
0x51: {  	_ =	swait.ge [sflag:s28], $0x280  }
0x52: {  	[sflag:s28] =	ssyncset.done $0x0  }
0x53: {  	s12 =	sshrl.u32 s18, $0x3;
	s22 =	rddreg [dreg:$0x9];
	[sflag:s28] =	ssyncadd.s32 $0xFFFFFD80  }
0x54: {  	[hbm:s22], [sflag:s9] =	dma.local [spmem:s12], $0x280  }
0x55: {  	_ =	swait.ge [sflag:s28], $0x280  }
0x56: {  	[sflag:s28] =	ssyncset.done $0x0  }
0x57: {  	s12 =	sshrl.u32 s19, $0x3;
	s22 =	rddreg [dreg:$0xa];
	[sflag:s28] =	ssyncadd.s32 $0xFFFFFD80  }
0x58: {  	[hbm:s22], [sflag:s9] =	dma.local [spmem:s12], $0x280  }
0x59: {  	_ =	swait.ge [sflag:s28], $0x280  }
0x5a: {  	[sflag:s28] =	ssyncset.done $0x0  }
0x5b: {  	s12 =	sshrl.u32 s20, $0x3;
	s22 =	rddreg [dreg:$0xb];
	[sflag:s28] =	ssyncadd.s32 $0xFFFFFD80  }
0x5c: {  	[hbm:s22], [sflag:s9] =	dma.local [spmem:s12], $0x280  }
0x5d: {  	_ =	swait.ge [sflag:s28], $0x280  }
0x5e: {  	[sflag:s28] =	ssyncset.done $0x0  }
0x5f: {  	s11 =	sshrl.u32 s21, $0x3;
	s12 =	rddreg [dreg:$0xc];
	[sflag:s28] =	ssyncadd.s32 $0xFFFFFD80  }
0x60: {  	[hbm:s12], [sflag:s9] =	dma.local [spmem:s11], $0x208  }
0x61: {  	s8 =	sadd.s32 $0x1, s8;
	_ =	swait.ge [sflag:s28], $0x208  }
0x62: {  	p0 =	sne.s32 s8, s25;
	[sflag:s28] =	ssyncset.done $0x0  }
.Ltmp1:
0x63: {  	s22 =	simm.s32 $0x0;
	[sflag:s28] =	ssyncadd.s32 $0xFFFFFDF8;
	(pc) =	sbr.rel @!p0 .LBB2_11-.Ltmp1, $4  }
0x64: {  	[hbm4b:s24+s22] =	stream.linear.scatter [tilespmem:s4], [sflag:$0x5], $0x2800, $0x38;
	[tilespmem:$0x1FEA0] =	vst v63  }
0x65: {  	_ =	swait.ge [sflag:s28], $0x2800  }
0x66: {  	[sflag:s28] =	ssyncset.done $0x0  }
0x67: {  	[sflag:s28] =	ssyncadd.s32 $0xFFFFD800  }
.LBB2_1:
0x68: {  	s10 =	simm.s32 $0x100;
	s9 =	simm.s32 $0x0  }
.LBB2_2:
0x69: {  	p0 =	sne.s32 s10, $0x4F00;
	[tilespmem:s9+$0xEA90] =	vst v1;
	s11 =	smov.u32 s10;
	s10 =	sadd.s32 $0x100, s10  }
.Ltmp2:
0x6a: {  	[tilespmem:s9+$0xEA80] =	vst v1;
	(pc) =	sbr.rel @p0 .LBB2_2-.Ltmp2, $3  }
0x6b: {  	[tilespmem:s9+$0xEA60] =	vst v1  }
0x6c: {  	[tilespmem:s9+$0xEA70] =	vst v1;
	_ =	sdelay $0x1  }
0x6d: {  	s9 =	sshra.s32 s11, $0x2  }
0x6e: {  	[tilespmem:s9+$0xEA90] =	vst v1  }
0x6f: {  	[tilespmem:s9+$0xEA80] =	vst v1  }
0x70: {  	[tilespmem:s9+$0xEA60] =	vst v1  }
0x71: {  	[tilespmem:s9+$0xEA70] =	vst v1  }
0x72: {  	[spmem:s14] =	stream.linear.scatter [tilespmem:s26], [sflag:$0x5], $0x1400, $0x38;
	[tilespmem:$0x1FEA0] =	vst v63  }
0x73: {  	_ =	swait.ge [sflag:s28], $0x1400  }
0x74: {  	[sflag:s28] =	ssyncset.done $0x0  }
0x75: {  	[sflag:s28] =	ssyncadd.s32 $0xFFFFEC00  }
0x76: {  	[spmem:s15] =	stream.linear.scatter [tilespmem:s26], [sflag:$0x5], $0x1400, $0x38;
	[tilespmem:$0x1FEA0] =	vst v63  }
0x77: {  	_ =	swait.ge [sflag:s28], $0x1400  }
0x78: {  	[sflag:s28] =	ssyncset.done $0x0  }
0x79: {  	[sflag:s28] =	ssyncadd.s32 $0xFFFFEC00  }
0x7a: {  	[spmem:s16] =	stream.linear.scatter [tilespmem:s26], [sflag:$0x5], $0x1400, $0x38;
	[tilespmem:$0x1FEA0] =	vst v63  }
0x7b: {  	_ =	swait.ge [sflag:s28], $0x1400  }
0x7c: {  	[sflag:s28] =	ssyncset.done $0x0  }
0x7d: {  	[sflag:s28] =	ssyncadd.s32 $0xFFFFEC00  }
0x7e: {  	[spmem:s17] =	stream.linear.scatter [tilespmem:s26], [sflag:$0x5], $0x1400, $0x38;
	[tilespmem:$0x1FEA0] =	vst v63  }
0x7f: {  	_ =	swait.ge [sflag:s28], $0x1400  }
0x80: {  	[sflag:s28] =	ssyncset.done $0x0  }
0x81: {  	[sflag:s28] =	ssyncadd.s32 $0xFFFFEC00  }
0x82: {  	[spmem:s18] =	stream.linear.scatter [tilespmem:s26], [sflag:$0x5], $0x1400, $0x38;
	[tilespmem:$0x1FEA0] =	vst v63  }
0x83: {  	_ =	swait.ge [sflag:s28], $0x1400  }
0x84: {  	[sflag:s28] =	ssyncset.done $0x0  }
0x85: {  	[sflag:s28] =	ssyncadd.s32 $0xFFFFEC00  }
0x86: {  	[spmem:s19] =	stream.linear.scatter [tilespmem:s26], [sflag:$0x5], $0x1400, $0x38;
	[tilespmem:$0x1FEA0] =	vst v63  }
0x87: {  	_ =	swait.ge [sflag:s28], $0x1400  }
0x88: {  	[sflag:s28] =	ssyncset.done $0x0  }
0x89: {  	[sflag:s28] =	ssyncadd.s32 $0xFFFFEC00  }
0x8a: {  	[spmem:s20] =	stream.linear.scatter [tilespmem:s26], [sflag:$0x5], $0x1400, $0x38;
	[tilespmem:$0x1FEA0] =	vst v63  }
0x8b: {  	_ =	swait.ge [sflag:s28], $0x1400  }
0x8c: {  	[sflag:s28] =	ssyncset.done $0x0  }
0x8d: {  	[sflag:s28] =	ssyncadd.s32 $0xFFFFEC00  }
0x8e: {  	[spmem:s21] =	stream.linear.scatter [tilespmem:s26], [sflag:$0x5], $0x1040, $0x38;
	[tilespmem:$0x1FEA0] =	vst v63  }
0x8f: {  	_ =	swait.ge [sflag:s28], $0x1040  }
0x90: {  	[sflag:s28] =	ssyncset.done $0x0  }
0x91: {  	s9 =	simm.s32 $0x40;
	s10 =	simm.s32 $0x0;
	[sflag:s28] =	ssyncadd.s32 $0xFFFFEFC0  }
.LBB2_4:
0x92: {  	p0 =	sne.s32 s9, $0x9FC0;
	[tilespmem:s10+$0x13A60] =	vst v1;
	s10 =	smov.u32 s9;
	s9 =	sadd.s32 $0x40, s9  }
.Ltmp3:
0x93: {  	(pc) =	sbr.rel @p0 .LBB2_4-.Ltmp3, $2  }
0x94: {  	_ =	sdelay $0x2  }
0x95: {  	s10 =	sshra.s32 s10, $0x2  }
0x96: {  	[tilespmem:s10+$0x13A60] =	vst v1  }
0x97: {  	[bflag:$0x0] =	sbarrier.arrive $0xFFFF  }
0x98: {  	s9 =	simm.s32 $0x0;
	s11 =	rddreg [dreg:$0xe]  }
0x99: {  	[tilespmem:s9], [sflag:$0x5] =	stream.linear.gather [hbm4b:s11+s9], $0x4E20, $0x38;
	[tilespmem:$0x1FEA0] =	vst v63  }
0x9a: {  	_ =	swait.ge [sflag:s28], $0x4E20  }
0x9b: {  	[sflag:s28] =	ssyncset.done $0x0  }
0x9c: {  	s12 =	simm.s32 $0x4E20;
	[sflag:s28] =	ssyncadd.s32 $0xFFFFB1E0  }
0x9d: {  	[tilespmem:s12], [sflag:$0x5] =	stream.linear.gather [hbm4b:s23+s9], $0x4E20, $0x38;
	[tilespmem:$0x1FEA0] =	vst v63  }
0x9e: {  	_ =	swait.ge [sflag:s28], $0x4E20  }
0x9f: {  	[sflag:s28] =	ssyncset.done $0x0  }
0xa0: {  	s22 =	rddreg [dreg:$0xd];
	[sflag:s28] =	ssyncadd.s32 $0xFFFFB1E0  }
0xa1: {  	[tilespmem:s30], [sflag:$0x5] =	stream.linear.gather [hbm4b:s22+s9], $0x4E20, $0x38;
	[tilespmem:$0x1FEA0] =	vst v63  }
0xa2: {  	_ =	swait.ge [sflag:s28], $0x4E20  }
0xa3: {  	[sflag:s28] =	ssyncset.done $0x0  }
0xa4: {  	s9 =	simm.s32 $0x0;
	[sflag:s28] =	ssyncadd.s32 $0xFFFFB1E0  }
0xa5: {  	v6 =	vld [tilespmem:s9+$0x0]  }
0xa6: {  	v5 =	vld [tilespmem:s9+$0x10]  }
0xa7: {  	v4 =	vld [tilespmem:s9+$0x20]  }
0xa8: {  	v3 =	vld [tilespmem:s9+$0x30]  }
0xa9: {  	v10 =	vld [tilespmem:s9+$0x9C40]  }
0xaa: {  	v9 =	vld [tilespmem:s9+$0x9C50]  }
0xab: {  	v8 =	vld [tilespmem:s9+$0x9C60]  }
0xac: {  	s10 =	simm.s32 $0x140;
	v7 =	vld [tilespmem:s9+$0x9C70]  }
.LBB2_6:
0xad: {  	p0 =	sne.s32 s10, $0x13740;
	v11 =	vld [tilespmem:s9+$0x9C80]  }
0xae: {  	s11 =	sshra.s32 s10, $0x2;
	v10 =	vmul.u32 $0x2800, v10;
	v12 =	vld [tilespmem:s9+$0x40]  }
0xaf: {  	v13 =	vadd.s32 v0, v6;
	v6 =	vld [tilespmem:s11+$0x0];
	v9 =	vmul.u32 $0x2800, v9  }
0xb0: {  	v10 =	vadd.s32 v10, v13;
	v13 =	vadd.s32 v0, v5;
	v5 =	vld [tilespmem:s11+$0x10];
	v8 =	vmul.u32 $0x2800, v8  }
0xb1: {  	[tilespmem:s9+$0x9C40] =	vst v10;
	v9 =	vadd.s32 v9, v13;
	v10 =	vadd.s32 v0, v4;
	v4 =	vld [tilespmem:s11+$0x20];
	v7 =	vmul.u32 $0x2800, v7  }
.Ltmp4:
0xb2: {  	[tilespmem:s9+$0x9C50] =	vst v9;
	v8 =	vadd.s32 v8, v10;
	v9 =	vadd.s32 v0, v3;
	v3 =	vld [tilespmem:s11+$0x30];
	v11 =	vmul.u32 $0x2800, v11;
	(pc) =	sbr.rel @p0 .LBB2_6-.Ltmp4, $4  }
0xb3: {  	v10 =	vld [tilespmem:s11+$0x9C40];
	[tilespmem:s9+$0x9C60] =	vst v8;
	v7 =	vadd.s32 v7, v9;
	v8 =	vadd.s32 v0, v12  }
0xb4: {  	v9 =	vld [tilespmem:s11+$0x9C50];
	[tilespmem:s9+$0x9C70] =	vst v7;
	v7 =	vadd.s32 v11, v8  }
0xb5: {  	v8 =	vld [tilespmem:s11+$0x9C60];
	[tilespmem:s9+$0x9C80] =	vst v7;
	s9 =	smov.u32 s11  }
0xb6: {  	s10 =	sadd.s32 $0x140, s10;
	v7 =	vld [tilespmem:s9+$0x9C70]  }
0xb7: {  	v11 =	vld [tilespmem:s9+$0x9C80]  }
0xb8: {  	v12 =	vld [tilespmem:s9+$0x40];
	v10 =	vmul.u32 $0x2800, v10  }
0xb9: {  	v6 =	vadd.s32 v0, v6;
	v9 =	vmul.u32 $0x2800, v9  }
0xba: {  	v5 =	vadd.s32 v0, v5;
	v6 =	vadd.s32 v10, v6;
	v8 =	vmul.u32 $0x2800, v8  }
0xbb: {  	v4 =	vadd.s32 v0, v4;
	[tilespmem:s9+$0x9C40] =	vst v6;
	v5 =	vadd.s32 v9, v5;
	v61 =	vmul.u32 $0x2800, v7  }
0xbc: {  	v3 =	vadd.s32 v0, v3;
	[tilespmem:s9+$0x9C50] =	vst v5;
	v4 =	vadd.s32 v8, v4;
	v62 =	vmul.u32 $0x2800, v11  }
0xbd: {  	v63 =	vadd.s32 v0, v12;
	[tilespmem:s9+$0x9C60] =	vst v4;
	v3 =	vadd.s32 v61, v3  }
0xbe: {  	[tilespmem:s9+$0x9C70] =	vst v3;
	v3 =	vadd.s32 v62, v63  }
0xbf: {  	[tilespmem:s9+$0x9C80] =	vst v3  }
0xc0: {  	[tilespmem:s26], [sflag:$0x1] =	stream.indirect.gather [hbm4b:s13+s31], $0x40, s30, s31, $0xb8;
	[tilespmem:$0x1FEA0] =	vst v63  }
0xc1: {  	s11 =	simm.s32 $0x9C90  }
0xc2: {  	[tilespmem:s3], [sflag:$0x2] =	stream.indirect.gather [hbm4b:s13+s31], $0x40, s11, s31, $0xb8;
	[tilespmem:$0x1FEA0] =	vst v63  }
0xc3: {  	s12 =	simm.s32 $0x9CE0  }
0xc4: {  	[tilespmem:s29], [sflag:$0x3] =	stream.indirect.gather [hbm4b:s13+s31], $0x40, s12, s31, $0xb8;
	[tilespmem:$0x1FEA0] =	vst v63  }
0xc5: {  	s22 =	simm.s32 $0x9D30;
	s9 =	simm.s32 $0x0  }
0xc6: {  	[tilespmem:s1], [sflag:$0x4] =	stream.indirect.gather [hbm4b:s13+s31], $0x40, s22, s31, $0xb8;
	[tilespmem:$0x1FEA0] =	vst v63  }
.LBB2_8:
0xc7: {  	_ =	swait.ge [sflag:s0], $0x1400  }
0xc8: {  	s10 =	sshra.s32 s9, $0x2;
	[sflag:s0] =	ssyncset.done $0x0  }
0xc9: {  	s11 =	sadd.s32 $0x4E20, s10;
	[sflag:s0] =	ssyncadd.s32 $0xFFFFEC00  }
0xca: {  	[spmem:s2] =	stream.indirect.scatter.add.f32 [tilespmem:s26], [sflag:$0x5], $0x40, s11, s31, $0xb8;
	[tilespmem:$0x1FEA0] =	vst v63  }
0xcb: {  	_ =	swait.ge [sflag:s28], $0x1400  }
0xcc: {  	[sflag:s28] =	ssyncset.done $0x0  }
0xcd: {  	[sflag:s28] =	ssyncadd.s32 $0xFFFFEC00  }
0xce: {  	v3 =	vld [tilespmem:s10+$0x4E20];
	_ =	sdelay $0x7  }
0xcf: {  	[tilespmem:v3+s4+$0x0] =	vst.idx.add.f32.msk $0xffff, v2  }
0xd0: {  	v3 =	vld [tilespmem:s10+$0x4E30];
	_ =	sdelay $0x7  }
0xd1: {  	[tilespmem:v3+s4+$0x0] =	vst.idx.add.f32.msk $0xffff, v2  }
0xd2: {  	v3 =	vld [tilespmem:s10+$0x4E40];
	_ =	sdelay $0x7  }
0xd3: {  	[tilespmem:v3+s4+$0x0] =	vst.idx.add.f32.msk $0xffff, v2  }
0xd4: {  	v3 =	vld [tilespmem:s10+$0x4E50];
	_ =	sdelay $0x7  }
0xd5: {  	[tilespmem:v3+s4+$0x0] =	vst.idx.add.f32.msk $0xffff, v2  }
0xd6: {  	v3 =	vld [tilespmem:s10+$0x4E60];
	_ =	sdelay $0x7  }
0xd7: {  	s22 =	sadd.s32 $0x9D80, s10;
	[tilespmem:v3+s4+$0x0] =	vst.idx.add.f32.msk $0xffff, v2  }
0xd8: {  	[tilespmem:s26], [sflag:$0x1] =	stream.indirect.gather [hbm4b:s13+s31], $0x40, s22, s31, $0xb8;
	[tilespmem:$0x1FEA0] =	vst v63  }
0xd9: {  	_ =	swait.ge [sflag:s5], $0x1400  }
0xda: {  	[sflag:s5] =	ssyncset.done $0x0  }
0xdb: {  	s12 =	sadd.s32 $0x4E70, s10;
	[sflag:s5] =	ssyncadd.s32 $0xFFFFEC00  }
0xdc: {  	[spmem:s2] =	stream.indirect.scatter.add.f32 [tilespmem:s3], [sflag:$0x5], $0x40, s12, s31, $0xb8;
	[tilespmem:$0x1FEA0] =	vst v63  }
0xdd: {  	_ =	swait.ge [sflag:s28], $0x1400  }
0xde: {  	[sflag:s28] =	ssyncset.done $0x0  }
0xdf: {  	[sflag:s28] =	ssyncadd.s32 $0xFFFFEC00  }
0xe0: {  	v3 =	vld [tilespmem:s10+$0x4E70];
	_ =	sdelay $0x7  }
0xe1: {  	[tilespmem:v3+s4+$0x0] =	vst.idx.add.f32.msk $0xffff, v2  }
0xe2: {  	v3 =	vld [tilespmem:s10+$0x4E80];
	_ =	sdelay $0x7  }
0xe3: {  	[tilespmem:v3+s4+$0x0] =	vst.idx.add.f32.msk $0xffff, v2  }
0xe4: {  	v3 =	vld [tilespmem:s10+$0x4E90];
	_ =	sdelay $0x7  }
0xe5: {  	[tilespmem:v3+s4+$0x0] =	vst.idx.add.f32.msk $0xffff, v2  }
0xe6: {  	v3 =	vld [tilespmem:s10+$0x4EA0];
	_ =	sdelay $0x7  }
0xe7: {  	[tilespmem:v3+s4+$0x0] =	vst.idx.add.f32.msk $0xffff, v2  }
0xe8: {  	v3 =	vld [tilespmem:s10+$0x4EB0];
	_ =	sdelay $0x7  }
0xe9: {  	s22 =	sadd.s32 $0x9DD0, s10;
	[tilespmem:v3+s4+$0x0] =	vst.idx.add.f32.msk $0xffff, v2  }
0xea: {  	[tilespmem:s3], [sflag:$0x2] =	stream.indirect.gather [hbm4b:s13+s31], $0x40, s22, s31, $0xb8;
	[tilespmem:$0x1FEA0] =	vst v63  }
0xeb: {  	_ =	swait.ge [sflag:s6], $0x1400  }
0xec: {  	[sflag:s6] =	ssyncset.done $0x0  }
0xed: {  	s12 =	sadd.s32 $0x4EC0, s10;
	[sflag:s6] =	ssyncadd.s32 $0xFFFFEC00  }
0xee: {  	[spmem:s2] =	stream.indirect.scatter.add.f32 [tilespmem:s29], [sflag:$0x5], $0x40, s12, s31, $0xb8;
	[tilespmem:$0x1FEA0] =	vst v63  }
0xef: {  	_ =	swait.ge [sflag:s28], $0x1400  }
0xf0: {  	[sflag:s28] =	ssyncset.done $0x0  }
0xf1: {  	[sflag:s28] =	ssyncadd.s32 $0xFFFFEC00  }
0xf2: {  	v3 =	vld [tilespmem:s10+$0x4EC0];
	_ =	sdelay $0x7  }
0xf3: {  	[tilespmem:v3+s4+$0x0] =	vst.idx.add.f32.msk $0xffff, v2  }
0xf4: {  	v3 =	vld [tilespmem:s10+$0x4ED0];
	_ =	sdelay $0x7  }
0xf5: {  	[tilespmem:v3+s4+$0x0] =	vst.idx.add.f32.msk $0xffff, v2  }
0xf6: {  	v3 =	vld [tilespmem:s10+$0x4EE0];
	_ =	sdelay $0x7  }
0xf7: {  	[tilespmem:v3+s4+$0x0] =	vst.idx.add.f32.msk $0xffff, v2  }
0xf8: {  	v3 =	vld [tilespmem:s10+$0x4EF0];
	_ =	sdelay $0x7  }
0xf9: {  	[tilespmem:v3+s4+$0x0] =	vst.idx.add.f32.msk $0xffff, v2  }
0xfa: {  	v3 =	vld [tilespmem:s10+$0x4F00];
	_ =	sdelay $0x5  }
0xfb: {  	p0 =	seq.s32 s9, $0x13100  }
0xfc: {  	s11 =	sshra.s32 @!p0 s9, $0x2  }
0xfd: {  	s11 =	sadd.s32 @!p0 $0x9E20, s11;
	s22 =	simm.s32 @!p0 $0x11260;
	s12 =	simm.s32 @!p0 $0x50;
	[tilespmem:v3+s4+$0x0] =	vst.idx.add.f32.msk $0xffff, v2  }
0xfe: {  	[tilespmem:s22], [sflag:$0x3] =	stream.indirect.gather @!p0 [hbm4b:s13+s12], $0x40, s11, s12, $0xb8;
	[tilespmem:$0x1FEA0] =	vst v63  }
0xff: {  	_ =	swait.ge [sflag:s7], $0x1400  }
0x100: {  	[sflag:s7] =	ssyncset.done $0x0  }
0x101: {  	s22 =	sadd.s32 $0x4F10, s10;
	[sflag:s7] =	ssyncadd.s32 $0xFFFFEC00  }
0x102: {  	[spmem:s2] =	stream.indirect.scatter.add.f32 [tilespmem:s1], [sflag:$0x5], $0x40, s22, s31, $0xb8;
	[tilespmem:$0x1FEA0] =	vst v63  }
0x103: {  	_ =	swait.ge [sflag:s28], $0x1400  }
0x104: {  	[sflag:s28] =	ssyncset.done $0x0  }
0x105: {  	[sflag:s28] =	ssyncadd.s32 $0xFFFFEC00  }
0x106: {  	v3 =	vld [tilespmem:s10+$0x4F10];
	_ =	sdelay $0x7  }
0x107: {  	[tilespmem:v3+s4+$0x0] =	vst.idx.add.f32.msk $0xffff, v2  }
0x108: {  	v3 =	vld [tilespmem:s10+$0x4F20];
	_ =	sdelay $0x7  }
0x109: {  	[tilespmem:v3+s4+$0x0] =	vst.idx.add.f32.msk $0xffff, v2  }
0x10a: {  	v3 =	vld [tilespmem:s10+$0x4F30];
	_ =	sdelay $0x7  }
0x10b: {  	[tilespmem:v3+s4+$0x0] =	vst.idx.add.f32.msk $0xffff, v2  }
0x10c: {  	v3 =	vld [tilespmem:s10+$0x4F40];
	_ =	sdelay $0x7  }
0x10d: {  	[tilespmem:v3+s4+$0x0] =	vst.idx.add.f32.msk $0xffff, v2  }
0x10e: {  	v3 =	vld [tilespmem:s10+$0x4F50];
	_ =	sdelay $0x3  }
.Ltmp5:
0x10f: {  	_ = 	snop;
	(pc) =	sbr.rel @p0 .LBB2_10-.Ltmp5, $2  }
0x110: {  	_ =	sdelay $0x2  }
0x111: {  	[tilespmem:v3+s4+$0x0] =	vst.idx.add.f32.msk $0xffff, v2  }
.Ltmp6:
0x112: {  	(pc) =	sbr.rel .LBB2_8-.Ltmp6, $3  }
0x113: {  	_ =	sdelay $0x1  }
0x114: {  	s10 =	sadd.s32 $0x9E70, s10;
	s9 =	sadd.s32 $0x500, s9  }
0x115: {  	[tilespmem:s1], [sflag:$0x4] =	stream.indirect.gather [hbm4b:s13+s31], $0x40, s10, s31, $0xb8;
	[tilespmem:$0x1FEA0] =	vst v63  }
.LBB2_11:
0x116: {  	_ =	sfence.sel $0x180000  }
0x117: {  	[bflag:$0x0] =	sbarrier.arrive $0xFFFF  }
0x118: {  	_ =	strace $0x90000047  }
0x119: {  	s0 =	stileid.u32;
	[bflag:$0x2] =	sbarrier.arrive $0xFFFF  }
0x11a: {  	p0 =	sne.s32 s0, $0x0;
	s0 =	rddreg [dreg:$0x4]  }
0x11b: {  	s0 =	sadd.s32 @!p0 $0x100000, s0  }
0x11c: {  	[sflag:s0] =	ssyncadd.tile.s32 @!p0 $0x1;
	_ =	shalt  }
.Lfunc_end2:
_tile_overlayer_lowered:
.L_overlay_start_2:
0x11d: {  	(tag) =	ssettag $0x2  }
0x11e: {  	s0 =	rddreg [dreg:$0x0];
	s2 =	stileid.u32  }
0x11f: {  	s1 =	rddreg [dreg:$0x1];
	p0 =	sne.s32 s2, $0x0  }
0x120: {  	s3 =	rddreg [dreg:$0x2];
	[bflag:$0x3] =	sbarrier.arrive $0xFFFF;
	s2 =	simm.s32 @!p0 $0x1C05  }
0x121: {  	[timem:s3], [sflag:s2] =	dma.local @!p0 [hbm:s0], s1  }
0x122: {  	s0 =	simm.s32 @!p0 $0x5  }
0x123: {  	_ =	swait.ge @!p0 [sflag:s0], s1  }
0x124: {  	s1 =	ssub.s32 @!p0 $0x0, s1;
	[sflag:s0] =	ssyncset.done @!p0 $0x0  }
0x125: {  	[sflag:s0] =	ssyncadd.s32 @!p0 s1  }
0x126: {  	[bflag:$0x3] =	sbarrier.arrive $0xFFFF  }
0x127: {  	_ =	shalt  }

</sc_bundles>
